<compile_context>
chip_gen: v7x
topology: tpu7x:2x2x1
jax: 0.10.2.dev20260603
libtpu: 0.0.44.dev20260713+nightly
codegen_flags: <defaults>
</compile_context>

<pallas_src>
import functools

import jax
import jax.numpy as jnp
from jax import lax
from jax.experimental import pallas as pl
from jax.experimental.pallas import tpu as pltpu
from jax.experimental.pallas import tpu_sc as plsc

NC, NS, LANES = 2, 16, 16
NW = NC * NS
GROUPS = 8
EPS = 1e-5
NTYPES = 7


def _gn(h, gns, gnb, C):
    g = C // GROUPS
    r = lax.broadcasted_iota(jnp.int32, (C, C), 0) // g
    c = lax.broadcasted_iota(jnp.int32, (C, C), 1) // g
    mg = (r == c).astype(jnp.float32) / g
    m = jnp.dot(h, mg, preferred_element_type=jnp.float32)
    d = h - m
    v = jnp.dot(d * d, mg, preferred_element_type=jnp.float32)
    return d * lax.rsqrt(v + EPS) * gns + gnb


def _down(xin, w_ref, b_ref, gns_ref, gnb_ref, C):
    n8, cin = xin.shape
    xp = jnp.mean(xin.reshape(n8 // 8, 8, cin), axis=1)
    h = jnp.dot(xp, w_ref[:], preferred_element_type=jnp.float32) + b_ref[:]
    return jax.nn.gelu(_gn(h, gns_ref[:], gnb_ref[:], C))


def _table(x, nt_ref, wx_ref, wo_ref, bcat_ref, NT):
    oh = (nt_ref[:] == lax.broadcasted_iota(jnp.int32, (1, NT), 1))
    oh = oh.astype(jnp.float32)
    return (jnp.dot(x, wx_ref[:], preferred_element_type=jnp.float32)
            + jnp.dot(oh, wo_ref[:], preferred_element_type=jnp.float32)
            + bcat_ref[:])


def _tc_stage0_body(nt_ref, d_ref, w_ref, b_ref, gns_ref, gnb_ref,
                    wx_ref, wo_ref, bcat_ref, out_ref, *, C, NT):
    x = _down(d_ref[:], w_ref, b_ref, gns_ref, gnb_ref, C)
    out_ref[:] = _table(x, nt_ref, wx_ref, wo_ref, bcat_ref, NT)


def _tc_stage0(nt2, data, w, b, gns, gnb, wx, wo, bcat, *, C, NT, bn):
    N8, CIN = data.shape
    N = N8 // 8
    TW = wx.shape[1]
    return pl.pallas_call(
        functools.partial(_tc_stage0_body, C=C, NT=NT),
        grid=(N // bn,),
        in_specs=[
            pl.BlockSpec((bn, 1), lambda i: (i, 0)),
            pl.BlockSpec((bn * 8, CIN), lambda i: (i, 0)),
            pl.BlockSpec((CIN, C), lambda i: (0, 0)),
            pl.BlockSpec((1, C), lambda i: (0, 0)),
            pl.BlockSpec((1, C), lambda i: (0, 0)),
            pl.BlockSpec((1, C), lambda i: (0, 0)),
            pl.BlockSpec((C, TW), lambda i: (0, 0)),
            pl.BlockSpec((NT, TW), lambda i: (0, 0)),
            pl.BlockSpec((1, TW), lambda i: (0, 0)),
        ],
        out_specs=pl.BlockSpec((bn, TW), lambda i: (i, 0)),
        out_shape=jax.ShapeDtypeStruct((N, TW), jnp.float32),
    )(nt2, data, w, b, gns, gnb, wx, wo, bcat)


def _tc_mid_body(nt_ref, p0_ref, p1_ref, gnsc_ref, gnbc_ref,
                 w_ref, b_ref, gns_ref, gnb_ref, wx_ref, wo_ref, bcat_ref,
                 out_ref, *, C0, C1, NT):
    s = p0_ref[:, :C0 + 1] + p1_ref[:, :C0 + 1]
    deg = jnp.maximum(s[:, C0:C0 + 1], 1.0)
    agg = s[:, :C0] / deg
    x1 = jax.nn.gelu(_gn(agg, gnsc_ref[:], gnbc_ref[:], C0))
    x2 = _down(x1, w_ref, b_ref, gns_ref, gnb_ref, C1)
    out_ref[:] = _table(x2, nt_ref, wx_ref, wo_ref, bcat_ref, NT)


def _tc_mid(nt2, p0, p1, gnsc, gnbc, w, b, gns, gnb, wx, wo, bcat,
            *, C0, C1, NT, bn=4096):
    N1, W = p0.shape
    N2 = N1 // 8
    TW = wx.shape[1]
    PW = W
    bo = bn // 8
    return pl.pallas_call(
        functools.partial(_tc_mid_body, C0=C0, C1=C1, NT=NT),
        grid=(N1 // bn,),
        in_specs=[
            pl.BlockSpec((bo, 1), lambda i: (i, 0)),
            pl.BlockSpec((bn, PW), lambda i: (i, 0)),
            pl.BlockSpec((bn, PW), lambda i: (i, 0)),
            pl.BlockSpec((1, C0), lambda i: (0, 0)),
            pl.BlockSpec((1, C0), lambda i: (0, 0)),
            pl.BlockSpec((C0, C1), lambda i: (0, 0)),
            pl.BlockSpec((1, C1), lambda i: (0, 0)),
            pl.BlockSpec((1, C1), lambda i: (0, 0)),
            pl.BlockSpec((1, C1), lambda i: (0, 0)),
            pl.BlockSpec((C1, TW), lambda i: (0, 0)),
            pl.BlockSpec((NT, TW), lambda i: (0, 0)),
            pl.BlockSpec((1, TW), lambda i: (0, 0)),
        ],
        out_specs=pl.BlockSpec((bo, TW), lambda i: (i, 0)),
        out_shape=jax.ShapeDtypeStruct((N2, TW), jnp.float32),
    )(nt2, p0, p1, gnsc, gnbc, w, b, gns, gnb, wx, wo, bcat)


def _tc_final_body(p0_ref, p1_ref, gns_ref, gnb_ref, out_ref, *, C):
    s = p0_ref[:, :C + 1] + p1_ref[:, :C + 1]
    deg = jnp.maximum(s[:, C:C + 1], 1.0)
    agg = s[:, :C] / deg
    out_ref[:] = jax.nn.gelu(_gn(agg, gns_ref[:], gnb_ref[:], C))


def _tc_final(p0, p1, gns, gnb, *, C):
    N, W = p0.shape
    return pl.pallas_call(
        functools.partial(_tc_final_body, C=C),
        out_shape=jax.ShapeDtypeStruct((N, C), jnp.float32),
    )(p0, p1, gns, gnb)


def _sc_conv(xt2d, ei3, et2, *, NACC, WIDTH, B=128, NBUF=8):
    NTAB, TW = xt2d.shape
    E = ei3.shape[1] * B
    ew = E // NW
    nchunk = ew // B
    NBUF = min(NBUF, nchunk)
    nouter = nchunk // NBUF
    rps = NACC // NS
    mesh = plsc.VectorSubcoreMesh(core_axis_name="c", subcore_axis_name="s",
                                  num_cores=NC, num_subcores=NS)

    OUTW = 128

    @functools.partial(
        pl.kernel,
        out_type=jax.ShapeDtypeStruct((NC, NACC, OUTW), jnp.float32),
        mesh=mesh,
        compiler_params=pltpu.CompilerParams(use_tc_tiling_on_sc=False),
        scratch_types=[
            pltpu.VMEM((nchunk, B), jnp.int32),
            pltpu.VMEM((nchunk, B), jnp.int32),
            pltpu.VMEM((nchunk, B), jnp.int32),
            pltpu.VMEM((nchunk, B), jnp.int32),
            pltpu.VMEM((NBUF, B, WIDTH), jnp.float32),
            pltpu.VMEM_SHARED((NACC, WIDTH), jnp.float32),
            [pltpu.SemaphoreType.DMA] * NBUF,
            [pltpu.SemaphoreType.DMA] * NBUF,
        ],
    )
    def k(xt_hbm, ei_hbm, et_hbm, out_hbm,
          srcb, typb, dstb, idxb, rowsb, acc, gsem, ssem):
        cid = lax.axis_index("c")
        sid = lax.axis_index("s")
        wid = sid * NC + cid
        row0 = wid * nchunk
        xtr = xt_hbm

        pltpu.sync_copy(ei_hbm.at[0, pl.ds(row0, nchunk)], srcb)
        pltpu.sync_copy(ei_hbm.at[1, pl.ds(row0, nchunk)], dstb)
        pltpu.sync_copy(et_hbm.at[pl.ds(row0, nchunk)], typb)

        zoffs = list(range(0, WIDTH - LANES + 1, LANES))
        if WIDTH % LANES:
            zoffs.append(WIDTH - LANES)

        @pl.loop(0, B)
        def _(i):
            for zo in zoffs:
                rowsb[0, i, pl.ds(zo, LANES)] = jnp.zeros(
                    (LANES,), jnp.float32)
        rbase = sid * rps
        for kk in range(rps // B):
            pltpu.sync_copy(rowsb.at[0], acc.at[pl.ds(rbase + kk * B, B)])

        @pl.loop(0, nchunk)
        def _(c):
            for j in range(B // LANES):
                sl = pl.ds(j * LANES, LANES)
                idxb[c, sl] = srcb[c, sl] * NTYPES + typb[c, sl]
        plsc.subcore_barrier()

        def fire_gather(c, b):
            pltpu.async_copy(xtr.at[idxb.at[c]], rowsb.at[b], gsem[b])

        def wait_gather(b):
            pltpu.make_async_copy(
                xtr.at[idxb.at[0]], rowsb.at[b], gsem[b]).wait()

        def fire_scatter(c, b):
            pltpu.async_copy(rowsb.at[b], acc.at[dstb.at[c]], ssem[b],
                             add=True)

        def wait_scatter(b):
            pltpu.make_async_copy(
                rowsb.at[b], acc.at[dstb.at[0]], ssem[b]).wait()

        for b in range(NBUF):
            fire_gather(b, b)

        @pl.loop(0, nouter - 1)
        def _(i):
            c0 = i * NBUF
            for b in range(NBUF):
                wait_gather(b)
                fire_scatter(c0 + b, b)
            for b in range(NBUF):
                wait_scatter(b)
                fire_gather(c0 + NBUF + b, b)

        c0 = (nouter - 1) * NBUF
        for b in range(NBUF):
            wait_gather(b)
            fire_scatter(c0 + b, b)
        for b in range(NBUF):
            wait_scatter(b)

        plsc.subcore_barrier()
        for kk in range(rps // B):
            r0 = rbase + kk * B
            pltpu.sync_copy(acc.at[pl.ds(r0, B)], rowsb.at[0])
            pltpu.sync_copy(rowsb.at[0],
                            out_hbm.at[cid, pl.ds(r0, B), pl.ds(0, WIDTH)])

    return k(xt2d, ei3, et2)


def _prep_conv_weights(W_conv, C, NT, WPAD):
    Cout = W_conv.shape[2]
    wx = jnp.transpose(W_conv[:, :C, :], (1, 0, 2))
    wx = jnp.pad(wx, ((0, 0), (0, 0), (0, WPAD - Cout)))
    wx = wx.reshape(C, NTYPES * WPAD)
    wo = jnp.transpose(W_conv[:, C:, :], (1, 0, 2))
    wo = jnp.pad(wo, ((0, 0), (0, 0), (0, WPAD - Cout)))
    wo = wo.reshape(NT, NTYPES * WPAD)
    bcat = jnp.zeros((NTYPES, WPAD), jnp.float32).at[:, Cout].set(1.0)
    bcat = bcat.reshape(1, NTYPES * WPAD)
    return wx, wo, bcat


def kernel(data, edge_index_0, edge_type_0, node_type_0,
           edge_index_1, edge_type_1, node_type_1, depth,
           W_down0, b_down0, gns_down0, gnb_down0,
           W_conv0, gns_conv0, gnb_conv0,
           W_down1, b_down1, gns_down1, gnb_down1,
           W_conv1, gns_conv1, gnb_conv1):
    del depth
    N0, C0 = data.shape
    N1 = node_type_0.shape[0]
    N2 = node_type_1.shape[0]
    C1 = W_down1.shape[1]
    NT0 = W_conv0.shape[1] - C0
    NT1 = W_conv1.shape[1] - C1
    W0, W1 = 40, 72
    B = 128

    wx0, wo0, bcat0 = _prep_conv_weights(W_conv0, C0, NT0, W0)
    xt0 = _tc_stage0(node_type_0.reshape(N1, 1), data, W_down0,
                     b_down0.reshape(1, C0), gns_down0.reshape(1, C0),
                     gnb_down0.reshape(1, C0), wx0, wo0, bcat0,
                     C=C0, NT=NT0, bn=2048)
    part0 = _sc_conv(xt0.reshape(N1 * NTYPES, W0), edge_index_0.reshape(2, -1, B),
                     edge_type_0.reshape(-1, B), NACC=N1, WIDTH=W0)

    wx1, wo1, bcat1 = _prep_conv_weights(W_conv1, C1, NT1, W1)
    xt1 = _tc_mid(node_type_1.reshape(N2, 1), part0[0], part0[1],
                  gns_conv0.reshape(1, C0), gnb_conv0.reshape(1, C0),
                  W_down1, b_down1.reshape(1, C1), gns_down1.reshape(1, C1),
                  gnb_down1.reshape(1, C1), wx1, wo1, bcat1,
                  C0=C0, C1=C1, NT=NT1)
    part1 = _sc_conv(xt1.reshape(N2 * NTYPES, W1), edge_index_1.reshape(2, -1, B),
                     edge_type_1.reshape(-1, B), NACC=N2, WIDTH=W1)
    out = _tc_final(part1[0], part1[1], gns_conv1.reshape(1, C1),
                    gnb_conv1.reshape(1, C1), C=C1)
    return out

# --- scband reference (transcript-rebuilt; emitter-appended) ---
"""Pipeline reference for scband-encoding-55344948576704 (READ-ONLY COPY).

The authoritative reference and input builder live on the scoring server;
editing this copy changes nothing except your own understanding.
"""

import jax, jax.numpy as jnp
import numpy as np

GROUPS = 8


def group_norm(x, scale, bias):
    N, C = x.shape
    xg = x.reshape(N, GROUPS, C // GROUPS)
    mean = xg.mean(axis=-1, keepdims=True)
    var = xg.var(axis=-1, keepdims=True)
    xg = (xg - mean) / jnp.sqrt(var + 1e-5)
    return xg.reshape(N, C) * scale + bias


def graph_downsample(x, W, b, gs, gb):
    N, C = x.shape
    xp = x.reshape(N // 8, 8, C).mean(axis=1)
    h = xp @ W + b
    return jax.nn.gelu(group_norm(h, gs, gb))


def graph_conv_norm_act(x, edge_index, edge_type, node_type, n_node_type, W, gs, gb):
    onehot = jax.nn.one_hot(node_type, n_node_type, dtype=x.dtype)
    xin = jnp.concatenate([x, onehot], axis=1)
    xt = jnp.einsum('nc,tcd->tnd', xin, W)
    msgs = xt[edge_type, edge_index[0]]
    agg = jax.ops.segment_sum(msgs, edge_index[1], num_segments=x.shape[0])
    deg = jax.ops.segment_sum(jnp.ones((edge_index.shape[1],), x.dtype), edge_index[1], num_segments=x.shape[0])
    agg = agg / jnp.maximum(deg, 1.0)[:, None]
    return jax.nn.gelu(group_norm(agg, gs, gb))


def setup_inputs(seed: int = 0):
    key = jax.random.key(seed)
    ks = jax.random.split(key, 16)
    N0, N1, N2 = 131072, 16384, 2048
    E0, E1 = 262144, 32768
    C0, C1 = 32, 64
    NT0, NT1 = 6, 5
    inp = {}
    inp['data'] = jax.random.normal(ks[0], (N0, C0), dtype=jnp.float32)
    inp['edge_index_0'] = jax.random.randint(ks[1], (2, E0), 0, N1, dtype=jnp.int32)
    inp['edge_type_0'] = jax.random.randint(ks[2], (E0,), 0, 7, dtype=jnp.int32)
    inp['node_type_0'] = jax.random.randint(ks[3], (N1,), 0, NT0, dtype=jnp.int32)
    inp['edge_index_1'] = jax.random.randint(ks[4], (2, E1), 0, N2, dtype=jnp.int32)
    inp['edge_type_1'] = jax.random.randint(ks[5], (E1,), 0, 7, dtype=jnp.int32)
    inp['node_type_1'] = jax.random.randint(ks[6], (N2,), 0, NT1, dtype=jnp.int32)
    inp['depth'] = 6
    inp['W_down0'] = jax.random.normal(ks[7], (C0, C0), dtype=jnp.float32) * 0.1
    inp['b_down0'] = jnp.zeros((C0,), dtype=jnp.float32)
    inp['gns_down0'] = jnp.ones((C0,), dtype=jnp.float32)
    inp['gnb_down0'] = jnp.zeros((C0,), dtype=jnp.float32)
    inp['W_conv0'] = jax.random.normal(ks[8], (7, C0 + NT0, C0), dtype=jnp.float32) * 0.1
    inp['gns_conv0'] = jnp.ones((C0,), dtype=jnp.float32)
    inp['gnb_conv0'] = jnp.zeros((C0,), dtype=jnp.float32)
    inp['W_down1'] = jax.random.normal(ks[9], (C0, C1), dtype=jnp.float32) * 0.1
    inp['b_down1'] = jnp.zeros((C1,), dtype=jnp.float32)
    inp['gns_down1'] = jnp.ones((C1,), dtype=jnp.float32)
    inp['gnb_down1'] = jnp.zeros((C1,), dtype=jnp.float32)
    inp['W_conv1'] = jax.random.normal(ks[10], (7, C1 + NT1, C1), dtype=jnp.float32) * 0.1
    inp['gns_conv1'] = jnp.ones((C1,), dtype=jnp.float32)
    inp['gnb_conv1'] = jnp.zeros((C1,), dtype=jnp.float32)
    return inp


def reference(data, edge_index_0, edge_type_0, node_type_0, edge_index_1, edge_type_1, node_type_1, depth, W_down0, b_down0, gns_down0, gnb_down0, W_conv0, gns_conv0, gnb_conv0, W_down1, b_down1, gns_down1, gnb_down1, W_conv1, gns_conv1, gnb_conv1):
    # stage 0: downsample at depth d, conv at depth d-1
    x = graph_downsample(data, W_down0, b_down0, gns_down0, gnb_down0)
    x = graph_conv_norm_act(x, edge_index_0, edge_type_0, node_type_0, 6, W_conv0, gns_conv0, gnb_conv0)
    # stage 1: downsample at depth d-1, conv at depth d-2
    x = graph_downsample(x, W_down1, b_down1, gns_down1, gnb_down1)
    x = graph_conv_norm_act(x, edge_index_1, edge_type_1, node_type_1, 5, W_conv1, gns_conv1, gnb_conv1)
    return x

if __name__ == "__main__":
    import jax
    _d = setup_inputs()
    print(jax.jit(kernel)(*tuple(_d.values())))

</pallas_src>

<mosaic_0001>
#map = affine_map<(d0, d1) -> (0, 0)>
#map1 = affine_map<(d0, d1) -> (0, 0, 0)>
module attributes {stable_mosaic.version = 14 : i64} {
  func.func @k(%arg0: i32, %arg1: i32, %arg2: memref<14336x72xf32, #tpu.memory_space<hbm>>, %arg3: memref<2x256x128xi32, #tpu.memory_space<hbm>>, %arg4: memref<256x128xi32, #tpu.memory_space<hbm>>, %arg5: memref<2x2048x128xf32, #tpu.memory_space<hbm>>, %arg6: memref<8x128xi32, #tpu.memory_space<vmem>>, %arg7: memref<8x128xi32, #tpu.memory_space<vmem>>, %arg8: memref<8x128xi32, #tpu.memory_space<vmem>>, %arg9: memref<8x128xi32, #tpu.memory_space<vmem>>, %arg10: memref<8x128x72xf32, #tpu.memory_space<vmem>>, %arg11: memref<2048x72xf32, #tpu.memory_space<vmem_shared>>, %arg12: memref<!tpu.dma_semaphore, #tpu.memory_space<semaphore_mem>>, %arg13: memref<!tpu.dma_semaphore, #tpu.memory_space<semaphore_mem>>, %arg14: memref<!tpu.dma_semaphore, #tpu.memory_space<semaphore_mem>>, %arg15: memref<!tpu.dma_semaphore, #tpu.memory_space<semaphore_mem>>, %arg16: memref<!tpu.dma_semaphore, #tpu.memory_space<semaphore_mem>>, %arg17: memref<!tpu.dma_semaphore, #tpu.memory_space<semaphore_mem>>, %arg18: memref<!tpu.dma_semaphore, #tpu.memory_space<semaphore_mem>>, %arg19: memref<!tpu.dma_semaphore, #tpu.memory_space<semaphore_mem>>, %arg20: memref<!tpu.dma_semaphore, #tpu.memory_space<semaphore_mem>>, %arg21: memref<!tpu.dma_semaphore, #tpu.memory_space<semaphore_mem>>, %arg22: memref<!tpu.dma_semaphore, #tpu.memory_space<semaphore_mem>>, %arg23: memref<!tpu.dma_semaphore, #tpu.memory_space<semaphore_mem>>, %arg24: memref<!tpu.dma_semaphore, #tpu.memory_space<semaphore_mem>>, %arg25: memref<!tpu.dma_semaphore, #tpu.memory_space<semaphore_mem>>, %arg26: memref<!tpu.dma_semaphore, #tpu.memory_space<semaphore_mem>>, %arg27: memref<!tpu.dma_semaphore, #tpu.memory_space<semaphore_mem>>) attributes {dimension_semantics = [#tpu.dimension_semantics<core_parallel>, #tpu.dimension_semantics<subcore_parallel>], iteration_bounds = array<i64: 2, 16>, scalar_prefetch = 0 : i64, scratch_operands = 22 : i64, tpu.core_type = #tpu.core_type<sc_vector_subcore>, window_params = [{transform_indices = #map}, {transform_indices = #map1}, {transform_indices = #map}, {transform_indices = #map1}]} {
    %mul3A = arith.constant 2 : i32
    %mul3A_0 = arith.muli %arg1, %mul3A : i32
    %add3A = arith.addi %mul3A_0, %arg0 : i32
    %mul3A_1 = arith.constant 8 : i32
    %mul3A_2 = arith.muli %add3A, %mul3A_1 : i32
    %run_scoped3A = arith.constant 0 : i32
    "tpu.region"() ({
      %run_scoped3A_409 = tpu.sem_alloc : memref<!tpu.dma_semaphore, #tpu.memory_space<semaphore_mem>>
      %dma_start3A_410 = arith.constant 0 : i32
      %dma_start3A_411 = tpu.memref_slice %arg3[%run_scoped3A, %mul3A_2, %dma_start3A_410] : memref<2x256x128xi32, #tpu.memory_space<hbm>> -> memref<1x8x128xi32, #tpu.memory_space<hbm>>
      %dma_start3A_412 = tpu.memref_squeeze %dma_start3A_411 : memref<1x8x128xi32, #tpu.memory_space<hbm>> -> memref<8x128xi32, #tpu.memory_space<hbm>>
      %dma_start3A_413 = arith.constant 0 : i32
      %dma_start3A_414 = tpu.memref_slice %arg3[%run_scoped3A, %mul3A_2, %dma_start3A_413] : memref<2x256x128xi32, #tpu.memory_space<hbm>> -> memref<1x8x128xi32, #tpu.memory_space<hbm>>
      %dma_start3A_415 = tpu.memref_squeeze %dma_start3A_414 : memref<1x8x128xi32, #tpu.memory_space<hbm>> -> memref<8x128xi32, #tpu.memory_space<hbm>>
      tpu.enqueue_dma source(%dma_start3A_415 : memref<8x128xi32, #tpu.memory_space<hbm>>) target(%arg6 : memref<8x128xi32, #tpu.memory_space<vmem>>) target_semaphore(%run_scoped3A_409 : memref<!tpu.dma_semaphore, #tpu.memory_space<semaphore_mem>>)
      %dma_wait3A_416 = arith.constant 0 : i32
      %dma_wait3A_417 = tpu.memref_slice %arg3[%run_scoped3A, %mul3A_2, %dma_wait3A_416] : memref<2x256x128xi32, #tpu.memory_space<hbm>> -> memref<1x8x128xi32, #tpu.memory_space<hbm>>
      %dma_wait3A_418 = tpu.memref_squeeze %dma_wait3A_417 : memref<1x8x128xi32, #tpu.memory_space<hbm>> -> memref<8x128xi32, #tpu.memory_space<hbm>>
      %dma_wait3A_419 = arith.constant 0 : i32
      %dma_wait3A_420 = tpu.memref_slice %arg3[%run_scoped3A, %mul3A_2, %dma_wait3A_419] : memref<2x256x128xi32, #tpu.memory_space<hbm>> -> memref<1x8x128xi32, #tpu.memory_space<hbm>>
      %dma_wait3A_421 = tpu.memref_squeeze %dma_wait3A_420 : memref<1x8x128xi32, #tpu.memory_space<hbm>> -> memref<8x128xi32, #tpu.memory_space<hbm>>
      tpu.wait_dma2 semaphore(%run_scoped3A_409 : memref<!tpu.dma_semaphore, #tpu.memory_space<semaphore_mem>>) src(%dma_wait3A_421 : memref<8x128xi32, #tpu.memory_space<hbm>>) dst(%arg6 : memref<8x128xi32, #tpu.memory_space<vmem>>)
      tpu.yield
    }) : () -> ()
    %run_scoped3A_3 = arith.constant 1 : i32
    "tpu.region"() ({
      %run_scoped3A_409 = tpu.sem_alloc : memref<!tpu.dma_semaphore, #tpu.memory_space<semaphore_mem>>
      %dma_start3A_410 = arith.constant 0 : i32
      %dma_start3A_411 = tpu.memref_slice %arg3[%run_scoped3A_3, %mul3A_2, %dma_start3A_410] : memref<2x256x128xi32, #tpu.memory_space<hbm>> -> memref<1x8x128xi32, #tpu.memory_space<hbm>>
      %dma_start3A_412 = tpu.memref_squeeze %dma_start3A_411 : memref<1x8x128xi32, #tpu.memory_space<hbm>> -> memref<8x128xi32, #tpu.memory_space<hbm>>
      %dma_start3A_413 = arith.constant 0 : i32
      %dma_start3A_414 = tpu.memref_slice %arg3[%run_scoped3A_3, %mul3A_2, %dma_start3A_413] : memref<2x256x128xi32, #tpu.memory_space<hbm>> -> memref<1x8x128xi32, #tpu.memory_space<hbm>>
      %dma_start3A_415 = tpu.memref_squeeze %dma_start3A_414 : memref<1x8x128xi32, #tpu.memory_space<hbm>> -> memref<8x128xi32, #tpu.memory_space<hbm>>
      tpu.enqueue_dma source(%dma_start3A_415 : memref<8x128xi32, #tpu.memory_space<hbm>>) target(%arg8 : memref<8x128xi32, #tpu.memory_space<vmem>>) target_semaphore(%run_scoped3A_409 : memref<!tpu.dma_semaphore, #tpu.memory_space<semaphore_mem>>)
      %dma_wait3A_416 = arith.constant 0 : i32
      %dma_wait3A_417 = tpu.memref_slice %arg3[%run_scoped3A_3, %mul3A_2, %dma_wait3A_416] : memref<2x256x128xi32, #tpu.memory_space<hbm>> -> memref<1x8x128xi32, #tpu.memory_space<hbm>>
      %dma_wait3A_418 = tpu.memref_squeeze %dma_wait3A_417 : memref<1x8x128xi32, #tpu.memory_space<hbm>> -> memref<8x128xi32, #tpu.memory_space<hbm>>
      %dma_wait3A_419 = arith.constant 0 : i32
      %dma_wait3A_420 = tpu.memref_slice %arg3[%run_scoped3A_3, %mul3A_2, %dma_wait3A_419] : memref<2x256x128xi32, #tpu.memory_space<hbm>> -> memref<1x8x128xi32, #tpu.memory_space<hbm>>
      %dma_wait3A_421 = tpu.memref_squeeze %dma_wait3A_420 : memref<1x8x128xi32, #tpu.memory_space<hbm>> -> memref<8x128xi32, #tpu.memory_space<hbm>>
      tpu.wait_dma2 semaphore(%run_scoped3A_409 : memref<!tpu.dma_semaphore, #tpu.memory_space<semaphore_mem>>) src(%dma_wait3A_421 : memref<8x128xi32, #tpu.memory_space<hbm>>) dst(%arg8 : memref<8x128xi32, #tpu.memory_space<vmem>>)
      tpu.yield
    }) : () -> ()
    "tpu.region"() ({
      %run_scoped3A_409 = tpu.sem_alloc : memref<!tpu.dma_semaphore, #tpu.memory_space<semaphore_mem>>
      %dma_start3A_410 = arith.constant 0 : i32
      %dma_start3A_411 = tpu.memref_slice %arg4[%mul3A_2, %dma_start3A_410] : memref<256x128xi32, #tpu.memory_space<hbm>> -> memref<8x128xi32, #tpu.memory_space<hbm>>
      %dma_start3A_412 = arith.constant 0 : i32
      %dma_start3A_413 = tpu.memref_slice %arg4[%mul3A_2, %dma_start3A_412] : memref<256x128xi32, #tpu.memory_space<hbm>> -> memref<8x128xi32, #tpu.memory_space<hbm>>
      tpu.enqueue_dma source(%dma_start3A_413 : memref<8x128xi32, #tpu.memory_space<hbm>>) target(%arg7 : memref<8x128xi32, #tpu.memory_space<vmem>>) target_semaphore(%run_scoped3A_409 : memref<!tpu.dma_semaphore, #tpu.memory_space<semaphore_mem>>)
      %dma_wait3A_414 = arith.constant 0 : i32
      %dma_wait3A_415 = tpu.memref_slice %arg4[%mul3A_2, %dma_wait3A_414] : memref<256x128xi32, #tpu.memory_space<hbm>> -> memref<8x128xi32, #tpu.memory_space<hbm>>
      %dma_wait3A_416 = arith.constant 0 : i32
      %dma_wait3A_417 = tpu.memref_slice %arg4[%mul3A_2, %dma_wait3A_416] : memref<256x128xi32, #tpu.memory_space<hbm>> -> memref<8x128xi32, #tpu.memory_space<hbm>>
      tpu.wait_dma2 semaphore(%run_scoped3A_409 : memref<!tpu.dma_semaphore, #tpu.memory_space<semaphore_mem>>) src(%dma_wait3A_417 : memref<8x128xi32, #tpu.memory_space<hbm>>) dst(%arg7 : memref<8x128xi32, #tpu.memory_space<vmem>>)
      tpu.yield
    }) : () -> ()
    %scan3A = arith.constant 0 : i32
    %scan3A_4 = arith.constant 128 : i32
    %scan3A_5 = arith.addi %scan3A, %scan3A_4 : i32
    %scan3A_6 = arith.constant 1 : i32
    scf.for %scan3A_409 = %scan3A to %scan3A_5 step %scan3A_6  : i32 {
      %mul3A_410 = arith.constant 1 : i32
      %mul3A_411 = arith.muli %scan3A_409, %mul3A_410 : i32
      %add3A_412 = arith.constant 0 : i32
      %add3A_413 = arith.addi %add3A_412, %mul3A_411 : i32
      %broadcast_in_dim3A = arith.constant 0.000000e+00 : f32
      %broadcast_in_dim3A_414 = vector.broadcast %broadcast_in_dim3A : f32 to vector<16xf32>
      %swap3A = arith.constant 0 : i32
      %swap3A_415 = arith.index_cast %swap3A : i32 to index
      %swap3A_416 = arith.index_cast %add3A_413 : i32 to index
      %swap3A_417 = arith.constant 0 : index
      %swap3A_418 = tpu.vector_load %arg10[%swap3A_415, %swap3A_416, %swap3A_417] {strides = array<i32>} : memref<8x128x72xf32, #tpu.memory_space<vmem>>, vector<1x1x16xf32>,
      %swap3A_419 = vector.shape_cast %swap3A_418 : vector<1x1x16xf32> to vector<16xf32>
      %swap3A_420 = vector.shape_cast %broadcast_in_dim3A_414 : vector<16xf32> to vector<1x1x16xf32>
      tpu.vector_store %arg10[%swap3A_415, %swap3A_416, %swap3A_417], %swap3A_420 {strides = array<i32>} : memref<8x128x72xf32, #tpu.memory_space<vmem>>, vector<1x1x16xf32>,
      %broadcast_in_dim3A_421 = arith.constant 0.000000e+00 : f32
      %broadcast_in_dim3A_422 = vector.broadcast %broadcast_in_dim3A_421 : f32 to vector<16xf32>
      %swap3A_423 = arith.constant 0 : i32
      %swap3A_424 = arith.index_cast %swap3A_423 : i32 to index
      %swap3A_425 = arith.index_cast %add3A_413 : i32 to index
      %swap3A_426 = arith.constant 16 : index
      %swap3A_427 = tpu.vector_load %arg10[%swap3A_424, %swap3A_425, %swap3A_426] {strides = array<i32>} : memref<8x128x72xf32, #tpu.memory_space<vmem>>, vector<1x1x16xf32>,
      %swap3A_428 = vector.shape_cast %swap3A_427 : vector<1x1x16xf32> to vector<16xf32>
      %swap3A_429 = vector.shape_cast %broadcast_in_dim3A_422 : vector<16xf32> to vector<1x1x16xf32>
      tpu.vector_store %arg10[%swap3A_424, %swap3A_425, %swap3A_426], %swap3A_429 {strides = array<i32>} : memref<8x128x72xf32, #tpu.memory_space<vmem>>, vector<1x1x16xf32>,
      %broadcast_in_dim3A_430 = arith.constant 0.000000e+00 : f32
      %broadcast_in_dim3A_431 = vector.broadcast %broadcast_in_dim3A_430 : f32 to vector<16xf32>
      %swap3A_432 = arith.constant 0 : i32
      %swap3A_433 = arith.index_cast %swap3A_432 : i32 to index
      %swap3A_434 = arith.index_cast %add3A_413 : i32 to index
      %swap3A_435 = arith.constant 32 : index
      %swap3A_436 = tpu.vector_load %arg10[%swap3A_433, %swap3A_434, %swap3A_435] {strides = array<i32>} : memref<8x128x72xf32, #tpu.memory_space<vmem>>, vector<1x1x16xf32>,
      %swap3A_437 = vector.shape_cast %swap3A_436 : vector<1x1x16xf32> to vector<16xf32>
      %swap3A_438 = vector.shape_cast %broadcast_in_dim3A_431 : vector<16xf32> to vector<1x1x16xf32>
      tpu.vector_store %arg10[%swap3A_433, %swap3A_434, %swap3A_435], %swap3A_438 {strides = array<i32>} : memref<8x128x72xf32, #tpu.memory_space<vmem>>, vector<1x1x16xf32>,
      %broadcast_in_dim3A_439 = arith.constant 0.000000e+00 : f32
      %broadcast_in_dim3A_440 = vector.broadcast %broadcast_in_dim3A_439 : f32 to vector<16xf32>
      %swap3A_441 = arith.constant 0 : i32
      %swap3A_442 = arith.index_cast %swap3A_441 : i32 to index
      %swap3A_443 = arith.index_cast %add3A_413 : i32 to index
      %swap3A_444 = arith.constant 48 : index
      %swap3A_445 = tpu.vector_load %arg10[%swap3A_442, %swap3A_443, %swap3A_444] {strides = array<i32>} : memref<8x128x72xf32, #tpu.memory_space<vmem>>, vector<1x1x16xf32>,
      %swap3A_446 = vector.shape_cast %swap3A_445 : vector<1x1x16xf32> to vector<16xf32>
      %swap3A_447 = vector.shape_cast %broadcast_in_dim3A_440 : vector<16xf32> to vector<1x1x16xf32>
      tpu.vector_store %arg10[%swap3A_442, %swap3A_443, %swap3A_444], %swap3A_447 {strides = array<i32>} : memref<8x128x72xf32, #tpu.memory_space<vmem>>, vector<1x1x16xf32>,
      %broadcast_in_dim3A_448 = arith.constant 0.000000e+00 : f32
      %broadcast_in_dim3A_449 = vector.broadcast %broadcast_in_dim3A_448 : f32 to vector<16xf32>
      %swap3A_450 = arith.constant 0 : i32
      %swap3A_451 = arith.index_cast %swap3A_450 : i32 to index
      %swap3A_452 = arith.index_cast %add3A_413 : i32 to index
      %swap3A_453 = arith.constant 56 : index
      %swap3A_454 = tpu.vector_load %arg10[%swap3A_451, %swap3A_452, %swap3A_453] {strides = array<i32>} : memref<8x128x72xf32, #tpu.memory_space<vmem>>, vector<1x1x16xf32>,
      %swap3A_455 = vector.shape_cast %swap3A_454 : vector<1x1x16xf32> to vector<16xf32>
      %swap3A_456 = vector.shape_cast %broadcast_in_dim3A_449 : vector<16xf32> to vector<1x1x16xf32>
      tpu.vector_store %arg10[%swap3A_451, %swap3A_452, %swap3A_453], %swap3A_456 {strides = array<i32>} : memref<8x128x72xf32, #tpu.memory_space<vmem>>, vector<1x1x16xf32>,
    }
    %scan3A_7 = arith.constant 128 : i32
    %mul3A_8 = arith.constant 128 : i32
    %mul3A_9 = arith.muli %arg1, %mul3A_8 : i32
    %add3A_10 = arith.constant 0 : i32
    %add3A_11 = arith.addi %mul3A_9, %add3A_10 : i32
    %run_scoped3A_12 = arith.constant 0 : i32
    "tpu.region"() ({
      %run_scoped3A_409 = tpu.sem_alloc : memref<!tpu.dma_semaphore, #tpu.memory_space<semaphore_mem>>
      %dma_start3A_410 = arith.constant 0 : i32
      %dma_start3A_411 = arith.constant 0 : i32
      %dma_start3A_412 = tpu.memref_slice %arg10[%run_scoped3A_12, %dma_start3A_410, %dma_start3A_411] : memref<8x128x72xf32, #tpu.memory_space<vmem>> -> memref<1x128x72xf32, #tpu.memory_space<vmem>>
      %dma_start3A_413 = tpu.memref_squeeze %dma_start3A_412 : memref<1x128x72xf32, #tpu.memory_space<vmem>> -> memref<128x72xf32, #tpu.memory_space<vmem>>
      %dma_start3A_414 = arith.constant 0 : i32
      %dma_start3A_415 = tpu.memref_slice %arg11[%add3A_11, %dma_start3A_414] : memref<2048x72xf32, #tpu.memory_space<vmem_shared>> -> memref<128x72xf32, #tpu.memory_space<vmem_shared>>
      %dma_start3A_416 = arith.constant 0 : i32
      %dma_start3A_417 = tpu.memref_slice %arg11[%add3A_11, %dma_start3A_416] : memref<2048x72xf32, #tpu.memory_space<vmem_shared>> -> memref<128x72xf32, #tpu.memory_space<vmem_shared>>
      %dma_start3A_418 = arith.constant 0 : i32
      %dma_start3A_419 = arith.constant 0 : i32
      %dma_start3A_420 = tpu.memref_slice %arg10[%run_scoped3A_12, %dma_start3A_418, %dma_start3A_419] : memref<8x128x72xf32, #tpu.memory_space<vmem>> -> memref<1x128x72xf32, #tpu.memory_space<vmem>>
      %dma_start3A_421 = tpu.memref_squeeze %dma_start3A_420 : memref<1x128x72xf32, #tpu.memory_space<vmem>> -> memref<128x72xf32, #tpu.memory_space<vmem>>
      tpu.enqueue_dma source(%dma_start3A_421 : memref<128x72xf32, #tpu.memory_space<vmem>>) target(%dma_start3A_417 : memref<128x72xf32, #tpu.memory_space<vmem_shared>>) target_semaphore(%run_scoped3A_409 : memref<!tpu.dma_semaphore, #tpu.memory_space<semaphore_mem>>)
      %dma_wait3A_422 = arith.constant 0 : i32
      %dma_wait3A_423 = arith.constant 0 : i32
      %dma_wait3A_424 = tpu.memref_slice %arg10[%run_scoped3A_12, %dma_wait3A_422, %dma_wait3A_423] : memref<8x128x72xf32, #tpu.memory_space<vmem>> -> memref<1x128x72xf32, #tpu.memory_space<vmem>>
      %dma_wait3A_425 = tpu.memref_squeeze %dma_wait3A_424 : memref<1x128x72xf32, #tpu.memory_space<vmem>> -> memref<128x72xf32, #tpu.memory_space<vmem>>
      %dma_wait3A_426 = arith.constant 0 : i32
      %dma_wait3A_427 = tpu.memref_slice %arg11[%add3A_11, %dma_wait3A_426] : memref<2048x72xf32, #tpu.memory_space<vmem_shared>> -> memref<128x72xf32, #tpu.memory_space<vmem_shared>>
      %dma_wait3A_428 = arith.constant 0 : i32
      %dma_wait3A_429 = tpu.memref_slice %arg11[%add3A_11, %dma_wait3A_428] : memref<2048x72xf32, #tpu.memory_space<vmem_shared>> -> memref<128x72xf32, #tpu.memory_space<vmem_shared>>
      %dma_wait3A_430 = arith.constant 0 : i32
      %dma_wait3A_431 = arith.constant 0 : i32
      %dma_wait3A_432 = tpu.memref_slice %arg10[%run_scoped3A_12, %dma_wait3A_430, %dma_wait3A_431] : memref<8x128x72xf32, #tpu.memory_space<vmem>> -> memref<1x128x72xf32, #tpu.memory_space<vmem>>
      %dma_wait3A_433 = tpu.memref_squeeze %dma_wait3A_432 : memref<1x128x72xf32, #tpu.memory_space<vmem>> -> memref<128x72xf32, #tpu.memory_space<vmem>>
      tpu.wait_dma2 semaphore(%run_scoped3A_409 : memref<!tpu.dma_semaphore, #tpu.memory_space<semaphore_mem>>) src(%dma_wait3A_433 : memref<128x72xf32, #tpu.memory_space<vmem>>) dst(%dma_wait3A_429 : memref<128x72xf32, #tpu.memory_space<vmem_shared>>)
      tpu.yield
    }) : () -> ()
    %scan3A_13 = arith.constant 0 : i32
    %scan3A_14 = arith.constant 8 : i32
    %scan3A_15 = arith.addi %scan3A_13, %scan3A_14 : i32
    %scan3A_16 = arith.constant 1 : i32
    scf.for %scan3A_409 = %scan3A_13 to %scan3A_15 step %scan3A_16  : i32 {
      %mul3A_410 = arith.constant 1 : i32
      %mul3A_411 = arith.muli %scan3A_409, %mul3A_410 : i32
      %add3A_412 = arith.constant 0 : i32
      %add3A_413 = arith.addi %add3A_412, %mul3A_411 : i32
      %get3A = arith.index_cast %add3A_413 : i32 to index
      %get3A_414 = arith.constant 0 : index
      %get3A_415 = tpu.vector_load %arg6[%get3A, %get3A_414] {strides = array<i32>} : memref<8x128xi32, #tpu.memory_space<vmem>>, vector<1x16xi32>,
      %get3A_416 = vector.shape_cast %get3A_415 : vector<1x16xi32> to vector<16xi32>
      %mul3A_417 = arith.constant 7 : i32
      %mul3A_418 = vector.broadcast %mul3A_417 : i32 to vector<16xi32>
      %mul3A_419 = arith.muli %get3A_416, %mul3A_418 : vector<16xi32>
      %get3A_420 = arith.index_cast %add3A_413 : i32 to index
      %get3A_421 = arith.constant 0 : index
      %get3A_422 = tpu.vector_load %arg7[%get3A_420, %get3A_421] {strides = array<i32>} : memref<8x128xi32, #tpu.memory_space<vmem>>, vector<1x16xi32>,
      %get3A_423 = vector.shape_cast %get3A_422 : vector<1x16xi32> to vector<16xi32>
      %add3A_424 = arith.addi %mul3A_419, %get3A_423 : vector<16xi32>
      %swap3A = arith.index_cast %add3A_413 : i32 to index
      %swap3A_425 = arith.constant 0 : index
      %swap3A_426 = tpu.vector_load %arg9[%swap3A, %swap3A_425] {strides = array<i32>} : memref<8x128xi32, #tpu.memory_space<vmem>>, vector<1x16xi32>,
      %swap3A_427 = vector.shape_cast %swap3A_426 : vector<1x16xi32> to vector<16xi32>
      %swap3A_428 = vector.shape_cast %add3A_424 : vector<16xi32> to vector<1x16xi32>
      tpu.vector_store %arg9[%swap3A, %swap3A_425], %swap3A_428 {strides = array<i32>} : memref<8x128xi32, #tpu.memory_space<vmem>>, vector<1x16xi32>,
      %get3A_429 = arith.index_cast %add3A_413 : i32 to index
      %get3A_430 = arith.constant 16 : index
      %get3A_431 = tpu.vector_load %arg6[%get3A_429, %get3A_430] {strides = array<i32>} : memref<8x128xi32, #tpu.memory_space<vmem>>, vector<1x16xi32>,
      %get3A_432 = vector.shape_cast %get3A_431 : vector<1x16xi32> to vector<16xi32>
      %mul3A_433 = arith.constant 7 : i32
      %mul3A_434 = vector.broadcast %mul3A_433 : i32 to vector<16xi32>
      %mul3A_435 = arith.muli %get3A_432, %mul3A_434 : vector<16xi32>
      %get3A_436 = arith.index_cast %add3A_413 : i32 to index
      %get3A_437 = arith.constant 16 : index
      %get3A_438 = tpu.vector_load %arg7[%get3A_436, %get3A_437] {strides = array<i32>} : memref<8x128xi32, #tpu.memory_space<vmem>>, vector<1x16xi32>,
      %get3A_439 = vector.shape_cast %get3A_438 : vector<1x16xi32> to vector<16xi32>
      %add3A_440 = arith.addi %mul3A_435, %get3A_439 : vector<16xi32>
      %swap3A_441 = arith.index_cast %add3A_413 : i32 to index
      %swap3A_442 = arith.constant 16 : index
      %swap3A_443 = tpu.vector_load %arg9[%swap3A_441, %swap3A_442] {strides = array<i32>} : memref<8x128xi32, #tpu.memory_space<vmem>>, vector<1x16xi32>,
      %swap3A_444 = vector.shape_cast %swap3A_443 : vector<1x16xi32> to vector<16xi32>
      %swap3A_445 = vector.shape_cast %add3A_440 : vector<16xi32> to vector<1x16xi32>
      tpu.vector_store %arg9[%swap3A_441, %swap3A_442], %swap3A_445 {strides = array<i32>} : memref<8x128xi32, #tpu.memory_space<vmem>>, vector<1x16xi32>,
      %get3A_446 = arith.index_cast %add3A_413 : i32 to index
      %get3A_447 = arith.constant 32 : index
      %get3A_448 = tpu.vector_load %arg6[%get3A_446, %get3A_447] {strides = array<i32>} : memref<8x128xi32, #tpu.memory_space<vmem>>, vector<1x16xi32>,
      %get3A_449 = vector.shape_cast %get3A_448 : vector<1x16xi32> to vector<16xi32>
      %mul3A_450 = arith.constant 7 : i32
      %mul3A_451 = vector.broadcast %mul3A_450 : i32 to vector<16xi32>
      %mul3A_452 = arith.muli %get3A_449, %mul3A_451 : vector<16xi32>
      %get3A_453 = arith.index_cast %add3A_413 : i32 to index
      %get3A_454 = arith.constant 32 : index
      %get3A_455 = tpu.vector_load %arg7[%get3A_453, %get3A_454] {strides = array<i32>} : memref<8x128xi32, #tpu.memory_space<vmem>>, vector<1x16xi32>,
      %get3A_456 = vector.shape_cast %get3A_455 : vector<1x16xi32> to vector<16xi32>
      %add3A_457 = arith.addi %mul3A_452, %get3A_456 : vector<16xi32>
      %swap3A_458 = arith.index_cast %add3A_413 : i32 to index
      %swap3A_459 = arith.constant 32 : index
      %swap3A_460 = tpu.vector_load %arg9[%swap3A_458, %swap3A_459] {strides = array<i32>} : memref<8x128xi32, #tpu.memory_space<vmem>>, vector<1x16xi32>,
      %swap3A_461 = vector.shape_cast %swap3A_460 : vector<1x16xi32> to vector<16xi32>
      %swap3A_462 = vector.shape_cast %add3A_457 : vector<16xi32> to vector<1x16xi32>
      tpu.vector_store %arg9[%swap3A_458, %swap3A_459], %swap3A_462 {strides = array<i32>} : memref<8x128xi32, #tpu.memory_space<vmem>>, vector<1x16xi32>,
      %get3A_463 = arith.index_cast %add3A_413 : i32 to index
      %get3A_464 = arith.constant 48 : index
      %get3A_465 = tpu.vector_load %arg6[%get3A_463, %get3A_464] {strides = array<i32>} : memref<8x128xi32, #tpu.memory_space<vmem>>, vector<1x16xi32>,
      %get3A_466 = vector.shape_cast %get3A_465 : vector<1x16xi32> to vector<16xi32>
      %mul3A_467 = arith.constant 7 : i32
      %mul3A_468 = vector.broadcast %mul3A_467 : i32 to vector<16xi32>
      %mul3A_469 = arith.muli %get3A_466, %mul3A_468 : vector<16xi32>
      %get3A_470 = arith.index_cast %add3A_413 : i32 to index
      %get3A_471 = arith.constant 48 : index
      %get3A_472 = tpu.vector_load %arg7[%get3A_470, %get3A_471] {strides = array<i32>} : memref<8x128xi32, #tpu.memory_space<vmem>>, vector<1x16xi32>,
      %get3A_473 = vector.shape_cast %get3A_472 : vector<1x16xi32> to vector<16xi32>
      %add3A_474 = arith.addi %mul3A_469, %get3A_473 : vector<16xi32>
      %swap3A_475 = arith.index_cast %add3A_413 : i32 to index
      %swap3A_476 = arith.constant 48 : index
      %swap3A_477 = tpu.vector_load %arg9[%swap3A_475, %swap3A_476] {strides = array<i32>} : memref<8x128xi32, #tpu.memory_space<vmem>>, vector<1x16xi32>,
      %swap3A_478 = vector.shape_cast %swap3A_477 : vector<1x16xi32> to vector<16xi32>
      %swap3A_479 = vector.shape_cast %add3A_474 : vector<16xi32> to vector<1x16xi32>
      tpu.vector_store %arg9[%swap3A_475, %swap3A_476], %swap3A_479 {strides = array<i32>} : memref<8x128xi32, #tpu.memory_space<vmem>>, vector<1x16xi32>,
      %get3A_480 = arith.index_cast %add3A_413 : i32 to index
      %get3A_481 = arith.constant 64 : index
      %get3A_482 = tpu.vector_load %arg6[%get3A_480, %get3A_481] {strides = array<i32>} : memref<8x128xi32, #tpu.memory_space<vmem>>, vector<1x16xi32>,
      %get3A_483 = vector.shape_cast %get3A_482 : vector<1x16xi32> to vector<16xi32>
      %mul3A_484 = arith.constant 7 : i32
      %mul3A_485 = vector.broadcast %mul3A_484 : i32 to vector<16xi32>
      %mul3A_486 = arith.muli %get3A_483, %mul3A_485 : vector<16xi32>
      %get3A_487 = arith.index_cast %add3A_413 : i32 to index
      %get3A_488 = arith.constant 64 : index
      %get3A_489 = tpu.vector_load %arg7[%get3A_487, %get3A_488] {strides = array<i32>} : memref<8x128xi32, #tpu.memory_space<vmem>>, vector<1x16xi32>,
      %get3A_490 = vector.shape_cast %get3A_489 : vector<1x16xi32> to vector<16xi32>
      %add3A_491 = arith.addi %mul3A_486, %get3A_490 : vector<16xi32>
      %swap3A_492 = arith.index_cast %add3A_413 : i32 to index
      %swap3A_493 = arith.constant 64 : index
      %swap3A_494 = tpu.vector_load %arg9[%swap3A_492, %swap3A_493] {strides = array<i32>} : memref<8x128xi32, #tpu.memory_space<vmem>>, vector<1x16xi32>,
      %swap3A_495 = vector.shape_cast %swap3A_494 : vector<1x16xi32> to vector<16xi32>
      %swap3A_496 = vector.shape_cast %add3A_491 : vector<16xi32> to vector<1x16xi32>
      tpu.vector_store %arg9[%swap3A_492, %swap3A_493], %swap3A_496 {strides = array<i32>} : memref<8x128xi32, #tpu.memory_space<vmem>>, vector<1x16xi32>,
      %get3A_497 = arith.index_cast %add3A_413 : i32 to index
      %get3A_498 = arith.constant 80 : index
      %get3A_499 = tpu.vector_load %arg6[%get3A_497, %get3A_498] {strides = array<i32>} : memref<8x128xi32, #tpu.memory_space<vmem>>, vector<1x16xi32>,
      %get3A_500 = vector.shape_cast %get3A_499 : vector<1x16xi32> to vector<16xi32>
      %mul3A_501 = arith.constant 7 : i32
      %mul3A_502 = vector.broadcast %mul3A_501 : i32 to vector<16xi32>
      %mul3A_503 = arith.muli %get3A_500, %mul3A_502 : vector<16xi32>
      %get3A_504 = arith.index_cast %add3A_413 : i32 to index
      %get3A_505 = arith.constant 80 : index
      %get3A_506 = tpu.vector_load %arg7[%get3A_504, %get3A_505] {strides = array<i32>} : memref<8x128xi32, #tpu.memory_space<vmem>>, vector<1x16xi32>,
      %get3A_507 = vector.shape_cast %get3A_506 : vector<1x16xi32> to vector<16xi32>
      %add3A_508 = arith.addi %mul3A_503, %get3A_507 : vector<16xi32>
      %swap3A_509 = arith.index_cast %add3A_413 : i32 to index
      %swap3A_510 = arith.constant 80 : index
      %swap3A_511 = tpu.vector_load %arg9[%swap3A_509, %swap3A_510] {strides = array<i32>} : memref<8x128xi32, #tpu.memory_space<vmem>>, vector<1x16xi32>,
      %swap3A_512 = vector.shape_cast %swap3A_511 : vector<1x16xi32> to vector<16xi32>
      %swap3A_513 = vector.shape_cast %add3A_508 : vector<16xi32> to vector<1x16xi32>
      tpu.vector_store %arg9[%swap3A_509, %swap3A_510], %swap3A_513 {strides = array<i32>} : memref<8x128xi32, #tpu.memory_space<vmem>>, vector<1x16xi32>,
      %get3A_514 = arith.index_cast %add3A_413 : i32 to index
      %get3A_515 = arith.constant 96 : index
      %get3A_516 = tpu.vector_load %arg6[%get3A_514, %get3A_515] {strides = array<i32>} : memref<8x128xi32, #tpu.memory_space<vmem>>, vector<1x16xi32>,
      %get3A_517 = vector.shape_cast %get3A_516 : vector<1x16xi32> to vector<16xi32>
      %mul3A_518 = arith.constant 7 : i32
      %mul3A_519 = vector.broadcast %mul3A_518 : i32 to vector<16xi32>
      %mul3A_520 = arith.muli %get3A_517, %mul3A_519 : vector<16xi32>
      %get3A_521 = arith.index_cast %add3A_413 : i32 to index
      %get3A_522 = arith.constant 96 : index
      %get3A_523 = tpu.vector_load %arg7[%get3A_521, %get3A_522] {strides = array<i32>} : memref<8x128xi32, #tpu.memory_space<vmem>>, vector<1x16xi32>,
      %get3A_524 = vector.shape_cast %get3A_523 : vector<1x16xi32> to vector<16xi32>
      %add3A_525 = arith.addi %mul3A_520, %get3A_524 : vector<16xi32>
      %swap3A_526 = arith.index_cast %add3A_413 : i32 to index
      %swap3A_527 = arith.constant 96 : index
      %swap3A_528 = tpu.vector_load %arg9[%swap3A_526, %swap3A_527] {strides = array<i32>} : memref<8x128xi32, #tpu.memory_space<vmem>>, vector<1x16xi32>,
      %swap3A_529 = vector.shape_cast %swap3A_528 : vector<1x16xi32> to vector<16xi32>
      %swap3A_530 = vector.shape_cast %add3A_525 : vector<16xi32> to vector<1x16xi32>
      tpu.vector_store %arg9[%swap3A_526, %swap3A_527], %swap3A_530 {strides = array<i32>} : memref<8x128xi32, #tpu.memory_space<vmem>>, vector<1x16xi32>,
      %get3A_531 = arith.index_cast %add3A_413 : i32 to index
      %get3A_532 = arith.constant 112 : index
      %get3A_533 = tpu.vector_load %arg6[%get3A_531, %get3A_532] {strides = array<i32>} : memref<8x128xi32, #tpu.memory_space<vmem>>, vector<1x16xi32>,
      %get3A_534 = vector.shape_cast %get3A_533 : vector<1x16xi32> to vector<16xi32>
      %mul3A_535 = arith.constant 7 : i32
      %mul3A_536 = vector.broadcast %mul3A_535 : i32 to vector<16xi32>
      %mul3A_537 = arith.muli %get3A_534, %mul3A_536 : vector<16xi32>
      %get3A_538 = arith.index_cast %add3A_413 : i32 to index
      %get3A_539 = arith.constant 112 : index
      %get3A_540 = tpu.vector_load %arg7[%get3A_538, %get3A_539] {strides = array<i32>} : memref<8x128xi32, #tpu.memory_space<vmem>>, vector<1x16xi32>,
      %get3A_541 = vector.shape_cast %get3A_540 : vector<1x16xi32> to vector<16xi32>
      %add3A_542 = arith.addi %mul3A_537, %get3A_541 : vector<16xi32>
      %swap3A_543 = arith.index_cast %add3A_413 : i32 to index
      %swap3A_544 = arith.constant 112 : index
      %swap3A_545 = tpu.vector_load %arg9[%swap3A_543, %swap3A_544] {strides = array<i32>} : memref<8x128xi32, #tpu.memory_space<vmem>>, vector<1x16xi32>,
      %swap3A_546 = vector.shape_cast %swap3A_545 : vector<1x16xi32> to vector<16xi32>
      %swap3A_547 = vector.shape_cast %add3A_542 : vector<16xi32> to vector<1x16xi32>
      tpu.vector_store %arg9[%swap3A_543, %swap3A_544], %swap3A_547 {strides = array<i32>} : memref<8x128xi32, #tpu.memory_space<vmem>>, vector<1x16xi32>,
    }
    %scan3A_17 = arith.constant 8 : i32
    %barrier3A = arith.constant 0 : index
    tpu.barrier barrier_id(%barrier3A)
    %dma_start3A = arith.constant 0 : i32
    %dma_start3A_18 = arith.constant 0 : i32
    %dma_start3A_19 = arith.constant 0 : i32
    %dma_start3A_20 = arith.constant 0 : i32
    %dma_start3A_21 = tpu.memref_slice %arg10[%dma_start3A_18, %dma_start3A_19, %dma_start3A_20] : memref<8x128x72xf32, #tpu.memory_space<vmem>> -> memref<1x128x72xf32, #tpu.memory_space<vmem>>
    %dma_start3A_22 = tpu.memref_squeeze %dma_start3A_21 : memref<1x128x72xf32, #tpu.memory_space<vmem>> -> memref<128x72xf32, #tpu.memory_space<vmem>>
    %dma_start3A_23 = arith.constant 0 : i32
    %dma_start3A_24 = tpu.memref_slice %arg9[%dma_start3A, %dma_start3A_23] : memref<8x128xi32, #tpu.memory_space<vmem>> -> memref<1x128xi32, #tpu.memory_space<vmem>>
    %dma_start3A_25 = tpu.memref_squeeze %dma_start3A_24 : memref<1x128xi32, #tpu.memory_space<vmem>> -> memref<128xi32, #tpu.memory_space<vmem>>
    %dma_start3A_26 = arith.constant 0 : i32
    %dma_start3A_27 = arith.constant 0 : i32
    %dma_start3A_28 = tpu.memref_slice %arg2[%dma_start3A_26, %dma_start3A_27] : memref<14336x72xf32, #tpu.memory_space<hbm>> -> memref<14336x72xf32, #tpu.memory_space<hbm>>
    tpu.enqueue_indirect_dma source(%dma_start3A_28 : memref<14336x72xf32, #tpu.memory_space<hbm>>) target(%dma_start3A_22 : memref<128x72xf32, #tpu.memory_space<vmem>>) offsets(%dma_start3A_25 : memref<128xi32, #tpu.memory_space<vmem>>) semaphore(%arg12 : memref<!tpu.dma_semaphore, #tpu.memory_space<semaphore_mem>>)
    %dma_start3A_29 = arith.constant 1 : i32
    %dma_start3A_30 = arith.constant 1 : i32
    %dma_start3A_31 = arith.constant 0 : i32
    %dma_start3A_32 = arith.constant 0 : i32
    %dma_start3A_33 = tpu.memref_slice %arg10[%dma_start3A_30, %dma_start3A_31, %dma_start3A_32] : memref<8x128x72xf32, #tpu.memory_space<vmem>> -> memref<1x128x72xf32, #tpu.memory_space<vmem>>
    %dma_start3A_34 = tpu.memref_squeeze %dma_start3A_33 : memref<1x128x72xf32, #tpu.memory_space<vmem>> -> memref<128x72xf32, #tpu.memory_space<vmem>>
    %dma_start3A_35 = arith.constant 0 : i32
    %dma_start3A_36 = tpu.memref_slice %arg9[%dma_start3A_29, %dma_start3A_35] : memref<8x128xi32, #tpu.memory_space<vmem>> -> memref<1x128xi32, #tpu.memory_space<vmem>>
    %dma_start3A_37 = tpu.memref_squeeze %dma_start3A_36 : memref<1x128xi32, #tpu.memory_space<vmem>> -> memref<128xi32, #tpu.memory_space<vmem>>
    %dma_start3A_38 = arith.constant 0 : i32
    %dma_start3A_39 = arith.constant 0 : i32
    %dma_start3A_40 = tpu.memref_slice %arg2[%dma_start3A_38, %dma_start3A_39] : memref<14336x72xf32, #tpu.memory_space<hbm>> -> memref<14336x72xf32, #tpu.memory_space<hbm>>
    tpu.enqueue_indirect_dma source(%dma_start3A_40 : memref<14336x72xf32, #tpu.memory_space<hbm>>) target(%dma_start3A_34 : memref<128x72xf32, #tpu.memory_space<vmem>>) offsets(%dma_start3A_37 : memref<128xi32, #tpu.memory_space<vmem>>) semaphore(%arg13 : memref<!tpu.dma_semaphore, #tpu.memory_space<semaphore_mem>>)
    %dma_start3A_41 = arith.constant 2 : i32
    %dma_start3A_42 = arith.constant 2 : i32
    %dma_start3A_43 = arith.constant 0 : i32
    %dma_start3A_44 = arith.constant 0 : i32
    %dma_start3A_45 = tpu.memref_slice %arg10[%dma_start3A_42, %dma_start3A_43, %dma_start3A_44] : memref<8x128x72xf32, #tpu.memory_space<vmem>> -> memref<1x128x72xf32, #tpu.memory_space<vmem>>
    %dma_start3A_46 = tpu.memref_squeeze %dma_start3A_45 : memref<1x128x72xf32, #tpu.memory_space<vmem>> -> memref<128x72xf32, #tpu.memory_space<vmem>>
    %dma_start3A_47 = arith.constant 0 : i32
    %dma_start3A_48 = tpu.memref_slice %arg9[%dma_start3A_41, %dma_start3A_47] : memref<8x128xi32, #tpu.memory_space<vmem>> -> memref<1x128xi32, #tpu.memory_space<vmem>>
    %dma_start3A_49 = tpu.memref_squeeze %dma_start3A_48 : memref<1x128xi32, #tpu.memory_space<vmem>> -> memref<128xi32, #tpu.memory_space<vmem>>
    %dma_start3A_50 = arith.constant 0 : i32
    %dma_start3A_51 = arith.constant 0 : i32
    %dma_start3A_52 = tpu.memref_slice %arg2[%dma_start3A_50, %dma_start3A_51] : memref<14336x72xf32, #tpu.memory_space<hbm>> -> memref<14336x72xf32, #tpu.memory_space<hbm>>
    tpu.enqueue_indirect_dma source(%dma_start3A_52 : memref<14336x72xf32, #tpu.memory_space<hbm>>) target(%dma_start3A_46 : memref<128x72xf32, #tpu.memory_space<vmem>>) offsets(%dma_start3A_49 : memref<128xi32, #tpu.memory_space<vmem>>) semaphore(%arg14 : memref<!tpu.dma_semaphore, #tpu.memory_space<semaphore_mem>>)
    %dma_start3A_53 = arith.constant 3 : i32
    %dma_start3A_54 = arith.constant 3 : i32
    %dma_start3A_55 = arith.constant 0 : i32
    %dma_start3A_56 = arith.constant 0 : i32
    %dma_start3A_57 = tpu.memref_slice %arg10[%dma_start3A_54, %dma_start3A_55, %dma_start3A_56] : memref<8x128x72xf32, #tpu.memory_space<vmem>> -> memref<1x128x72xf32, #tpu.memory_space<vmem>>
    %dma_start3A_58 = tpu.memref_squeeze %dma_start3A_57 : memref<1x128x72xf32, #tpu.memory_space<vmem>> -> memref<128x72xf32, #tpu.memory_space<vmem>>
    %dma_start3A_59 = arith.constant 0 : i32
    %dma_start3A_60 = tpu.memref_slice %arg9[%dma_start3A_53, %dma_start3A_59] : memref<8x128xi32, #tpu.memory_space<vmem>> -> memref<1x128xi32, #tpu.memory_space<vmem>>
    %dma_start3A_61 = tpu.memref_squeeze %dma_start3A_60 : memref<1x128xi32, #tpu.memory_space<vmem>> -> memref<128xi32, #tpu.memory_space<vmem>>
    %dma_start3A_62 = arith.constant 0 : i32
    %dma_start3A_63 = arith.constant 0 : i32
    %dma_start3A_64 = tpu.memref_slice %arg2[%dma_start3A_62, %dma_start3A_63] : memref<14336x72xf32, #tpu.memory_space<hbm>> -> memref<14336x72xf32, #tpu.memory_space<hbm>>
    tpu.enqueue_indirect_dma source(%dma_start3A_64 : memref<14336x72xf32, #tpu.memory_space<hbm>>) target(%dma_start3A_58 : memref<128x72xf32, #tpu.memory_space<vmem>>) offsets(%dma_start3A_61 : memref<128xi32, #tpu.memory_space<vmem>>) semaphore(%arg15 : memref<!tpu.dma_semaphore, #tpu.memory_space<semaphore_mem>>)
    %dma_start3A_65 = arith.constant 4 : i32
    %dma_start3A_66 = arith.constant 4 : i32
    %dma_start3A_67 = arith.constant 0 : i32
    %dma_start3A_68 = arith.constant 0 : i32
    %dma_start3A_69 = tpu.memref_slice %arg10[%dma_start3A_66, %dma_start3A_67, %dma_start3A_68] : memref<8x128x72xf32, #tpu.memory_space<vmem>> -> memref<1x128x72xf32, #tpu.memory_space<vmem>>
    %dma_start3A_70 = tpu.memref_squeeze %dma_start3A_69 : memref<1x128x72xf32, #tpu.memory_space<vmem>> -> memref<128x72xf32, #tpu.memory_space<vmem>>
    %dma_start3A_71 = arith.constant 0 : i32
    %dma_start3A_72 = tpu.memref_slice %arg9[%dma_start3A_65, %dma_start3A_71] : memref<8x128xi32, #tpu.memory_space<vmem>> -> memref<1x128xi32, #tpu.memory_space<vmem>>
    %dma_start3A_73 = tpu.memref_squeeze %dma_start3A_72 : memref<1x128xi32, #tpu.memory_space<vmem>> -> memref<128xi32, #tpu.memory_space<vmem>>
    %dma_start3A_74 = arith.constant 0 : i32
    %dma_start3A_75 = arith.constant 0 : i32
    %dma_start3A_76 = tpu.memref_slice %arg2[%dma_start3A_74, %dma_start3A_75] : memref<14336x72xf32, #tpu.memory_space<hbm>> -> memref<14336x72xf32, #tpu.memory_space<hbm>>
    tpu.enqueue_indirect_dma source(%dma_start3A_76 : memref<14336x72xf32, #tpu.memory_space<hbm>>) target(%dma_start3A_70 : memref<128x72xf32, #tpu.memory_space<vmem>>) offsets(%dma_start3A_73 : memref<128xi32, #tpu.memory_space<vmem>>) semaphore(%arg16 : memref<!tpu.dma_semaphore, #tpu.memory_space<semaphore_mem>>)
    %dma_start3A_77 = arith.constant 5 : i32
    %dma_start3A_78 = arith.constant 5 : i32
    %dma_start3A_79 = arith.constant 0 : i32
    %dma_start3A_80 = arith.constant 0 : i32
    %dma_start3A_81 = tpu.memref_slice %arg10[%dma_start3A_78, %dma_start3A_79, %dma_start3A_80] : memref<8x128x72xf32, #tpu.memory_space<vmem>> -> memref<1x128x72xf32, #tpu.memory_space<vmem>>
    %dma_start3A_82 = tpu.memref_squeeze %dma_start3A_81 : memref<1x128x72xf32, #tpu.memory_space<vmem>> -> memref<128x72xf32, #tpu.memory_space<vmem>>
    %dma_start3A_83 = arith.constant 0 : i32
    %dma_start3A_84 = tpu.memref_slice %arg9[%dma_start3A_77, %dma_start3A_83] : memref<8x128xi32, #tpu.memory_space<vmem>> -> memref<1x128xi32, #tpu.memory_space<vmem>>
    %dma_start3A_85 = tpu.memref_squeeze %dma_start3A_84 : memref<1x128xi32, #tpu.memory_space<vmem>> -> memref<128xi32, #tpu.memory_space<vmem>>
    %dma_start3A_86 = arith.constant 0 : i32
    %dma_start3A_87 = arith.constant 0 : i32
    %dma_start3A_88 = tpu.memref_slice %arg2[%dma_start3A_86, %dma_start3A_87] : memref<14336x72xf32, #tpu.memory_space<hbm>> -> memref<14336x72xf32, #tpu.memory_space<hbm>>
    tpu.enqueue_indirect_dma source(%dma_start3A_88 : memref<14336x72xf32, #tpu.memory_space<hbm>>) target(%dma_start3A_82 : memref<128x72xf32, #tpu.memory_space<vmem>>) offsets(%dma_start3A_85 : memref<128xi32, #tpu.memory_space<vmem>>) semaphore(%arg17 : memref<!tpu.dma_semaphore, #tpu.memory_space<semaphore_mem>>)
    %dma_start3A_89 = arith.constant 6 : i32
    %dma_start3A_90 = arith.constant 6 : i32
    %dma_start3A_91 = arith.constant 0 : i32
    %dma_start3A_92 = arith.constant 0 : i32
    %dma_start3A_93 = tpu.memref_slice %arg10[%dma_start3A_90, %dma_start3A_91, %dma_start3A_92] : memref<8x128x72xf32, #tpu.memory_space<vmem>> -> memref<1x128x72xf32, #tpu.memory_space<vmem>>
    %dma_start3A_94 = tpu.memref_squeeze %dma_start3A_93 : memref<1x128x72xf32, #tpu.memory_space<vmem>> -> memref<128x72xf32, #tpu.memory_space<vmem>>
    %dma_start3A_95 = arith.constant 0 : i32
    %dma_start3A_96 = tpu.memref_slice %arg9[%dma_start3A_89, %dma_start3A_95] : memref<8x128xi32, #tpu.memory_space<vmem>> -> memref<1x128xi32, #tpu.memory_space<vmem>>
    %dma_start3A_97 = tpu.memref_squeeze %dma_start3A_96 : memref<1x128xi32, #tpu.memory_space<vmem>> -> memref<128xi32, #tpu.memory_space<vmem>>
    %dma_start3A_98 = arith.constant 0 : i32
    %dma_start3A_99 = arith.constant 0 : i32
    %dma_start3A_100 = tpu.memref_slice %arg2[%dma_start3A_98, %dma_start3A_99] : memref<14336x72xf32, #tpu.memory_space<hbm>> -> memref<14336x72xf32, #tpu.memory_space<hbm>>
    tpu.enqueue_indirect_dma source(%dma_start3A_100 : memref<14336x72xf32, #tpu.memory_space<hbm>>) target(%dma_start3A_94 : memref<128x72xf32, #tpu.memory_space<vmem>>) offsets(%dma_start3A_97 : memref<128xi32, #tpu.memory_space<vmem>>) semaphore(%arg18 : memref<!tpu.dma_semaphore, #tpu.memory_space<semaphore_mem>>)
    %dma_start3A_101 = arith.constant 7 : i32
    %dma_start3A_102 = arith.constant 7 : i32
    %dma_start3A_103 = arith.constant 0 : i32
    %dma_start3A_104 = arith.constant 0 : i32
    %dma_start3A_105 = tpu.memref_slice %arg10[%dma_start3A_102, %dma_start3A_103, %dma_start3A_104] : memref<8x128x72xf32, #tpu.memory_space<vmem>> -> memref<1x128x72xf32, #tpu.memory_space<vmem>>
    %dma_start3A_106 = tpu.memref_squeeze %dma_start3A_105 : memref<1x128x72xf32, #tpu.memory_space<vmem>> -> memref<128x72xf32, #tpu.memory_space<vmem>>
    %dma_start3A_107 = arith.constant 0 : i32
    %dma_start3A_108 = tpu.memref_slice %arg9[%dma_start3A_101, %dma_start3A_107] : memref<8x128xi32, #tpu.memory_space<vmem>> -> memref<1x128xi32, #tpu.memory_space<vmem>>
    %dma_start3A_109 = tpu.memref_squeeze %dma_start3A_108 : memref<1x128xi32, #tpu.memory_space<vmem>> -> memref<128xi32, #tpu.memory_space<vmem>>
    %dma_start3A_110 = arith.constant 0 : i32
    %dma_start3A_111 = arith.constant 0 : i32
    %dma_start3A_112 = tpu.memref_slice %arg2[%dma_start3A_110, %dma_start3A_111] : memref<14336x72xf32, #tpu.memory_space<hbm>> -> memref<14336x72xf32, #tpu.memory_space<hbm>>
    tpu.enqueue_indirect_dma source(%dma_start3A_112 : memref<14336x72xf32, #tpu.memory_space<hbm>>) target(%dma_start3A_106 : memref<128x72xf32, #tpu.memory_space<vmem>>) offsets(%dma_start3A_109 : memref<128xi32, #tpu.memory_space<vmem>>) semaphore(%arg19 : memref<!tpu.dma_semaphore, #tpu.memory_space<semaphore_mem>>)
    %scan3A_113 = arith.constant 0 : i32
    %scan3A_114 = arith.constant 0 : i32
    %scan3A_115 = arith.addi %scan3A_113, %scan3A_114 : i32
    %scan3A_116 = arith.constant 0 : i32
    %dma_wait3A = arith.constant 0 : i32
    %dma_wait3A_117 = arith.constant 0 : i32
    %dma_wait3A_118 = arith.constant 0 : i32
    %dma_wait3A_119 = arith.constant 0 : i32
    %dma_wait3A_120 = tpu.memref_slice %arg10[%dma_wait3A_117, %dma_wait3A_118, %dma_wait3A_119] : memref<8x128x72xf32, #tpu.memory_space<vmem>> -> memref<1x128x72xf32, #tpu.memory_space<vmem>>
    %dma_wait3A_121 = tpu.memref_squeeze %dma_wait3A_120 : memref<1x128x72xf32, #tpu.memory_space<vmem>> -> memref<128x72xf32, #tpu.memory_space<vmem>>
    %dma_wait3A_122 = arith.constant 0 : i32
    %dma_wait3A_123 = tpu.memref_slice %arg9[%dma_wait3A, %dma_wait3A_122] : memref<8x128xi32, #tpu.memory_space<vmem>> -> memref<1x128xi32, #tpu.memory_space<vmem>>
    %dma_wait3A_124 = tpu.memref_squeeze %dma_wait3A_123 : memref<1x128xi32, #tpu.memory_space<vmem>> -> memref<128xi32, #tpu.memory_space<vmem>>
    %dma_wait3A_125 = arith.constant 0 : i32
    %dma_wait3A_126 = arith.constant 0 : i32
    %dma_wait3A_127 = tpu.memref_slice %arg2[%dma_wait3A_125, %dma_wait3A_126] : memref<14336x72xf32, #tpu.memory_space<hbm>> -> memref<14336x72xf32, #tpu.memory_space<hbm>>
    tpu.wait_indirect_dma semaphore(%arg12 : memref<!tpu.dma_semaphore, #tpu.memory_space<semaphore_mem>>) src(%dma_wait3A_127 : memref<14336x72xf32, #tpu.memory_space<hbm>>) dst(%dma_wait3A_121 : memref<128x72xf32, #tpu.memory_space<vmem>>)
    %dma_start3A_128 = arith.constant 0 : i32
    %dma_start3A_129 = arith.constant 0 : i32
    %dma_start3A_130 = arith.constant 0 : i32
    %dma_start3A_131 = arith.constant 0 : i32
    %dma_start3A_132 = tpu.memref_slice %arg10[%dma_start3A_128, %dma_start3A_130, %dma_start3A_131] : memref<8x128x72xf32, #tpu.memory_space<vmem>> -> memref<1x128x72xf32, #tpu.memory_space<vmem>>
    %dma_start3A_133 = tpu.memref_squeeze %dma_start3A_132 : memref<1x128x72xf32, #tpu.memory_space<vmem>> -> memref<128x72xf32, #tpu.memory_space<vmem>>
    %dma_start3A_134 = arith.constant 0 : i32
    %dma_start3A_135 = tpu.memref_slice %arg8[%dma_start3A_129, %dma_start3A_134] : memref<8x128xi32, #tpu.memory_space<vmem>> -> memref<1x128xi32, #tpu.memory_space<vmem>>
    %dma_start3A_136 = tpu.memref_squeeze %dma_start3A_135 : memref<1x128xi32, #tpu.memory_space<vmem>> -> memref<128xi32, #tpu.memory_space<vmem>>
    %dma_start3A_137 = arith.constant 0 : i32
    %dma_start3A_138 = arith.constant 0 : i32
    %dma_start3A_139 = tpu.memref_slice %arg11[%dma_start3A_137, %dma_start3A_138] : memref<2048x72xf32, #tpu.memory_space<vmem_shared>> -> memref<2048x72xf32, #tpu.memory_space<vmem_shared>>
    tpu.enqueue_indirect_dma source(%dma_start3A_133 : memref<128x72xf32, #tpu.memory_space<vmem>>) target(%dma_start3A_139 : memref<2048x72xf32, #tpu.memory_space<vmem_shared>>) offsets(%dma_start3A_136 : memref<128xi32, #tpu.memory_space<vmem>>) semaphore(%arg20 : memref<!tpu.dma_semaphore, #tpu.memory_space<semaphore_mem>>) {add = true}
    %dma_wait3A_140 = arith.constant 0 : i32
    %dma_wait3A_141 = arith.constant 1 : i32
    %dma_wait3A_142 = arith.constant 0 : i32
    %dma_wait3A_143 = arith.constant 0 : i32
    %dma_wait3A_144 = tpu.memref_slice %arg10[%dma_wait3A_141, %dma_wait3A_142, %dma_wait3A_143] : memref<8x128x72xf32, #tpu.memory_space<vmem>> -> memref<1x128x72xf32, #tpu.memory_space<vmem>>
    %dma_wait3A_145 = tpu.memref_squeeze %dma_wait3A_144 : memref<1x128x72xf32, #tpu.memory_space<vmem>> -> memref<128x72xf32, #tpu.memory_space<vmem>>
    %dma_wait3A_146 = arith.constant 0 : i32
    %dma_wait3A_147 = tpu.memref_slice %arg9[%dma_wait3A_140, %dma_wait3A_146] : memref<8x128xi32, #tpu.memory_space<vmem>> -> memref<1x128xi32, #tpu.memory_space<vmem>>
    %dma_wait3A_148 = tpu.memref_squeeze %dma_wait3A_147 : memref<1x128xi32, #tpu.memory_space<vmem>> -> memref<128xi32, #tpu.memory_space<vmem>>
    %dma_wait3A_149 = arith.constant 0 : i32
    %dma_wait3A_150 = arith.constant 0 : i32
    %dma_wait3A_151 = tpu.memref_slice %arg2[%dma_wait3A_149, %dma_wait3A_150] : memref<14336x72xf32, #tpu.memory_space<hbm>> -> memref<14336x72xf32, #tpu.memory_space<hbm>>
    tpu.wait_indirect_dma semaphore(%arg13 : memref<!tpu.dma_semaphore, #tpu.memory_space<semaphore_mem>>) src(%dma_wait3A_151 : memref<14336x72xf32, #tpu.memory_space<hbm>>) dst(%dma_wait3A_145 : memref<128x72xf32, #tpu.memory_space<vmem>>)
    %dma_start3A_152 = arith.constant 1 : i32
    %dma_start3A_153 = arith.constant 1 : i32
    %dma_start3A_154 = arith.constant 0 : i32
    %dma_start3A_155 = arith.constant 0 : i32
    %dma_start3A_156 = tpu.memref_slice %arg10[%dma_start3A_152, %dma_start3A_154, %dma_start3A_155] : memref<8x128x72xf32, #tpu.memory_space<vmem>> -> memref<1x128x72xf32, #tpu.memory_space<vmem>>
    %dma_start3A_157 = tpu.memref_squeeze %dma_start3A_156 : memref<1x128x72xf32, #tpu.memory_space<vmem>> -> memref<128x72xf32, #tpu.memory_space<vmem>>
    %dma_start3A_158 = arith.constant 0 : i32
    %dma_start3A_159 = tpu.memref_slice %arg8[%dma_start3A_153, %dma_start3A_158] : memref<8x128xi32, #tpu.memory_space<vmem>> -> memref<1x128xi32, #tpu.memory_space<vmem>>
    %dma_start3A_160 = tpu.memref_squeeze %dma_start3A_159 : memref<1x128xi32, #tpu.memory_space<vmem>> -> memref<128xi32, #tpu.memory_space<vmem>>
    %dma_start3A_161 = arith.constant 0 : i32
    %dma_start3A_162 = arith.constant 0 : i32
    %dma_start3A_163 = tpu.memref_slice %arg11[%dma_start3A_161, %dma_start3A_162] : memref<2048x72xf32, #tpu.memory_space<vmem_shared>> -> memref<2048x72xf32, #tpu.memory_space<vmem_shared>>
    tpu.enqueue_indirect_dma source(%dma_start3A_157 : memref<128x72xf32, #tpu.memory_space<vmem>>) target(%dma_start3A_163 : memref<2048x72xf32, #tpu.memory_space<vmem_shared>>) offsets(%dma_start3A_160 : memref<128xi32, #tpu.memory_space<vmem>>) semaphore(%arg21 : memref<!tpu.dma_semaphore, #tpu.memory_space<semaphore_mem>>) {add = true}
    %dma_wait3A_164 = arith.constant 0 : i32
    %dma_wait3A_165 = arith.constant 2 : i32
    %dma_wait3A_166 = arith.constant 0 : i32
    %dma_wait3A_167 = arith.constant 0 : i32
    %dma_wait3A_168 = tpu.memref_slice %arg10[%dma_wait3A_165, %dma_wait3A_166, %dma_wait3A_167] : memref<8x128x72xf32, #tpu.memory_space<vmem>> -> memref<1x128x72xf32, #tpu.memory_space<vmem>>
    %dma_wait3A_169 = tpu.memref_squeeze %dma_wait3A_168 : memref<1x128x72xf32, #tpu.memory_space<vmem>> -> memref<128x72xf32, #tpu.memory_space<vmem>>
    %dma_wait3A_170 = arith.constant 0 : i32
    %dma_wait3A_171 = tpu.memref_slice %arg9[%dma_wait3A_164, %dma_wait3A_170] : memref<8x128xi32, #tpu.memory_space<vmem>> -> memref<1x128xi32, #tpu.memory_space<vmem>>
    %dma_wait3A_172 = tpu.memref_squeeze %dma_wait3A_171 : memref<1x128xi32, #tpu.memory_space<vmem>> -> memref<128xi32, #tpu.memory_space<vmem>>
    %dma_wait3A_173 = arith.constant 0 : i32
    %dma_wait3A_174 = arith.constant 0 : i32
    %dma_wait3A_175 = tpu.memref_slice %arg2[%dma_wait3A_173, %dma_wait3A_174] : memref<14336x72xf32, #tpu.memory_space<hbm>> -> memref<14336x72xf32, #tpu.memory_space<hbm>>
    tpu.wait_indirect_dma semaphore(%arg14 : memref<!tpu.dma_semaphore, #tpu.memory_space<semaphore_mem>>) src(%dma_wait3A_175 : memref<14336x72xf32, #tpu.memory_space<hbm>>) dst(%dma_wait3A_169 : memref<128x72xf32, #tpu.memory_space<vmem>>)
    %dma_start3A_176 = arith.constant 2 : i32
    %dma_start3A_177 = arith.constant 2 : i32
    %dma_start3A_178 = arith.constant 0 : i32
    %dma_start3A_179 = arith.constant 0 : i32
    %dma_start3A_180 = tpu.memref_slice %arg10[%dma_start3A_176, %dma_start3A_178, %dma_start3A_179] : memref<8x128x72xf32, #tpu.memory_space<vmem>> -> memref<1x128x72xf32, #tpu.memory_space<vmem>>
    %dma_start3A_181 = tpu.memref_squeeze %dma_start3A_180 : memref<1x128x72xf32, #tpu.memory_space<vmem>> -> memref<128x72xf32, #tpu.memory_space<vmem>>
    %dma_start3A_182 = arith.constant 0 : i32
    %dma_start3A_183 = tpu.memref_slice %arg8[%dma_start3A_177, %dma_start3A_182] : memref<8x128xi32, #tpu.memory_space<vmem>> -> memref<1x128xi32, #tpu.memory_space<vmem>>
    %dma_start3A_184 = tpu.memref_squeeze %dma_start3A_183 : memref<1x128xi32, #tpu.memory_space<vmem>> -> memref<128xi32, #tpu.memory_space<vmem>>
    %dma_start3A_185 = arith.constant 0 : i32
    %dma_start3A_186 = arith.constant 0 : i32
    %dma_start3A_187 = tpu.memref_slice %arg11[%dma_start3A_185, %dma_start3A_186] : memref<2048x72xf32, #tpu.memory_space<vmem_shared>> -> memref<2048x72xf32, #tpu.memory_space<vmem_shared>>
    tpu.enqueue_indirect_dma source(%dma_start3A_181 : memref<128x72xf32, #tpu.memory_space<vmem>>) target(%dma_start3A_187 : memref<2048x72xf32, #tpu.memory_space<vmem_shared>>) offsets(%dma_start3A_184 : memref<128xi32, #tpu.memory_space<vmem>>) semaphore(%arg22 : memref<!tpu.dma_semaphore, #tpu.memory_space<semaphore_mem>>) {add = true}
    %dma_wait3A_188 = arith.constant 0 : i32
    %dma_wait3A_189 = arith.constant 3 : i32
    %dma_wait3A_190 = arith.constant 0 : i32
    %dma_wait3A_191 = arith.constant 0 : i32
    %dma_wait3A_192 = tpu.memref_slice %arg10[%dma_wait3A_189, %dma_wait3A_190, %dma_wait3A_191] : memref<8x128x72xf32, #tpu.memory_space<vmem>> -> memref<1x128x72xf32, #tpu.memory_space<vmem>>
    %dma_wait3A_193 = tpu.memref_squeeze %dma_wait3A_192 : memref<1x128x72xf32, #tpu.memory_space<vmem>> -> memref<128x72xf32, #tpu.memory_space<vmem>>
    %dma_wait3A_194 = arith.constant 0 : i32
    %dma_wait3A_195 = tpu.memref_slice %arg9[%dma_wait3A_188, %dma_wait3A_194] : memref<8x128xi32, #tpu.memory_space<vmem>> -> memref<1x128xi32, #tpu.memory_space<vmem>>
    %dma_wait3A_196 = tpu.memref_squeeze %dma_wait3A_195 : memref<1x128xi32, #tpu.memory_space<vmem>> -> memref<128xi32, #tpu.memory_space<vmem>>
    %dma_wait3A_197 = arith.constant 0 : i32
    %dma_wait3A_198 = arith.constant 0 : i32
    %dma_wait3A_199 = tpu.memref_slice %arg2[%dma_wait3A_197, %dma_wait3A_198] : memref<14336x72xf32, #tpu.memory_space<hbm>> -> memref<14336x72xf32, #tpu.memory_space<hbm>>
    tpu.wait_indirect_dma semaphore(%arg15 : memref<!tpu.dma_semaphore, #tpu.memory_space<semaphore_mem>>) src(%dma_wait3A_199 : memref<14336x72xf32, #tpu.memory_space<hbm>>) dst(%dma_wait3A_193 : memref<128x72xf32, #tpu.memory_space<vmem>>)
    %dma_start3A_200 = arith.constant 3 : i32
    %dma_start3A_201 = arith.constant 3 : i32
    %dma_start3A_202 = arith.constant 0 : i32
    %dma_start3A_203 = arith.constant 0 : i32
    %dma_start3A_204 = tpu.memref_slice %arg10[%dma_start3A_200, %dma_start3A_202, %dma_start3A_203] : memref<8x128x72xf32, #tpu.memory_space<vmem>> -> memref<1x128x72xf32, #tpu.memory_space<vmem>>
    %dma_start3A_205 = tpu.memref_squeeze %dma_start3A_204 : memref<1x128x72xf32, #tpu.memory_space<vmem>> -> memref<128x72xf32, #tpu.memory_space<vmem>>
    %dma_start3A_206 = arith.constant 0 : i32
    %dma_start3A_207 = tpu.memref_slice %arg8[%dma_start3A_201, %dma_start3A_206] : memref<8x128xi32, #tpu.memory_space<vmem>> -> memref<1x128xi32, #tpu.memory_space<vmem>>
    %dma_start3A_208 = tpu.memref_squeeze %dma_start3A_207 : memref<1x128xi32, #tpu.memory_space<vmem>> -> memref<128xi32, #tpu.memory_space<vmem>>
    %dma_start3A_209 = arith.constant 0 : i32
    %dma_start3A_210 = arith.constant 0 : i32
    %dma_start3A_211 = tpu.memref_slice %arg11[%dma_start3A_209, %dma_start3A_210] : memref<2048x72xf32, #tpu.memory_space<vmem_shared>> -> memref<2048x72xf32, #tpu.memory_space<vmem_shared>>
    tpu.enqueue_indirect_dma source(%dma_start3A_205 : memref<128x72xf32, #tpu.memory_space<vmem>>) target(%dma_start3A_211 : memref<2048x72xf32, #tpu.memory_space<vmem_shared>>) offsets(%dma_start3A_208 : memref<128xi32, #tpu.memory_space<vmem>>) semaphore(%arg23 : memref<!tpu.dma_semaphore, #tpu.memory_space<semaphore_mem>>) {add = true}
    %dma_wait3A_212 = arith.constant 0 : i32
    %dma_wait3A_213 = arith.constant 4 : i32
    %dma_wait3A_214 = arith.constant 0 : i32
    %dma_wait3A_215 = arith.constant 0 : i32
    %dma_wait3A_216 = tpu.memref_slice %arg10[%dma_wait3A_213, %dma_wait3A_214, %dma_wait3A_215] : memref<8x128x72xf32, #tpu.memory_space<vmem>> -> memref<1x128x72xf32, #tpu.memory_space<vmem>>
    %dma_wait3A_217 = tpu.memref_squeeze %dma_wait3A_216 : memref<1x128x72xf32, #tpu.memory_space<vmem>> -> memref<128x72xf32, #tpu.memory_space<vmem>>
    %dma_wait3A_218 = arith.constant 0 : i32
    %dma_wait3A_219 = tpu.memref_slice %arg9[%dma_wait3A_212, %dma_wait3A_218] : memref<8x128xi32, #tpu.memory_space<vmem>> -> memref<1x128xi32, #tpu.memory_space<vmem>>
    %dma_wait3A_220 = tpu.memref_squeeze %dma_wait3A_219 : memref<1x128xi32, #tpu.memory_space<vmem>> -> memref<128xi32, #tpu.memory_space<vmem>>
    %dma_wait3A_221 = arith.constant 0 : i32
    %dma_wait3A_222 = arith.constant 0 : i32
    %dma_wait3A_223 = tpu.memref_slice %arg2[%dma_wait3A_221, %dma_wait3A_222] : memref<14336x72xf32, #tpu.memory_space<hbm>> -> memref<14336x72xf32, #tpu.memory_space<hbm>>
    tpu.wait_indirect_dma semaphore(%arg16 : memref<!tpu.dma_semaphore, #tpu.memory_space<semaphore_mem>>) src(%dma_wait3A_223 : memref<14336x72xf32, #tpu.memory_space<hbm>>) dst(%dma_wait3A_217 : memref<128x72xf32, #tpu.memory_space<vmem>>)
    %dma_start3A_224 = arith.constant 4 : i32
    %dma_start3A_225 = arith.constant 4 : i32
    %dma_start3A_226 = arith.constant 0 : i32
    %dma_start3A_227 = arith.constant 0 : i32
    %dma_start3A_228 = tpu.memref_slice %arg10[%dma_start3A_224, %dma_start3A_226, %dma_start3A_227] : memref<8x128x72xf32, #tpu.memory_space<vmem>> -> memref<1x128x72xf32, #tpu.memory_space<vmem>>
    %dma_start3A_229 = tpu.memref_squeeze %dma_start3A_228 : memref<1x128x72xf32, #tpu.memory_space<vmem>> -> memref<128x72xf32, #tpu.memory_space<vmem>>
    %dma_start3A_230 = arith.constant 0 : i32
    %dma_start3A_231 = tpu.memref_slice %arg8[%dma_start3A_225, %dma_start3A_230] : memref<8x128xi32, #tpu.memory_space<vmem>> -> memref<1x128xi32, #tpu.memory_space<vmem>>
    %dma_start3A_232 = tpu.memref_squeeze %dma_start3A_231 : memref<1x128xi32, #tpu.memory_space<vmem>> -> memref<128xi32, #tpu.memory_space<vmem>>
    %dma_start3A_233 = arith.constant 0 : i32
    %dma_start3A_234 = arith.constant 0 : i32
    %dma_start3A_235 = tpu.memref_slice %arg11[%dma_start3A_233, %dma_start3A_234] : memref<2048x72xf32, #tpu.memory_space<vmem_shared>> -> memref<2048x72xf32, #tpu.memory_space<vmem_shared>>
    tpu.enqueue_indirect_dma source(%dma_start3A_229 : memref<128x72xf32, #tpu.memory_space<vmem>>) target(%dma_start3A_235 : memref<2048x72xf32, #tpu.memory_space<vmem_shared>>) offsets(%dma_start3A_232 : memref<128xi32, #tpu.memory_space<vmem>>) semaphore(%arg24 : memref<!tpu.dma_semaphore, #tpu.memory_space<semaphore_mem>>) {add = true}
    %dma_wait3A_236 = arith.constant 0 : i32
    %dma_wait3A_237 = arith.constant 5 : i32
    %dma_wait3A_238 = arith.constant 0 : i32
    %dma_wait3A_239 = arith.constant 0 : i32
    %dma_wait3A_240 = tpu.memref_slice %arg10[%dma_wait3A_237, %dma_wait3A_238, %dma_wait3A_239] : memref<8x128x72xf32, #tpu.memory_space<vmem>> -> memref<1x128x72xf32, #tpu.memory_space<vmem>>
    %dma_wait3A_241 = tpu.memref_squeeze %dma_wait3A_240 : memref<1x128x72xf32, #tpu.memory_space<vmem>> -> memref<128x72xf32, #tpu.memory_space<vmem>>
    %dma_wait3A_242 = arith.constant 0 : i32
    %dma_wait3A_243 = tpu.memref_slice %arg9[%dma_wait3A_236, %dma_wait3A_242] : memref<8x128xi32, #tpu.memory_space<vmem>> -> memref<1x128xi32, #tpu.memory_space<vmem>>
    %dma_wait3A_244 = tpu.memref_squeeze %dma_wait3A_243 : memref<1x128xi32, #tpu.memory_space<vmem>> -> memref<128xi32, #tpu.memory_space<vmem>>
    %dma_wait3A_245 = arith.constant 0 : i32
    %dma_wait3A_246 = arith.constant 0 : i32
    %dma_wait3A_247 = tpu.memref_slice %arg2[%dma_wait3A_245, %dma_wait3A_246] : memref<14336x72xf32, #tpu.memory_space<hbm>> -> memref<14336x72xf32, #tpu.memory_space<hbm>>
    tpu.wait_indirect_dma semaphore(%arg17 : memref<!tpu.dma_semaphore, #tpu.memory_space<semaphore_mem>>) src(%dma_wait3A_247 : memref<14336x72xf32, #tpu.memory_space<hbm>>) dst(%dma_wait3A_241 : memref<128x72xf32, #tpu.memory_space<vmem>>)
    %dma_start3A_248 = arith.constant 5 : i32
    %dma_start3A_249 = arith.constant 5 : i32
    %dma_start3A_250 = arith.constant 0 : i32
    %dma_start3A_251 = arith.constant 0 : i32
    %dma_start3A_252 = tpu.memref_slice %arg10[%dma_start3A_248, %dma_start3A_250, %dma_start3A_251] : memref<8x128x72xf32, #tpu.memory_space<vmem>> -> memref<1x128x72xf32, #tpu.memory_space<vmem>>
    %dma_start3A_253 = tpu.memref_squeeze %dma_start3A_252 : memref<1x128x72xf32, #tpu.memory_space<vmem>> -> memref<128x72xf32, #tpu.memory_space<vmem>>
    %dma_start3A_254 = arith.constant 0 : i32
    %dma_start3A_255 = tpu.memref_slice %arg8[%dma_start3A_249, %dma_start3A_254] : memref<8x128xi32, #tpu.memory_space<vmem>> -> memref<1x128xi32, #tpu.memory_space<vmem>>
    %dma_start3A_256 = tpu.memref_squeeze %dma_start3A_255 : memref<1x128xi32, #tpu.memory_space<vmem>> -> memref<128xi32, #tpu.memory_space<vmem>>
    %dma_start3A_257 = arith.constant 0 : i32
    %dma_start3A_258 = arith.constant 0 : i32
    %dma_start3A_259 = tpu.memref_slice %arg11[%dma_start3A_257, %dma_start3A_258] : memref<2048x72xf32, #tpu.memory_space<vmem_shared>> -> memref<2048x72xf32, #tpu.memory_space<vmem_shared>>
    tpu.enqueue_indirect_dma source(%dma_start3A_253 : memref<128x72xf32, #tpu.memory_space<vmem>>) target(%dma_start3A_259 : memref<2048x72xf32, #tpu.memory_space<vmem_shared>>) offsets(%dma_start3A_256 : memref<128xi32, #tpu.memory_space<vmem>>) semaphore(%arg25 : memref<!tpu.dma_semaphore, #tpu.memory_space<semaphore_mem>>) {add = true}
    %dma_wait3A_260 = arith.constant 0 : i32
    %dma_wait3A_261 = arith.constant 6 : i32
    %dma_wait3A_262 = arith.constant 0 : i32
    %dma_wait3A_263 = arith.constant 0 : i32
    %dma_wait3A_264 = tpu.memref_slice %arg10[%dma_wait3A_261, %dma_wait3A_262, %dma_wait3A_263] : memref<8x128x72xf32, #tpu.memory_space<vmem>> -> memref<1x128x72xf32, #tpu.memory_space<vmem>>
    %dma_wait3A_265 = tpu.memref_squeeze %dma_wait3A_264 : memref<1x128x72xf32, #tpu.memory_space<vmem>> -> memref<128x72xf32, #tpu.memory_space<vmem>>
    %dma_wait3A_266 = arith.constant 0 : i32
    %dma_wait3A_267 = tpu.memref_slice %arg9[%dma_wait3A_260, %dma_wait3A_266] : memref<8x128xi32, #tpu.memory_space<vmem>> -> memref<1x128xi32, #tpu.memory_space<vmem>>
    %dma_wait3A_268 = tpu.memref_squeeze %dma_wait3A_267 : memref<1x128xi32, #tpu.memory_space<vmem>> -> memref<128xi32, #tpu.memory_space<vmem>>
    %dma_wait3A_269 = arith.constant 0 : i32
    %dma_wait3A_270 = arith.constant 0 : i32
    %dma_wait3A_271 = tpu.memref_slice %arg2[%dma_wait3A_269, %dma_wait3A_270] : memref<14336x72xf32, #tpu.memory_space<hbm>> -> memref<14336x72xf32, #tpu.memory_space<hbm>>
    tpu.wait_indirect_dma semaphore(%arg18 : memref<!tpu.dma_semaphore, #tpu.memory_space<semaphore_mem>>) src(%dma_wait3A_271 : memref<14336x72xf32, #tpu.memory_space<hbm>>) dst(%dma_wait3A_265 : memref<128x72xf32, #tpu.memory_space<vmem>>)
    %dma_start3A_272 = arith.constant 6 : i32
    %dma_start3A_273 = arith.constant 6 : i32
    %dma_start3A_274 = arith.constant 0 : i32
    %dma_start3A_275 = arith.constant 0 : i32
    %dma_start3A_276 = tpu.memref_slice %arg10[%dma_start3A_272, %dma_start3A_274, %dma_start3A_275] : memref<8x128x72xf32, #tpu.memory_space<vmem>> -> memref<1x128x72xf32, #tpu.memory_space<vmem>>
    %dma_start3A_277 = tpu.memref_squeeze %dma_start3A_276 : memref<1x128x72xf32, #tpu.memory_space<vmem>> -> memref<128x72xf32, #tpu.memory_space<vmem>>
    %dma_start3A_278 = arith.constant 0 : i32
    %dma_start3A_279 = tpu.memref_slice %arg8[%dma_start3A_273, %dma_start3A_278] : memref<8x128xi32, #tpu.memory_space<vmem>> -> memref<1x128xi32, #tpu.memory_space<vmem>>
    %dma_start3A_280 = tpu.memref_squeeze %dma_start3A_279 : memref<1x128xi32, #tpu.memory_space<vmem>> -> memref<128xi32, #tpu.memory_space<vmem>>
    %dma_start3A_281 = arith.constant 0 : i32
    %dma_start3A_282 = arith.constant 0 : i32
    %dma_start3A_283 = tpu.memref_slice %arg11[%dma_start3A_281, %dma_start3A_282] : memref<2048x72xf32, #tpu.memory_space<vmem_shared>> -> memref<2048x72xf32, #tpu.memory_space<vmem_shared>>
    tpu.enqueue_indirect_dma source(%dma_start3A_277 : memref<128x72xf32, #tpu.memory_space<vmem>>) target(%dma_start3A_283 : memref<2048x72xf32, #tpu.memory_space<vmem_shared>>) offsets(%dma_start3A_280 : memref<128xi32, #tpu.memory_space<vmem>>) semaphore(%arg26 : memref<!tpu.dma_semaphore, #tpu.memory_space<semaphore_mem>>) {add = true}
    %dma_wait3A_284 = arith.constant 0 : i32
    %dma_wait3A_285 = arith.constant 7 : i32
    %dma_wait3A_286 = arith.constant 0 : i32
    %dma_wait3A_287 = arith.constant 0 : i32
    %dma_wait3A_288 = tpu.memref_slice %arg10[%dma_wait3A_285, %dma_wait3A_286, %dma_wait3A_287] : memref<8x128x72xf32, #tpu.memory_space<vmem>> -> memref<1x128x72xf32, #tpu.memory_space<vmem>>
    %dma_wait3A_289 = tpu.memref_squeeze %dma_wait3A_288 : memref<1x128x72xf32, #tpu.memory_space<vmem>> -> memref<128x72xf32, #tpu.memory_space<vmem>>
    %dma_wait3A_290 = arith.constant 0 : i32
    %dma_wait3A_291 = tpu.memref_slice %arg9[%dma_wait3A_284, %dma_wait3A_290] : memref<8x128xi32, #tpu.memory_space<vmem>> -> memref<1x128xi32, #tpu.memory_space<vmem>>
    %dma_wait3A_292 = tpu.memref_squeeze %dma_wait3A_291 : memref<1x128xi32, #tpu.memory_space<vmem>> -> memref<128xi32, #tpu.memory_space<vmem>>
    %dma_wait3A_293 = arith.constant 0 : i32
    %dma_wait3A_294 = arith.constant 0 : i32
    %dma_wait3A_295 = tpu.memref_slice %arg2[%dma_wait3A_293, %dma_wait3A_294] : memref<14336x72xf32, #tpu.memory_space<hbm>> -> memref<14336x72xf32, #tpu.memory_space<hbm>>
    tpu.wait_indirect_dma semaphore(%arg19 : memref<!tpu.dma_semaphore, #tpu.memory_space<semaphore_mem>>) src(%dma_wait3A_295 : memref<14336x72xf32, #tpu.memory_space<hbm>>) dst(%dma_wait3A_289 : memref<128x72xf32, #tpu.memory_space<vmem>>)
    %dma_start3A_296 = arith.constant 7 : i32
    %dma_start3A_297 = arith.constant 7 : i32
    %dma_start3A_298 = arith.constant 0 : i32
    %dma_start3A_299 = arith.constant 0 : i32
    %dma_start3A_300 = tpu.memref_slice %arg10[%dma_start3A_296, %dma_start3A_298, %dma_start3A_299] : memref<8x128x72xf32, #tpu.memory_space<vmem>> -> memref<1x128x72xf32, #tpu.memory_space<vmem>>
    %dma_start3A_301 = tpu.memref_squeeze %dma_start3A_300 : memref<1x128x72xf32, #tpu.memory_space<vmem>> -> memref<128x72xf32, #tpu.memory_space<vmem>>
    %dma_start3A_302 = arith.constant 0 : i32
    %dma_start3A_303 = tpu.memref_slice %arg8[%dma_start3A_297, %dma_start3A_302] : memref<8x128xi32, #tpu.memory_space<vmem>> -> memref<1x128xi32, #tpu.memory_space<vmem>>
    %dma_start3A_304 = tpu.memref_squeeze %dma_start3A_303 : memref<1x128xi32, #tpu.memory_space<vmem>> -> memref<128xi32, #tpu.memory_space<vmem>>
    %dma_start3A_305 = arith.constant 0 : i32
    %dma_start3A_306 = arith.constant 0 : i32
    %dma_start3A_307 = tpu.memref_slice %arg11[%dma_start3A_305, %dma_start3A_306] : memref<2048x72xf32, #tpu.memory_space<vmem_shared>> -> memref<2048x72xf32, #tpu.memory_space<vmem_shared>>
    tpu.enqueue_indirect_dma source(%dma_start3A_301 : memref<128x72xf32, #tpu.memory_space<vmem>>) target(%dma_start3A_307 : memref<2048x72xf32, #tpu.memory_space<vmem_shared>>) offsets(%dma_start3A_304 : memref<128xi32, #tpu.memory_space<vmem>>) semaphore(%arg27 : memref<!tpu.dma_semaphore, #tpu.memory_space<semaphore_mem>>) {add = true}
    %dma_wait3A_308 = arith.constant 0 : i32
    %dma_wait3A_309 = arith.constant 0 : i32
    %dma_wait3A_310 = arith.constant 0 : i32
    %dma_wait3A_311 = arith.constant 0 : i32
    %dma_wait3A_312 = tpu.memref_slice %arg10[%dma_wait3A_308, %dma_wait3A_310, %dma_wait3A_311] : memref<8x128x72xf32, #tpu.memory_space<vmem>> -> memref<1x128x72xf32, #tpu.memory_space<vmem>>
    %dma_wait3A_313 = tpu.memref_squeeze %dma_wait3A_312 : memref<1x128x72xf32, #tpu.memory_space<vmem>> -> memref<128x72xf32, #tpu.memory_space<vmem>>
    %dma_wait3A_314 = arith.constant 0 : i32
    %dma_wait3A_315 = tpu.memref_slice %arg8[%dma_wait3A_309, %dma_wait3A_314] : memref<8x128xi32, #tpu.memory_space<vmem>> -> memref<1x128xi32, #tpu.memory_space<vmem>>
    %dma_wait3A_316 = tpu.memref_squeeze %dma_wait3A_315 : memref<1x128xi32, #tpu.memory_space<vmem>> -> memref<128xi32, #tpu.memory_space<vmem>>
    %dma_wait3A_317 = arith.constant 0 : i32
    %dma_wait3A_318 = arith.constant 0 : i32
    %dma_wait3A_319 = tpu.memref_slice %arg11[%dma_wait3A_317, %dma_wait3A_318] : memref<2048x72xf32, #tpu.memory_space<vmem_shared>> -> memref<2048x72xf32, #tpu.memory_space<vmem_shared>>
    tpu.wait_indirect_dma semaphore(%arg20 : memref<!tpu.dma_semaphore, #tpu.memory_space<semaphore_mem>>) src(%dma_wait3A_313 : memref<128x72xf32, #tpu.memory_space<vmem>>) dst(%dma_wait3A_319 : memref<2048x72xf32, #tpu.memory_space<vmem_shared>>)
    %dma_wait3A_320 = arith.constant 1 : i32
    %dma_wait3A_321 = arith.constant 0 : i32
    %dma_wait3A_322 = arith.constant 0 : i32
    %dma_wait3A_323 = arith.constant 0 : i32
    %dma_wait3A_324 = tpu.memref_slice %arg10[%dma_wait3A_320, %dma_wait3A_322, %dma_wait3A_323] : memref<8x128x72xf32, #tpu.memory_space<vmem>> -> memref<1x128x72xf32, #tpu.memory_space<vmem>>
    %dma_wait3A_325 = tpu.memref_squeeze %dma_wait3A_324 : memref<1x128x72xf32, #tpu.memory_space<vmem>> -> memref<128x72xf32, #tpu.memory_space<vmem>>
    %dma_wait3A_326 = arith.constant 0 : i32
    %dma_wait3A_327 = tpu.memref_slice %arg8[%dma_wait3A_321, %dma_wait3A_326] : memref<8x128xi32, #tpu.memory_space<vmem>> -> memref<1x128xi32, #tpu.memory_space<vmem>>
    %dma_wait3A_328 = tpu.memref_squeeze %dma_wait3A_327 : memref<1x128xi32, #tpu.memory_space<vmem>> -> memref<128xi32, #tpu.memory_space<vmem>>
    %dma_wait3A_329 = arith.constant 0 : i32
    %dma_wait3A_330 = arith.constant 0 : i32
    %dma_wait3A_331 = tpu.memref_slice %arg11[%dma_wait3A_329, %dma_wait3A_330] : memref<2048x72xf32, #tpu.memory_space<vmem_shared>> -> memref<2048x72xf32, #tpu.memory_space<vmem_shared>>
    tpu.wait_indirect_dma semaphore(%arg21 : memref<!tpu.dma_semaphore, #tpu.memory_space<semaphore_mem>>) src(%dma_wait3A_325 : memref<128x72xf32, #tpu.memory_space<vmem>>) dst(%dma_wait3A_331 : memref<2048x72xf32, #tpu.memory_space<vmem_shared>>)
    %dma_wait3A_332 = arith.constant 2 : i32
    %dma_wait3A_333 = arith.constant 0 : i32
    %dma_wait3A_334 = arith.constant 0 : i32
    %dma_wait3A_335 = arith.constant 0 : i32
    %dma_wait3A_336 = tpu.memref_slice %arg10[%dma_wait3A_332, %dma_wait3A_334, %dma_wait3A_335] : memref<8x128x72xf32, #tpu.memory_space<vmem>> -> memref<1x128x72xf32, #tpu.memory_space<vmem>>
    %dma_wait3A_337 = tpu.memref_squeeze %dma_wait3A_336 : memref<1x128x72xf32, #tpu.memory_space<vmem>> -> memref<128x72xf32, #tpu.memory_space<vmem>>
    %dma_wait3A_338 = arith.constant 0 : i32
    %dma_wait3A_339 = tpu.memref_slice %arg8[%dma_wait3A_333, %dma_wait3A_338] : memref<8x128xi32, #tpu.memory_space<vmem>> -> memref<1x128xi32, #tpu.memory_space<vmem>>
    %dma_wait3A_340 = tpu.memref_squeeze %dma_wait3A_339 : memref<1x128xi32, #tpu.memory_space<vmem>> -> memref<128xi32, #tpu.memory_space<vmem>>
    %dma_wait3A_341 = arith.constant 0 : i32
    %dma_wait3A_342 = arith.constant 0 : i32
    %dma_wait3A_343 = tpu.memref_slice %arg11[%dma_wait3A_341, %dma_wait3A_342] : memref<2048x72xf32, #tpu.memory_space<vmem_shared>> -> memref<2048x72xf32, #tpu.memory_space<vmem_shared>>
    tpu.wait_indirect_dma semaphore(%arg22 : memref<!tpu.dma_semaphore, #tpu.memory_space<semaphore_mem>>) src(%dma_wait3A_337 : memref<128x72xf32, #tpu.memory_space<vmem>>) dst(%dma_wait3A_343 : memref<2048x72xf32, #tpu.memory_space<vmem_shared>>)
    %dma_wait3A_344 = arith.constant 3 : i32
    %dma_wait3A_345 = arith.constant 0 : i32
    %dma_wait3A_346 = arith.constant 0 : i32
    %dma_wait3A_347 = arith.constant 0 : i32
    %dma_wait3A_348 = tpu.memref_slice %arg10[%dma_wait3A_344, %dma_wait3A_346, %dma_wait3A_347] : memref<8x128x72xf32, #tpu.memory_space<vmem>> -> memref<1x128x72xf32, #tpu.memory_space<vmem>>
    %dma_wait3A_349 = tpu.memref_squeeze %dma_wait3A_348 : memref<1x128x72xf32, #tpu.memory_space<vmem>> -> memref<128x72xf32, #tpu.memory_space<vmem>>
    %dma_wait3A_350 = arith.constant 0 : i32
    %dma_wait3A_351 = tpu.memref_slice %arg8[%dma_wait3A_345, %dma_wait3A_350] : memref<8x128xi32, #tpu.memory_space<vmem>> -> memref<1x128xi32, #tpu.memory_space<vmem>>
    %dma_wait3A_352 = tpu.memref_squeeze %dma_wait3A_351 : memref<1x128xi32, #tpu.memory_space<vmem>> -> memref<128xi32, #tpu.memory_space<vmem>>
    %dma_wait3A_353 = arith.constant 0 : i32
    %dma_wait3A_354 = arith.constant 0 : i32
    %dma_wait3A_355 = tpu.memref_slice %arg11[%dma_wait3A_353, %dma_wait3A_354] : memref<2048x72xf32, #tpu.memory_space<vmem_shared>> -> memref<2048x72xf32, #tpu.memory_space<vmem_shared>>
    tpu.wait_indirect_dma semaphore(%arg23 : memref<!tpu.dma_semaphore, #tpu.memory_space<semaphore_mem>>) src(%dma_wait3A_349 : memref<128x72xf32, #tpu.memory_space<vmem>>) dst(%dma_wait3A_355 : memref<2048x72xf32, #tpu.memory_space<vmem_shared>>)
    %dma_wait3A_356 = arith.constant 4 : i32
    %dma_wait3A_357 = arith.constant 0 : i32
    %dma_wait3A_358 = arith.constant 0 : i32
    %dma_wait3A_359 = arith.constant 0 : i32
    %dma_wait3A_360 = tpu.memref_slice %arg10[%dma_wait3A_356, %dma_wait3A_358, %dma_wait3A_359] : memref<8x128x72xf32, #tpu.memory_space<vmem>> -> memref<1x128x72xf32, #tpu.memory_space<vmem>>
    %dma_wait3A_361 = tpu.memref_squeeze %dma_wait3A_360 : memref<1x128x72xf32, #tpu.memory_space<vmem>> -> memref<128x72xf32, #tpu.memory_space<vmem>>
    %dma_wait3A_362 = arith.constant 0 : i32
    %dma_wait3A_363 = tpu.memref_slice %arg8[%dma_wait3A_357, %dma_wait3A_362] : memref<8x128xi32, #tpu.memory_space<vmem>> -> memref<1x128xi32, #tpu.memory_space<vmem>>
    %dma_wait3A_364 = tpu.memref_squeeze %dma_wait3A_363 : memref<1x128xi32, #tpu.memory_space<vmem>> -> memref<128xi32, #tpu.memory_space<vmem>>
    %dma_wait3A_365 = arith.constant 0 : i32
    %dma_wait3A_366 = arith.constant 0 : i32
    %dma_wait3A_367 = tpu.memref_slice %arg11[%dma_wait3A_365, %dma_wait3A_366] : memref<2048x72xf32, #tpu.memory_space<vmem_shared>> -> memref<2048x72xf32, #tpu.memory_space<vmem_shared>>
    tpu.wait_indirect_dma semaphore(%arg24 : memref<!tpu.dma_semaphore, #tpu.memory_space<semaphore_mem>>) src(%dma_wait3A_361 : memref<128x72xf32, #tpu.memory_space<vmem>>) dst(%dma_wait3A_367 : memref<2048x72xf32, #tpu.memory_space<vmem_shared>>)
    %dma_wait3A_368 = arith.constant 5 : i32
    %dma_wait3A_369 = arith.constant 0 : i32
    %dma_wait3A_370 = arith.constant 0 : i32
    %dma_wait3A_371 = arith.constant 0 : i32
    %dma_wait3A_372 = tpu.memref_slice %arg10[%dma_wait3A_368, %dma_wait3A_370, %dma_wait3A_371] : memref<8x128x72xf32, #tpu.memory_space<vmem>> -> memref<1x128x72xf32, #tpu.memory_space<vmem>>
    %dma_wait3A_373 = tpu.memref_squeeze %dma_wait3A_372 : memref<1x128x72xf32, #tpu.memory_space<vmem>> -> memref<128x72xf32, #tpu.memory_space<vmem>>
    %dma_wait3A_374 = arith.constant 0 : i32
    %dma_wait3A_375 = tpu.memref_slice %arg8[%dma_wait3A_369, %dma_wait3A_374] : memref<8x128xi32, #tpu.memory_space<vmem>> -> memref<1x128xi32, #tpu.memory_space<vmem>>
    %dma_wait3A_376 = tpu.memref_squeeze %dma_wait3A_375 : memref<1x128xi32, #tpu.memory_space<vmem>> -> memref<128xi32, #tpu.memory_space<vmem>>
    %dma_wait3A_377 = arith.constant 0 : i32
    %dma_wait3A_378 = arith.constant 0 : i32
    %dma_wait3A_379 = tpu.memref_slice %arg11[%dma_wait3A_377, %dma_wait3A_378] : memref<2048x72xf32, #tpu.memory_space<vmem_shared>> -> memref<2048x72xf32, #tpu.memory_space<vmem_shared>>
    tpu.wait_indirect_dma semaphore(%arg25 : memref<!tpu.dma_semaphore, #tpu.memory_space<semaphore_mem>>) src(%dma_wait3A_373 : memref<128x72xf32, #tpu.memory_space<vmem>>) dst(%dma_wait3A_379 : memref<2048x72xf32, #tpu.memory_space<vmem_shared>>)
    %dma_wait3A_380 = arith.constant 6 : i32
    %dma_wait3A_381 = arith.constant 0 : i32
    %dma_wait3A_382 = arith.constant 0 : i32
    %dma_wait3A_383 = arith.constant 0 : i32
    %dma_wait3A_384 = tpu.memref_slice %arg10[%dma_wait3A_380, %dma_wait3A_382, %dma_wait3A_383] : memref<8x128x72xf32, #tpu.memory_space<vmem>> -> memref<1x128x72xf32, #tpu.memory_space<vmem>>
    %dma_wait3A_385 = tpu.memref_squeeze %dma_wait3A_384 : memref<1x128x72xf32, #tpu.memory_space<vmem>> -> memref<128x72xf32, #tpu.memory_space<vmem>>
    %dma_wait3A_386 = arith.constant 0 : i32
    %dma_wait3A_387 = tpu.memref_slice %arg8[%dma_wait3A_381, %dma_wait3A_386] : memref<8x128xi32, #tpu.memory_space<vmem>> -> memref<1x128xi32, #tpu.memory_space<vmem>>
    %dma_wait3A_388 = tpu.memref_squeeze %dma_wait3A_387 : memref<1x128xi32, #tpu.memory_space<vmem>> -> memref<128xi32, #tpu.memory_space<vmem>>
    %dma_wait3A_389 = arith.constant 0 : i32
    %dma_wait3A_390 = arith.constant 0 : i32
    %dma_wait3A_391 = tpu.memref_slice %arg11[%dma_wait3A_389, %dma_wait3A_390] : memref<2048x72xf32, #tpu.memory_space<vmem_shared>> -> memref<2048x72xf32, #tpu.memory_space<vmem_shared>>
    tpu.wait_indirect_dma semaphore(%arg26 : memref<!tpu.dma_semaphore, #tpu.memory_space<semaphore_mem>>) src(%dma_wait3A_385 : memref<128x72xf32, #tpu.memory_space<vmem>>) dst(%dma_wait3A_391 : memref<2048x72xf32, #tpu.memory_space<vmem_shared>>)
    %dma_wait3A_392 = arith.constant 7 : i32
    %dma_wait3A_393 = arith.constant 0 : i32
    %dma_wait3A_394 = arith.constant 0 : i32
    %dma_wait3A_395 = arith.constant 0 : i32
    %dma_wait3A_396 = tpu.memref_slice %arg10[%dma_wait3A_392, %dma_wait3A_394, %dma_wait3A_395] : memref<8x128x72xf32, #tpu.memory_space<vmem>> -> memref<1x128x72xf32, #tpu.memory_space<vmem>>
    %dma_wait3A_397 = tpu.memref_squeeze %dma_wait3A_396 : memref<1x128x72xf32, #tpu.memory_space<vmem>> -> memref<128x72xf32, #tpu.memory_space<vmem>>
    %dma_wait3A_398 = arith.constant 0 : i32
    %dma_wait3A_399 = tpu.memref_slice %arg8[%dma_wait3A_393, %dma_wait3A_398] : memref<8x128xi32, #tpu.memory_space<vmem>> -> memref<1x128xi32, #tpu.memory_space<vmem>>
    %dma_wait3A_400 = tpu.memref_squeeze %dma_wait3A_399 : memref<1x128xi32, #tpu.memory_space<vmem>> -> memref<128xi32, #tpu.memory_space<vmem>>
    %dma_wait3A_401 = arith.constant 0 : i32
    %dma_wait3A_402 = arith.constant 0 : i32
    %dma_wait3A_403 = tpu.memref_slice %arg11[%dma_wait3A_401, %dma_wait3A_402] : memref<2048x72xf32, #tpu.memory_space<vmem_shared>> -> memref<2048x72xf32, #tpu.memory_space<vmem_shared>>
    tpu.wait_indirect_dma semaphore(%arg27 : memref<!tpu.dma_semaphore, #tpu.memory_space<semaphore_mem>>) src(%dma_wait3A_397 : memref<128x72xf32, #tpu.memory_space<vmem>>) dst(%dma_wait3A_403 : memref<2048x72xf32, #tpu.memory_space<vmem_shared>>)
    %barrier3A_404 = arith.constant 0 : index
    tpu.barrier barrier_id(%barrier3A_404)
    %add3A_405 = arith.constant 0 : i32
    %add3A_406 = arith.addi %mul3A_9, %add3A_405 : i32
    %run_scoped3A_407 = arith.constant 0 : i32
    "tpu.region"() ({
      %run_scoped3A_409 = tpu.sem_alloc : memref<!tpu.dma_semaphore, #tpu.memory_space<semaphore_mem>>
      %dma_start3A_410 = arith.constant 0 : i32
      %dma_start3A_411 = arith.constant 0 : i32
      %dma_start3A_412 = tpu.memref_slice %arg10[%run_scoped3A_407, %dma_start3A_410, %dma_start3A_411] : memref<8x128x72xf32, #tpu.memory_space<vmem>> -> memref<1x128x72xf32, #tpu.memory_space<vmem>>
      %dma_start3A_413 = tpu.memref_squeeze %dma_start3A_412 : memref<1x128x72xf32, #tpu.memory_space<vmem>> -> memref<128x72xf32, #tpu.memory_space<vmem>>
      %dma_start3A_414 = arith.constant 0 : i32
      %dma_start3A_415 = tpu.memref_slice %arg11[%add3A_406, %dma_start3A_414] : memref<2048x72xf32, #tpu.memory_space<vmem_shared>> -> memref<128x72xf32, #tpu.memory_space<vmem_shared>>
      %dma_start3A_416 = arith.constant 0 : i32
      %dma_start3A_417 = arith.constant 0 : i32
      %dma_start3A_418 = tpu.memref_slice %arg10[%run_scoped3A_407, %dma_start3A_416, %dma_start3A_417] : memref<8x128x72xf32, #tpu.memory_space<vmem>> -> memref<1x128x72xf32, #tpu.memory_space<vmem>>
      %dma_start3A_419 = tpu.memref_squeeze %dma_start3A_418 : memref<1x128x72xf32, #tpu.memory_space<vmem>> -> memref<128x72xf32, #tpu.memory_space<vmem>>
      %dma_start3A_420 = arith.constant 0 : i32
      %dma_start3A_421 = tpu.memref_slice %arg11[%add3A_406, %dma_start3A_420] : memref<2048x72xf32, #tpu.memory_space<vmem_shared>> -> memref<128x72xf32, #tpu.memory_space<vmem_shared>>
      tpu.enqueue_dma source(%dma_start3A_421 : memref<128x72xf32, #tpu.memory_space<vmem_shared>>) target(%dma_start3A_419 : memref<128x72xf32, #tpu.memory_space<vmem>>) target_semaphore(%run_scoped3A_409 : memref<!tpu.dma_semaphore, #tpu.memory_space<semaphore_mem>>)
      %dma_wait3A_422 = arith.constant 0 : i32
      %dma_wait3A_423 = arith.constant 0 : i32
      %dma_wait3A_424 = tpu.memref_slice %arg10[%run_scoped3A_407, %dma_wait3A_422, %dma_wait3A_423] : memref<8x128x72xf32, #tpu.memory_space<vmem>> -> memref<1x128x72xf32, #tpu.memory_space<vmem>>
      %dma_wait3A_425 = tpu.memref_squeeze %dma_wait3A_424 : memref<1x128x72xf32, #tpu.memory_space<vmem>> -> memref<128x72xf32, #tpu.memory_space<vmem>>
      %dma_wait3A_426 = arith.constant 0 : i32
      %dma_wait3A_427 = tpu.memref_slice %arg11[%add3A_406, %dma_wait3A_426] : memref<2048x72xf32, #tpu.memory_space<vmem_shared>> -> memref<128x72xf32, #tpu.memory_space<vmem_shared>>
      %dma_wait3A_428 = arith.constant 0 : i32
      %dma_wait3A_429 = arith.constant 0 : i32
      %dma_wait3A_430 = tpu.memref_slice %arg10[%run_scoped3A_407, %dma_wait3A_428, %dma_wait3A_429] : memref<8x128x72xf32, #tpu.memory_space<vmem>> -> memref<1x128x72xf32, #tpu.memory_space<vmem>>
      %dma_wait3A_431 = tpu.memref_squeeze %dma_wait3A_430 : memref<1x128x72xf32, #tpu.memory_space<vmem>> -> memref<128x72xf32, #tpu.memory_space<vmem>>
      %dma_wait3A_432 = arith.constant 0 : i32
      %dma_wait3A_433 = tpu.memref_slice %arg11[%add3A_406, %dma_wait3A_432] : memref<2048x72xf32, #tpu.memory_space<vmem_shared>> -> memref<128x72xf32, #tpu.memory_space<vmem_shared>>
      tpu.wait_dma2 semaphore(%run_scoped3A_409 : memref<!tpu.dma_semaphore, #tpu.memory_space<semaphore_mem>>) src(%dma_wait3A_433 : memref<128x72xf32, #tpu.memory_space<vmem_shared>>) dst(%dma_wait3A_431 : memref<128x72xf32, #tpu.memory_space<vmem>>)
      tpu.yield
    }) : () -> ()
    %run_scoped3A_408 = arith.constant 0 : i32
    "tpu.region"() ({
      %run_scoped3A_409 = tpu.sem_alloc : memref<!tpu.dma_semaphore, #tpu.memory_space<semaphore_mem>>
      %dma_start3A_410 = arith.constant 0 : i32
      %dma_start3A_411 = arith.constant 0 : i32
      %dma_start3A_412 = tpu.memref_slice %arg10[%run_scoped3A_408, %dma_start3A_410, %dma_start3A_411] : memref<8x128x72xf32, #tpu.memory_space<vmem>> -> memref<1x128x72xf32, #tpu.memory_space<vmem>>
      %dma_start3A_413 = tpu.memref_squeeze %dma_start3A_412 : memref<1x128x72xf32, #tpu.memory_space<vmem>> -> memref<128x72xf32, #tpu.memory_space<vmem>>
      %dma_start3A_414 = arith.constant 0 : i32
      %dma_start3A_415 = tpu.memref_slice %arg5[%arg0, %add3A_406, %dma_start3A_414] : memref<2x2048x128xf32, #tpu.memory_space<hbm>> -> memref<1x128x72xf32, #tpu.memory_space<hbm>>
      %dma_start3A_416 = tpu.memref_squeeze %dma_start3A_415 : memref<1x128x72xf32, #tpu.memory_space<hbm>> -> memref<128x72xf32, #tpu.memory_space<hbm>>
      %dma_start3A_417 = arith.constant 0 : i32
      %dma_start3A_418 = tpu.memref_slice %arg5[%arg0, %add3A_406, %dma_start3A_417] : memref<2x2048x128xf32, #tpu.memory_space<hbm>> -> memref<1x128x72xf32, #tpu.memory_space<hbm>>
      %dma_start3A_419 = tpu.memref_squeeze %dma_start3A_418 : memref<1x128x72xf32, #tpu.memory_space<hbm>> -> memref<128x72xf32, #tpu.memory_space<hbm>>
      %dma_start3A_420 = arith.constant 0 : i32
      %dma_start3A_421 = arith.constant 0 : i32
      %dma_start3A_422 = tpu.memref_slice %arg10[%run_scoped3A_408, %dma_start3A_420, %dma_start3A_421] : memref<8x128x72xf32, #tpu.memory_space<vmem>> -> memref<1x128x72xf32, #tpu.memory_space<vmem>>
      %dma_start3A_423 = tpu.memref_squeeze %dma_start3A_422 : memref<1x128x72xf32, #tpu.memory_space<vmem>> -> memref<128x72xf32, #tpu.memory_space<vmem>>
      tpu.enqueue_dma source(%dma_start3A_423 : memref<128x72xf32, #tpu.memory_space<vmem>>) target(%dma_start3A_419 : memref<128x72xf32, #tpu.memory_space<hbm>>) target_semaphore(%run_scoped3A_409 : memref<!tpu.dma_semaphore, #tpu.memory_space<semaphore_mem>>)
      %dma_wait3A_424 = arith.constant 0 : i32
      %dma_wait3A_425 = arith.constant 0 : i32
      %dma_wait3A_426 = tpu.memref_slice %arg10[%run_scoped3A_408, %dma_wait3A_424, %dma_wait3A_425] : memref<8x128x72xf32, #tpu.memory_space<vmem>> -> memref<1x128x72xf32, #tpu.memory_space<vmem>>
      %dma_wait3A_427 = tpu.memref_squeeze %dma_wait3A_426 : memref<1x128x72xf32, #tpu.memory_space<vmem>> -> memref<128x72xf32, #tpu.memory_space<vmem>>
      %dma_wait3A_428 = arith.constant 0 : i32
      %dma_wait3A_429 = tpu.memref_slice %arg5[%arg0, %add3A_406, %dma_wait3A_428] : memref<2x2048x128xf32, #tpu.memory_space<hbm>> -> memref<1x128x72xf32, #tpu.memory_space<hbm>>
      %dma_wait3A_430 = tpu.memref_squeeze %dma_wait3A_429 : memref<1x128x72xf32, #tpu.memory_space<hbm>> -> memref<128x72xf32, #tpu.memory_space<hbm>>
      %dma_wait3A_431 = arith.constant 0 : i32
      %dma_wait3A_432 = tpu.memref_slice %arg5[%arg0, %add3A_406, %dma_wait3A_431] : memref<2x2048x128xf32, #tpu.memory_space<hbm>> -> memref<1x128x72xf32, #tpu.memory_space<hbm>>
      %dma_wait3A_433 = tpu.memref_squeeze %dma_wait3A_432 : memref<1x128x72xf32, #tpu.memory_space<hbm>> -> memref<128x72xf32, #tpu.memory_space<hbm>>
      %dma_wait3A_434 = arith.constant 0 : i32
      %dma_wait3A_435 = arith.constant 0 : i32
      %dma_wait3A_436 = tpu.memref_slice %arg10[%run_scoped3A_408, %dma_wait3A_434, %dma_wait3A_435] : memref<8x128x72xf32, #tpu.memory_space<vmem>> -> memref<1x128x72xf32, #tpu.memory_space<vmem>>
      %dma_wait3A_437 = tpu.memref_squeeze %dma_wait3A_436 : memref<1x128x72xf32, #tpu.memory_space<vmem>> -> memref<128x72xf32, #tpu.memory_space<vmem>>
      tpu.wait_dma2 semaphore(%run_scoped3A_409 : memref<!tpu.dma_semaphore, #tpu.memory_space<semaphore_mem>>) src(%dma_wait3A_437 : memref<128x72xf32, #tpu.memory_space<vmem>>) dst(%dma_wait3A_433 : memref<128x72xf32, #tpu.memory_space<hbm>>)
      tpu.yield
    }) : () -> ()
    return
  }
}

#map = affine_map<(d0, d1) -> (0, 0)>
#map1 = affine_map<(d0, d1) -> (0, 0, 0)>
module attributes {stable_mosaic.version = 14 : i64} {
  func.func @k(%arg0: i32, %arg1: i32, %arg2: memref<114688x40xf32, #tpu.memory_space<hbm>>, %arg3: memref<2x2048x128xi32, #tpu.memory_space<hbm>>, %arg4: memref<2048x128xi32, #tpu.memory_space<hbm>>, %arg5: memref<2x16384x128xf32, #tpu.memory_space<hbm>>, %arg6: memref<64x128xi32, #tpu.memory_space<vmem>>, %arg7: memref<64x128xi32, #tpu.memory_space<vmem>>, %arg8: memref<64x128xi32, #tpu.memory_space<vmem>>, %arg9: memref<64x128xi32, #tpu.memory_space<vmem>>, %arg10: memref<8x128x40xf32, #tpu.memory_space<vmem>>, %arg11: memref<16384x40xf32, #tpu.memory_space<vmem_shared>>, %arg12: memref<!tpu.dma_semaphore, #tpu.memory_space<semaphore_mem>>, %arg13: memref<!tpu.dma_semaphore, #tpu.memory_space<semaphore_mem>>, %arg14: memref<!tpu.dma_semaphore, #tpu.memory_space<semaphore_mem>>, %arg15: memref<!tpu.dma_semaphore, #tpu.memory_space<semaphore_mem>>, %arg16: memref<!tpu.dma_semaphore, #tpu.memory_space<semaphore_mem>>, %arg17: memref<!tpu.dma_semaphore, #tpu.memory_space<semaphore_mem>>, %arg18: memref<!tpu.dma_semaphore, #tpu.memory_space<semaphore_mem>>, %arg19: memref<!tpu.dma_semaphore, #tpu.memory_space<semaphore_mem>>, %arg20: memref<!tpu.dma_semaphore, #tpu.memory_space<semaphore_mem>>, %arg21: memref<!tpu.dma_semaphore, #tpu.memory_space<semaphore_mem>>, %arg22: memref<!tpu.dma_semaphore, #tpu.memory_space<semaphore_mem>>, %arg23: memref<!tpu.dma_semaphore, #tpu.memory_space<semaphore_mem>>, %arg24: memref<!tpu.dma_semaphore, #tpu.memory_space<semaphore_mem>>, %arg25: memref<!tpu.dma_semaphore, #tpu.memory_space<semaphore_mem>>, %arg26: memref<!tpu.dma_semaphore, #tpu.memory_space<semaphore_mem>>, %arg27: memref<!tpu.dma_semaphore, #tpu.memory_space<semaphore_mem>>) attributes {dimension_semantics = [#tpu.dimension_semantics<core_parallel>, #tpu.dimension_semantics<subcore_parallel>], iteration_bounds = array<i64: 2, 16>, scalar_prefetch = 0 : i64, scratch_operands = 22 : i64, tpu.core_type = #tpu.core_type<sc_vector_subcore>, window_params = [{transform_indices = #map}, {transform_indices = #map1}, {transform_indices = #map}, {transform_indices = #map1}]} {
    %mul3A = arith.constant 2 : i32
    %mul3A_0 = arith.muli %arg1, %mul3A : i32
    %add3A = arith.addi %mul3A_0, %arg0 : i32
    %mul3A_1 = arith.constant 64 : i32
    %mul3A_2 = arith.muli %add3A, %mul3A_1 : i32
    %run_scoped3A = arith.constant 0 : i32
    "tpu.region"() ({
      %run_scoped3A_459 = tpu.sem_alloc : memref<!tpu.dma_semaphore, #tpu.memory_space<semaphore_mem>>
      %dma_start3A_460 = arith.constant 0 : i32
      %dma_start3A_461 = tpu.memref_slice %arg3[%run_scoped3A, %mul3A_2, %dma_start3A_460] : memref<2x2048x128xi32, #tpu.memory_space<hbm>> -> memref<1x64x128xi32, #tpu.memory_space<hbm>>
      %dma_start3A_462 = tpu.memref_squeeze %dma_start3A_461 : memref<1x64x128xi32, #tpu.memory_space<hbm>> -> memref<64x128xi32, #tpu.memory_space<hbm>>
      %dma_start3A_463 = arith.constant 0 : i32
      %dma_start3A_464 = tpu.memref_slice %arg3[%run_scoped3A, %mul3A_2, %dma_start3A_463] : memref<2x2048x128xi32, #tpu.memory_space<hbm>> -> memref<1x64x128xi32, #tpu.memory_space<hbm>>
      %dma_start3A_465 = tpu.memref_squeeze %dma_start3A_464 : memref<1x64x128xi32, #tpu.memory_space<hbm>> -> memref<64x128xi32, #tpu.memory_space<hbm>>
      tpu.enqueue_dma source(%dma_start3A_465 : memref<64x128xi32, #tpu.memory_space<hbm>>) target(%arg6 : memref<64x128xi32, #tpu.memory_space<vmem>>) target_semaphore(%run_scoped3A_459 : memref<!tpu.dma_semaphore, #tpu.memory_space<semaphore_mem>>)
      %dma_wait3A_466 = arith.constant 0 : i32
      %dma_wait3A_467 = tpu.memref_slice %arg3[%run_scoped3A, %mul3A_2, %dma_wait3A_466] : memref<2x2048x128xi32, #tpu.memory_space<hbm>> -> memref<1x64x128xi32, #tpu.memory_space<hbm>>
      %dma_wait3A_468 = tpu.memref_squeeze %dma_wait3A_467 : memref<1x64x128xi32, #tpu.memory_space<hbm>> -> memref<64x128xi32, #tpu.memory_space<hbm>>
      %dma_wait3A_469 = arith.constant 0 : i32
      %dma_wait3A_470 = tpu.memref_slice %arg3[%run_scoped3A, %mul3A_2, %dma_wait3A_469] : memref<2x2048x128xi32, #tpu.memory_space<hbm>> -> memref<1x64x128xi32, #tpu.memory_space<hbm>>
      %dma_wait3A_471 = tpu.memref_squeeze %dma_wait3A_470 : memref<1x64x128xi32, #tpu.memory_space<hbm>> -> memref<64x128xi32, #tpu.memory_space<hbm>>
      tpu.wait_dma2 semaphore(%run_scoped3A_459 : memref<!tpu.dma_semaphore, #tpu.memory_space<semaphore_mem>>) src(%dma_wait3A_471 : memref<64x128xi32, #tpu.memory_space<hbm>>) dst(%arg6 : memref<64x128xi32, #tpu.memory_space<vmem>>)
      tpu.yield
    }) : () -> ()
    %run_scoped3A_3 = arith.constant 1 : i32
    "tpu.region"() ({
      %run_scoped3A_459 = tpu.sem_alloc : memref<!tpu.dma_semaphore, #tpu.memory_space<semaphore_mem>>
      %dma_start3A_460 = arith.constant 0 : i32
      %dma_start3A_461 = tpu.memref_slice %arg3[%run_scoped3A_3, %mul3A_2, %dma_start3A_460] : memref<2x2048x128xi32, #tpu.memory_space<hbm>> -> memref<1x64x128xi32, #tpu.memory_space<hbm>>
      %dma_start3A_462 = tpu.memref_squeeze %dma_start3A_461 : memref<1x64x128xi32, #tpu.memory_space<hbm>> -> memref<64x128xi32, #tpu.memory_space<hbm>>
      %dma_start3A_463 = arith.constant 0 : i32
      %dma_start3A_464 = tpu.memref_slice %arg3[%run_scoped3A_3, %mul3A_2, %dma_start3A_463] : memref<2x2048x128xi32, #tpu.memory_space<hbm>> -> memref<1x64x128xi32, #tpu.memory_space<hbm>>
      %dma_start3A_465 = tpu.memref_squeeze %dma_start3A_464 : memref<1x64x128xi32, #tpu.memory_space<hbm>> -> memref<64x128xi32, #tpu.memory_space<hbm>>
      tpu.enqueue_dma source(%dma_start3A_465 : memref<64x128xi32, #tpu.memory_space<hbm>>) target(%arg8 : memref<64x128xi32, #tpu.memory_space<vmem>>) target_semaphore(%run_scoped3A_459 : memref<!tpu.dma_semaphore, #tpu.memory_space<semaphore_mem>>)
      %dma_wait3A_466 = arith.constant 0 : i32
      %dma_wait3A_467 = tpu.memref_slice %arg3[%run_scoped3A_3, %mul3A_2, %dma_wait3A_466] : memref<2x2048x128xi32, #tpu.memory_space<hbm>> -> memref<1x64x128xi32, #tpu.memory_space<hbm>>
      %dma_wait3A_468 = tpu.memref_squeeze %dma_wait3A_467 : memref<1x64x128xi32, #tpu.memory_space<hbm>> -> memref<64x128xi32, #tpu.memory_space<hbm>>
      %dma_wait3A_469 = arith.constant 0 : i32
      %dma_wait3A_470 = tpu.memref_slice %arg3[%run_scoped3A_3, %mul3A_2, %dma_wait3A_469] : memref<2x2048x128xi32, #tpu.memory_space<hbm>> -> memref<1x64x128xi32, #tpu.memory_space<hbm>>
      %dma_wait3A_471 = tpu.memref_squeeze %dma_wait3A_470 : memref<1x64x128xi32, #tpu.memory_space<hbm>> -> memref<64x128xi32, #tpu.memory_space<hbm>>
      tpu.wait_dma2 semaphore(%run_scoped3A_459 : memref<!tpu.dma_semaphore, #tpu.memory_space<semaphore_mem>>) src(%dma_wait3A_471 : memref<64x128xi32, #tpu.memory_space<hbm>>) dst(%arg8 : memref<64x128xi32, #tpu.memory_space<vmem>>)
      tpu.yield
    }) : () -> ()
    "tpu.region"() ({
      %run_scoped3A_459 = tpu.sem_alloc : memref<!tpu.dma_semaphore, #tpu.memory_space<semaphore_mem>>
      %dma_start3A_460 = arith.constant 0 : i32
      %dma_start3A_461 = tpu.memref_slice %arg4[%mul3A_2, %dma_start3A_460] : memref<2048x128xi32, #tpu.memory_space<hbm>> -> memref<64x128xi32, #tpu.memory_space<hbm>>
      %dma_start3A_462 = arith.constant 0 : i32
      %dma_start3A_463 = tpu.memref_slice %arg4[%mul3A_2, %dma_start3A_462] : memref<2048x128xi32, #tpu.memory_space<hbm>> -> memref<64x128xi32, #tpu.memory_space<hbm>>
      tpu.enqueue_dma source(%dma_start3A_463 : memref<64x128xi32, #tpu.memory_space<hbm>>) target(%arg7 : memref<64x128xi32, #tpu.memory_space<vmem>>) target_semaphore(%run_scoped3A_459 : memref<!tpu.dma_semaphore, #tpu.memory_space<semaphore_mem>>)
      %dma_wait3A_464 = arith.constant 0 : i32
      %dma_wait3A_465 = tpu.memref_slice %arg4[%mul3A_2, %dma_wait3A_464] : memref<2048x128xi32, #tpu.memory_space<hbm>> -> memref<64x128xi32, #tpu.memory_space<hbm>>
      %dma_wait3A_466 = arith.constant 0 : i32
      %dma_wait3A_467 = tpu.memref_slice %arg4[%mul3A_2, %dma_wait3A_466] : memref<2048x128xi32, #tpu.memory_space<hbm>> -> memref<64x128xi32, #tpu.memory_space<hbm>>
      tpu.wait_dma2 semaphore(%run_scoped3A_459 : memref<!tpu.dma_semaphore, #tpu.memory_space<semaphore_mem>>) src(%dma_wait3A_467 : memref<64x128xi32, #tpu.memory_space<hbm>>) dst(%arg7 : memref<64x128xi32, #tpu.memory_space<vmem>>)
      tpu.yield
    }) : () -> ()
    %scan3A = arith.constant 0 : i32
    %scan3A_4 = arith.constant 128 : i32
    %scan3A_5 = arith.addi %scan3A, %scan3A_4 : i32
    %scan3A_6 = arith.constant 1 : i32
    scf.for %scan3A_459 = %scan3A to %scan3A_5 step %scan3A_6  : i32 {
      %mul3A_460 = arith.constant 1 : i32
      %mul3A_461 = arith.muli %scan3A_459, %mul3A_460 : i32
      %add3A_462 = arith.constant 0 : i32
      %add3A_463 = arith.addi %add3A_462, %mul3A_461 : i32
      %broadcast_in_dim3A = arith.constant 0.000000e+00 : f32
      %broadcast_in_dim3A_464 = vector.broadcast %broadcast_in_dim3A : f32 to vector<16xf32>
      %swap3A = arith.constant 0 : i32
      %swap3A_465 = arith.index_cast %swap3A : i32 to index
      %swap3A_466 = arith.index_cast %add3A_463 : i32 to index
      %swap3A_467 = arith.constant 0 : index
      %swap3A_468 = tpu.vector_load %arg10[%swap3A_465, %swap3A_466, %swap3A_467] {strides = array<i32>} : memref<8x128x40xf32, #tpu.memory_space<vmem>>, vector<1x1x16xf32>,
      %swap3A_469 = vector.shape_cast %swap3A_468 : vector<1x1x16xf32> to vector<16xf32>
      %swap3A_470 = vector.shape_cast %broadcast_in_dim3A_464 : vector<16xf32> to vector<1x1x16xf32>
      tpu.vector_store %arg10[%swap3A_465, %swap3A_466, %swap3A_467], %swap3A_470 {strides = array<i32>} : memref<8x128x40xf32, #tpu.memory_space<vmem>>, vector<1x1x16xf32>,
      %broadcast_in_dim3A_471 = arith.constant 0.000000e+00 : f32
      %broadcast_in_dim3A_472 = vector.broadcast %broadcast_in_dim3A_471 : f32 to vector<16xf32>
      %swap3A_473 = arith.constant 0 : i32
      %swap3A_474 = arith.index_cast %swap3A_473 : i32 to index
      %swap3A_475 = arith.index_cast %add3A_463 : i32 to index
      %swap3A_476 = arith.constant 16 : index
      %swap3A_477 = tpu.vector_load %arg10[%swap3A_474, %swap3A_475, %swap3A_476] {strides = array<i32>} : memref<8x128x40xf32, #tpu.memory_space<vmem>>, vector<1x1x16xf32>,
      %swap3A_478 = vector.shape_cast %swap3A_477 : vector<1x1x16xf32> to vector<16xf32>
      %swap3A_479 = vector.shape_cast %broadcast_in_dim3A_472 : vector<16xf32> to vector<1x1x16xf32>
      tpu.vector_store %arg10[%swap3A_474, %swap3A_475, %swap3A_476], %swap3A_479 {strides = array<i32>} : memref<8x128x40xf32, #tpu.memory_space<vmem>>, vector<1x1x16xf32>,
      %broadcast_in_dim3A_480 = arith.constant 0.000000e+00 : f32
      %broadcast_in_dim3A_481 = vector.broadcast %broadcast_in_dim3A_480 : f32 to vector<16xf32>
      %swap3A_482 = arith.constant 0 : i32
      %swap3A_483 = arith.index_cast %swap3A_482 : i32 to index
      %swap3A_484 = arith.index_cast %add3A_463 : i32 to index
      %swap3A_485 = arith.constant 24 : index
      %swap3A_486 = tpu.vector_load %arg10[%swap3A_483, %swap3A_484, %swap3A_485] {strides = array<i32>} : memref<8x128x40xf32, #tpu.memory_space<vmem>>, vector<1x1x16xf32>,
      %swap3A_487 = vector.shape_cast %swap3A_486 : vector<1x1x16xf32> to vector<16xf32>
      %swap3A_488 = vector.shape_cast %broadcast_in_dim3A_481 : vector<16xf32> to vector<1x1x16xf32>
      tpu.vector_store %arg10[%swap3A_483, %swap3A_484, %swap3A_485], %swap3A_488 {strides = array<i32>} : memref<8x128x40xf32, #tpu.memory_space<vmem>>, vector<1x1x16xf32>,
    }
    %scan3A_7 = arith.constant 128 : i32
    %mul3A_8 = arith.constant 1024 : i32
    %mul3A_9 = arith.muli %arg1, %mul3A_8 : i32
    %add3A_10 = arith.constant 0 : i32
    %add3A_11 = arith.addi %mul3A_9, %add3A_10 : i32
    %run_scoped3A_12 = arith.constant 0 : i32
    "tpu.region"() ({
      %run_scoped3A_459 = tpu.sem_alloc : memref<!tpu.dma_semaphore, #tpu.memory_space<semaphore_mem>>
      %dma_start3A_460 = arith.constant 0 : i32
      %dma_start3A_461 = arith.constant 0 : i32
      %dma_start3A_462 = tpu.memref_slice %arg10[%run_scoped3A_12, %dma_start3A_460, %dma_start3A_461] : memref<8x128x40xf32, #tpu.memory_space<vmem>> -> memref<1x128x40xf32, #tpu.memory_space<vmem>>
      %dma_start3A_463 = tpu.memref_squeeze %dma_start3A_462 : memref<1x128x40xf32, #tpu.memory_space<vmem>> -> memref<128x40xf32, #tpu.memory_space<vmem>>
      %dma_start3A_464 = arith.constant 0 : i32
      %dma_start3A_465 = tpu.memref_slice %arg11[%add3A_11, %dma_start3A_464] : memref<16384x40xf32, #tpu.memory_space<vmem_shared>> -> memref<128x40xf32, #tpu.memory_space<vmem_shared>>
      %dma_start3A_466 = arith.constant 0 : i32
      %dma_start3A_467 = tpu.memref_slice %arg11[%add3A_11, %dma_start3A_466] : memref<16384x40xf32, #tpu.memory_space<vmem_shared>> -> memref<128x40xf32, #tpu.memory_space<vmem_shared>>
      %dma_start3A_468 = arith.constant 0 : i32
      %dma_start3A_469 = arith.constant 0 : i32
      %dma_start3A_470 = tpu.memref_slice %arg10[%run_scoped3A_12, %dma_start3A_468, %dma_start3A_469] : memref<8x128x40xf32, #tpu.memory_space<vmem>> -> memref<1x128x40xf32, #tpu.memory_space<vmem>>
      %dma_start3A_471 = tpu.memref_squeeze %dma_start3A_470 : memref<1x128x40xf32, #tpu.memory_space<vmem>> -> memref<128x40xf32, #tpu.memory_space<vmem>>
      tpu.enqueue_dma source(%dma_start3A_471 : memref<128x40xf32, #tpu.memory_space<vmem>>) target(%dma_start3A_467 : memref<128x40xf32, #tpu.memory_space<vmem_shared>>) target_semaphore(%run_scoped3A_459 : memref<!tpu.dma_semaphore, #tpu.memory_space<semaphore_mem>>)
      %dma_wait3A_472 = arith.constant 0 : i32
      %dma_wait3A_473 = arith.constant 0 : i32
      %dma_wait3A_474 = tpu.memref_slice %arg10[%run_scoped3A_12, %dma_wait3A_472, %dma_wait3A_473] : memref<8x128x40xf32, #tpu.memory_space<vmem>> -> memref<1x128x40xf32, #tpu.memory_space<vmem>>
      %dma_wait3A_475 = tpu.memref_squeeze %dma_wait3A_474 : memref<1x128x40xf32, #tpu.memory_space<vmem>> -> memref<128x40xf32, #tpu.memory_space<vmem>>
      %dma_wait3A_476 = arith.constant 0 : i32
      %dma_wait3A_477 = tpu.memref_slice %arg11[%add3A_11, %dma_wait3A_476] : memref<16384x40xf32, #tpu.memory_space<vmem_shared>> -> memref<128x40xf32, #tpu.memory_space<vmem_shared>>
      %dma_wait3A_478 = arith.constant 0 : i32
      %dma_wait3A_479 = tpu.memref_slice %arg11[%add3A_11, %dma_wait3A_478] : memref<16384x40xf32, #tpu.memory_space<vmem_shared>> -> memref<128x40xf32, #tpu.memory_space<vmem_shared>>
      %dma_wait3A_480 = arith.constant 0 : i32
      %dma_wait3A_481 = arith.constant 0 : i32
      %dma_wait3A_482 = tpu.memref_slice %arg10[%run_scoped3A_12, %dma_wait3A_480, %dma_wait3A_481] : memref<8x128x40xf32, #tpu.memory_space<vmem>> -> memref<1x128x40xf32, #tpu.memory_space<vmem>>
      %dma_wait3A_483 = tpu.memref_squeeze %dma_wait3A_482 : memref<1x128x40xf32, #tpu.memory_space<vmem>> -> memref<128x40xf32, #tpu.memory_space<vmem>>
      tpu.wait_dma2 semaphore(%run_scoped3A_459 : memref<!tpu.dma_semaphore, #tpu.memory_space<semaphore_mem>>) src(%dma_wait3A_483 : memref<128x40xf32, #tpu.memory_space<vmem>>) dst(%dma_wait3A_479 : memref<128x40xf32, #tpu.memory_space<vmem_shared>>)
      tpu.yield
    }) : () -> ()
    %add3A_13 = arith.constant 128 : i32
    %add3A_14 = arith.addi %mul3A_9, %add3A_13 : i32
    %run_scoped3A_15 = arith.constant 0 : i32
    "tpu.region"() ({
      %run_scoped3A_459 = tpu.sem_alloc : memref<!tpu.dma_semaphore, #tpu.memory_space<semaphore_mem>>
      %dma_start3A_460 = arith.constant 0 : i32
      %dma_start3A_461 = arith.constant 0 : i32
      %dma_start3A_462 = tpu.memref_slice %arg10[%run_scoped3A_15, %dma_start3A_460, %dma_start3A_461] : memref<8x128x40xf32, #tpu.memory_space<vmem>> -> memref<1x128x40xf32, #tpu.memory_space<vmem>>
      %dma_start3A_463 = tpu.memref_squeeze %dma_start3A_462 : memref<1x128x40xf32, #tpu.memory_space<vmem>> -> memref<128x40xf32, #tpu.memory_space<vmem>>
      %dma_start3A_464 = arith.constant 0 : i32
      %dma_start3A_465 = tpu.memref_slice %arg11[%add3A_14, %dma_start3A_464] : memref<16384x40xf32, #tpu.memory_space<vmem_shared>> -> memref<128x40xf32, #tpu.memory_space<vmem_shared>>
      %dma_start3A_466 = arith.constant 0 : i32
      %dma_start3A_467 = tpu.memref_slice %arg11[%add3A_14, %dma_start3A_466] : memref<16384x40xf32, #tpu.memory_space<vmem_shared>> -> memref<128x40xf32, #tpu.memory_space<vmem_shared>>
      %dma_start3A_468 = arith.constant 0 : i32
      %dma_start3A_469 = arith.constant 0 : i32
      %dma_start3A_470 = tpu.memref_slice %arg10[%run_scoped3A_15, %dma_start3A_468, %dma_start3A_469] : memref<8x128x40xf32, #tpu.memory_space<vmem>> -> memref<1x128x40xf32, #tpu.memory_space<vmem>>
      %dma_start3A_471 = tpu.memref_squeeze %dma_start3A_470 : memref<1x128x40xf32, #tpu.memory_space<vmem>> -> memref<128x40xf32, #tpu.memory_space<vmem>>
      tpu.enqueue_dma source(%dma_start3A_471 : memref<128x40xf32, #tpu.memory_space<vmem>>) target(%dma_start3A_467 : memref<128x40xf32, #tpu.memory_space<vmem_shared>>) target_semaphore(%run_scoped3A_459 : memref<!tpu.dma_semaphore, #tpu.memory_space<semaphore_mem>>)
      %dma_wait3A_472 = arith.constant 0 : i32
      %dma_wait3A_473 = arith.constant 0 : i32
      %dma_wait3A_474 = tpu.memref_slice %arg10[%run_scoped3A_15, %dma_wait3A_472, %dma_wait3A_473] : memref<8x128x40xf32, #tpu.memory_space<vmem>> -> memref<1x128x40xf32, #tpu.memory_space<vmem>>
      %dma_wait3A_475 = tpu.memref_squeeze %dma_wait3A_474 : memref<1x128x40xf32, #tpu.memory_space<vmem>> -> memref<128x40xf32, #tpu.memory_space<vmem>>
      %dma_wait3A_476 = arith.constant 0 : i32
      %dma_wait3A_477 = tpu.memref_slice %arg11[%add3A_14, %dma_wait3A_476] : memref<16384x40xf32, #tpu.memory_space<vmem_shared>> -> memref<128x40xf32, #tpu.memory_space<vmem_shared>>
      %dma_wait3A_478 = arith.constant 0 : i32
      %dma_wait3A_479 = tpu.memref_slice %arg11[%add3A_14, %dma_wait3A_478] : memref<16384x40xf32, #tpu.memory_space<vmem_shared>> -> memref<128x40xf32, #tpu.memory_space<vmem_shared>>
      %dma_wait3A_480 = arith.constant 0 : i32
      %dma_wait3A_481 = arith.constant 0 : i32
      %dma_wait3A_482 = tpu.memref_slice %arg10[%run_scoped3A_15, %dma_wait3A_480, %dma_wait3A_481] : memref<8x128x40xf32, #tpu.memory_space<vmem>> -> memref<1x128x40xf32, #tpu.memory_space<vmem>>
      %dma_wait3A_483 = tpu.memref_squeeze %dma_wait3A_482 : memref<1x128x40xf32, #tpu.memory_space<vmem>> -> memref<128x40xf32, #tpu.memory_space<vmem>>
      tpu.wait_dma2 semaphore(%run_scoped3A_459 : memref<!tpu.dma_semaphore, #tpu.memory_space<semaphore_mem>>) src(%dma_wait3A_483 : memref<128x40xf32, #tpu.memory_space<vmem>>) dst(%dma_wait3A_479 : memref<128x40xf32, #tpu.memory_space<vmem_shared>>)
      tpu.yield
    }) : () -> ()
    %add3A_16 = arith.constant 256 : i32
    %add3A_17 = arith.addi %mul3A_9, %add3A_16 : i32
    %run_scoped3A_18 = arith.constant 0 : i32
    "tpu.region"() ({
      %run_scoped3A_459 = tpu.sem_alloc : memref<!tpu.dma_semaphore, #tpu.memory_space<semaphore_mem>>
      %dma_start3A_460 = arith.constant 0 : i32
      %dma_start3A_461 = arith.constant 0 : i32
      %dma_start3A_462 = tpu.memref_slice %arg10[%run_scoped3A_18, %dma_start3A_460, %dma_start3A_461] : memref<8x128x40xf32, #tpu.memory_space<vmem>> -> memref<1x128x40xf32, #tpu.memory_space<vmem>>
      %dma_start3A_463 = tpu.memref_squeeze %dma_start3A_462 : memref<1x128x40xf32, #tpu.memory_space<vmem>> -> memref<128x40xf32, #tpu.memory_space<vmem>>
      %dma_start3A_464 = arith.constant 0 : i32
      %dma_start3A_465 = tpu.memref_slice %arg11[%add3A_17, %dma_start3A_464] : memref<16384x40xf32, #tpu.memory_space<vmem_shared>> -> memref<128x40xf32, #tpu.memory_space<vmem_shared>>
      %dma_start3A_466 = arith.constant 0 : i32
      %dma_start3A_467 = tpu.memref_slice %arg11[%add3A_17, %dma_start3A_466] : memref<16384x40xf32, #tpu.memory_space<vmem_shared>> -> memref<128x40xf32, #tpu.memory_space<vmem_shared>>
      %dma_start3A_468 = arith.constant 0 : i32
      %dma_start3A_469 = arith.constant 0 : i32
      %dma_start3A_470 = tpu.memref_slice %arg10[%run_scoped3A_18, %dma_start3A_468, %dma_start3A_469] : memref<8x128x40xf32, #tpu.memory_space<vmem>> -> memref<1x128x40xf32, #tpu.memory_space<vmem>>
      %dma_start3A_471 = tpu.memref_squeeze %dma_start3A_470 : memref<1x128x40xf32, #tpu.memory_space<vmem>> -> memref<128x40xf32, #tpu.memory_space<vmem>>
      tpu.enqueue_dma source(%dma_start3A_471 : memref<128x40xf32, #tpu.memory_space<vmem>>) target(%dma_start3A_467 : memref<128x40xf32, #tpu.memory_space<vmem_shared>>) target_semaphore(%run_scoped3A_459 : memref<!tpu.dma_semaphore, #tpu.memory_space<semaphore_mem>>)
      %dma_wait3A_472 = arith.constant 0 : i32
      %dma_wait3A_473 = arith.constant 0 : i32
      %dma_wait3A_474 = tpu.memref_slice %arg10[%run_scoped3A_18, %dma_wait3A_472, %dma_wait3A_473] : memref<8x128x40xf32, #tpu.memory_space<vmem>> -> memref<1x128x40xf32, #tpu.memory_space<vmem>>
      %dma_wait3A_475 = tpu.memref_squeeze %dma_wait3A_474 : memref<1x128x40xf32, #tpu.memory_space<vmem>> -> memref<128x40xf32, #tpu.memory_space<vmem>>
      %dma_wait3A_476 = arith.constant 0 : i32
      %dma_wait3A_477 = tpu.memref_slice %arg11[%add3A_17, %dma_wait3A_476] : memref<16384x40xf32, #tpu.memory_space<vmem_shared>> -> memref<128x40xf32, #tpu.memory_space<vmem_shared>>
      %dma_wait3A_478 = arith.constant 0 : i32
      %dma_wait3A_479 = tpu.memref_slice %arg11[%add3A_17, %dma_wait3A_478] : memref<16384x40xf32, #tpu.memory_space<vmem_shared>> -> memref<128x40xf32, #tpu.memory_space<vmem_shared>>
      %dma_wait3A_480 = arith.constant 0 : i32
      %dma_wait3A_481 = arith.constant 0 : i32
      %dma_wait3A_482 = tpu.memref_slice %arg10[%run_scoped3A_18, %dma_wait3A_480, %dma_wait3A_481] : memref<8x128x40xf32, #tpu.memory_space<vmem>> -> memref<1x128x40xf32, #tpu.memory_space<vmem>>
      %dma_wait3A_483 = tpu.memref_squeeze %dma_wait3A_482 : memref<1x128x40xf32, #tpu.memory_space<vmem>> -> memref<128x40xf32, #tpu.memory_space<vmem>>
      tpu.wait_dma2 semaphore(%run_scoped3A_459 : memref<!tpu.dma_semaphore, #tpu.memory_space<semaphore_mem>>) src(%dma_wait3A_483 : memref<128x40xf32, #tpu.memory_space<vmem>>) dst(%dma_wait3A_479 : memref<128x40xf32, #tpu.memory_space<vmem_shared>>)
      tpu.yield
    }) : () -> ()
    %add3A_19 = arith.constant 384 : i32
    %add3A_20 = arith.addi %mul3A_9, %add3A_19 : i32
    %run_scoped3A_21 = arith.constant 0 : i32
    "tpu.region"() ({
      %run_scoped3A_459 = tpu.sem_alloc : memref<!tpu.dma_semaphore, #tpu.memory_space<semaphore_mem>>
      %dma_start3A_460 = arith.constant 0 : i32
      %dma_start3A_461 = arith.constant 0 : i32
      %dma_start3A_462 = tpu.memref_slice %arg10[%run_scoped3A_21, %dma_start3A_460, %dma_start3A_461] : memref<8x128x40xf32, #tpu.memory_space<vmem>> -> memref<1x128x40xf32, #tpu.memory_space<vmem>>
      %dma_start3A_463 = tpu.memref_squeeze %dma_start3A_462 : memref<1x128x40xf32, #tpu.memory_space<vmem>> -> memref<128x40xf32, #tpu.memory_space<vmem>>
      %dma_start3A_464 = arith.constant 0 : i32
      %dma_start3A_465 = tpu.memref_slice %arg11[%add3A_20, %dma_start3A_464] : memref<16384x40xf32, #tpu.memory_space<vmem_shared>> -> memref<128x40xf32, #tpu.memory_space<vmem_shared>>
      %dma_start3A_466 = arith.constant 0 : i32
      %dma_start3A_467 = tpu.memref_slice %arg11[%add3A_20, %dma_start3A_466] : memref<16384x40xf32, #tpu.memory_space<vmem_shared>> -> memref<128x40xf32, #tpu.memory_space<vmem_shared>>
      %dma_start3A_468 = arith.constant 0 : i32
      %dma_start3A_469 = arith.constant 0 : i32
      %dma_start3A_470 = tpu.memref_slice %arg10[%run_scoped3A_21, %dma_start3A_468, %dma_start3A_469] : memref<8x128x40xf32, #tpu.memory_space<vmem>> -> memref<1x128x40xf32, #tpu.memory_space<vmem>>
      %dma_start3A_471 = tpu.memref_squeeze %dma_start3A_470 : memref<1x128x40xf32, #tpu.memory_space<vmem>> -> memref<128x40xf32, #tpu.memory_space<vmem>>
      tpu.enqueue_dma source(%dma_start3A_471 : memref<128x40xf32, #tpu.memory_space<vmem>>) target(%dma_start3A_467 : memref<128x40xf32, #tpu.memory_space<vmem_shared>>) target_semaphore(%run_scoped3A_459 : memref<!tpu.dma_semaphore, #tpu.memory_space<semaphore_mem>>)
      %dma_wait3A_472 = arith.constant 0 : i32
      %dma_wait3A_473 = arith.constant 0 : i32
      %dma_wait3A_474 = tpu.memref_slice %arg10[%run_scoped3A_21, %dma_wait3A_472, %dma_wait3A_473] : memref<8x128x40xf32, #tpu.memory_space<vmem>> -> memref<1x128x40xf32, #tpu.memory_space<vmem>>
      %dma_wait3A_475 = tpu.memref_squeeze %dma_wait3A_474 : memref<1x128x40xf32, #tpu.memory_space<vmem>> -> memref<128x40xf32, #tpu.memory_space<vmem>>
      %dma_wait3A_476 = arith.constant 0 : i32
      %dma_wait3A_477 = tpu.memref_slice %arg11[%add3A_20, %dma_wait3A_476] : memref<16384x40xf32, #tpu.memory_space<vmem_shared>> -> memref<128x40xf32, #tpu.memory_space<vmem_shared>>
      %dma_wait3A_478 = arith.constant 0 : i32
      %dma_wait3A_479 = tpu.memref_slice %arg11[%add3A_20, %dma_wait3A_478] : memref<16384x40xf32, #tpu.memory_space<vmem_shared>> -> memref<128x40xf32, #tpu.memory_space<vmem_shared>>
      %dma_wait3A_480 = arith.constant 0 : i32
      %dma_wait3A_481 = arith.constant 0 : i32
      %dma_wait3A_482 = tpu.memref_slice %arg10[%run_scoped3A_21, %dma_wait3A_480, %dma_wait3A_481] : memref<8x128x40xf32, #tpu.memory_space<vmem>> -> memref<1x128x40xf32, #tpu.memory_space<vmem>>
      %dma_wait3A_483 = tpu.memref_squeeze %dma_wait3A_482 : memref<1x128x40xf32, #tpu.memory_space<vmem>> -> memref<128x40xf32, #tpu.memory_space<vmem>>
      tpu.wait_dma2 semaphore(%run_scoped3A_459 : memref<!tpu.dma_semaphore, #tpu.memory_space<semaphore_mem>>) src(%dma_wait3A_483 : memref<128x40xf32, #tpu.memory_space<vmem>>) dst(%dma_wait3A_479 : memref<128x40xf32, #tpu.memory_space<vmem_shared>>)
      tpu.yield
    }) : () -> ()
    %add3A_22 = arith.constant 512 : i32
    %add3A_23 = arith.addi %mul3A_9, %add3A_22 : i32
    %run_scoped3A_24 = arith.constant 0 : i32
    "tpu.region"() ({
      %run_scoped3A_459 = tpu.sem_alloc : memref<!tpu.dma_semaphore, #tpu.memory_space<semaphore_mem>>
      %dma_start3A_460 = arith.constant 0 : i32
      %dma_start3A_461 = arith.constant 0 : i32
      %dma_start3A_462 = tpu.memref_slice %arg10[%run_scoped3A_24, %dma_start3A_460, %dma_start3A_461] : memref<8x128x40xf32, #tpu.memory_space<vmem>> -> memref<1x128x40xf32, #tpu.memory_space<vmem>>
      %dma_start3A_463 = tpu.memref_squeeze %dma_start3A_462 : memref<1x128x40xf32, #tpu.memory_space<vmem>> -> memref<128x40xf32, #tpu.memory_space<vmem>>
      %dma_start3A_464 = arith.constant 0 : i32
      %dma_start3A_465 = tpu.memref_slice %arg11[%add3A_23, %dma_start3A_464] : memref<16384x40xf32, #tpu.memory_space<vmem_shared>> -> memref<128x40xf32, #tpu.memory_space<vmem_shared>>
      %dma_start3A_466 = arith.constant 0 : i32
      %dma_start3A_467 = tpu.memref_slice %arg11[%add3A_23, %dma_start3A_466] : memref<16384x40xf32, #tpu.memory_space<vmem_shared>> -> memref<128x40xf32, #tpu.memory_space<vmem_shared>>
      %dma_start3A_468 = arith.constant 0 : i32
      %dma_start3A_469 = arith.constant 0 : i32
      %dma_start3A_470 = tpu.memref_slice %arg10[%run_scoped3A_24, %dma_start3A_468, %dma_start3A_469] : memref<8x128x40xf32, #tpu.memory_space<vmem>> -> memref<1x128x40xf32, #tpu.memory_space<vmem>>
      %dma_start3A_471 = tpu.memref_squeeze %dma_start3A_470 : memref<1x128x40xf32, #tpu.memory_space<vmem>> -> memref<128x40xf32, #tpu.memory_space<vmem>>
      tpu.enqueue_dma source(%dma_start3A_471 : memref<128x40xf32, #tpu.memory_space<vmem>>) target(%dma_start3A_467 : memref<128x40xf32, #tpu.memory_space<vmem_shared>>) target_semaphore(%run_scoped3A_459 : memref<!tpu.dma_semaphore, #tpu.memory_space<semaphore_mem>>)
      %dma_wait3A_472 = arith.constant 0 : i32
      %dma_wait3A_473 = arith.constant 0 : i32
      %dma_wait3A_474 = tpu.memref_slice %arg10[%run_scoped3A_24, %dma_wait3A_472, %dma_wait3A_473] : memref<8x128x40xf32, #tpu.memory_space<vmem>> -> memref<1x128x40xf32, #tpu.memory_space<vmem>>
      %dma_wait3A_475 = tpu.memref_squeeze %dma_wait3A_474 : memref<1x128x40xf32, #tpu.memory_space<vmem>> -> memref<128x40xf32, #tpu.memory_space<vmem>>
      %dma_wait3A_476 = arith.constant 0 : i32
      %dma_wait3A_477 = tpu.memref_slice %arg11[%add3A_23, %dma_wait3A_476] : memref<16384x40xf32, #tpu.memory_space<vmem_shared>> -> memref<128x40xf32, #tpu.memory_space<vmem_shared>>
      %dma_wait3A_478 = arith.constant 0 : i32
      %dma_wait3A_479 = tpu.memref_slice %arg11[%add3A_23, %dma_wait3A_478] : memref<16384x40xf32, #tpu.memory_space<vmem_shared>> -> memref<128x40xf32, #tpu.memory_space<vmem_shared>>
      %dma_wait3A_480 = arith.constant 0 : i32
      %dma_wait3A_481 = arith.constant 0 : i32
      %dma_wait3A_482 = tpu.memref_slice %arg10[%run_scoped3A_24, %dma_wait3A_480, %dma_wait3A_481] : memref<8x128x40xf32, #tpu.memory_space<vmem>> -> memref<1x128x40xf32, #tpu.memory_space<vmem>>
      %dma_wait3A_483 = tpu.memref_squeeze %dma_wait3A_482 : memref<1x128x40xf32, #tpu.memory_space<vmem>> -> memref<128x40xf32, #tpu.memory_space<vmem>>
      tpu.wait_dma2 semaphore(%run_scoped3A_459 : memref<!tpu.dma_semaphore, #tpu.memory_space<semaphore_mem>>) src(%dma_wait3A_483 : memref<128x40xf32, #tpu.memory_space<vmem>>) dst(%dma_wait3A_479 : memref<128x40xf32, #tpu.memory_space<vmem_shared>>)
      tpu.yield
    }) : () -> ()
    %add3A_25 = arith.constant 640 : i32
    %add3A_26 = arith.addi %mul3A_9, %add3A_25 : i32
    %run_scoped3A_27 = arith.constant 0 : i32
    "tpu.region"() ({
      %run_scoped3A_459 = tpu.sem_alloc : memref<!tpu.dma_semaphore, #tpu.memory_space<semaphore_mem>>
      %dma_start3A_460 = arith.constant 0 : i32
      %dma_start3A_461 = arith.constant 0 : i32
      %dma_start3A_462 = tpu.memref_slice %arg10[%run_scoped3A_27, %dma_start3A_460, %dma_start3A_461] : memref<8x128x40xf32, #tpu.memory_space<vmem>> -> memref<1x128x40xf32, #tpu.memory_space<vmem>>
      %dma_start3A_463 = tpu.memref_squeeze %dma_start3A_462 : memref<1x128x40xf32, #tpu.memory_space<vmem>> -> memref<128x40xf32, #tpu.memory_space<vmem>>
      %dma_start3A_464 = arith.constant 0 : i32
      %dma_start3A_465 = tpu.memref_slice %arg11[%add3A_26, %dma_start3A_464] : memref<16384x40xf32, #tpu.memory_space<vmem_shared>> -> memref<128x40xf32, #tpu.memory_space<vmem_shared>>
      %dma_start3A_466 = arith.constant 0 : i32
      %dma_start3A_467 = tpu.memref_slice %arg11[%add3A_26, %dma_start3A_466] : memref<16384x40xf32, #tpu.memory_space<vmem_shared>> -> memref<128x40xf32, #tpu.memory_space<vmem_shared>>
      %dma_start3A_468 = arith.constant 0 : i32
      %dma_start3A_469 = arith.constant 0 : i32
      %dma_start3A_470 = tpu.memref_slice %arg10[%run_scoped3A_27, %dma_start3A_468, %dma_start3A_469] : memref<8x128x40xf32, #tpu.memory_space<vmem>> -> memref<1x128x40xf32, #tpu.memory_space<vmem>>
      %dma_start3A_471 = tpu.memref_squeeze %dma_start3A_470 : memref<1x128x40xf32, #tpu.memory_space<vmem>> -> memref<128x40xf32, #tpu.memory_space<vmem>>
      tpu.enqueue_dma source(%dma_start3A_471 : memref<128x40xf32, #tpu.memory_space<vmem>>) target(%dma_start3A_467 : memref<128x40xf32, #tpu.memory_space<vmem_shared>>) target_semaphore(%run_scoped3A_459 : memref<!tpu.dma_semaphore, #tpu.memory_space<semaphore_mem>>)
      %dma_wait3A_472 = arith.constant 0 : i32
      %dma_wait3A_473 = arith.constant 0 : i32
      %dma_wait3A_474 = tpu.memref_slice %arg10[%run_scoped3A_27, %dma_wait3A_472, %dma_wait3A_473] : memref<8x128x40xf32, #tpu.memory_space<vmem>> -> memref<1x128x40xf32, #tpu.memory_space<vmem>>
      %dma_wait3A_475 = tpu.memref_squeeze %dma_wait3A_474 : memref<1x128x40xf32, #tpu.memory_space<vmem>> -> memref<128x40xf32, #tpu.memory_space<vmem>>
      %dma_wait3A_476 = arith.constant 0 : i32
      %dma_wait3A_477 = tpu.memref_slice %arg11[%add3A_26, %dma_wait3A_476] : memref<16384x40xf32, #tpu.memory_space<vmem_shared>> -> memref<128x40xf32, #tpu.memory_space<vmem_shared>>
      %dma_wait3A_478 = arith.constant 0 : i32
      %dma_wait3A_479 = tpu.memref_slice %arg11[%add3A_26, %dma_wait3A_478] : memref<16384x40xf32, #tpu.memory_space<vmem_shared>> -> memref<128x40xf32, #tpu.memory_space<vmem_shared>>
      %dma_wait3A_480 = arith.constant 0 : i32
      %dma_wait3A_481 = arith.constant 0 : i32
      %dma_wait3A_482 = tpu.memref_slice %arg10[%run_scoped3A_27, %dma_wait3A_480, %dma_wait3A_481] : memref<8x128x40xf32, #tpu.memory_space<vmem>> -> memref<1x128x40xf32, #tpu.memory_space<vmem>>
      %dma_wait3A_483 = tpu.memref_squeeze %dma_wait3A_482 : memref<1x128x40xf32, #tpu.memory_space<vmem>> -> memref<128x40xf32, #tpu.memory_space<vmem>>
      tpu.wait_dma2 semaphore(%run_scoped3A_459 : memref<!tpu.dma_semaphore, #tpu.memory_space<semaphore_mem>>) src(%dma_wait3A_483 : memref<128x40xf32, #tpu.memory_space<vmem>>) dst(%dma_wait3A_479 : memref<128x40xf32, #tpu.memory_space<vmem_shared>>)
      tpu.yield
    }) : () -> ()
    %add3A_28 = arith.constant 768 : i32
    %add3A_29 = arith.addi %mul3A_9, %add3A_28 : i32
    %run_scoped3A_30 = arith.constant 0 : i32
    "tpu.region"() ({
      %run_scoped3A_459 = tpu.sem_alloc : memref<!tpu.dma_semaphore, #tpu.memory_space<semaphore_mem>>
      %dma_start3A_460 = arith.constant 0 : i32
      %dma_start3A_461 = arith.constant 0 : i32
      %dma_start3A_462 = tpu.memref_slice %arg10[%run_scoped3A_30, %dma_start3A_460, %dma_start3A_461] : memref<8x128x40xf32, #tpu.memory_space<vmem>> -> memref<1x128x40xf32, #tpu.memory_space<vmem>>
      %dma_start3A_463 = tpu.memref_squeeze %dma_start3A_462 : memref<1x128x40xf32, #tpu.memory_space<vmem>> -> memref<128x40xf32, #tpu.memory_space<vmem>>
      %dma_start3A_464 = arith.constant 0 : i32
      %dma_start3A_465 = tpu.memref_slice %arg11[%add3A_29, %dma_start3A_464] : memref<16384x40xf32, #tpu.memory_space<vmem_shared>> -> memref<128x40xf32, #tpu.memory_space<vmem_shared>>
      %dma_start3A_466 = arith.constant 0 : i32
      %dma_start3A_467 = tpu.memref_slice %arg11[%add3A_29, %dma_start3A_466] : memref<16384x40xf32, #tpu.memory_space<vmem_shared>> -> memref<128x40xf32, #tpu.memory_space<vmem_shared>>
      %dma_start3A_468 = arith.constant 0 : i32
      %dma_start3A_469 = arith.constant 0 : i32
      %dma_start3A_470 = tpu.memref_slice %arg10[%run_scoped3A_30, %dma_start3A_468, %dma_start3A_469] : memref<8x128x40xf32, #tpu.memory_space<vmem>> -> memref<1x128x40xf32, #tpu.memory_space<vmem>>
      %dma_start3A_471 = tpu.memref_squeeze %dma_start3A_470 : memref<1x128x40xf32, #tpu.memory_space<vmem>> -> memref<128x40xf32, #tpu.memory_space<vmem>>
      tpu.enqueue_dma source(%dma_start3A_471 : memref<128x40xf32, #tpu.memory_space<vmem>>) target(%dma_start3A_467 : memref<128x40xf32, #tpu.memory_space<vmem_shared>>) target_semaphore(%run_scoped3A_459 : memref<!tpu.dma_semaphore, #tpu.memory_space<semaphore_mem>>)
      %dma_wait3A_472 = arith.constant 0 : i32
      %dma_wait3A_473 = arith.constant 0 : i32
      %dma_wait3A_474 = tpu.memref_slice %arg10[%run_scoped3A_30, %dma_wait3A_472, %dma_wait3A_473] : memref<8x128x40xf32, #tpu.memory_space<vmem>> -> memref<1x128x40xf32, #tpu.memory_space<vmem>>
      %dma_wait3A_475 = tpu.memref_squeeze %dma_wait3A_474 : memref<1x128x40xf32, #tpu.memory_space<vmem>> -> memref<128x40xf32, #tpu.memory_space<vmem>>
      %dma_wait3A_476 = arith.constant 0 : i32
      %dma_wait3A_477 = tpu.memref_slice %arg11[%add3A_29, %dma_wait3A_476] : memref<16384x40xf32, #tpu.memory_space<vmem_shared>> -> memref<128x40xf32, #tpu.memory_space<vmem_shared>>
      %dma_wait3A_478 = arith.constant 0 : i32
      %dma_wait3A_479 = tpu.memref_slice %arg11[%add3A_29, %dma_wait3A_478] : memref<16384x40xf32, #tpu.memory_space<vmem_shared>> -> memref<128x40xf32, #tpu.memory_space<vmem_shared>>
      %dma_wait3A_480 = arith.constant 0 : i32
      %dma_wait3A_481 = arith.constant 0 : i32
      %dma_wait3A_482 = tpu.memref_slice %arg10[%run_scoped3A_30, %dma_wait3A_480, %dma_wait3A_481] : memref<8x128x40xf32, #tpu.memory_space<vmem>> -> memref<1x128x40xf32, #tpu.memory_space<vmem>>
      %dma_wait3A_483 = tpu.memref_squeeze %dma_wait3A_482 : memref<1x128x40xf32, #tpu.memory_space<vmem>> -> memref<128x40xf32, #tpu.memory_space<vmem>>
      tpu.wait_dma2 semaphore(%run_scoped3A_459 : memref<!tpu.dma_semaphore, #tpu.memory_space<semaphore_mem>>) src(%dma_wait3A_483 : memref<128x40xf32, #tpu.memory_space<vmem>>) dst(%dma_wait3A_479 : memref<128x40xf32, #tpu.memory_space<vmem_shared>>)
      tpu.yield
    }) : () -> ()
    %add3A_31 = arith.constant 896 : i32
    %add3A_32 = arith.addi %mul3A_9, %add3A_31 : i32
    %run_scoped3A_33 = arith.constant 0 : i32
    "tpu.region"() ({
      %run_scoped3A_459 = tpu.sem_alloc : memref<!tpu.dma_semaphore, #tpu.memory_space<semaphore_mem>>
      %dma_start3A_460 = arith.constant 0 : i32
      %dma_start3A_461 = arith.constant 0 : i32
      %dma_start3A_462 = tpu.memref_slice %arg10[%run_scoped3A_33, %dma_start3A_460, %dma_start3A_461] : memref<8x128x40xf32, #tpu.memory_space<vmem>> -> memref<1x128x40xf32, #tpu.memory_space<vmem>>
      %dma_start3A_463 = tpu.memref_squeeze %dma_start3A_462 : memref<1x128x40xf32, #tpu.memory_space<vmem>> -> memref<128x40xf32, #tpu.memory_space<vmem>>
      %dma_start3A_464 = arith.constant 0 : i32
      %dma_start3A_465 = tpu.memref_slice %arg11[%add3A_32, %dma_start3A_464] : memref<16384x40xf32, #tpu.memory_space<vmem_shared>> -> memref<128x40xf32, #tpu.memory_space<vmem_shared>>
      %dma_start3A_466 = arith.constant 0 : i32
      %dma_start3A_467 = tpu.memref_slice %arg11[%add3A_32, %dma_start3A_466] : memref<16384x40xf32, #tpu.memory_space<vmem_shared>> -> memref<128x40xf32, #tpu.memory_space<vmem_shared>>
      %dma_start3A_468 = arith.constant 0 : i32
      %dma_start3A_469 = arith.constant 0 : i32
      %dma_start3A_470 = tpu.memref_slice %arg10[%run_scoped3A_33, %dma_start3A_468, %dma_start3A_469] : memref<8x128x40xf32, #tpu.memory_space<vmem>> -> memref<1x128x40xf32, #tpu.memory_space<vmem>>
      %dma_start3A_471 = tpu.memref_squeeze %dma_start3A_470 : memref<1x128x40xf32, #tpu.memory_space<vmem>> -> memref<128x40xf32, #tpu.memory_space<vmem>>
      tpu.enqueue_dma source(%dma_start3A_471 : memref<128x40xf32, #tpu.memory_space<vmem>>) target(%dma_start3A_467 : memref<128x40xf32, #tpu.memory_space<vmem_shared>>) target_semaphore(%run_scoped3A_459 : memref<!tpu.dma_semaphore, #tpu.memory_space<semaphore_mem>>)
      %dma_wait3A_472 = arith.constant 0 : i32
      %dma_wait3A_473 = arith.constant 0 : i32
      %dma_wait3A_474 = tpu.memref_slice %arg10[%run_scoped3A_33, %dma_wait3A_472, %dma_wait3A_473] : memref<8x128x40xf32, #tpu.memory_space<vmem>> -> memref<1x128x40xf32, #tpu.memory_space<vmem>>
      %dma_wait3A_475 = tpu.memref_squeeze %dma_wait3A_474 : memref<1x128x40xf32, #tpu.memory_space<vmem>> -> memref<128x40xf32, #tpu.memory_space<vmem>>
      %dma_wait3A_476 = arith.constant 0 : i32
      %dma_wait3A_477 = tpu.memref_slice %arg11[%add3A_32, %dma_wait3A_476] : memref<16384x40xf32, #tpu.memory_space<vmem_shared>> -> memref<128x40xf32, #tpu.memory_space<vmem_shared>>
      %dma_wait3A_478 = arith.constant 0 : i32
      %dma_wait3A_479 = tpu.memref_slice %arg11[%add3A_32, %dma_wait3A_478] : memref<16384x40xf32, #tpu.memory_space<vmem_shared>> -> memref<128x40xf32, #tpu.memory_space<vmem_shared>>
      %dma_wait3A_480 = arith.constant 0 : i32
      %dma_wait3A_481 = arith.constant 0 : i32
      %dma_wait3A_482 = tpu.memref_slice %arg10[%run_scoped3A_33, %dma_wait3A_480, %dma_wait3A_481] : memref<8x128x40xf32, #tpu.memory_space<vmem>> -> memref<1x128x40xf32, #tpu.memory_space<vmem>>
      %dma_wait3A_483 = tpu.memref_squeeze %dma_wait3A_482 : memref<1x128x40xf32, #tpu.memory_space<vmem>> -> memref<128x40xf32, #tpu.memory_space<vmem>>
      tpu.wait_dma2 semaphore(%run_scoped3A_459 : memref<!tpu.dma_semaphore, #tpu.memory_space<semaphore_mem>>) src(%dma_wait3A_483 : memref<128x40xf32, #tpu.memory_space<vmem>>) dst(%dma_wait3A_479 : memref<128x40xf32, #tpu.memory_space<vmem_shared>>)
      tpu.yield
    }) : () -> ()
    %scan3A_34 = arith.constant 0 : i32
    %scan3A_35 = arith.constant 64 : i32
    %scan3A_36 = arith.addi %scan3A_34, %scan3A_35 : i32
    %scan3A_37 = arith.constant 1 : i32
    scf.for %scan3A_459 = %scan3A_34 to %scan3A_36 step %scan3A_37  : i32 {
      %mul3A_460 = arith.constant 1 : i32
      %mul3A_461 = arith.muli %scan3A_459, %mul3A_460 : i32
      %add3A_462 = arith.constant 0 : i32
      %add3A_463 = arith.addi %add3A_462, %mul3A_461 : i32
      %get3A = arith.index_cast %add3A_463 : i32 to index
      %get3A_464 = arith.constant 0 : index
      %get3A_465 = tpu.vector_load %arg6[%get3A, %get3A_464] {strides = array<i32>} : memref<64x128xi32, #tpu.memory_space<vmem>>, vector<1x16xi32>,
      %get3A_466 = vector.shape_cast %get3A_465 : vector<1x16xi32> to vector<16xi32>
      %mul3A_467 = arith.constant 7 : i32
      %mul3A_468 = vector.broadcast %mul3A_467 : i32 to vector<16xi32>
      %mul3A_469 = arith.muli %get3A_466, %mul3A_468 : vector<16xi32>
      %get3A_470 = arith.index_cast %add3A_463 : i32 to index
      %get3A_471 = arith.constant 0 : index
      %get3A_472 = tpu.vector_load %arg7[%get3A_470, %get3A_471] {strides = array<i32>} : memref<64x128xi32, #tpu.memory_space<vmem>>, vector<1x16xi32>,
      %get3A_473 = vector.shape_cast %get3A_472 : vector<1x16xi32> to vector<16xi32>
      %add3A_474 = arith.addi %mul3A_469, %get3A_473 : vector<16xi32>
      %swap3A = arith.index_cast %add3A_463 : i32 to index
      %swap3A_475 = arith.constant 0 : index
      %swap3A_476 = tpu.vector_load %arg9[%swap3A, %swap3A_475] {strides = array<i32>} : memref<64x128xi32, #tpu.memory_space<vmem>>, vector<1x16xi32>,
      %swap3A_477 = vector.shape_cast %swap3A_476 : vector<1x16xi32> to vector<16xi32>
      %swap3A_478 = vector.shape_cast %add3A_474 : vector<16xi32> to vector<1x16xi32>
      tpu.vector_store %arg9[%swap3A, %swap3A_475], %swap3A_478 {strides = array<i32>} : memref<64x128xi32, #tpu.memory_space<vmem>>, vector<1x16xi32>,
      %get3A_479 = arith.index_cast %add3A_463 : i32 to index
      %get3A_480 = arith.constant 16 : index
      %get3A_481 = tpu.vector_load %arg6[%get3A_479, %get3A_480] {strides = array<i32>} : memref<64x128xi32, #tpu.memory_space<vmem>>, vector<1x16xi32>,
      %get3A_482 = vector.shape_cast %get3A_481 : vector<1x16xi32> to vector<16xi32>
      %mul3A_483 = arith.constant 7 : i32
      %mul3A_484 = vector.broadcast %mul3A_483 : i32 to vector<16xi32>
      %mul3A_485 = arith.muli %get3A_482, %mul3A_484 : vector<16xi32>
      %get3A_486 = arith.index_cast %add3A_463 : i32 to index
      %get3A_487 = arith.constant 16 : index
      %get3A_488 = tpu.vector_load %arg7[%get3A_486, %get3A_487] {strides = array<i32>} : memref<64x128xi32, #tpu.memory_space<vmem>>, vector<1x16xi32>,
      %get3A_489 = vector.shape_cast %get3A_488 : vector<1x16xi32> to vector<16xi32>
      %add3A_490 = arith.addi %mul3A_485, %get3A_489 : vector<16xi32>
      %swap3A_491 = arith.index_cast %add3A_463 : i32 to index
      %swap3A_492 = arith.constant 16 : index
      %swap3A_493 = tpu.vector_load %arg9[%swap3A_491, %swap3A_492] {strides = array<i32>} : memref<64x128xi32, #tpu.memory_space<vmem>>, vector<1x16xi32>,
      %swap3A_494 = vector.shape_cast %swap3A_493 : vector<1x16xi32> to vector<16xi32>
      %swap3A_495 = vector.shape_cast %add3A_490 : vector<16xi32> to vector<1x16xi32>
      tpu.vector_store %arg9[%swap3A_491, %swap3A_492], %swap3A_495 {strides = array<i32>} : memref<64x128xi32, #tpu.memory_space<vmem>>, vector<1x16xi32>,
      %get3A_496 = arith.index_cast %add3A_463 : i32 to index
      %get3A_497 = arith.constant 32 : index
      %get3A_498 = tpu.vector_load %arg6[%get3A_496, %get3A_497] {strides = array<i32>} : memref<64x128xi32, #tpu.memory_space<vmem>>, vector<1x16xi32>,
      %get3A_499 = vector.shape_cast %get3A_498 : vector<1x16xi32> to vector<16xi32>
      %mul3A_500 = arith.constant 7 : i32
      %mul3A_501 = vector.broadcast %mul3A_500 : i32 to vector<16xi32>
      %mul3A_502 = arith.muli %get3A_499, %mul3A_501 : vector<16xi32>
      %get3A_503 = arith.index_cast %add3A_463 : i32 to index
      %get3A_504 = arith.constant 32 : index
      %get3A_505 = tpu.vector_load %arg7[%get3A_503, %get3A_504] {strides = array<i32>} : memref<64x128xi32, #tpu.memory_space<vmem>>, vector<1x16xi32>,
      %get3A_506 = vector.shape_cast %get3A_505 : vector<1x16xi32> to vector<16xi32>
      %add3A_507 = arith.addi %mul3A_502, %get3A_506 : vector<16xi32>
      %swap3A_508 = arith.index_cast %add3A_463 : i32 to index
      %swap3A_509 = arith.constant 32 : index
      %swap3A_510 = tpu.vector_load %arg9[%swap3A_508, %swap3A_509] {strides = array<i32>} : memref<64x128xi32, #tpu.memory_space<vmem>>, vector<1x16xi32>,
      %swap3A_511 = vector.shape_cast %swap3A_510 : vector<1x16xi32> to vector<16xi32>
      %swap3A_512 = vector.shape_cast %add3A_507 : vector<16xi32> to vector<1x16xi32>
      tpu.vector_store %arg9[%swap3A_508, %swap3A_509], %swap3A_512 {strides = array<i32>} : memref<64x128xi32, #tpu.memory_space<vmem>>, vector<1x16xi32>,
      %get3A_513 = arith.index_cast %add3A_463 : i32 to index
      %get3A_514 = arith.constant 48 : index
      %get3A_515 = tpu.vector_load %arg6[%get3A_513, %get3A_514] {strides = array<i32>} : memref<64x128xi32, #tpu.memory_space<vmem>>, vector<1x16xi32>,
      %get3A_516 = vector.shape_cast %get3A_515 : vector<1x16xi32> to vector<16xi32>
      %mul3A_517 = arith.constant 7 : i32
      %mul3A_518 = vector.broadcast %mul3A_517 : i32 to vector<16xi32>
      %mul3A_519 = arith.muli %get3A_516, %mul3A_518 : vector<16xi32>
      %get3A_520 = arith.index_cast %add3A_463 : i32 to index
      %get3A_521 = arith.constant 48 : index
      %get3A_522 = tpu.vector_load %arg7[%get3A_520, %get3A_521] {strides = array<i32>} : memref<64x128xi32, #tpu.memory_space<vmem>>, vector<1x16xi32>,
      %get3A_523 = vector.shape_cast %get3A_522 : vector<1x16xi32> to vector<16xi32>
      %add3A_524 = arith.addi %mul3A_519, %get3A_523 : vector<16xi32>
      %swap3A_525 = arith.index_cast %add3A_463 : i32 to index
      %swap3A_526 = arith.constant 48 : index
      %swap3A_527 = tpu.vector_load %arg9[%swap3A_525, %swap3A_526] {strides = array<i32>} : memref<64x128xi32, #tpu.memory_space<vmem>>, vector<1x16xi32>,
      %swap3A_528 = vector.shape_cast %swap3A_527 : vector<1x16xi32> to vector<16xi32>
      %swap3A_529 = vector.shape_cast %add3A_524 : vector<16xi32> to vector<1x16xi32>
      tpu.vector_store %arg9[%swap3A_525, %swap3A_526], %swap3A_529 {strides = array<i32>} : memref<64x128xi32, #tpu.memory_space<vmem>>, vector<1x16xi32>,
      %get3A_530 = arith.index_cast %add3A_463 : i32 to index
      %get3A_531 = arith.constant 64 : index
      %get3A_532 = tpu.vector_load %arg6[%get3A_530, %get3A_531] {strides = array<i32>} : memref<64x128xi32, #tpu.memory_space<vmem>>, vector<1x16xi32>,
      %get3A_533 = vector.shape_cast %get3A_532 : vector<1x16xi32> to vector<16xi32>
      %mul3A_534 = arith.constant 7 : i32
      %mul3A_535 = vector.broadcast %mul3A_534 : i32 to vector<16xi32>
      %mul3A_536 = arith.muli %get3A_533, %mul3A_535 : vector<16xi32>
      %get3A_537 = arith.index_cast %add3A_463 : i32 to index
      %get3A_538 = arith.constant 64 : index
      %get3A_539 = tpu.vector_load %arg7[%get3A_537, %get3A_538] {strides = array<i32>} : memref<64x128xi32, #tpu.memory_space<vmem>>, vector<1x16xi32>,
      %get3A_540 = vector.shape_cast %get3A_539 : vector<1x16xi32> to vector<16xi32>
      %add3A_541 = arith.addi %mul3A_536, %get3A_540 : vector<16xi32>
      %swap3A_542 = arith.index_cast %add3A_463 : i32 to index
      %swap3A_543 = arith.constant 64 : index
      %swap3A_544 = tpu.vector_load %arg9[%swap3A_542, %swap3A_543] {strides = array<i32>} : memref<64x128xi32, #tpu.memory_space<vmem>>, vector<1x16xi32>,
      %swap3A_545 = vector.shape_cast %swap3A_544 : vector<1x16xi32> to vector<16xi32>
      %swap3A_546 = vector.shape_cast %add3A_541 : vector<16xi32> to vector<1x16xi32>
      tpu.vector_store %arg9[%swap3A_542, %swap3A_543], %swap3A_546 {strides = array<i32>} : memref<64x128xi32, #tpu.memory_space<vmem>>, vector<1x16xi32>,
      %get3A_547 = arith.index_cast %add3A_463 : i32 to index
      %get3A_548 = arith.constant 80 : index
      %get3A_549 = tpu.vector_load %arg6[%get3A_547, %get3A_548] {strides = array<i32>} : memref<64x128xi32, #tpu.memory_space<vmem>>, vector<1x16xi32>,
      %get3A_550 = vector.shape_cast %get3A_549 : vector<1x16xi32> to vector<16xi32>
      %mul3A_551 = arith.constant 7 : i32
      %mul3A_552 = vector.broadcast %mul3A_551 : i32 to vector<16xi32>
      %mul3A_553 = arith.muli %get3A_550, %mul3A_552 : vector<16xi32>
      %get3A_554 = arith.index_cast %add3A_463 : i32 to index
      %get3A_555 = arith.constant 80 : index
      %get3A_556 = tpu.vector_load %arg7[%get3A_554, %get3A_555] {strides = array<i32>} : memref<64x128xi32, #tpu.memory_space<vmem>>, vector<1x16xi32>,
      %get3A_557 = vector.shape_cast %get3A_556 : vector<1x16xi32> to vector<16xi32>
      %add3A_558 = arith.addi %mul3A_553, %get3A_557 : vector<16xi32>
      %swap3A_559 = arith.index_cast %add3A_463 : i32 to index
      %swap3A_560 = arith.constant 80 : index
      %swap3A_561 = tpu.vector_load %arg9[%swap3A_559, %swap3A_560] {strides = array<i32>} : memref<64x128xi32, #tpu.memory_space<vmem>>, vector<1x16xi32>,
      %swap3A_562 = vector.shape_cast %swap3A_561 : vector<1x16xi32> to vector<16xi32>
      %swap3A_563 = vector.shape_cast %add3A_558 : vector<16xi32> to vector<1x16xi32>
      tpu.vector_store %arg9[%swap3A_559, %swap3A_560], %swap3A_563 {strides = array<i32>} : memref<64x128xi32, #tpu.memory_space<vmem>>, vector<1x16xi32>,
      %get3A_564 = arith.index_cast %add3A_463 : i32 to index
      %get3A_565 = arith.constant 96 : index
      %get3A_566 = tpu.vector_load %arg6[%get3A_564, %get3A_565] {strides = array<i32>} : memref<64x128xi32, #tpu.memory_space<vmem>>, vector<1x16xi32>,
      %get3A_567 = vector.shape_cast %get3A_566 : vector<1x16xi32> to vector<16xi32>
      %mul3A_568 = arith.constant 7 : i32
      %mul3A_569 = vector.broadcast %mul3A_568 : i32 to vector<16xi32>
      %mul3A_570 = arith.muli %get3A_567, %mul3A_569 : vector<16xi32>
      %get3A_571 = arith.index_cast %add3A_463 : i32 to index
      %get3A_572 = arith.constant 96 : index
      %get3A_573 = tpu.vector_load %arg7[%get3A_571, %get3A_572] {strides = array<i32>} : memref<64x128xi32, #tpu.memory_space<vmem>>, vector<1x16xi32>,
      %get3A_574 = vector.shape_cast %get3A_573 : vector<1x16xi32> to vector<16xi32>
      %add3A_575 = arith.addi %mul3A_570, %get3A_574 : vector<16xi32>
      %swap3A_576 = arith.index_cast %add3A_463 : i32 to index
      %swap3A_577 = arith.constant 96 : index
      %swap3A_578 = tpu.vector_load %arg9[%swap3A_576, %swap3A_577] {strides = array<i32>} : memref<64x128xi32, #tpu.memory_space<vmem>>, vector<1x16xi32>,
      %swap3A_579 = vector.shape_cast %swap3A_578 : vector<1x16xi32> to vector<16xi32>
      %swap3A_580 = vector.shape_cast %add3A_575 : vector<16xi32> to vector<1x16xi32>
      tpu.vector_store %arg9[%swap3A_576, %swap3A_577], %swap3A_580 {strides = array<i32>} : memref<64x128xi32, #tpu.memory_space<vmem>>, vector<1x16xi32>,
      %get3A_581 = arith.index_cast %add3A_463 : i32 to index
      %get3A_582 = arith.constant 112 : index
      %get3A_583 = tpu.vector_load %arg6[%get3A_581, %get3A_582] {strides = array<i32>} : memref<64x128xi32, #tpu.memory_space<vmem>>, vector<1x16xi32>,
      %get3A_584 = vector.shape_cast %get3A_583 : vector<1x16xi32> to vector<16xi32>
      %mul3A_585 = arith.constant 7 : i32
      %mul3A_586 = vector.broadcast %mul3A_585 : i32 to vector<16xi32>
      %mul3A_587 = arith.muli %get3A_584, %mul3A_586 : vector<16xi32>
      %get3A_588 = arith.index_cast %add3A_463 : i32 to index
      %get3A_589 = arith.constant 112 : index
      %get3A_590 = tpu.vector_load %arg7[%get3A_588, %get3A_589] {strides = array<i32>} : memref<64x128xi32, #tpu.memory_space<vmem>>, vector<1x16xi32>,
      %get3A_591 = vector.shape_cast %get3A_590 : vector<1x16xi32> to vector<16xi32>
      %add3A_592 = arith.addi %mul3A_587, %get3A_591 : vector<16xi32>
      %swap3A_593 = arith.index_cast %add3A_463 : i32 to index
      %swap3A_594 = arith.constant 112 : index
      %swap3A_595 = tpu.vector_load %arg9[%swap3A_593, %swap3A_594] {strides = array<i32>} : memref<64x128xi32, #tpu.memory_space<vmem>>, vector<1x16xi32>,
      %swap3A_596 = vector.shape_cast %swap3A_595 : vector<1x16xi32> to vector<16xi32>
      %swap3A_597 = vector.shape_cast %add3A_592 : vector<16xi32> to vector<1x16xi32>
      tpu.vector_store %arg9[%swap3A_593, %swap3A_594], %swap3A_597 {strides = array<i32>} : memref<64x128xi32, #tpu.memory_space<vmem>>, vector<1x16xi32>,
    }
    %scan3A_38 = arith.constant 64 : i32
    %barrier3A = arith.constant 0 : index
    tpu.barrier barrier_id(%barrier3A)
    %dma_start3A = arith.constant 0 : i32
    %dma_start3A_39 = arith.constant 0 : i32
    %dma_start3A_40 = arith.constant 0 : i32
    %dma_start3A_41 = arith.constant 0 : i32
    %dma_start3A_42 = tpu.memref_slice %arg10[%dma_start3A_39, %dma_start3A_40, %dma_start3A_41] : memref<8x128x40xf32, #tpu.memory_space<vmem>> -> memref<1x128x40xf32, #tpu.memory_space<vmem>>
    %dma_start3A_43 = tpu.memref_squeeze %dma_start3A_42 : memref<1x128x40xf32, #tpu.memory_space<vmem>> -> memref<128x40xf32, #tpu.memory_space<vmem>>
    %dma_start3A_44 = arith.constant 0 : i32
    %dma_start3A_45 = tpu.memref_slice %arg9[%dma_start3A, %dma_start3A_44] : memref<64x128xi32, #tpu.memory_space<vmem>> -> memref<1x128xi32, #tpu.memory_space<vmem>>
    %dma_start3A_46 = tpu.memref_squeeze %dma_start3A_45 : memref<1x128xi32, #tpu.memory_space<vmem>> -> memref<128xi32, #tpu.memory_space<vmem>>
    %dma_start3A_47 = arith.constant 0 : i32
    %dma_start3A_48 = arith.constant 0 : i32
    %dma_start3A_49 = tpu.memref_slice %arg2[%dma_start3A_47, %dma_start3A_48] : memref<114688x40xf32, #tpu.memory_space<hbm>> -> memref<114688x40xf32, #tpu.memory_space<hbm>>
    tpu.enqueue_indirect_dma source(%dma_start3A_49 : memref<114688x40xf32, #tpu.memory_space<hbm>>) target(%dma_start3A_43 : memref<128x40xf32, #tpu.memory_space<vmem>>) offsets(%dma_start3A_46 : memref<128xi32, #tpu.memory_space<vmem>>) semaphore(%arg12 : memref<!tpu.dma_semaphore, #tpu.memory_space<semaphore_mem>>)
    %dma_start3A_50 = arith.constant 1 : i32
    %dma_start3A_51 = arith.constant 1 : i32
    %dma_start3A_52 = arith.constant 0 : i32
    %dma_start3A_53 = arith.constant 0 : i32
    %dma_start3A_54 = tpu.memref_slice %arg10[%dma_start3A_51, %dma_start3A_52, %dma_start3A_53] : memref<8x128x40xf32, #tpu.memory_space<vmem>> -> memref<1x128x40xf32, #tpu.memory_space<vmem>>
    %dma_start3A_55 = tpu.memref_squeeze %dma_start3A_54 : memref<1x128x40xf32, #tpu.memory_space<vmem>> -> memref<128x40xf32, #tpu.memory_space<vmem>>
    %dma_start3A_56 = arith.constant 0 : i32
    %dma_start3A_57 = tpu.memref_slice %arg9[%dma_start3A_50, %dma_start3A_56] : memref<64x128xi32, #tpu.memory_space<vmem>> -> memref<1x128xi32, #tpu.memory_space<vmem>>
    %dma_start3A_58 = tpu.memref_squeeze %dma_start3A_57 : memref<1x128xi32, #tpu.memory_space<vmem>> -> memref<128xi32, #tpu.memory_space<vmem>>
    %dma_start3A_59 = arith.constant 0 : i32
    %dma_start3A_60 = arith.constant 0 : i32
    %dma_start3A_61 = tpu.memref_slice %arg2[%dma_start3A_59, %dma_start3A_60] : memref<114688x40xf32, #tpu.memory_space<hbm>> -> memref<114688x40xf32, #tpu.memory_space<hbm>>
    tpu.enqueue_indirect_dma source(%dma_start3A_61 : memref<114688x40xf32, #tpu.memory_space<hbm>>) target(%dma_start3A_55 : memref<128x40xf32, #tpu.memory_space<vmem>>) offsets(%dma_start3A_58 : memref<128xi32, #tpu.memory_space<vmem>>) semaphore(%arg13 : memref<!tpu.dma_semaphore, #tpu.memory_space<semaphore_mem>>)
    %dma_start3A_62 = arith.constant 2 : i32
    %dma_start3A_63 = arith.constant 2 : i32
    %dma_start3A_64 = arith.constant 0 : i32
    %dma_start3A_65 = arith.constant 0 : i32
    %dma_start3A_66 = tpu.memref_slice %arg10[%dma_start3A_63, %dma_start3A_64, %dma_start3A_65] : memref<8x128x40xf32, #tpu.memory_space<vmem>> -> memref<1x128x40xf32, #tpu.memory_space<vmem>>
    %dma_start3A_67 = tpu.memref_squeeze %dma_start3A_66 : memref<1x128x40xf32, #tpu.memory_space<vmem>> -> memref<128x40xf32, #tpu.memory_space<vmem>>
    %dma_start3A_68 = arith.constant 0 : i32
    %dma_start3A_69 = tpu.memref_slice %arg9[%dma_start3A_62, %dma_start3A_68] : memref<64x128xi32, #tpu.memory_space<vmem>> -> memref<1x128xi32, #tpu.memory_space<vmem>>
    %dma_start3A_70 = tpu.memref_squeeze %dma_start3A_69 : memref<1x128xi32, #tpu.memory_space<vmem>> -> memref<128xi32, #tpu.memory_space<vmem>>
    %dma_start3A_71 = arith.constant 0 : i32
    %dma_start3A_72 = arith.constant 0 : i32
    %dma_start3A_73 = tpu.memref_slice %arg2[%dma_start3A_71, %dma_start3A_72] : memref<114688x40xf32, #tpu.memory_space<hbm>> -> memref<114688x40xf32, #tpu.memory_space<hbm>>
    tpu.enqueue_indirect_dma source(%dma_start3A_73 : memref<114688x40xf32, #tpu.memory_space<hbm>>) target(%dma_start3A_67 : memref<128x40xf32, #tpu.memory_space<vmem>>) offsets(%dma_start3A_70 : memref<128xi32, #tpu.memory_space<vmem>>) semaphore(%arg14 : memref<!tpu.dma_semaphore, #tpu.memory_space<semaphore_mem>>)
    %dma_start3A_74 = arith.constant 3 : i32
    %dma_start3A_75 = arith.constant 3 : i32
    %dma_start3A_76 = arith.constant 0 : i32
    %dma_start3A_77 = arith.constant 0 : i32
    %dma_start3A_78 = tpu.memref_slice %arg10[%dma_start3A_75, %dma_start3A_76, %dma_start3A_77] : memref<8x128x40xf32, #tpu.memory_space<vmem>> -> memref<1x128x40xf32, #tpu.memory_space<vmem>>
    %dma_start3A_79 = tpu.memref_squeeze %dma_start3A_78 : memref<1x128x40xf32, #tpu.memory_space<vmem>> -> memref<128x40xf32, #tpu.memory_space<vmem>>
    %dma_start3A_80 = arith.constant 0 : i32
    %dma_start3A_81 = tpu.memref_slice %arg9[%dma_start3A_74, %dma_start3A_80] : memref<64x128xi32, #tpu.memory_space<vmem>> -> memref<1x128xi32, #tpu.memory_space<vmem>>
    %dma_start3A_82 = tpu.memref_squeeze %dma_start3A_81 : memref<1x128xi32, #tpu.memory_space<vmem>> -> memref<128xi32, #tpu.memory_space<vmem>>
    %dma_start3A_83 = arith.constant 0 : i32
    %dma_start3A_84 = arith.constant 0 : i32
    %dma_start3A_85 = tpu.memref_slice %arg2[%dma_start3A_83, %dma_start3A_84] : memref<114688x40xf32, #tpu.memory_space<hbm>> -> memref<114688x40xf32, #tpu.memory_space<hbm>>
    tpu.enqueue_indirect_dma source(%dma_start3A_85 : memref<114688x40xf32, #tpu.memory_space<hbm>>) target(%dma_start3A_79 : memref<128x40xf32, #tpu.memory_space<vmem>>) offsets(%dma_start3A_82 : memref<128xi32, #tpu.memory_space<vmem>>) semaphore(%arg15 : memref<!tpu.dma_semaphore, #tpu.memory_space<semaphore_mem>>)
    %dma_start3A_86 = arith.constant 4 : i32
    %dma_start3A_87 = arith.constant 4 : i32
    %dma_start3A_88 = arith.constant 0 : i32
    %dma_start3A_89 = arith.constant 0 : i32
    %dma_start3A_90 = tpu.memref_slice %arg10[%dma_start3A_87, %dma_start3A_88, %dma_start3A_89] : memref<8x128x40xf32, #tpu.memory_space<vmem>> -> memref<1x128x40xf32, #tpu.memory_space<vmem>>
    %dma_start3A_91 = tpu.memref_squeeze %dma_start3A_90 : memref<1x128x40xf32, #tpu.memory_space<vmem>> -> memref<128x40xf32, #tpu.memory_space<vmem>>
    %dma_start3A_92 = arith.constant 0 : i32
    %dma_start3A_93 = tpu.memref_slice %arg9[%dma_start3A_86, %dma_start3A_92] : memref<64x128xi32, #tpu.memory_space<vmem>> -> memref<1x128xi32, #tpu.memory_space<vmem>>
    %dma_start3A_94 = tpu.memref_squeeze %dma_start3A_93 : memref<1x128xi32, #tpu.memory_space<vmem>> -> memref<128xi32, #tpu.memory_space<vmem>>
    %dma_start3A_95 = arith.constant 0 : i32
    %dma_start3A_96 = arith.constant 0 : i32
    %dma_start3A_97 = tpu.memref_slice %arg2[%dma_start3A_95, %dma_start3A_96] : memref<114688x40xf32, #tpu.memory_space<hbm>> -> memref<114688x40xf32, #tpu.memory_space<hbm>>
    tpu.enqueue_indirect_dma source(%dma_start3A_97 : memref<114688x40xf32, #tpu.memory_space<hbm>>) target(%dma_start3A_91 : memref<128x40xf32, #tpu.memory_space<vmem>>) offsets(%dma_start3A_94 : memref<128xi32, #tpu.memory_space<vmem>>) semaphore(%arg16 : memref<!tpu.dma_semaphore, #tpu.memory_space<semaphore_mem>>)
    %dma_start3A_98 = arith.constant 5 : i32
    %dma_start3A_99 = arith.constant 5 : i32
    %dma_start3A_100 = arith.constant 0 : i32
    %dma_start3A_101 = arith.constant 0 : i32
    %dma_start3A_102 = tpu.memref_slice %arg10[%dma_start3A_99, %dma_start3A_100, %dma_start3A_101] : memref<8x128x40xf32, #tpu.memory_space<vmem>> -> memref<1x128x40xf32, #tpu.memory_space<vmem>>
    %dma_start3A_103 = tpu.memref_squeeze %dma_start3A_102 : memref<1x128x40xf32, #tpu.memory_space<vmem>> -> memref<128x40xf32, #tpu.memory_space<vmem>>
    %dma_start3A_104 = arith.constant 0 : i32
    %dma_start3A_105 = tpu.memref_slice %arg9[%dma_start3A_98, %dma_start3A_104] : memref<64x128xi32, #tpu.memory_space<vmem>> -> memref<1x128xi32, #tpu.memory_space<vmem>>
    %dma_start3A_106 = tpu.memref_squeeze %dma_start3A_105 : memref<1x128xi32, #tpu.memory_space<vmem>> -> memref<128xi32, #tpu.memory_space<vmem>>
    %dma_start3A_107 = arith.constant 0 : i32
    %dma_start3A_108 = arith.constant 0 : i32
    %dma_start3A_109 = tpu.memref_slice %arg2[%dma_start3A_107, %dma_start3A_108] : memref<114688x40xf32, #tpu.memory_space<hbm>> -> memref<114688x40xf32, #tpu.memory_space<hbm>>
    tpu.enqueue_indirect_dma source(%dma_start3A_109 : memref<114688x40xf32, #tpu.memory_space<hbm>>) target(%dma_start3A_103 : memref<128x40xf32, #tpu.memory_space<vmem>>) offsets(%dma_start3A_106 : memref<128xi32, #tpu.memory_space<vmem>>) semaphore(%arg17 : memref<!tpu.dma_semaphore, #tpu.memory_space<semaphore_mem>>)
    %dma_start3A_110 = arith.constant 6 : i32
    %dma_start3A_111 = arith.constant 6 : i32
    %dma_start3A_112 = arith.constant 0 : i32
    %dma_start3A_113 = arith.constant 0 : i32
    %dma_start3A_114 = tpu.memref_slice %arg10[%dma_start3A_111, %dma_start3A_112, %dma_start3A_113] : memref<8x128x40xf32, #tpu.memory_space<vmem>> -> memref<1x128x40xf32, #tpu.memory_space<vmem>>
    %dma_start3A_115 = tpu.memref_squeeze %dma_start3A_114 : memref<1x128x40xf32, #tpu.memory_space<vmem>> -> memref<128x40xf32, #tpu.memory_space<vmem>>
    %dma_start3A_116 = arith.constant 0 : i32
    %dma_start3A_117 = tpu.memref_slice %arg9[%dma_start3A_110, %dma_start3A_116] : memref<64x128xi32, #tpu.memory_space<vmem>> -> memref<1x128xi32, #tpu.memory_space<vmem>>
    %dma_start3A_118 = tpu.memref_squeeze %dma_start3A_117 : memref<1x128xi32, #tpu.memory_space<vmem>> -> memref<128xi32, #tpu.memory_space<vmem>>
    %dma_start3A_119 = arith.constant 0 : i32
    %dma_start3A_120 = arith.constant 0 : i32
    %dma_start3A_121 = tpu.memref_slice %arg2[%dma_start3A_119, %dma_start3A_120] : memref<114688x40xf32, #tpu.memory_space<hbm>> -> memref<114688x40xf32, #tpu.memory_space<hbm>>
    tpu.enqueue_indirect_dma source(%dma_start3A_121 : memref<114688x40xf32, #tpu.memory_space<hbm>>) target(%dma_start3A_115 : memref<128x40xf32, #tpu.memory_space<vmem>>) offsets(%dma_start3A_118 : memref<128xi32, #tpu.memory_space<vmem>>) semaphore(%arg18 : memref<!tpu.dma_semaphore, #tpu.memory_space<semaphore_mem>>)
    %dma_start3A_122 = arith.constant 7 : i32
    %dma_start3A_123 = arith.constant 7 : i32
    %dma_start3A_124 = arith.constant 0 : i32
    %dma_start3A_125 = arith.constant 0 : i32
    %dma_start3A_126 = tpu.memref_slice %arg10[%dma_start3A_123, %dma_start3A_124, %dma_start3A_125] : memref<8x128x40xf32, #tpu.memory_space<vmem>> -> memref<1x128x40xf32, #tpu.memory_space<vmem>>
    %dma_start3A_127 = tpu.memref_squeeze %dma_start3A_126 : memref<1x128x40xf32, #tpu.memory_space<vmem>> -> memref<128x40xf32, #tpu.memory_space<vmem>>
    %dma_start3A_128 = arith.constant 0 : i32
    %dma_start3A_129 = tpu.memref_slice %arg9[%dma_start3A_122, %dma_start3A_128] : memref<64x128xi32, #tpu.memory_space<vmem>> -> memref<1x128xi32, #tpu.memory_space<vmem>>
    %dma_start3A_130 = tpu.memref_squeeze %dma_start3A_129 : memref<1x128xi32, #tpu.memory_space<vmem>> -> memref<128xi32, #tpu.memory_space<vmem>>
    %dma_start3A_131 = arith.constant 0 : i32
    %dma_start3A_132 = arith.constant 0 : i32
    %dma_start3A_133 = tpu.memref_slice %arg2[%dma_start3A_131, %dma_start3A_132] : memref<114688x40xf32, #tpu.memory_space<hbm>> -> memref<114688x40xf32, #tpu.memory_space<hbm>>
    tpu.enqueue_indirect_dma source(%dma_start3A_133 : memref<114688x40xf32, #tpu.memory_space<hbm>>) target(%dma_start3A_127 : memref<128x40xf32, #tpu.memory_space<vmem>>) offsets(%dma_start3A_130 : memref<128xi32, #tpu.memory_space<vmem>>) semaphore(%arg19 : memref<!tpu.dma_semaphore, #tpu.memory_space<semaphore_mem>>)
    %scan3A_134 = arith.constant 0 : i32
    %scan3A_135 = arith.constant 7 : i32
    %scan3A_136 = arith.addi %scan3A_134, %scan3A_135 : i32
    %scan3A_137 = arith.constant 1 : i32
    scf.for %scan3A_459 = %scan3A_134 to %scan3A_136 step %scan3A_137  : i32 {
      %mul3A_460 = arith.constant 1 : i32
      %mul3A_461 = arith.muli %scan3A_459, %mul3A_460 : i32
      %add3A_462 = arith.constant 0 : i32
      %add3A_463 = arith.addi %add3A_462, %mul3A_461 : i32
      %mul3A_464 = arith.constant 8 : i32
      %mul3A_465 = arith.muli %add3A_463, %mul3A_464 : i32
      %dma_wait3A_466 = arith.constant 0 : i32
      %dma_wait3A_467 = arith.constant 0 : i32
      %dma_wait3A_468 = arith.constant 0 : i32
      %dma_wait3A_469 = arith.constant 0 : i32
      %dma_wait3A_470 = tpu.memref_slice %arg10[%dma_wait3A_467, %dma_wait3A_468, %dma_wait3A_469] : memref<8x128x40xf32, #tpu.memory_space<vmem>> -> memref<1x128x40xf32, #tpu.memory_space<vmem>>
      %dma_wait3A_471 = tpu.memref_squeeze %dma_wait3A_470 : memref<1x128x40xf32, #tpu.memory_space<vmem>> -> memref<128x40xf32, #tpu.memory_space<vmem>>
      %dma_wait3A_472 = arith.constant 0 : i32
      %dma_wait3A_473 = tpu.memref_slice %arg9[%dma_wait3A_466, %dma_wait3A_472] : memref<64x128xi32, #tpu.memory_space<vmem>> -> memref<1x128xi32, #tpu.memory_space<vmem>>
      %dma_wait3A_474 = tpu.memref_squeeze %dma_wait3A_473 : memref<1x128xi32, #tpu.memory_space<vmem>> -> memref<128xi32, #tpu.memory_space<vmem>>
      %dma_wait3A_475 = arith.constant 0 : i32
      %dma_wait3A_476 = arith.constant 0 : i32
      %dma_wait3A_477 = tpu.memref_slice %arg2[%dma_wait3A_475, %dma_wait3A_476] : memref<114688x40xf32, #tpu.memory_space<hbm>> -> memref<114688x40xf32, #tpu.memory_space<hbm>>
      tpu.wait_indirect_dma semaphore(%arg12 : memref<!tpu.dma_semaphore, #tpu.memory_space<semaphore_mem>>) src(%dma_wait3A_477 : memref<114688x40xf32, #tpu.memory_space<hbm>>) dst(%dma_wait3A_471 : memref<128x40xf32, #tpu.memory_space<vmem>>)
      %add3A_478 = arith.constant 0 : i32
      %add3A_479 = arith.addi %mul3A_465, %add3A_478 : i32
      %dma_start3A_480 = arith.constant 0 : i32
      %dma_start3A_481 = arith.constant 0 : i32
      %dma_start3A_482 = arith.constant 0 : i32
      %dma_start3A_483 = tpu.memref_slice %arg10[%dma_start3A_480, %dma_start3A_481, %dma_start3A_482] : memref<8x128x40xf32, #tpu.memory_space<vmem>> -> memref<1x128x40xf32, #tpu.memory_space<vmem>>
      %dma_start3A_484 = tpu.memref_squeeze %dma_start3A_483 : memref<1x128x40xf32, #tpu.memory_space<vmem>> -> memref<128x40xf32, #tpu.memory_space<vmem>>
      %dma_start3A_485 = arith.constant 0 : i32
      %dma_start3A_486 = tpu.memref_slice %arg8[%add3A_479, %dma_start3A_485] : memref<64x128xi32, #tpu.memory_space<vmem>> -> memref<1x128xi32, #tpu.memory_space<vmem>>
      %dma_start3A_487 = tpu.memref_squeeze %dma_start3A_486 : memref<1x128xi32, #tpu.memory_space<vmem>> -> memref<128xi32, #tpu.memory_space<vmem>>
      %dma_start3A_488 = arith.constant 0 : i32
      %dma_start3A_489 = arith.constant 0 : i32
      %dma_start3A_490 = tpu.memref_slice %arg11[%dma_start3A_488, %dma_start3A_489] : memref<16384x40xf32, #tpu.memory_space<vmem_shared>> -> memref<16384x40xf32, #tpu.memory_space<vmem_shared>>
      tpu.enqueue_indirect_dma source(%dma_start3A_484 : memref<128x40xf32, #tpu.memory_space<vmem>>) target(%dma_start3A_490 : memref<16384x40xf32, #tpu.memory_space<vmem_shared>>) offsets(%dma_start3A_487 : memref<128xi32, #tpu.memory_space<vmem>>) semaphore(%arg20 : memref<!tpu.dma_semaphore, #tpu.memory_space<semaphore_mem>>) {add = true}
      %dma_wait3A_491 = arith.constant 0 : i32
      %dma_wait3A_492 = arith.constant 1 : i32
      %dma_wait3A_493 = arith.constant 0 : i32
      %dma_wait3A_494 = arith.constant 0 : i32
      %dma_wait3A_495 = tpu.memref_slice %arg10[%dma_wait3A_492, %dma_wait3A_493, %dma_wait3A_494] : memref<8x128x40xf32, #tpu.memory_space<vmem>> -> memref<1x128x40xf32, #tpu.memory_space<vmem>>
      %dma_wait3A_496 = tpu.memref_squeeze %dma_wait3A_495 : memref<1x128x40xf32, #tpu.memory_space<vmem>> -> memref<128x40xf32, #tpu.memory_space<vmem>>
      %dma_wait3A_497 = arith.constant 0 : i32
      %dma_wait3A_498 = tpu.memref_slice %arg9[%dma_wait3A_491, %dma_wait3A_497] : memref<64x128xi32, #tpu.memory_space<vmem>> -> memref<1x128xi32, #tpu.memory_space<vmem>>
      %dma_wait3A_499 = tpu.memref_squeeze %dma_wait3A_498 : memref<1x128xi32, #tpu.memory_space<vmem>> -> memref<128xi32, #tpu.memory_space<vmem>>
      %dma_wait3A_500 = arith.constant 0 : i32
      %dma_wait3A_501 = arith.constant 0 : i32
      %dma_wait3A_502 = tpu.memref_slice %arg2[%dma_wait3A_500, %dma_wait3A_501] : memref<114688x40xf32, #tpu.memory_space<hbm>> -> memref<114688x40xf32, #tpu.memory_space<hbm>>
      tpu.wait_indirect_dma semaphore(%arg13 : memref<!tpu.dma_semaphore, #tpu.memory_space<semaphore_mem>>) src(%dma_wait3A_502 : memref<114688x40xf32, #tpu.memory_space<hbm>>) dst(%dma_wait3A_496 : memref<128x40xf32, #tpu.memory_space<vmem>>)
      %add3A_503 = arith.constant 1 : i32
      %add3A_504 = arith.addi %mul3A_465, %add3A_503 : i32
      %dma_start3A_505 = arith.constant 1 : i32
      %dma_start3A_506 = arith.constant 0 : i32
      %dma_start3A_507 = arith.constant 0 : i32
      %dma_start3A_508 = tpu.memref_slice %arg10[%dma_start3A_505, %dma_start3A_506, %dma_start3A_507] : memref<8x128x40xf32, #tpu.memory_space<vmem>> -> memref<1x128x40xf32, #tpu.memory_space<vmem>>
      %dma_start3A_509 = tpu.memref_squeeze %dma_start3A_508 : memref<1x128x40xf32, #tpu.memory_space<vmem>> -> memref<128x40xf32, #tpu.memory_space<vmem>>
      %dma_start3A_510 = arith.constant 0 : i32
      %dma_start3A_511 = tpu.memref_slice %arg8[%add3A_504, %dma_start3A_510] : memref<64x128xi32, #tpu.memory_space<vmem>> -> memref<1x128xi32, #tpu.memory_space<vmem>>
      %dma_start3A_512 = tpu.memref_squeeze %dma_start3A_511 : memref<1x128xi32, #tpu.memory_space<vmem>> -> memref<128xi32, #tpu.memory_space<vmem>>
      %dma_start3A_513 = arith.constant 0 : i32
      %dma_start3A_514 = arith.constant 0 : i32
      %dma_start3A_515 = tpu.memref_slice %arg11[%dma_start3A_513, %dma_start3A_514] : memref<16384x40xf32, #tpu.memory_space<vmem_shared>> -> memref<16384x40xf32, #tpu.memory_space<vmem_shared>>
      tpu.enqueue_indirect_dma source(%dma_start3A_509 : memref<128x40xf32, #tpu.memory_space<vmem>>) target(%dma_start3A_515 : memref<16384x40xf32, #tpu.memory_space<vmem_shared>>) offsets(%dma_start3A_512 : memref<128xi32, #tpu.memory_space<vmem>>) semaphore(%arg21 : memref<!tpu.dma_semaphore, #tpu.memory_space<semaphore_mem>>) {add = true}
      %dma_wait3A_516 = arith.constant 0 : i32
      %dma_wait3A_517 = arith.constant 2 : i32
      %dma_wait3A_518 = arith.constant 0 : i32
      %dma_wait3A_519 = arith.constant 0 : i32
      %dma_wait3A_520 = tpu.memref_slice %arg10[%dma_wait3A_517, %dma_wait3A_518, %dma_wait3A_519] : memref<8x128x40xf32, #tpu.memory_space<vmem>> -> memref<1x128x40xf32, #tpu.memory_space<vmem>>
      %dma_wait3A_521 = tpu.memref_squeeze %dma_wait3A_520 : memref<1x128x40xf32, #tpu.memory_space<vmem>> -> memref<128x40xf32, #tpu.memory_space<vmem>>
      %dma_wait3A_522 = arith.constant 0 : i32
      %dma_wait3A_523 = tpu.memref_slice %arg9[%dma_wait3A_516, %dma_wait3A_522] : memref<64x128xi32, #tpu.memory_space<vmem>> -> memref<1x128xi32, #tpu.memory_space<vmem>>
      %dma_wait3A_524 = tpu.memref_squeeze %dma_wait3A_523 : memref<1x128xi32, #tpu.memory_space<vmem>> -> memref<128xi32, #tpu.memory_space<vmem>>
      %dma_wait3A_525 = arith.constant 0 : i32
      %dma_wait3A_526 = arith.constant 0 : i32
      %dma_wait3A_527 = tpu.memref_slice %arg2[%dma_wait3A_525, %dma_wait3A_526] : memref<114688x40xf32, #tpu.memory_space<hbm>> -> memref<114688x40xf32, #tpu.memory_space<hbm>>
      tpu.wait_indirect_dma semaphore(%arg14 : memref<!tpu.dma_semaphore, #tpu.memory_space<semaphore_mem>>) src(%dma_wait3A_527 : memref<114688x40xf32, #tpu.memory_space<hbm>>) dst(%dma_wait3A_521 : memref<128x40xf32, #tpu.memory_space<vmem>>)
      %add3A_528 = arith.constant 2 : i32
      %add3A_529 = arith.addi %mul3A_465, %add3A_528 : i32
      %dma_start3A_530 = arith.constant 2 : i32
      %dma_start3A_531 = arith.constant 0 : i32
      %dma_start3A_532 = arith.constant 0 : i32
      %dma_start3A_533 = tpu.memref_slice %arg10[%dma_start3A_530, %dma_start3A_531, %dma_start3A_532] : memref<8x128x40xf32, #tpu.memory_space<vmem>> -> memref<1x128x40xf32, #tpu.memory_space<vmem>>
      %dma_start3A_534 = tpu.memref_squeeze %dma_start3A_533 : memref<1x128x40xf32, #tpu.memory_space<vmem>> -> memref<128x40xf32, #tpu.memory_space<vmem>>
      %dma_start3A_535 = arith.constant 0 : i32
      %dma_start3A_536 = tpu.memref_slice %arg8[%add3A_529, %dma_start3A_535] : memref<64x128xi32, #tpu.memory_space<vmem>> -> memref<1x128xi32, #tpu.memory_space<vmem>>
      %dma_start3A_537 = tpu.memref_squeeze %dma_start3A_536 : memref<1x128xi32, #tpu.memory_space<vmem>> -> memref<128xi32, #tpu.memory_space<vmem>>
      %dma_start3A_538 = arith.constant 0 : i32
      %dma_start3A_539 = arith.constant 0 : i32
      %dma_start3A_540 = tpu.memref_slice %arg11[%dma_start3A_538, %dma_start3A_539] : memref<16384x40xf32, #tpu.memory_space<vmem_shared>> -> memref<16384x40xf32, #tpu.memory_space<vmem_shared>>
      tpu.enqueue_indirect_dma source(%dma_start3A_534 : memref<128x40xf32, #tpu.memory_space<vmem>>) target(%dma_start3A_540 : memref<16384x40xf32, #tpu.memory_space<vmem_shared>>) offsets(%dma_start3A_537 : memref<128xi32, #tpu.memory_space<vmem>>) semaphore(%arg22 : memref<!tpu.dma_semaphore, #tpu.memory_space<semaphore_mem>>) {add = true}
      %dma_wait3A_541 = arith.constant 0 : i32
      %dma_wait3A_542 = arith.constant 3 : i32
      %dma_wait3A_543 = arith.constant 0 : i32
      %dma_wait3A_544 = arith.constant 0 : i32
      %dma_wait3A_545 = tpu.memref_slice %arg10[%dma_wait3A_542, %dma_wait3A_543, %dma_wait3A_544] : memref<8x128x40xf32, #tpu.memory_space<vmem>> -> memref<1x128x40xf32, #tpu.memory_space<vmem>>
      %dma_wait3A_546 = tpu.memref_squeeze %dma_wait3A_545 : memref<1x128x40xf32, #tpu.memory_space<vmem>> -> memref<128x40xf32, #tpu.memory_space<vmem>>
      %dma_wait3A_547 = arith.constant 0 : i32
      %dma_wait3A_548 = tpu.memref_slice %arg9[%dma_wait3A_541, %dma_wait3A_547] : memref<64x128xi32, #tpu.memory_space<vmem>> -> memref<1x128xi32, #tpu.memory_space<vmem>>
      %dma_wait3A_549 = tpu.memref_squeeze %dma_wait3A_548 : memref<1x128xi32, #tpu.memory_space<vmem>> -> memref<128xi32, #tpu.memory_space<vmem>>
      %dma_wait3A_550 = arith.constant 0 : i32
      %dma_wait3A_551 = arith.constant 0 : i32
      %dma_wait3A_552 = tpu.memref_slice %arg2[%dma_wait3A_550, %dma_wait3A_551] : memref<114688x40xf32, #tpu.memory_space<hbm>> -> memref<114688x40xf32, #tpu.memory_space<hbm>>
      tpu.wait_indirect_dma semaphore(%arg15 : memref<!tpu.dma_semaphore, #tpu.memory_space<semaphore_mem>>) src(%dma_wait3A_552 : memref<114688x40xf32, #tpu.memory_space<hbm>>) dst(%dma_wait3A_546 : memref<128x40xf32, #tpu.memory_space<vmem>>)
      %add3A_553 = arith.constant 3 : i32
      %add3A_554 = arith.addi %mul3A_465, %add3A_553 : i32
      %dma_start3A_555 = arith.constant 3 : i32
      %dma_start3A_556 = arith.constant 0 : i32
      %dma_start3A_557 = arith.constant 0 : i32
      %dma_start3A_558 = tpu.memref_slice %arg10[%dma_start3A_555, %dma_start3A_556, %dma_start3A_557] : memref<8x128x40xf32, #tpu.memory_space<vmem>> -> memref<1x128x40xf32, #tpu.memory_space<vmem>>
      %dma_start3A_559 = tpu.memref_squeeze %dma_start3A_558 : memref<1x128x40xf32, #tpu.memory_space<vmem>> -> memref<128x40xf32, #tpu.memory_space<vmem>>
      %dma_start3A_560 = arith.constant 0 : i32
      %dma_start3A_561 = tpu.memref_slice %arg8[%add3A_554, %dma_start3A_560] : memref<64x128xi32, #tpu.memory_space<vmem>> -> memref<1x128xi32, #tpu.memory_space<vmem>>
      %dma_start3A_562 = tpu.memref_squeeze %dma_start3A_561 : memref<1x128xi32, #tpu.memory_space<vmem>> -> memref<128xi32, #tpu.memory_space<vmem>>
      %dma_start3A_563 = arith.constant 0 : i32
      %dma_start3A_564 = arith.constant 0 : i32
      %dma_start3A_565 = tpu.memref_slice %arg11[%dma_start3A_563, %dma_start3A_564] : memref<16384x40xf32, #tpu.memory_space<vmem_shared>> -> memref<16384x40xf32, #tpu.memory_space<vmem_shared>>
      tpu.enqueue_indirect_dma source(%dma_start3A_559 : memref<128x40xf32, #tpu.memory_space<vmem>>) target(%dma_start3A_565 : memref<16384x40xf32, #tpu.memory_space<vmem_shared>>) offsets(%dma_start3A_562 : memref<128xi32, #tpu.memory_space<vmem>>) semaphore(%arg23 : memref<!tpu.dma_semaphore, #tpu.memory_space<semaphore_mem>>) {add = true}
      %dma_wait3A_566 = arith.constant 0 : i32
      %dma_wait3A_567 = arith.constant 4 : i32
      %dma_wait3A_568 = arith.constant 0 : i32
      %dma_wait3A_569 = arith.constant 0 : i32
      %dma_wait3A_570 = tpu.memref_slice %arg10[%dma_wait3A_567, %dma_wait3A_568, %dma_wait3A_569] : memref<8x128x40xf32, #tpu.memory_space<vmem>> -> memref<1x128x40xf32, #tpu.memory_space<vmem>>
      %dma_wait3A_571 = tpu.memref_squeeze %dma_wait3A_570 : memref<1x128x40xf32, #tpu.memory_space<vmem>> -> memref<128x40xf32, #tpu.memory_space<vmem>>
      %dma_wait3A_572 = arith.constant 0 : i32
      %dma_wait3A_573 = tpu.memref_slice %arg9[%dma_wait3A_566, %dma_wait3A_572] : memref<64x128xi32, #tpu.memory_space<vmem>> -> memref<1x128xi32, #tpu.memory_space<vmem>>
      %dma_wait3A_574 = tpu.memref_squeeze %dma_wait3A_573 : memref<1x128xi32, #tpu.memory_space<vmem>> -> memref<128xi32, #tpu.memory_space<vmem>>
      %dma_wait3A_575 = arith.constant 0 : i32
      %dma_wait3A_576 = arith.constant 0 : i32
      %dma_wait3A_577 = tpu.memref_slice %arg2[%dma_wait3A_575, %dma_wait3A_576] : memref<114688x40xf32, #tpu.memory_space<hbm>> -> memref<114688x40xf32, #tpu.memory_space<hbm>>
      tpu.wait_indirect_dma semaphore(%arg16 : memref<!tpu.dma_semaphore, #tpu.memory_space<semaphore_mem>>) src(%dma_wait3A_577 : memref<114688x40xf32, #tpu.memory_space<hbm>>) dst(%dma_wait3A_571 : memref<128x40xf32, #tpu.memory_space<vmem>>)
      %add3A_578 = arith.constant 4 : i32
      %add3A_579 = arith.addi %mul3A_465, %add3A_578 : i32
      %dma_start3A_580 = arith.constant 4 : i32
      %dma_start3A_581 = arith.constant 0 : i32
      %dma_start3A_582 = arith.constant 0 : i32
      %dma_start3A_583 = tpu.memref_slice %arg10[%dma_start3A_580, %dma_start3A_581, %dma_start3A_582] : memref<8x128x40xf32, #tpu.memory_space<vmem>> -> memref<1x128x40xf32, #tpu.memory_space<vmem>>
      %dma_start3A_584 = tpu.memref_squeeze %dma_start3A_583 : memref<1x128x40xf32, #tpu.memory_space<vmem>> -> memref<128x40xf32, #tpu.memory_space<vmem>>
      %dma_start3A_585 = arith.constant 0 : i32
      %dma_start3A_586 = tpu.memref_slice %arg8[%add3A_579, %dma_start3A_585] : memref<64x128xi32, #tpu.memory_space<vmem>> -> memref<1x128xi32, #tpu.memory_space<vmem>>
      %dma_start3A_587 = tpu.memref_squeeze %dma_start3A_586 : memref<1x128xi32, #tpu.memory_space<vmem>> -> memref<128xi32, #tpu.memory_space<vmem>>
      %dma_start3A_588 = arith.constant 0 : i32
      %dma_start3A_589 = arith.constant 0 : i32
      %dma_start3A_590 = tpu.memref_slice %arg11[%dma_start3A_588, %dma_start3A_589] : memref<16384x40xf32, #tpu.memory_space<vmem_shared>> -> memref<16384x40xf32, #tpu.memory_space<vmem_shared>>
      tpu.enqueue_indirect_dma source(%dma_start3A_584 : memref<128x40xf32, #tpu.memory_space<vmem>>) target(%dma_start3A_590 : memref<16384x40xf32, #tpu.memory_space<vmem_shared>>) offsets(%dma_start3A_587 : memref<128xi32, #tpu.memory_space<vmem>>) semaphore(%arg24 : memref<!tpu.dma_semaphore, #tpu.memory_space<semaphore_mem>>) {add = true}
      %dma_wait3A_591 = arith.constant 0 : i32
      %dma_wait3A_592 = arith.constant 5 : i32
      %dma_wait3A_593 = arith.constant 0 : i32
      %dma_wait3A_594 = arith.constant 0 : i32
      %dma_wait3A_595 = tpu.memref_slice %arg10[%dma_wait3A_592, %dma_wait3A_593, %dma_wait3A_594] : memref<8x128x40xf32, #tpu.memory_space<vmem>> -> memref<1x128x40xf32, #tpu.memory_space<vmem>>
      %dma_wait3A_596 = tpu.memref_squeeze %dma_wait3A_595 : memref<1x128x40xf32, #tpu.memory_space<vmem>> -> memref<128x40xf32, #tpu.memory_space<vmem>>
      %dma_wait3A_597 = arith.constant 0 : i32
      %dma_wait3A_598 = tpu.memref_slice %arg9[%dma_wait3A_591, %dma_wait3A_597] : memref<64x128xi32, #tpu.memory_space<vmem>> -> memref<1x128xi32, #tpu.memory_space<vmem>>
      %dma_wait3A_599 = tpu.memref_squeeze %dma_wait3A_598 : memref<1x128xi32, #tpu.memory_space<vmem>> -> memref<128xi32, #tpu.memory_space<vmem>>
      %dma_wait3A_600 = arith.constant 0 : i32
      %dma_wait3A_601 = arith.constant 0 : i32
      %dma_wait3A_602 = tpu.memref_slice %arg2[%dma_wait3A_600, %dma_wait3A_601] : memref<114688x40xf32, #tpu.memory_space<hbm>> -> memref<114688x40xf32, #tpu.memory_space<hbm>>
      tpu.wait_indirect_dma semaphore(%arg17 : memref<!tpu.dma_semaphore, #tpu.memory_space<semaphore_mem>>) src(%dma_wait3A_602 : memref<114688x40xf32, #tpu.memory_space<hbm>>) dst(%dma_wait3A_596 : memref<128x40xf32, #tpu.memory_space<vmem>>)
      %add3A_603 = arith.constant 5 : i32
      %add3A_604 = arith.addi %mul3A_465, %add3A_603 : i32
      %dma_start3A_605 = arith.constant 5 : i32
      %dma_start3A_606 = arith.constant 0 : i32
      %dma_start3A_607 = arith.constant 0 : i32
      %dma_start3A_608 = tpu.memref_slice %arg10[%dma_start3A_605, %dma_start3A_606, %dma_start3A_607] : memref<8x128x40xf32, #tpu.memory_space<vmem>> -> memref<1x128x40xf32, #tpu.memory_space<vmem>>
      %dma_start3A_609 = tpu.memref_squeeze %dma_start3A_608 : memref<1x128x40xf32, #tpu.memory_space<vmem>> -> memref<128x40xf32, #tpu.memory_space<vmem>>
      %dma_start3A_610 = arith.constant 0 : i32
      %dma_start3A_611 = tpu.memref_slice %arg8[%add3A_604, %dma_start3A_610] : memref<64x128xi32, #tpu.memory_space<vmem>> -> memref<1x128xi32, #tpu.memory_space<vmem>>
      %dma_start3A_612 = tpu.memref_squeeze %dma_start3A_611 : memref<1x128xi32, #tpu.memory_space<vmem>> -> memref<128xi32, #tpu.memory_space<vmem>>
      %dma_start3A_613 = arith.constant 0 : i32
      %dma_start3A_614 = arith.constant 0 : i32
      %dma_start3A_615 = tpu.memref_slice %arg11[%dma_start3A_613, %dma_start3A_614] : memref<16384x40xf32, #tpu.memory_space<vmem_shared>> -> memref<16384x40xf32, #tpu.memory_space<vmem_shared>>
      tpu.enqueue_indirect_dma source(%dma_start3A_609 : memref<128x40xf32, #tpu.memory_space<vmem>>) target(%dma_start3A_615 : memref<16384x40xf32, #tpu.memory_space<vmem_shared>>) offsets(%dma_start3A_612 : memref<128xi32, #tpu.memory_space<vmem>>) semaphore(%arg25 : memref<!tpu.dma_semaphore, #tpu.memory_space<semaphore_mem>>) {add = true}
      %dma_wait3A_616 = arith.constant 0 : i32
      %dma_wait3A_617 = arith.constant 6 : i32
      %dma_wait3A_618 = arith.constant 0 : i32
      %dma_wait3A_619 = arith.constant 0 : i32
      %dma_wait3A_620 = tpu.memref_slice %arg10[%dma_wait3A_617, %dma_wait3A_618, %dma_wait3A_619] : memref<8x128x40xf32, #tpu.memory_space<vmem>> -> memref<1x128x40xf32, #tpu.memory_space<vmem>>
      %dma_wait3A_621 = tpu.memref_squeeze %dma_wait3A_620 : memref<1x128x40xf32, #tpu.memory_space<vmem>> -> memref<128x40xf32, #tpu.memory_space<vmem>>
      %dma_wait3A_622 = arith.constant 0 : i32
      %dma_wait3A_623 = tpu.memref_slice %arg9[%dma_wait3A_616, %dma_wait3A_622] : memref<64x128xi32, #tpu.memory_space<vmem>> -> memref<1x128xi32, #tpu.memory_space<vmem>>
      %dma_wait3A_624 = tpu.memref_squeeze %dma_wait3A_623 : memref<1x128xi32, #tpu.memory_space<vmem>> -> memref<128xi32, #tpu.memory_space<vmem>>
      %dma_wait3A_625 = arith.constant 0 : i32
      %dma_wait3A_626 = arith.constant 0 : i32
      %dma_wait3A_627 = tpu.memref_slice %arg2[%dma_wait3A_625, %dma_wait3A_626] : memref<114688x40xf32, #tpu.memory_space<hbm>> -> memref<114688x40xf32, #tpu.memory_space<hbm>>
      tpu.wait_indirect_dma semaphore(%arg18 : memref<!tpu.dma_semaphore, #tpu.memory_space<semaphore_mem>>) src(%dma_wait3A_627 : memref<114688x40xf32, #tpu.memory_space<hbm>>) dst(%dma_wait3A_621 : memref<128x40xf32, #tpu.memory_space<vmem>>)
      %add3A_628 = arith.constant 6 : i32
      %add3A_629 = arith.addi %mul3A_465, %add3A_628 : i32
      %dma_start3A_630 = arith.constant 6 : i32
      %dma_start3A_631 = arith.constant 0 : i32
      %dma_start3A_632 = arith.constant 0 : i32
      %dma_start3A_633 = tpu.memref_slice %arg10[%dma_start3A_630, %dma_start3A_631, %dma_start3A_632] : memref<8x128x40xf32, #tpu.memory_space<vmem>> -> memref<1x128x40xf32, #tpu.memory_space<vmem>>
      %dma_start3A_634 = tpu.memref_squeeze %dma_start3A_633 : memref<1x128x40xf32, #tpu.memory_space<vmem>> -> memref<128x40xf32, #tpu.memory_space<vmem>>
      %dma_start3A_635 = arith.constant 0 : i32
      %dma_start3A_636 = tpu.memref_slice %arg8[%add3A_629, %dma_start3A_635] : memref<64x128xi32, #tpu.memory_space<vmem>> -> memref<1x128xi32, #tpu.memory_space<vmem>>
      %dma_start3A_637 = tpu.memref_squeeze %dma_start3A_636 : memref<1x128xi32, #tpu.memory_space<vmem>> -> memref<128xi32, #tpu.memory_space<vmem>>
      %dma_start3A_638 = arith.constant 0 : i32
      %dma_start3A_639 = arith.constant 0 : i32
      %dma_start3A_640 = tpu.memref_slice %arg11[%dma_start3A_638, %dma_start3A_639] : memref<16384x40xf32, #tpu.memory_space<vmem_shared>> -> memref<16384x40xf32, #tpu.memory_space<vmem_shared>>
      tpu.enqueue_indirect_dma source(%dma_start3A_634 : memref<128x40xf32, #tpu.memory_space<vmem>>) target(%dma_start3A_640 : memref<16384x40xf32, #tpu.memory_space<vmem_shared>>) offsets(%dma_start3A_637 : memref<128xi32, #tpu.memory_space<vmem>>) semaphore(%arg26 : memref<!tpu.dma_semaphore, #tpu.memory_space<semaphore_mem>>) {add = true}
      %dma_wait3A_641 = arith.constant 0 : i32
      %dma_wait3A_642 = arith.constant 7 : i32
      %dma_wait3A_643 = arith.constant 0 : i32
      %dma_wait3A_644 = arith.constant 0 : i32
      %dma_wait3A_645 = tpu.memref_slice %arg10[%dma_wait3A_642, %dma_wait3A_643, %dma_wait3A_644] : memref<8x128x40xf32, #tpu.memory_space<vmem>> -> memref<1x128x40xf32, #tpu.memory_space<vmem>>
      %dma_wait3A_646 = tpu.memref_squeeze %dma_wait3A_645 : memref<1x128x40xf32, #tpu.memory_space<vmem>> -> memref<128x40xf32, #tpu.memory_space<vmem>>
      %dma_wait3A_647 = arith.constant 0 : i32
      %dma_wait3A_648 = tpu.memref_slice %arg9[%dma_wait3A_641, %dma_wait3A_647] : memref<64x128xi32, #tpu.memory_space<vmem>> -> memref<1x128xi32, #tpu.memory_space<vmem>>
      %dma_wait3A_649 = tpu.memref_squeeze %dma_wait3A_648 : memref<1x128xi32, #tpu.memory_space<vmem>> -> memref<128xi32, #tpu.memory_space<vmem>>
      %dma_wait3A_650 = arith.constant 0 : i32
      %dma_wait3A_651 = arith.constant 0 : i32
      %dma_wait3A_652 = tpu.memref_slice %arg2[%dma_wait3A_650, %dma_wait3A_651] : memref<114688x40xf32, #tpu.memory_space<hbm>> -> memref<114688x40xf32, #tpu.memory_space<hbm>>
      tpu.wait_indirect_dma semaphore(%arg19 : memref<!tpu.dma_semaphore, #tpu.memory_space<semaphore_mem>>) src(%dma_wait3A_652 : memref<114688x40xf32, #tpu.memory_space<hbm>>) dst(%dma_wait3A_646 : memref<128x40xf32, #tpu.memory_space<vmem>>)
      %add3A_653 = arith.constant 7 : i32
      %add3A_654 = arith.addi %mul3A_465, %add3A_653 : i32
      %dma_start3A_655 = arith.constant 7 : i32
      %dma_start3A_656 = arith.constant 0 : i32
      %dma_start3A_657 = arith.constant 0 : i32
      %dma_start3A_658 = tpu.memref_slice %arg10[%dma_start3A_655, %dma_start3A_656, %dma_start3A_657] : memref<8x128x40xf32, #tpu.memory_space<vmem>> -> memref<1x128x40xf32, #tpu.memory_space<vmem>>
      %dma_start3A_659 = tpu.memref_squeeze %dma_start3A_658 : memref<1x128x40xf32, #tpu.memory_space<vmem>> -> memref<128x40xf32, #tpu.memory_space<vmem>>
      %dma_start3A_660 = arith.constant 0 : i32
      %dma_start3A_661 = tpu.memref_slice %arg8[%add3A_654, %dma_start3A_660] : memref<64x128xi32, #tpu.memory_space<vmem>> -> memref<1x128xi32, #tpu.memory_space<vmem>>
      %dma_start3A_662 = tpu.memref_squeeze %dma_start3A_661 : memref<1x128xi32, #tpu.memory_space<vmem>> -> memref<128xi32, #tpu.memory_space<vmem>>
      %dma_start3A_663 = arith.constant 0 : i32
      %dma_start3A_664 = arith.constant 0 : i32
      %dma_start3A_665 = tpu.memref_slice %arg11[%dma_start3A_663, %dma_start3A_664] : memref<16384x40xf32, #tpu.memory_space<vmem_shared>> -> memref<16384x40xf32, #tpu.memory_space<vmem_shared>>
      tpu.enqueue_indirect_dma source(%dma_start3A_659 : memref<128x40xf32, #tpu.memory_space<vmem>>) target(%dma_start3A_665 : memref<16384x40xf32, #tpu.memory_space<vmem_shared>>) offsets(%dma_start3A_662 : memref<128xi32, #tpu.memory_space<vmem>>) semaphore(%arg27 : memref<!tpu.dma_semaphore, #tpu.memory_space<semaphore_mem>>) {add = true}
      %dma_wait3A_666 = arith.constant 0 : i32
      %dma_wait3A_667 = arith.constant 0 : i32
      %dma_wait3A_668 = arith.constant 0 : i32
      %dma_wait3A_669 = arith.constant 0 : i32
      %dma_wait3A_670 = tpu.memref_slice %arg10[%dma_wait3A_666, %dma_wait3A_668, %dma_wait3A_669] : memref<8x128x40xf32, #tpu.memory_space<vmem>> -> memref<1x128x40xf32, #tpu.memory_space<vmem>>
      %dma_wait3A_671 = tpu.memref_squeeze %dma_wait3A_670 : memref<1x128x40xf32, #tpu.memory_space<vmem>> -> memref<128x40xf32, #tpu.memory_space<vmem>>
      %dma_wait3A_672 = arith.constant 0 : i32
      %dma_wait3A_673 = tpu.memref_slice %arg8[%dma_wait3A_667, %dma_wait3A_672] : memref<64x128xi32, #tpu.memory_space<vmem>> -> memref<1x128xi32, #tpu.memory_space<vmem>>
      %dma_wait3A_674 = tpu.memref_squeeze %dma_wait3A_673 : memref<1x128xi32, #tpu.memory_space<vmem>> -> memref<128xi32, #tpu.memory_space<vmem>>
      %dma_wait3A_675 = arith.constant 0 : i32
      %dma_wait3A_676 = arith.constant 0 : i32
      %dma_wait3A_677 = tpu.memref_slice %arg11[%dma_wait3A_675, %dma_wait3A_676] : memref<16384x40xf32, #tpu.memory_space<vmem_shared>> -> memref<16384x40xf32, #tpu.memory_space<vmem_shared>>
      tpu.wait_indirect_dma semaphore(%arg20 : memref<!tpu.dma_semaphore, #tpu.memory_space<semaphore_mem>>) src(%dma_wait3A_671 : memref<128x40xf32, #tpu.memory_space<vmem>>) dst(%dma_wait3A_677 : memref<16384x40xf32, #tpu.memory_space<vmem_shared>>)
      %add3A_678 = arith.constant 8 : i32
      %add3A_679 = arith.addi %mul3A_465, %add3A_678 : i32
      %add3A_680 = arith.constant 0 : i32
      %add3A_681 = arith.addi %add3A_679, %add3A_680 : i32
      %dma_start3A_682 = arith.constant 0 : i32
      %dma_start3A_683 = arith.constant 0 : i32
      %dma_start3A_684 = arith.constant 0 : i32
      %dma_start3A_685 = tpu.memref_slice %arg10[%dma_start3A_682, %dma_start3A_683, %dma_start3A_684] : memref<8x128x40xf32, #tpu.memory_space<vmem>> -> memref<1x128x40xf32, #tpu.memory_space<vmem>>
      %dma_start3A_686 = tpu.memref_squeeze %dma_start3A_685 : memref<1x128x40xf32, #tpu.memory_space<vmem>> -> memref<128x40xf32, #tpu.memory_space<vmem>>
      %dma_start3A_687 = arith.constant 0 : i32
      %dma_start3A_688 = tpu.memref_slice %arg9[%add3A_681, %dma_start3A_687] : memref<64x128xi32, #tpu.memory_space<vmem>> -> memref<1x128xi32, #tpu.memory_space<vmem>>
      %dma_start3A_689 = tpu.memref_squeeze %dma_start3A_688 : memref<1x128xi32, #tpu.memory_space<vmem>> -> memref<128xi32, #tpu.memory_space<vmem>>
      %dma_start3A_690 = arith.constant 0 : i32
      %dma_start3A_691 = arith.constant 0 : i32
      %dma_start3A_692 = tpu.memref_slice %arg2[%dma_start3A_690, %dma_start3A_691] : memref<114688x40xf32, #tpu.memory_space<hbm>> -> memref<114688x40xf32, #tpu.memory_space<hbm>>
      tpu.enqueue_indirect_dma source(%dma_start3A_692 : memref<114688x40xf32, #tpu.memory_space<hbm>>) target(%dma_start3A_686 : memref<128x40xf32, #tpu.memory_space<vmem>>) offsets(%dma_start3A_689 : memref<128xi32, #tpu.memory_space<vmem>>) semaphore(%arg12 : memref<!tpu.dma_semaphore, #tpu.memory_space<semaphore_mem>>)
      %dma_wait3A_693 = arith.constant 1 : i32
      %dma_wait3A_694 = arith.constant 0 : i32
      %dma_wait3A_695 = arith.constant 0 : i32
      %dma_wait3A_696 = arith.constant 0 : i32
      %dma_wait3A_697 = tpu.memref_slice %arg10[%dma_wait3A_693, %dma_wait3A_695, %dma_wait3A_696] : memref<8x128x40xf32, #tpu.memory_space<vmem>> -> memref<1x128x40xf32, #tpu.memory_space<vmem>>
      %dma_wait3A_698 = tpu.memref_squeeze %dma_wait3A_697 : memref<1x128x40xf32, #tpu.memory_space<vmem>> -> memref<128x40xf32, #tpu.memory_space<vmem>>
      %dma_wait3A_699 = arith.constant 0 : i32
      %dma_wait3A_700 = tpu.memref_slice %arg8[%dma_wait3A_694, %dma_wait3A_699] : memref<64x128xi32, #tpu.memory_space<vmem>> -> memref<1x128xi32, #tpu.memory_space<vmem>>
      %dma_wait3A_701 = tpu.memref_squeeze %dma_wait3A_700 : memref<1x128xi32, #tpu.memory_space<vmem>> -> memref<128xi32, #tpu.memory_space<vmem>>
      %dma_wait3A_702 = arith.constant 0 : i32
      %dma_wait3A_703 = arith.constant 0 : i32
      %dma_wait3A_704 = tpu.memref_slice %arg11[%dma_wait3A_702, %dma_wait3A_703] : memref<16384x40xf32, #tpu.memory_space<vmem_shared>> -> memref<16384x40xf32, #tpu.memory_space<vmem_shared>>
      tpu.wait_indirect_dma semaphore(%arg21 : memref<!tpu.dma_semaphore, #tpu.memory_space<semaphore_mem>>) src(%dma_wait3A_698 : memref<128x40xf32, #tpu.memory_space<vmem>>) dst(%dma_wait3A_704 : memref<16384x40xf32, #tpu.memory_space<vmem_shared>>)
      %add3A_705 = arith.constant 8 : i32
      %add3A_706 = arith.addi %mul3A_465, %add3A_705 : i32
      %add3A_707 = arith.constant 1 : i32
      %add3A_708 = arith.addi %add3A_706, %add3A_707 : i32
      %dma_start3A_709 = arith.constant 1 : i32
      %dma_start3A_710 = arith.constant 0 : i32
      %dma_start3A_711 = arith.constant 0 : i32
      %dma_start3A_712 = tpu.memref_slice %arg10[%dma_start3A_709, %dma_start3A_710, %dma_start3A_711] : memref<8x128x40xf32, #tpu.memory_space<vmem>> -> memref<1x128x40xf32, #tpu.memory_space<vmem>>
      %dma_start3A_713 = tpu.memref_squeeze %dma_start3A_712 : memref<1x128x40xf32, #tpu.memory_space<vmem>> -> memref<128x40xf32, #tpu.memory_space<vmem>>
      %dma_start3A_714 = arith.constant 0 : i32
      %dma_start3A_715 = tpu.memref_slice %arg9[%add3A_708, %dma_start3A_714] : memref<64x128xi32, #tpu.memory_space<vmem>> -> memref<1x128xi32, #tpu.memory_space<vmem>>
      %dma_start3A_716 = tpu.memref_squeeze %dma_start3A_715 : memref<1x128xi32, #tpu.memory_space<vmem>> -> memref<128xi32, #tpu.memory_space<vmem>>
      %dma_start3A_717 = arith.constant 0 : i32
      %dma_start3A_718 = arith.constant 0 : i32
      %dma_start3A_719 = tpu.memref_slice %arg2[%dma_start3A_717, %dma_start3A_718] : memref<114688x40xf32, #tpu.memory_space<hbm>> -> memref<114688x40xf32, #tpu.memory_space<hbm>>
      tpu.enqueue_indirect_dma source(%dma_start3A_719 : memref<114688x40xf32, #tpu.memory_space<hbm>>) target(%dma_start3A_713 : memref<128x40xf32, #tpu.memory_space<vmem>>) offsets(%dma_start3A_716 : memref<128xi32, #tpu.memory_space<vmem>>) semaphore(%arg13 : memref<!tpu.dma_semaphore, #tpu.memory_space<semaphore_mem>>)
      %dma_wait3A_720 = arith.constant 2 : i32
      %dma_wait3A_721 = arith.constant 0 : i32
      %dma_wait3A_722 = arith.constant 0 : i32
      %dma_wait3A_723 = arith.constant 0 : i32
      %dma_wait3A_724 = tpu.memref_slice %arg10[%dma_wait3A_720, %dma_wait3A_722, %dma_wait3A_723] : memref<8x128x40xf32, #tpu.memory_space<vmem>> -> memref<1x128x40xf32, #tpu.memory_space<vmem>>
      %dma_wait3A_725 = tpu.memref_squeeze %dma_wait3A_724 : memref<1x128x40xf32, #tpu.memory_space<vmem>> -> memref<128x40xf32, #tpu.memory_space<vmem>>
      %dma_wait3A_726 = arith.constant 0 : i32
      %dma_wait3A_727 = tpu.memref_slice %arg8[%dma_wait3A_721, %dma_wait3A_726] : memref<64x128xi32, #tpu.memory_space<vmem>> -> memref<1x128xi32, #tpu.memory_space<vmem>>
      %dma_wait3A_728 = tpu.memref_squeeze %dma_wait3A_727 : memref<1x128xi32, #tpu.memory_space<vmem>> -> memref<128xi32, #tpu.memory_space<vmem>>
      %dma_wait3A_729 = arith.constant 0 : i32
      %dma_wait3A_730 = arith.constant 0 : i32
      %dma_wait3A_731 = tpu.memref_slice %arg11[%dma_wait3A_729, %dma_wait3A_730] : memref<16384x40xf32, #tpu.memory_space<vmem_shared>> -> memref<16384x40xf32, #tpu.memory_space<vmem_shared>>
      tpu.wait_indirect_dma semaphore(%arg22 : memref<!tpu.dma_semaphore, #tpu.memory_space<semaphore_mem>>) src(%dma_wait3A_725 : memref<128x40xf32, #tpu.memory_space<vmem>>) dst(%dma_wait3A_731 : memref<16384x40xf32, #tpu.memory_space<vmem_shared>>)
      %add3A_732 = arith.constant 8 : i32
      %add3A_733 = arith.addi %mul3A_465, %add3A_732 : i32
      %add3A_734 = arith.constant 2 : i32
      %add3A_735 = arith.addi %add3A_733, %add3A_734 : i32
      %dma_start3A_736 = arith.constant 2 : i32
      %dma_start3A_737 = arith.constant 0 : i32
      %dma_start3A_738 = arith.constant 0 : i32
      %dma_start3A_739 = tpu.memref_slice %arg10[%dma_start3A_736, %dma_start3A_737, %dma_start3A_738] : memref<8x128x40xf32, #tpu.memory_space<vmem>> -> memref<1x128x40xf32, #tpu.memory_space<vmem>>
      %dma_start3A_740 = tpu.memref_squeeze %dma_start3A_739 : memref<1x128x40xf32, #tpu.memory_space<vmem>> -> memref<128x40xf32, #tpu.memory_space<vmem>>
      %dma_start3A_741 = arith.constant 0 : i32
      %dma_start3A_742 = tpu.memref_slice %arg9[%add3A_735, %dma_start3A_741] : memref<64x128xi32, #tpu.memory_space<vmem>> -> memref<1x128xi32, #tpu.memory_space<vmem>>
      %dma_start3A_743 = tpu.memref_squeeze %dma_start3A_742 : memref<1x128xi32, #tpu.memory_space<vmem>> -> memref<128xi32, #tpu.memory_space<vmem>>
      %dma_start3A_744 = arith.constant 0 : i32
      %dma_start3A_745 = arith.constant 0 : i32
      %dma_start3A_746 = tpu.memref_slice %arg2[%dma_start3A_744, %dma_start3A_745] : memref<114688x40xf32, #tpu.memory_space<hbm>> -> memref<114688x40xf32, #tpu.memory_space<hbm>>
      tpu.enqueue_indirect_dma source(%dma_start3A_746 : memref<114688x40xf32, #tpu.memory_space<hbm>>) target(%dma_start3A_740 : memref<128x40xf32, #tpu.memory_space<vmem>>) offsets(%dma_start3A_743 : memref<128xi32, #tpu.memory_space<vmem>>) semaphore(%arg14 : memref<!tpu.dma_semaphore, #tpu.memory_space<semaphore_mem>>)
      %dma_wait3A_747 = arith.constant 3 : i32
      %dma_wait3A_748 = arith.constant 0 : i32
      %dma_wait3A_749 = arith.constant 0 : i32
      %dma_wait3A_750 = arith.constant 0 : i32
      %dma_wait3A_751 = tpu.memref_slice %arg10[%dma_wait3A_747, %dma_wait3A_749, %dma_wait3A_750] : memref<8x128x40xf32, #tpu.memory_space<vmem>> -> memref<1x128x40xf32, #tpu.memory_space<vmem>>
      %dma_wait3A_752 = tpu.memref_squeeze %dma_wait3A_751 : memref<1x128x40xf32, #tpu.memory_space<vmem>> -> memref<128x40xf32, #tpu.memory_space<vmem>>
      %dma_wait3A_753 = arith.constant 0 : i32
      %dma_wait3A_754 = tpu.memref_slice %arg8[%dma_wait3A_748, %dma_wait3A_753] : memref<64x128xi32, #tpu.memory_space<vmem>> -> memref<1x128xi32, #tpu.memory_space<vmem>>
      %dma_wait3A_755 = tpu.memref_squeeze %dma_wait3A_754 : memref<1x128xi32, #tpu.memory_space<vmem>> -> memref<128xi32, #tpu.memory_space<vmem>>
      %dma_wait3A_756 = arith.constant 0 : i32
      %dma_wait3A_757 = arith.constant 0 : i32
      %dma_wait3A_758 = tpu.memref_slice %arg11[%dma_wait3A_756, %dma_wait3A_757] : memref<16384x40xf32, #tpu.memory_space<vmem_shared>> -> memref<16384x40xf32, #tpu.memory_space<vmem_shared>>
      tpu.wait_indirect_dma semaphore(%arg23 : memref<!tpu.dma_semaphore, #tpu.memory_space<semaphore_mem>>) src(%dma_wait3A_752 : memref<128x40xf32, #tpu.memory_space<vmem>>) dst(%dma_wait3A_758 : memref<16384x40xf32, #tpu.memory_space<vmem_shared>>)
      %add3A_759 = arith.constant 8 : i32
      %add3A_760 = arith.addi %mul3A_465, %add3A_759 : i32
      %add3A_761 = arith.constant 3 : i32
      %add3A_762 = arith.addi %add3A_760, %add3A_761 : i32
      %dma_start3A_763 = arith.constant 3 : i32
      %dma_start3A_764 = arith.constant 0 : i32
      %dma_start3A_765 = arith.constant 0 : i32
      %dma_start3A_766 = tpu.memref_slice %arg10[%dma_start3A_763, %dma_start3A_764, %dma_start3A_765] : memref<8x128x40xf32, #tpu.memory_space<vmem>> -> memref<1x128x40xf32, #tpu.memory_space<vmem>>
      %dma_start3A_767 = tpu.memref_squeeze %dma_start3A_766 : memref<1x128x40xf32, #tpu.memory_space<vmem>> -> memref<128x40xf32, #tpu.memory_space<vmem>>
      %dma_start3A_768 = arith.constant 0 : i32
      %dma_start3A_769 = tpu.memref_slice %arg9[%add3A_762, %dma_start3A_768] : memref<64x128xi32, #tpu.memory_space<vmem>> -> memref<1x128xi32, #tpu.memory_space<vmem>>
      %dma_start3A_770 = tpu.memref_squeeze %dma_start3A_769 : memref<1x128xi32, #tpu.memory_space<vmem>> -> memref<128xi32, #tpu.memory_space<vmem>>
      %dma_start3A_771 = arith.constant 0 : i32
      %dma_start3A_772 = arith.constant 0 : i32
      %dma_start3A_773 = tpu.memref_slice %arg2[%dma_start3A_771, %dma_start3A_772] : memref<114688x40xf32, #tpu.memory_space<hbm>> -> memref<114688x40xf32, #tpu.memory_space<hbm>>
      tpu.enqueue_indirect_dma source(%dma_start3A_773 : memref<114688x40xf32, #tpu.memory_space<hbm>>) target(%dma_start3A_767 : memref<128x40xf32, #tpu.memory_space<vmem>>) offsets(%dma_start3A_770 : memref<128xi32, #tpu.memory_space<vmem>>) semaphore(%arg15 : memref<!tpu.dma_semaphore, #tpu.memory_space<semaphore_mem>>)
      %dma_wait3A_774 = arith.constant 4 : i32
      %dma_wait3A_775 = arith.constant 0 : i32
      %dma_wait3A_776 = arith.constant 0 : i32
      %dma_wait3A_777 = arith.constant 0 : i32
      %dma_wait3A_778 = tpu.memref_slice %arg10[%dma_wait3A_774, %dma_wait3A_776, %dma_wait3A_777] : memref<8x128x40xf32, #tpu.memory_space<vmem>> -> memref<1x128x40xf32, #tpu.memory_space<vmem>>
      %dma_wait3A_779 = tpu.memref_squeeze %dma_wait3A_778 : memref<1x128x40xf32, #tpu.memory_space<vmem>> -> memref<128x40xf32, #tpu.memory_space<vmem>>
      %dma_wait3A_780 = arith.constant 0 : i32
      %dma_wait3A_781 = tpu.memref_slice %arg8[%dma_wait3A_775, %dma_wait3A_780] : memref<64x128xi32, #tpu.memory_space<vmem>> -> memref<1x128xi32, #tpu.memory_space<vmem>>
      %dma_wait3A_782 = tpu.memref_squeeze %dma_wait3A_781 : memref<1x128xi32, #tpu.memory_space<vmem>> -> memref<128xi32, #tpu.memory_space<vmem>>
      %dma_wait3A_783 = arith.constant 0 : i32
      %dma_wait3A_784 = arith.constant 0 : i32
      %dma_wait3A_785 = tpu.memref_slice %arg11[%dma_wait3A_783, %dma_wait3A_784] : memref<16384x40xf32, #tpu.memory_space<vmem_shared>> -> memref<16384x40xf32, #tpu.memory_space<vmem_shared>>
      tpu.wait_indirect_dma semaphore(%arg24 : memref<!tpu.dma_semaphore, #tpu.memory_space<semaphore_mem>>) src(%dma_wait3A_779 : memref<128x40xf32, #tpu.memory_space<vmem>>) dst(%dma_wait3A_785 : memref<16384x40xf32, #tpu.memory_space<vmem_shared>>)
      %add3A_786 = arith.constant 8 : i32
      %add3A_787 = arith.addi %mul3A_465, %add3A_786 : i32
      %add3A_788 = arith.constant 4 : i32
      %add3A_789 = arith.addi %add3A_787, %add3A_788 : i32
      %dma_start3A_790 = arith.constant 4 : i32
      %dma_start3A_791 = arith.constant 0 : i32
      %dma_start3A_792 = arith.constant 0 : i32
      %dma_start3A_793 = tpu.memref_slice %arg10[%dma_start3A_790, %dma_start3A_791, %dma_start3A_792] : memref<8x128x40xf32, #tpu.memory_space<vmem>> -> memref<1x128x40xf32, #tpu.memory_space<vmem>>
      %dma_start3A_794 = tpu.memref_squeeze %dma_start3A_793 : memref<1x128x40xf32, #tpu.memory_space<vmem>> -> memref<128x40xf32, #tpu.memory_space<vmem>>
      %dma_start3A_795 = arith.constant 0 : i32
      %dma_start3A_796 = tpu.memref_slice %arg9[%add3A_789, %dma_start3A_795] : memref<64x128xi32, #tpu.memory_space<vmem>> -> memref<1x128xi32, #tpu.memory_space<vmem>>
      %dma_start3A_797 = tpu.memref_squeeze %dma_start3A_796 : memref<1x128xi32, #tpu.memory_space<vmem>> -> memref<128xi32, #tpu.memory_space<vmem>>
      %dma_start3A_798 = arith.constant 0 : i32
      %dma_start3A_799 = arith.constant 0 : i32
      %dma_start3A_800 = tpu.memref_slice %arg2[%dma_start3A_798, %dma_start3A_799] : memref<114688x40xf32, #tpu.memory_space<hbm>> -> memref<114688x40xf32, #tpu.memory_space<hbm>>
      tpu.enqueue_indirect_dma source(%dma_start3A_800 : memref<114688x40xf32, #tpu.memory_space<hbm>>) target(%dma_start3A_794 : memref<128x40xf32, #tpu.memory_space<vmem>>) offsets(%dma_start3A_797 : memref<128xi32, #tpu.memory_space<vmem>>) semaphore(%arg16 : memref<!tpu.dma_semaphore, #tpu.memory_space<semaphore_mem>>)
      %dma_wait3A_801 = arith.constant 5 : i32
      %dma_wait3A_802 = arith.constant 0 : i32
      %dma_wait3A_803 = arith.constant 0 : i32
      %dma_wait3A_804 = arith.constant 0 : i32
      %dma_wait3A_805 = tpu.memref_slice %arg10[%dma_wait3A_801, %dma_wait3A_803, %dma_wait3A_804] : memref<8x128x40xf32, #tpu.memory_space<vmem>> -> memref<1x128x40xf32, #tpu.memory_space<vmem>>
      %dma_wait3A_806 = tpu.memref_squeeze %dma_wait3A_805 : memref<1x128x40xf32, #tpu.memory_space<vmem>> -> memref<128x40xf32, #tpu.memory_space<vmem>>
      %dma_wait3A_807 = arith.constant 0 : i32
      %dma_wait3A_808 = tpu.memref_slice %arg8[%dma_wait3A_802, %dma_wait3A_807] : memref<64x128xi32, #tpu.memory_space<vmem>> -> memref<1x128xi32, #tpu.memory_space<vmem>>
      %dma_wait3A_809 = tpu.memref_squeeze %dma_wait3A_808 : memref<1x128xi32, #tpu.memory_space<vmem>> -> memref<128xi32, #tpu.memory_space<vmem>>
      %dma_wait3A_810 = arith.constant 0 : i32
      %dma_wait3A_811 = arith.constant 0 : i32
      %dma_wait3A_812 = tpu.memref_slice %arg11[%dma_wait3A_810, %dma_wait3A_811] : memref<16384x40xf32, #tpu.memory_space<vmem_shared>> -> memref<16384x40xf32, #tpu.memory_space<vmem_shared>>
      tpu.wait_indirect_dma semaphore(%arg25 : memref<!tpu.dma_semaphore, #tpu.memory_space<semaphore_mem>>) src(%dma_wait3A_806 : memref<128x40xf32, #tpu.memory_space<vmem>>) dst(%dma_wait3A_812 : memref<16384x40xf32, #tpu.memory_space<vmem_shared>>)
      %add3A_813 = arith.constant 8 : i32
      %add3A_814 = arith.addi %mul3A_465, %add3A_813 : i32
      %add3A_815 = arith.constant 5 : i32
      %add3A_816 = arith.addi %add3A_814, %add3A_815 : i32
      %dma_start3A_817 = arith.constant 5 : i32
      %dma_start3A_818 = arith.constant 0 : i32
      %dma_start3A_819 = arith.constant 0 : i32
      %dma_start3A_820 = tpu.memref_slice %arg10[%dma_start3A_817, %dma_start3A_818, %dma_start3A_819] : memref<8x128x40xf32, #tpu.memory_space<vmem>> -> memref<1x128x40xf32, #tpu.memory_space<vmem>>
      %dma_start3A_821 = tpu.memref_squeeze %dma_start3A_820 : memref<1x128x40xf32, #tpu.memory_space<vmem>> -> memref<128x40xf32, #tpu.memory_space<vmem>>
      %dma_start3A_822 = arith.constant 0 : i32
      %dma_start3A_823 = tpu.memref_slice %arg9[%add3A_816, %dma_start3A_822] : memref<64x128xi32, #tpu.memory_space<vmem>> -> memref<1x128xi32, #tpu.memory_space<vmem>>
      %dma_start3A_824 = tpu.memref_squeeze %dma_start3A_823 : memref<1x128xi32, #tpu.memory_space<vmem>> -> memref<128xi32, #tpu.memory_space<vmem>>
      %dma_start3A_825 = arith.constant 0 : i32
      %dma_start3A_826 = arith.constant 0 : i32
      %dma_start3A_827 = tpu.memref_slice %arg2[%dma_start3A_825, %dma_start3A_826] : memref<114688x40xf32, #tpu.memory_space<hbm>> -> memref<114688x40xf32, #tpu.memory_space<hbm>>
      tpu.enqueue_indirect_dma source(%dma_start3A_827 : memref<114688x40xf32, #tpu.memory_space<hbm>>) target(%dma_start3A_821 : memref<128x40xf32, #tpu.memory_space<vmem>>) offsets(%dma_start3A_824 : memref<128xi32, #tpu.memory_space<vmem>>) semaphore(%arg17 : memref<!tpu.dma_semaphore, #tpu.memory_space<semaphore_mem>>)
      %dma_wait3A_828 = arith.constant 6 : i32
      %dma_wait3A_829 = arith.constant 0 : i32
      %dma_wait3A_830 = arith.constant 0 : i32
      %dma_wait3A_831 = arith.constant 0 : i32
      %dma_wait3A_832 = tpu.memref_slice %arg10[%dma_wait3A_828, %dma_wait3A_830, %dma_wait3A_831] : memref<8x128x40xf32, #tpu.memory_space<vmem>> -> memref<1x128x40xf32, #tpu.memory_space<vmem>>
      %dma_wait3A_833 = tpu.memref_squeeze %dma_wait3A_832 : memref<1x128x40xf32, #tpu.memory_space<vmem>> -> memref<128x40xf32, #tpu.memory_space<vmem>>
      %dma_wait3A_834 = arith.constant 0 : i32
      %dma_wait3A_835 = tpu.memref_slice %arg8[%dma_wait3A_829, %dma_wait3A_834] : memref<64x128xi32, #tpu.memory_space<vmem>> -> memref<1x128xi32, #tpu.memory_space<vmem>>
      %dma_wait3A_836 = tpu.memref_squeeze %dma_wait3A_835 : memref<1x128xi32, #tpu.memory_space<vmem>> -> memref<128xi32, #tpu.memory_space<vmem>>
      %dma_wait3A_837 = arith.constant 0 : i32
      %dma_wait3A_838 = arith.constant 0 : i32
      %dma_wait3A_839 = tpu.memref_slice %arg11[%dma_wait3A_837, %dma_wait3A_838] : memref<16384x40xf32, #tpu.memory_space<vmem_shared>> -> memref<16384x40xf32, #tpu.memory_space<vmem_shared>>
      tpu.wait_indirect_dma semaphore(%arg26 : memref<!tpu.dma_semaphore, #tpu.memory_space<semaphore_mem>>) src(%dma_wait3A_833 : memref<128x40xf32, #tpu.memory_space<vmem>>) dst(%dma_wait3A_839 : memref<16384x40xf32, #tpu.memory_space<vmem_shared>>)
      %add3A_840 = arith.constant 8 : i32
      %add3A_841 = arith.addi %mul3A_465, %add3A_840 : i32
      %add3A_842 = arith.constant 6 : i32
      %add3A_843 = arith.addi %add3A_841, %add3A_842 : i32
      %dma_start3A_844 = arith.constant 6 : i32
      %dma_start3A_845 = arith.constant 0 : i32
      %dma_start3A_846 = arith.constant 0 : i32
      %dma_start3A_847 = tpu.memref_slice %arg10[%dma_start3A_844, %dma_start3A_845, %dma_start3A_846] : memref<8x128x40xf32, #tpu.memory_space<vmem>> -> memref<1x128x40xf32, #tpu.memory_space<vmem>>
      %dma_start3A_848 = tpu.memref_squeeze %dma_start3A_847 : memref<1x128x40xf32, #tpu.memory_space<vmem>> -> memref<128x40xf32, #tpu.memory_space<vmem>>
      %dma_start3A_849 = arith.constant 0 : i32
      %dma_start3A_850 = tpu.memref_slice %arg9[%add3A_843, %dma_start3A_849] : memref<64x128xi32, #tpu.memory_space<vmem>> -> memref<1x128xi32, #tpu.memory_space<vmem>>
      %dma_start3A_851 = tpu.memref_squeeze %dma_start3A_850 : memref<1x128xi32, #tpu.memory_space<vmem>> -> memref<128xi32, #tpu.memory_space<vmem>>
      %dma_start3A_852 = arith.constant 0 : i32
      %dma_start3A_853 = arith.constant 0 : i32
      %dma_start3A_854 = tpu.memref_slice %arg2[%dma_start3A_852, %dma_start3A_853] : memref<114688x40xf32, #tpu.memory_space<hbm>> -> memref<114688x40xf32, #tpu.memory_space<hbm>>
      tpu.enqueue_indirect_dma source(%dma_start3A_854 : memref<114688x40xf32, #tpu.memory_space<hbm>>) target(%dma_start3A_848 : memref<128x40xf32, #tpu.memory_space<vmem>>) offsets(%dma_start3A_851 : memref<128xi32, #tpu.memory_space<vmem>>) semaphore(%arg18 : memref<!tpu.dma_semaphore, #tpu.memory_space<semaphore_mem>>)
      %dma_wait3A_855 = arith.constant 7 : i32
      %dma_wait3A_856 = arith.constant 0 : i32
      %dma_wait3A_857 = arith.constant 0 : i32
      %dma_wait3A_858 = arith.constant 0 : i32
      %dma_wait3A_859 = tpu.memref_slice %arg10[%dma_wait3A_855, %dma_wait3A_857, %dma_wait3A_858] : memref<8x128x40xf32, #tpu.memory_space<vmem>> -> memref<1x128x40xf32, #tpu.memory_space<vmem>>
      %dma_wait3A_860 = tpu.memref_squeeze %dma_wait3A_859 : memref<1x128x40xf32, #tpu.memory_space<vmem>> -> memref<128x40xf32, #tpu.memory_space<vmem>>
      %dma_wait3A_861 = arith.constant 0 : i32
      %dma_wait3A_862 = tpu.memref_slice %arg8[%dma_wait3A_856, %dma_wait3A_861] : memref<64x128xi32, #tpu.memory_space<vmem>> -> memref<1x128xi32, #tpu.memory_space<vmem>>
      %dma_wait3A_863 = tpu.memref_squeeze %dma_wait3A_862 : memref<1x128xi32, #tpu.memory_space<vmem>> -> memref<128xi32, #tpu.memory_space<vmem>>
      %dma_wait3A_864 = arith.constant 0 : i32
      %dma_wait3A_865 = arith.constant 0 : i32
      %dma_wait3A_866 = tpu.memref_slice %arg11[%dma_wait3A_864, %dma_wait3A_865] : memref<16384x40xf32, #tpu.memory_space<vmem_shared>> -> memref<16384x40xf32, #tpu.memory_space<vmem_shared>>
      tpu.wait_indirect_dma semaphore(%arg27 : memref<!tpu.dma_semaphore, #tpu.memory_space<semaphore_mem>>) src(%dma_wait3A_860 : memref<128x40xf32, #tpu.memory_space<vmem>>) dst(%dma_wait3A_866 : memref<16384x40xf32, #tpu.memory_space<vmem_shared>>)
      %add3A_867 = arith.constant 8 : i32
      %add3A_868 = arith.addi %mul3A_465, %add3A_867 : i32
      %add3A_869 = arith.constant 7 : i32
      %add3A_870 = arith.addi %add3A_868, %add3A_869 : i32
      %dma_start3A_871 = arith.constant 7 : i32
      %dma_start3A_872 = arith.constant 0 : i32
      %dma_start3A_873 = arith.constant 0 : i32
      %dma_start3A_874 = tpu.memref_slice %arg10[%dma_start3A_871, %dma_start3A_872, %dma_start3A_873] : memref<8x128x40xf32, #tpu.memory_space<vmem>> -> memref<1x128x40xf32, #tpu.memory_space<vmem>>
      %dma_start3A_875 = tpu.memref_squeeze %dma_start3A_874 : memref<1x128x40xf32, #tpu.memory_space<vmem>> -> memref<128x40xf32, #tpu.memory_space<vmem>>
      %dma_start3A_876 = arith.constant 0 : i32
      %dma_start3A_877 = tpu.memref_slice %arg9[%add3A_870, %dma_start3A_876] : memref<64x128xi32, #tpu.memory_space<vmem>> -> memref<1x128xi32, #tpu.memory_space<vmem>>
      %dma_start3A_878 = tpu.memref_squeeze %dma_start3A_877 : memref<1x128xi32, #tpu.memory_space<vmem>> -> memref<128xi32, #tpu.memory_space<vmem>>
      %dma_start3A_879 = arith.constant 0 : i32
      %dma_start3A_880 = arith.constant 0 : i32
      %dma_start3A_881 = tpu.memref_slice %arg2[%dma_start3A_879, %dma_start3A_880] : memref<114688x40xf32, #tpu.memory_space<hbm>> -> memref<114688x40xf32, #tpu.memory_space<hbm>>
      tpu.enqueue_indirect_dma source(%dma_start3A_881 : memref<114688x40xf32, #tpu.memory_space<hbm>>) target(%dma_start3A_875 : memref<128x40xf32, #tpu.memory_space<vmem>>) offsets(%dma_start3A_878 : memref<128xi32, #tpu.memory_space<vmem>>) semaphore(%arg19 : memref<!tpu.dma_semaphore, #tpu.memory_space<semaphore_mem>>)
    }
    %scan3A_138 = arith.constant 7 : i32
    %dma_wait3A = arith.constant 0 : i32
    %dma_wait3A_139 = arith.constant 0 : i32
    %dma_wait3A_140 = arith.constant 0 : i32
    %dma_wait3A_141 = arith.constant 0 : i32
    %dma_wait3A_142 = tpu.memref_slice %arg10[%dma_wait3A_139, %dma_wait3A_140, %dma_wait3A_141] : memref<8x128x40xf32, #tpu.memory_space<vmem>> -> memref<1x128x40xf32, #tpu.memory_space<vmem>>
    %dma_wait3A_143 = tpu.memref_squeeze %dma_wait3A_142 : memref<1x128x40xf32, #tpu.memory_space<vmem>> -> memref<128x40xf32, #tpu.memory_space<vmem>>
    %dma_wait3A_144 = arith.constant 0 : i32
    %dma_wait3A_145 = tpu.memref_slice %arg9[%dma_wait3A, %dma_wait3A_144] : memref<64x128xi32, #tpu.memory_space<vmem>> -> memref<1x128xi32, #tpu.memory_space<vmem>>
    %dma_wait3A_146 = tpu.memref_squeeze %dma_wait3A_145 : memref<1x128xi32, #tpu.memory_space<vmem>> -> memref<128xi32, #tpu.memory_space<vmem>>
    %dma_wait3A_147 = arith.constant 0 : i32
    %dma_wait3A_148 = arith.constant 0 : i32
    %dma_wait3A_149 = tpu.memref_slice %arg2[%dma_wait3A_147, %dma_wait3A_148] : memref<114688x40xf32, #tpu.memory_space<hbm>> -> memref<114688x40xf32, #tpu.memory_space<hbm>>
    tpu.wait_indirect_dma semaphore(%arg12 : memref<!tpu.dma_semaphore, #tpu.memory_space<semaphore_mem>>) src(%dma_wait3A_149 : memref<114688x40xf32, #tpu.memory_space<hbm>>) dst(%dma_wait3A_143 : memref<128x40xf32, #tpu.memory_space<vmem>>)
    %dma_start3A_150 = arith.constant 0 : i32
    %dma_start3A_151 = arith.constant 56 : i32
    %dma_start3A_152 = arith.constant 0 : i32
    %dma_start3A_153 = arith.constant 0 : i32
    %dma_start3A_154 = tpu.memref_slice %arg10[%dma_start3A_150, %dma_start3A_152, %dma_start3A_153] : memref<8x128x40xf32, #tpu.memory_space<vmem>> -> memref<1x128x40xf32, #tpu.memory_space<vmem>>
    %dma_start3A_155 = tpu.memref_squeeze %dma_start3A_154 : memref<1x128x40xf32, #tpu.memory_space<vmem>> -> memref<128x40xf32, #tpu.memory_space<vmem>>
    %dma_start3A_156 = arith.constant 0 : i32
    %dma_start3A_157 = tpu.memref_slice %arg8[%dma_start3A_151, %dma_start3A_156] : memref<64x128xi32, #tpu.memory_space<vmem>> -> memref<1x128xi32, #tpu.memory_space<vmem>>
    %dma_start3A_158 = tpu.memref_squeeze %dma_start3A_157 : memref<1x128xi32, #tpu.memory_space<vmem>> -> memref<128xi32, #tpu.memory_space<vmem>>
    %dma_start3A_159 = arith.constant 0 : i32
    %dma_start3A_160 = arith.constant 0 : i32
    %dma_start3A_161 = tpu.memref_slice %arg11[%dma_start3A_159, %dma_start3A_160] : memref<16384x40xf32, #tpu.memory_space<vmem_shared>> -> memref<16384x40xf32, #tpu.memory_space<vmem_shared>>
    tpu.enqueue_indirect_dma source(%dma_start3A_155 : memref<128x40xf32, #tpu.memory_space<vmem>>) target(%dma_start3A_161 : memref<16384x40xf32, #tpu.memory_space<vmem_shared>>) offsets(%dma_start3A_158 : memref<128xi32, #tpu.memory_space<vmem>>) semaphore(%arg20 : memref<!tpu.dma_semaphore, #tpu.memory_space<semaphore_mem>>) {add = true}
    %dma_wait3A_162 = arith.constant 0 : i32
    %dma_wait3A_163 = arith.constant 1 : i32
    %dma_wait3A_164 = arith.constant 0 : i32
    %dma_wait3A_165 = arith.constant 0 : i32
    %dma_wait3A_166 = tpu.memref_slice %arg10[%dma_wait3A_163, %dma_wait3A_164, %dma_wait3A_165] : memref<8x128x40xf32, #tpu.memory_space<vmem>> -> memref<1x128x40xf32, #tpu.memory_space<vmem>>
    %dma_wait3A_167 = tpu.memref_squeeze %dma_wait3A_166 : memref<1x128x40xf32, #tpu.memory_space<vmem>> -> memref<128x40xf32, #tpu.memory_space<vmem>>
    %dma_wait3A_168 = arith.constant 0 : i32
    %dma_wait3A_169 = tpu.memref_slice %arg9[%dma_wait3A_162, %dma_wait3A_168] : memref<64x128xi32, #tpu.memory_space<vmem>> -> memref<1x128xi32, #tpu.memory_space<vmem>>
    %dma_wait3A_170 = tpu.memref_squeeze %dma_wait3A_169 : memref<1x128xi32, #tpu.memory_space<vmem>> -> memref<128xi32, #tpu.memory_space<vmem>>
    %dma_wait3A_171 = arith.constant 0 : i32
    %dma_wait3A_172 = arith.constant 0 : i32
    %dma_wait3A_173 = tpu.memref_slice %arg2[%dma_wait3A_171, %dma_wait3A_172] : memref<114688x40xf32, #tpu.memory_space<hbm>> -> memref<114688x40xf32, #tpu.memory_space<hbm>>
    tpu.wait_indirect_dma semaphore(%arg13 : memref<!tpu.dma_semaphore, #tpu.memory_space<semaphore_mem>>) src(%dma_wait3A_173 : memref<114688x40xf32, #tpu.memory_space<hbm>>) dst(%dma_wait3A_167 : memref<128x40xf32, #tpu.memory_space<vmem>>)
    %dma_start3A_174 = arith.constant 1 : i32
    %dma_start3A_175 = arith.constant 57 : i32
    %dma_start3A_176 = arith.constant 0 : i32
    %dma_start3A_177 = arith.constant 0 : i32
    %dma_start3A_178 = tpu.memref_slice %arg10[%dma_start3A_174, %dma_start3A_176, %dma_start3A_177] : memref<8x128x40xf32, #tpu.memory_space<vmem>> -> memref<1x128x40xf32, #tpu.memory_space<vmem>>
    %dma_start3A_179 = tpu.memref_squeeze %dma_start3A_178 : memref<1x128x40xf32, #tpu.memory_space<vmem>> -> memref<128x40xf32, #tpu.memory_space<vmem>>
    %dma_start3A_180 = arith.constant 0 : i32
    %dma_start3A_181 = tpu.memref_slice %arg8[%dma_start3A_175, %dma_start3A_180] : memref<64x128xi32, #tpu.memory_space<vmem>> -> memref<1x128xi32, #tpu.memory_space<vmem>>
    %dma_start3A_182 = tpu.memref_squeeze %dma_start3A_181 : memref<1x128xi32, #tpu.memory_space<vmem>> -> memref<128xi32, #tpu.memory_space<vmem>>
    %dma_start3A_183 = arith.constant 0 : i32
    %dma_start3A_184 = arith.constant 0 : i32
    %dma_start3A_185 = tpu.memref_slice %arg11[%dma_start3A_183, %dma_start3A_184] : memref<16384x40xf32, #tpu.memory_space<vmem_shared>> -> memref<16384x40xf32, #tpu.memory_space<vmem_shared>>
    tpu.enqueue_indirect_dma source(%dma_start3A_179 : memref<128x40xf32, #tpu.memory_space<vmem>>) target(%dma_start3A_185 : memref<16384x40xf32, #tpu.memory_space<vmem_shared>>) offsets(%dma_start3A_182 : memref<128xi32, #tpu.memory_space<vmem>>) semaphore(%arg21 : memref<!tpu.dma_semaphore, #tpu.memory_space<semaphore_mem>>) {add = true}
    %dma_wait3A_186 = arith.constant 0 : i32
    %dma_wait3A_187 = arith.constant 2 : i32
    %dma_wait3A_188 = arith.constant 0 : i32
    %dma_wait3A_189 = arith.constant 0 : i32
    %dma_wait3A_190 = tpu.memref_slice %arg10[%dma_wait3A_187, %dma_wait3A_188, %dma_wait3A_189] : memref<8x128x40xf32, #tpu.memory_space<vmem>> -> memref<1x128x40xf32, #tpu.memory_space<vmem>>
    %dma_wait3A_191 = tpu.memref_squeeze %dma_wait3A_190 : memref<1x128x40xf32, #tpu.memory_space<vmem>> -> memref<128x40xf32, #tpu.memory_space<vmem>>
    %dma_wait3A_192 = arith.constant 0 : i32
    %dma_wait3A_193 = tpu.memref_slice %arg9[%dma_wait3A_186, %dma_wait3A_192] : memref<64x128xi32, #tpu.memory_space<vmem>> -> memref<1x128xi32, #tpu.memory_space<vmem>>
    %dma_wait3A_194 = tpu.memref_squeeze %dma_wait3A_193 : memref<1x128xi32, #tpu.memory_space<vmem>> -> memref<128xi32, #tpu.memory_space<vmem>>
    %dma_wait3A_195 = arith.constant 0 : i32
    %dma_wait3A_196 = arith.constant 0 : i32
    %dma_wait3A_197 = tpu.memref_slice %arg2[%dma_wait3A_195, %dma_wait3A_196] : memref<114688x40xf32, #tpu.memory_space<hbm>> -> memref<114688x40xf32, #tpu.memory_space<hbm>>
    tpu.wait_indirect_dma semaphore(%arg14 : memref<!tpu.dma_semaphore, #tpu.memory_space<semaphore_mem>>) src(%dma_wait3A_197 : memref<114688x40xf32, #tpu.memory_space<hbm>>) dst(%dma_wait3A_191 : memref<128x40xf32, #tpu.memory_space<vmem>>)
    %dma_start3A_198 = arith.constant 2 : i32
    %dma_start3A_199 = arith.constant 58 : i32
    %dma_start3A_200 = arith.constant 0 : i32
    %dma_start3A_201 = arith.constant 0 : i32
    %dma_start3A_202 = tpu.memref_slice %arg10[%dma_start3A_198, %dma_start3A_200, %dma_start3A_201] : memref<8x128x40xf32, #tpu.memory_space<vmem>> -> memref<1x128x40xf32, #tpu.memory_space<vmem>>
    %dma_start3A_203 = tpu.memref_squeeze %dma_start3A_202 : memref<1x128x40xf32, #tpu.memory_space<vmem>> -> memref<128x40xf32, #tpu.memory_space<vmem>>
    %dma_start3A_204 = arith.constant 0 : i32
    %dma_start3A_205 = tpu.memref_slice %arg8[%dma_start3A_199, %dma_start3A_204] : memref<64x128xi32, #tpu.memory_space<vmem>> -> memref<1x128xi32, #tpu.memory_space<vmem>>
    %dma_start3A_206 = tpu.memref_squeeze %dma_start3A_205 : memref<1x128xi32, #tpu.memory_space<vmem>> -> memref<128xi32, #tpu.memory_space<vmem>>
    %dma_start3A_207 = arith.constant 0 : i32
    %dma_start3A_208 = arith.constant 0 : i32
    %dma_start3A_209 = tpu.memref_slice %arg11[%dma_start3A_207, %dma_start3A_208] : memref<16384x40xf32, #tpu.memory_space<vmem_shared>> -> memref<16384x40xf32, #tpu.memory_space<vmem_shared>>
    tpu.enqueue_indirect_dma source(%dma_start3A_203 : memref<128x40xf32, #tpu.memory_space<vmem>>) target(%dma_start3A_209 : memref<16384x40xf32, #tpu.memory_space<vmem_shared>>) offsets(%dma_start3A_206 : memref<128xi32, #tpu.memory_space<vmem>>) semaphore(%arg22 : memref<!tpu.dma_semaphore, #tpu.memory_space<semaphore_mem>>) {add = true}
    %dma_wait3A_210 = arith.constant 0 : i32
    %dma_wait3A_211 = arith.constant 3 : i32
    %dma_wait3A_212 = arith.constant 0 : i32
    %dma_wait3A_213 = arith.constant 0 : i32
    %dma_wait3A_214 = tpu.memref_slice %arg10[%dma_wait3A_211, %dma_wait3A_212, %dma_wait3A_213] : memref<8x128x40xf32, #tpu.memory_space<vmem>> -> memref<1x128x40xf32, #tpu.memory_space<vmem>>
    %dma_wait3A_215 = tpu.memref_squeeze %dma_wait3A_214 : memref<1x128x40xf32, #tpu.memory_space<vmem>> -> memref<128x40xf32, #tpu.memory_space<vmem>>
    %dma_wait3A_216 = arith.constant 0 : i32
    %dma_wait3A_217 = tpu.memref_slice %arg9[%dma_wait3A_210, %dma_wait3A_216] : memref<64x128xi32, #tpu.memory_space<vmem>> -> memref<1x128xi32, #tpu.memory_space<vmem>>
    %dma_wait3A_218 = tpu.memref_squeeze %dma_wait3A_217 : memref<1x128xi32, #tpu.memory_space<vmem>> -> memref<128xi32, #tpu.memory_space<vmem>>
    %dma_wait3A_219 = arith.constant 0 : i32
    %dma_wait3A_220 = arith.constant 0 : i32
    %dma_wait3A_221 = tpu.memref_slice %arg2[%dma_wait3A_219, %dma_wait3A_220] : memref<114688x40xf32, #tpu.memory_space<hbm>> -> memref<114688x40xf32, #tpu.memory_space<hbm>>
    tpu.wait_indirect_dma semaphore(%arg15 : memref<!tpu.dma_semaphore, #tpu.memory_space<semaphore_mem>>) src(%dma_wait3A_221 : memref<114688x40xf32, #tpu.memory_space<hbm>>) dst(%dma_wait3A_215 : memref<128x40xf32, #tpu.memory_space<vmem>>)
    %dma_start3A_222 = arith.constant 3 : i32
    %dma_start3A_223 = arith.constant 59 : i32
    %dma_start3A_224 = arith.constant 0 : i32
    %dma_start3A_225 = arith.constant 0 : i32
    %dma_start3A_226 = tpu.memref_slice %arg10[%dma_start3A_222, %dma_start3A_224, %dma_start3A_225] : memref<8x128x40xf32, #tpu.memory_space<vmem>> -> memref<1x128x40xf32, #tpu.memory_space<vmem>>
    %dma_start3A_227 = tpu.memref_squeeze %dma_start3A_226 : memref<1x128x40xf32, #tpu.memory_space<vmem>> -> memref<128x40xf32, #tpu.memory_space<vmem>>
    %dma_start3A_228 = arith.constant 0 : i32
    %dma_start3A_229 = tpu.memref_slice %arg8[%dma_start3A_223, %dma_start3A_228] : memref<64x128xi32, #tpu.memory_space<vmem>> -> memref<1x128xi32, #tpu.memory_space<vmem>>
    %dma_start3A_230 = tpu.memref_squeeze %dma_start3A_229 : memref<1x128xi32, #tpu.memory_space<vmem>> -> memref<128xi32, #tpu.memory_space<vmem>>
    %dma_start3A_231 = arith.constant 0 : i32
    %dma_start3A_232 = arith.constant 0 : i32
    %dma_start3A_233 = tpu.memref_slice %arg11[%dma_start3A_231, %dma_start3A_232] : memref<16384x40xf32, #tpu.memory_space<vmem_shared>> -> memref<16384x40xf32, #tpu.memory_space<vmem_shared>>
    tpu.enqueue_indirect_dma source(%dma_start3A_227 : memref<128x40xf32, #tpu.memory_space<vmem>>) target(%dma_start3A_233 : memref<16384x40xf32, #tpu.memory_space<vmem_shared>>) offsets(%dma_start3A_230 : memref<128xi32, #tpu.memory_space<vmem>>) semaphore(%arg23 : memref<!tpu.dma_semaphore, #tpu.memory_space<semaphore_mem>>) {add = true}
    %dma_wait3A_234 = arith.constant 0 : i32
    %dma_wait3A_235 = arith.constant 4 : i32
    %dma_wait3A_236 = arith.constant 0 : i32
    %dma_wait3A_237 = arith.constant 0 : i32
    %dma_wait3A_238 = tpu.memref_slice %arg10[%dma_wait3A_235, %dma_wait3A_236, %dma_wait3A_237] : memref<8x128x40xf32, #tpu.memory_space<vmem>> -> memref<1x128x40xf32, #tpu.memory_space<vmem>>
    %dma_wait3A_239 = tpu.memref_squeeze %dma_wait3A_238 : memref<1x128x40xf32, #tpu.memory_space<vmem>> -> memref<128x40xf32, #tpu.memory_space<vmem>>
    %dma_wait3A_240 = arith.constant 0 : i32
    %dma_wait3A_241 = tpu.memref_slice %arg9[%dma_wait3A_234, %dma_wait3A_240] : memref<64x128xi32, #tpu.memory_space<vmem>> -> memref<1x128xi32, #tpu.memory_space<vmem>>
    %dma_wait3A_242 = tpu.memref_squeeze %dma_wait3A_241 : memref<1x128xi32, #tpu.memory_space<vmem>> -> memref<128xi32, #tpu.memory_space<vmem>>
    %dma_wait3A_243 = arith.constant 0 : i32
    %dma_wait3A_244 = arith.constant 0 : i32
    %dma_wait3A_245 = tpu.memref_slice %arg2[%dma_wait3A_243, %dma_wait3A_244] : memref<114688x40xf32, #tpu.memory_space<hbm>> -> memref<114688x40xf32, #tpu.memory_space<hbm>>
    tpu.wait_indirect_dma semaphore(%arg16 : memref<!tpu.dma_semaphore, #tpu.memory_space<semaphore_mem>>) src(%dma_wait3A_245 : memref<114688x40xf32, #tpu.memory_space<hbm>>) dst(%dma_wait3A_239 : memref<128x40xf32, #tpu.memory_space<vmem>>)
    %dma_start3A_246 = arith.constant 4 : i32
    %dma_start3A_247 = arith.constant 60 : i32
    %dma_start3A_248 = arith.constant 0 : i32
    %dma_start3A_249 = arith.constant 0 : i32
    %dma_start3A_250 = tpu.memref_slice %arg10[%dma_start3A_246, %dma_start3A_248, %dma_start3A_249] : memref<8x128x40xf32, #tpu.memory_space<vmem>> -> memref<1x128x40xf32, #tpu.memory_space<vmem>>
    %dma_start3A_251 = tpu.memref_squeeze %dma_start3A_250 : memref<1x128x40xf32, #tpu.memory_space<vmem>> -> memref<128x40xf32, #tpu.memory_space<vmem>>
    %dma_start3A_252 = arith.constant 0 : i32
    %dma_start3A_253 = tpu.memref_slice %arg8[%dma_start3A_247, %dma_start3A_252] : memref<64x128xi32, #tpu.memory_space<vmem>> -> memref<1x128xi32, #tpu.memory_space<vmem>>
    %dma_start3A_254 = tpu.memref_squeeze %dma_start3A_253 : memref<1x128xi32, #tpu.memory_space<vmem>> -> memref<128xi32, #tpu.memory_space<vmem>>
    %dma_start3A_255 = arith.constant 0 : i32
    %dma_start3A_256 = arith.constant 0 : i32
    %dma_start3A_257 = tpu.memref_slice %arg11[%dma_start3A_255, %dma_start3A_256] : memref<16384x40xf32, #tpu.memory_space<vmem_shared>> -> memref<16384x40xf32, #tpu.memory_space<vmem_shared>>
    tpu.enqueue_indirect_dma source(%dma_start3A_251 : memref<128x40xf32, #tpu.memory_space<vmem>>) target(%dma_start3A_257 : memref<16384x40xf32, #tpu.memory_space<vmem_shared>>) offsets(%dma_start3A_254 : memref<128xi32, #tpu.memory_space<vmem>>) semaphore(%arg24 : memref<!tpu.dma_semaphore, #tpu.memory_space<semaphore_mem>>) {add = true}
    %dma_wait3A_258 = arith.constant 0 : i32
    %dma_wait3A_259 = arith.constant 5 : i32
    %dma_wait3A_260 = arith.constant 0 : i32
    %dma_wait3A_261 = arith.constant 0 : i32
    %dma_wait3A_262 = tpu.memref_slice %arg10[%dma_wait3A_259, %dma_wait3A_260, %dma_wait3A_261] : memref<8x128x40xf32, #tpu.memory_space<vmem>> -> memref<1x128x40xf32, #tpu.memory_space<vmem>>
    %dma_wait3A_263 = tpu.memref_squeeze %dma_wait3A_262 : memref<1x128x40xf32, #tpu.memory_space<vmem>> -> memref<128x40xf32, #tpu.memory_space<vmem>>
    %dma_wait3A_264 = arith.constant 0 : i32
    %dma_wait3A_265 = tpu.memref_slice %arg9[%dma_wait3A_258, %dma_wait3A_264] : memref<64x128xi32, #tpu.memory_space<vmem>> -> memref<1x128xi32, #tpu.memory_space<vmem>>
    %dma_wait3A_266 = tpu.memref_squeeze %dma_wait3A_265 : memref<1x128xi32, #tpu.memory_space<vmem>> -> memref<128xi32, #tpu.memory_space<vmem>>
    %dma_wait3A_267 = arith.constant 0 : i32
    %dma_wait3A_268 = arith.constant 0 : i32
    %dma_wait3A_269 = tpu.memref_slice %arg2[%dma_wait3A_267, %dma_wait3A_268] : memref<114688x40xf32, #tpu.memory_space<hbm>> -> memref<114688x40xf32, #tpu.memory_space<hbm>>
    tpu.wait_indirect_dma semaphore(%arg17 : memref<!tpu.dma_semaphore, #tpu.memory_space<semaphore_mem>>) src(%dma_wait3A_269 : memref<114688x40xf32, #tpu.memory_space<hbm>>) dst(%dma_wait3A_263 : memref<128x40xf32, #tpu.memory_space<vmem>>)
    %dma_start3A_270 = arith.constant 5 : i32
    %dma_start3A_271 = arith.constant 61 : i32
    %dma_start3A_272 = arith.constant 0 : i32
    %dma_start3A_273 = arith.constant 0 : i32
    %dma_start3A_274 = tpu.memref_slice %arg10[%dma_start3A_270, %dma_start3A_272, %dma_start3A_273] : memref<8x128x40xf32, #tpu.memory_space<vmem>> -> memref<1x128x40xf32, #tpu.memory_space<vmem>>
    %dma_start3A_275 = tpu.memref_squeeze %dma_start3A_274 : memref<1x128x40xf32, #tpu.memory_space<vmem>> -> memref<128x40xf32, #tpu.memory_space<vmem>>
    %dma_start3A_276 = arith.constant 0 : i32
    %dma_start3A_277 = tpu.memref_slice %arg8[%dma_start3A_271, %dma_start3A_276] : memref<64x128xi32, #tpu.memory_space<vmem>> -> memref<1x128xi32, #tpu.memory_space<vmem>>
    %dma_start3A_278 = tpu.memref_squeeze %dma_start3A_277 : memref<1x128xi32, #tpu.memory_space<vmem>> -> memref<128xi32, #tpu.memory_space<vmem>>
    %dma_start3A_279 = arith.constant 0 : i32
    %dma_start3A_280 = arith.constant 0 : i32
    %dma_start3A_281 = tpu.memref_slice %arg11[%dma_start3A_279, %dma_start3A_280] : memref<16384x40xf32, #tpu.memory_space<vmem_shared>> -> memref<16384x40xf32, #tpu.memory_space<vmem_shared>>
    tpu.enqueue_indirect_dma source(%dma_start3A_275 : memref<128x40xf32, #tpu.memory_space<vmem>>) target(%dma_start3A_281 : memref<16384x40xf32, #tpu.memory_space<vmem_shared>>) offsets(%dma_start3A_278 : memref<128xi32, #tpu.memory_space<vmem>>) semaphore(%arg25 : memref<!tpu.dma_semaphore, #tpu.memory_space<semaphore_mem>>) {add = true}
    %dma_wait3A_282 = arith.constant 0 : i32
    %dma_wait3A_283 = arith.constant 6 : i32
    %dma_wait3A_284 = arith.constant 0 : i32
    %dma_wait3A_285 = arith.constant 0 : i32
    %dma_wait3A_286 = tpu.memref_slice %arg10[%dma_wait3A_283, %dma_wait3A_284, %dma_wait3A_285] : memref<8x128x40xf32, #tpu.memory_space<vmem>> -> memref<1x128x40xf32, #tpu.memory_space<vmem>>
    %dma_wait3A_287 = tpu.memref_squeeze %dma_wait3A_286 : memref<1x128x40xf32, #tpu.memory_space<vmem>> -> memref<128x40xf32, #tpu.memory_space<vmem>>
    %dma_wait3A_288 = arith.constant 0 : i32
    %dma_wait3A_289 = tpu.memref_slice %arg9[%dma_wait3A_282, %dma_wait3A_288] : memref<64x128xi32, #tpu.memory_space<vmem>> -> memref<1x128xi32, #tpu.memory_space<vmem>>
    %dma_wait3A_290 = tpu.memref_squeeze %dma_wait3A_289 : memref<1x128xi32, #tpu.memory_space<vmem>> -> memref<128xi32, #tpu.memory_space<vmem>>
    %dma_wait3A_291 = arith.constant 0 : i32
    %dma_wait3A_292 = arith.constant 0 : i32
    %dma_wait3A_293 = tpu.memref_slice %arg2[%dma_wait3A_291, %dma_wait3A_292] : memref<114688x40xf32, #tpu.memory_space<hbm>> -> memref<114688x40xf32, #tpu.memory_space<hbm>>
    tpu.wait_indirect_dma semaphore(%arg18 : memref<!tpu.dma_semaphore, #tpu.memory_space<semaphore_mem>>) src(%dma_wait3A_293 : memref<114688x40xf32, #tpu.memory_space<hbm>>) dst(%dma_wait3A_287 : memref<128x40xf32, #tpu.memory_space<vmem>>)
    %dma_start3A_294 = arith.constant 6 : i32
    %dma_start3A_295 = arith.constant 62 : i32
    %dma_start3A_296 = arith.constant 0 : i32
    %dma_start3A_297 = arith.constant 0 : i32
    %dma_start3A_298 = tpu.memref_slice %arg10[%dma_start3A_294, %dma_start3A_296, %dma_start3A_297] : memref<8x128x40xf32, #tpu.memory_space<vmem>> -> memref<1x128x40xf32, #tpu.memory_space<vmem>>
    %dma_start3A_299 = tpu.memref_squeeze %dma_start3A_298 : memref<1x128x40xf32, #tpu.memory_space<vmem>> -> memref<128x40xf32, #tpu.memory_space<vmem>>
    %dma_start3A_300 = arith.constant 0 : i32
    %dma_start3A_301 = tpu.memref_slice %arg8[%dma_start3A_295, %dma_start3A_300] : memref<64x128xi32, #tpu.memory_space<vmem>> -> memref<1x128xi32, #tpu.memory_space<vmem>>
    %dma_start3A_302 = tpu.memref_squeeze %dma_start3A_301 : memref<1x128xi32, #tpu.memory_space<vmem>> -> memref<128xi32, #tpu.memory_space<vmem>>
    %dma_start3A_303 = arith.constant 0 : i32
    %dma_start3A_304 = arith.constant 0 : i32
    %dma_start3A_305 = tpu.memref_slice %arg11[%dma_start3A_303, %dma_start3A_304] : memref<16384x40xf32, #tpu.memory_space<vmem_shared>> -> memref<16384x40xf32, #tpu.memory_space<vmem_shared>>
    tpu.enqueue_indirect_dma source(%dma_start3A_299 : memref<128x40xf32, #tpu.memory_space<vmem>>) target(%dma_start3A_305 : memref<16384x40xf32, #tpu.memory_space<vmem_shared>>) offsets(%dma_start3A_302 : memref<128xi32, #tpu.memory_space<vmem>>) semaphore(%arg26 : memref<!tpu.dma_semaphore, #tpu.memory_space<semaphore_mem>>) {add = true}
    %dma_wait3A_306 = arith.constant 0 : i32
    %dma_wait3A_307 = arith.constant 7 : i32
    %dma_wait3A_308 = arith.constant 0 : i32
    %dma_wait3A_309 = arith.constant 0 : i32
    %dma_wait3A_310 = tpu.memref_slice %arg10[%dma_wait3A_307, %dma_wait3A_308, %dma_wait3A_309] : memref<8x128x40xf32, #tpu.memory_space<vmem>> -> memref<1x128x40xf32, #tpu.memory_space<vmem>>
    %dma_wait3A_311 = tpu.memref_squeeze %dma_wait3A_310 : memref<1x128x40xf32, #tpu.memory_space<vmem>> -> memref<128x40xf32, #tpu.memory_space<vmem>>
    %dma_wait3A_312 = arith.constant 0 : i32
    %dma_wait3A_313 = tpu.memref_slice %arg9[%dma_wait3A_306, %dma_wait3A_312] : memref<64x128xi32, #tpu.memory_space<vmem>> -> memref<1x128xi32, #tpu.memory_space<vmem>>
    %dma_wait3A_314 = tpu.memref_squeeze %dma_wait3A_313 : memref<1x128xi32, #tpu.memory_space<vmem>> -> memref<128xi32, #tpu.memory_space<vmem>>
    %dma_wait3A_315 = arith.constant 0 : i32
    %dma_wait3A_316 = arith.constant 0 : i32
    %dma_wait3A_317 = tpu.memref_slice %arg2[%dma_wait3A_315, %dma_wait3A_316] : memref<114688x40xf32, #tpu.memory_space<hbm>> -> memref<114688x40xf32, #tpu.memory_space<hbm>>
    tpu.wait_indirect_dma semaphore(%arg19 : memref<!tpu.dma_semaphore, #tpu.memory_space<semaphore_mem>>) src(%dma_wait3A_317 : memref<114688x40xf32, #tpu.memory_space<hbm>>) dst(%dma_wait3A_311 : memref<128x40xf32, #tpu.memory_space<vmem>>)
    %dma_start3A_318 = arith.constant 7 : i32
    %dma_start3A_319 = arith.constant 63 : i32
    %dma_start3A_320 = arith.constant 0 : i32
    %dma_start3A_321 = arith.constant 0 : i32
    %dma_start3A_322 = tpu.memref_slice %arg10[%dma_start3A_318, %dma_start3A_320, %dma_start3A_321] : memref<8x128x40xf32, #tpu.memory_space<vmem>> -> memref<1x128x40xf32, #tpu.memory_space<vmem>>
    %dma_start3A_323 = tpu.memref_squeeze %dma_start3A_322 : memref<1x128x40xf32, #tpu.memory_space<vmem>> -> memref<128x40xf32, #tpu.memory_space<vmem>>
    %dma_start3A_324 = arith.constant 0 : i32
    %dma_start3A_325 = tpu.memref_slice %arg8[%dma_start3A_319, %dma_start3A_324] : memref<64x128xi32, #tpu.memory_space<vmem>> -> memref<1x128xi32, #tpu.memory_space<vmem>>
    %dma_start3A_326 = tpu.memref_squeeze %dma_start3A_325 : memref<1x128xi32, #tpu.memory_space<vmem>> -> memref<128xi32, #tpu.memory_space<vmem>>
    %dma_start3A_327 = arith.constant 0 : i32
    %dma_start3A_328 = arith.constant 0 : i32
    %dma_start3A_329 = tpu.memref_slice %arg11[%dma_start3A_327, %dma_start3A_328] : memref<16384x40xf32, #tpu.memory_space<vmem_shared>> -> memref<16384x40xf32, #tpu.memory_space<vmem_shared>>
    tpu.enqueue_indirect_dma source(%dma_start3A_323 : memref<128x40xf32, #tpu.memory_space<vmem>>) target(%dma_start3A_329 : memref<16384x40xf32, #tpu.memory_space<vmem_shared>>) offsets(%dma_start3A_326 : memref<128xi32, #tpu.memory_space<vmem>>) semaphore(%arg27 : memref<!tpu.dma_semaphore, #tpu.memory_space<semaphore_mem>>) {add = true}
    %dma_wait3A_330 = arith.constant 0 : i32
    %dma_wait3A_331 = arith.constant 0 : i32
    %dma_wait3A_332 = arith.constant 0 : i32
    %dma_wait3A_333 = arith.constant 0 : i32
    %dma_wait3A_334 = tpu.memref_slice %arg10[%dma_wait3A_330, %dma_wait3A_332, %dma_wait3A_333] : memref<8x128x40xf32, #tpu.memory_space<vmem>> -> memref<1x128x40xf32, #tpu.memory_space<vmem>>
    %dma_wait3A_335 = tpu.memref_squeeze %dma_wait3A_334 : memref<1x128x40xf32, #tpu.memory_space<vmem>> -> memref<128x40xf32, #tpu.memory_space<vmem>>
    %dma_wait3A_336 = arith.constant 0 : i32
    %dma_wait3A_337 = tpu.memref_slice %arg8[%dma_wait3A_331, %dma_wait3A_336] : memref<64x128xi32, #tpu.memory_space<vmem>> -> memref<1x128xi32, #tpu.memory_space<vmem>>
    %dma_wait3A_338 = tpu.memref_squeeze %dma_wait3A_337 : memref<1x128xi32, #tpu.memory_space<vmem>> -> memref<128xi32, #tpu.memory_space<vmem>>
    %dma_wait3A_339 = arith.constant 0 : i32
    %dma_wait3A_340 = arith.constant 0 : i32
    %dma_wait3A_341 = tpu.memref_slice %arg11[%dma_wait3A_339, %dma_wait3A_340] : memref<16384x40xf32, #tpu.memory_space<vmem_shared>> -> memref<16384x40xf32, #tpu.memory_space<vmem_shared>>
    tpu.wait_indirect_dma semaphore(%arg20 : memref<!tpu.dma_semaphore, #tpu.memory_space<semaphore_mem>>) src(%dma_wait3A_335 : memref<128x40xf32, #tpu.memory_space<vmem>>) dst(%dma_wait3A_341 : memref<16384x40xf32, #tpu.memory_space<vmem_shared>>)
    %dma_wait3A_342 = arith.constant 1 : i32
    %dma_wait3A_343 = arith.constant 0 : i32
    %dma_wait3A_344 = arith.constant 0 : i32
    %dma_wait3A_345 = arith.constant 0 : i32
    %dma_wait3A_346 = tpu.memref_slice %arg10[%dma_wait3A_342, %dma_wait3A_344, %dma_wait3A_345] : memref<8x128x40xf32, #tpu.memory_space<vmem>> -> memref<1x128x40xf32, #tpu.memory_space<vmem>>
    %dma_wait3A_347 = tpu.memref_squeeze %dma_wait3A_346 : memref<1x128x40xf32, #tpu.memory_space<vmem>> -> memref<128x40xf32, #tpu.memory_space<vmem>>
    %dma_wait3A_348 = arith.constant 0 : i32
    %dma_wait3A_349 = tpu.memref_slice %arg8[%dma_wait3A_343, %dma_wait3A_348] : memref<64x128xi32, #tpu.memory_space<vmem>> -> memref<1x128xi32, #tpu.memory_space<vmem>>
    %dma_wait3A_350 = tpu.memref_squeeze %dma_wait3A_349 : memref<1x128xi32, #tpu.memory_space<vmem>> -> memref<128xi32, #tpu.memory_space<vmem>>
    %dma_wait3A_351 = arith.constant 0 : i32
    %dma_wait3A_352 = arith.constant 0 : i32
    %dma_wait3A_353 = tpu.memref_slice %arg11[%dma_wait3A_351, %dma_wait3A_352] : memref<16384x40xf32, #tpu.memory_space<vmem_shared>> -> memref<16384x40xf32, #tpu.memory_space<vmem_shared>>
    tpu.wait_indirect_dma semaphore(%arg21 : memref<!tpu.dma_semaphore, #tpu.memory_space<semaphore_mem>>) src(%dma_wait3A_347 : memref<128x40xf32, #tpu.memory_space<vmem>>) dst(%dma_wait3A_353 : memref<16384x40xf32, #tpu.memory_space<vmem_shared>>)
    %dma_wait3A_354 = arith.constant 2 : i32
    %dma_wait3A_355 = arith.constant 0 : i32
    %dma_wait3A_356 = arith.constant 0 : i32
    %dma_wait3A_357 = arith.constant 0 : i32
    %dma_wait3A_358 = tpu.memref_slice %arg10[%dma_wait3A_354, %dma_wait3A_356, %dma_wait3A_357] : memref<8x128x40xf32, #tpu.memory_space<vmem>> -> memref<1x128x40xf32, #tpu.memory_space<vmem>>
    %dma_wait3A_359 = tpu.memref_squeeze %dma_wait3A_358 : memref<1x128x40xf32, #tpu.memory_space<vmem>> -> memref<128x40xf32, #tpu.memory_space<vmem>>
    %dma_wait3A_360 = arith.constant 0 : i32
    %dma_wait3A_361 = tpu.memref_slice %arg8[%dma_wait3A_355, %dma_wait3A_360] : memref<64x128xi32, #tpu.memory_space<vmem>> -> memref<1x128xi32, #tpu.memory_space<vmem>>
    %dma_wait3A_362 = tpu.memref_squeeze %dma_wait3A_361 : memref<1x128xi32, #tpu.memory_space<vmem>> -> memref<128xi32, #tpu.memory_space<vmem>>
    %dma_wait3A_363 = arith.constant 0 : i32
    %dma_wait3A_364 = arith.constant 0 : i32
    %dma_wait3A_365 = tpu.memref_slice %arg11[%dma_wait3A_363, %dma_wait3A_364] : memref<16384x40xf32, #tpu.memory_space<vmem_shared>> -> memref<16384x40xf32, #tpu.memory_space<vmem_shared>>
    tpu.wait_indirect_dma semaphore(%arg22 : memref<!tpu.dma_semaphore, #tpu.memory_space<semaphore_mem>>) src(%dma_wait3A_359 : memref<128x40xf32, #tpu.memory_space<vmem>>) dst(%dma_wait3A_365 : memref<16384x40xf32, #tpu.memory_space<vmem_shared>>)
    %dma_wait3A_366 = arith.constant 3 : i32
    %dma_wait3A_367 = arith.constant 0 : i32
    %dma_wait3A_368 = arith.constant 0 : i32
    %dma_wait3A_369 = arith.constant 0 : i32
    %dma_wait3A_370 = tpu.memref_slice %arg10[%dma_wait3A_366, %dma_wait3A_368, %dma_wait3A_369] : memref<8x128x40xf32, #tpu.memory_space<vmem>> -> memref<1x128x40xf32, #tpu.memory_space<vmem>>
    %dma_wait3A_371 = tpu.memref_squeeze %dma_wait3A_370 : memref<1x128x40xf32, #tpu.memory_space<vmem>> -> memref<128x40xf32, #tpu.memory_space<vmem>>
    %dma_wait3A_372 = arith.constant 0 : i32
    %dma_wait3A_373 = tpu.memref_slice %arg8[%dma_wait3A_367, %dma_wait3A_372] : memref<64x128xi32, #tpu.memory_space<vmem>> -> memref<1x128xi32, #tpu.memory_space<vmem>>
    %dma_wait3A_374 = tpu.memref_squeeze %dma_wait3A_373 : memref<1x128xi32, #tpu.memory_space<vmem>> -> memref<128xi32, #tpu.memory_space<vmem>>
    %dma_wait3A_375 = arith.constant 0 : i32
    %dma_wait3A_376 = arith.constant 0 : i32
    %dma_wait3A_377 = tpu.memref_slice %arg11[%dma_wait3A_375, %dma_wait3A_376] : memref<16384x40xf32, #tpu.memory_space<vmem_shared>> -> memref<16384x40xf32, #tpu.memory_space<vmem_shared>>
    tpu.wait_indirect_dma semaphore(%arg23 : memref<!tpu.dma_semaphore, #tpu.memory_space<semaphore_mem>>) src(%dma_wait3A_371 : memref<128x40xf32, #tpu.memory_space<vmem>>) dst(%dma_wait3A_377 : memref<16384x40xf32, #tpu.memory_space<vmem_shared>>)
    %dma_wait3A_378 = arith.constant 4 : i32
    %dma_wait3A_379 = arith.constant 0 : i32
    %dma_wait3A_380 = arith.constant 0 : i32
    %dma_wait3A_381 = arith.constant 0 : i32
    %dma_wait3A_382 = tpu.memref_slice %arg10[%dma_wait3A_378, %dma_wait3A_380, %dma_wait3A_381] : memref<8x128x40xf32, #tpu.memory_space<vmem>> -> memref<1x128x40xf32, #tpu.memory_space<vmem>>
    %dma_wait3A_383 = tpu.memref_squeeze %dma_wait3A_382 : memref<1x128x40xf32, #tpu.memory_space<vmem>> -> memref<128x40xf32, #tpu.memory_space<vmem>>
    %dma_wait3A_384 = arith.constant 0 : i32
    %dma_wait3A_385 = tpu.memref_slice %arg8[%dma_wait3A_379, %dma_wait3A_384] : memref<64x128xi32, #tpu.memory_space<vmem>> -> memref<1x128xi32, #tpu.memory_space<vmem>>
    %dma_wait3A_386 = tpu.memref_squeeze %dma_wait3A_385 : memref<1x128xi32, #tpu.memory_space<vmem>> -> memref<128xi32, #tpu.memory_space<vmem>>
    %dma_wait3A_387 = arith.constant 0 : i32
    %dma_wait3A_388 = arith.constant 0 : i32
    %dma_wait3A_389 = tpu.memref_slice %arg11[%dma_wait3A_387, %dma_wait3A_388] : memref<16384x40xf32, #tpu.memory_space<vmem_shared>> -> memref<16384x40xf32, #tpu.memory_space<vmem_shared>>
    tpu.wait_indirect_dma semaphore(%arg24 : memref<!tpu.dma_semaphore, #tpu.memory_space<semaphore_mem>>) src(%dma_wait3A_383 : memref<128x40xf32, #tpu.memory_space<vmem>>) dst(%dma_wait3A_389 : memref<16384x40xf32, #tpu.memory_space<vmem_shared>>)
    %dma_wait3A_390 = arith.constant 5 : i32
    %dma_wait3A_391 = arith.constant 0 : i32
    %dma_wait3A_392 = arith.constant 0 : i32
    %dma_wait3A_393 = arith.constant 0 : i32
    %dma_wait3A_394 = tpu.memref_slice %arg10[%dma_wait3A_390, %dma_wait3A_392, %dma_wait3A_393] : memref<8x128x40xf32, #tpu.memory_space<vmem>> -> memref<1x128x40xf32, #tpu.memory_space<vmem>>
    %dma_wait3A_395 = tpu.memref_squeeze %dma_wait3A_394 : memref<1x128x40xf32, #tpu.memory_space<vmem>> -> memref<128x40xf32, #tpu.memory_space<vmem>>
    %dma_wait3A_396 = arith.constant 0 : i32
    %dma_wait3A_397 = tpu.memref_slice %arg8[%dma_wait3A_391, %dma_wait3A_396] : memref<64x128xi32, #tpu.memory_space<vmem>> -> memref<1x128xi32, #tpu.memory_space<vmem>>
    %dma_wait3A_398 = tpu.memref_squeeze %dma_wait3A_397 : memref<1x128xi32, #tpu.memory_space<vmem>> -> memref<128xi32, #tpu.memory_space<vmem>>
    %dma_wait3A_399 = arith.constant 0 : i32
    %dma_wait3A_400 = arith.constant 0 : i32
    %dma_wait3A_401 = tpu.memref_slice %arg11[%dma_wait3A_399, %dma_wait3A_400] : memref<16384x40xf32, #tpu.memory_space<vmem_shared>> -> memref<16384x40xf32, #tpu.memory_space<vmem_shared>>
    tpu.wait_indirect_dma semaphore(%arg25 : memref<!tpu.dma_semaphore, #tpu.memory_space<semaphore_mem>>) src(%dma_wait3A_395 : memref<128x40xf32, #tpu.memory_space<vmem>>) dst(%dma_wait3A_401 : memref<16384x40xf32, #tpu.memory_space<vmem_shared>>)
    %dma_wait3A_402 = arith.constant 6 : i32
    %dma_wait3A_403 = arith.constant 0 : i32
    %dma_wait3A_404 = arith.constant 0 : i32
    %dma_wait3A_405 = arith.constant 0 : i32
    %dma_wait3A_406 = tpu.memref_slice %arg10[%dma_wait3A_402, %dma_wait3A_404, %dma_wait3A_405] : memref<8x128x40xf32, #tpu.memory_space<vmem>> -> memref<1x128x40xf32, #tpu.memory_space<vmem>>
    %dma_wait3A_407 = tpu.memref_squeeze %dma_wait3A_406 : memref<1x128x40xf32, #tpu.memory_space<vmem>> -> memref<128x40xf32, #tpu.memory_space<vmem>>
    %dma_wait3A_408 = arith.constant 0 : i32
    %dma_wait3A_409 = tpu.memref_slice %arg8[%dma_wait3A_403, %dma_wait3A_408] : memref<64x128xi32, #tpu.memory_space<vmem>> -> memref<1x128xi32, #tpu.memory_space<vmem>>
    %dma_wait3A_410 = tpu.memref_squeeze %dma_wait3A_409 : memref<1x128xi32, #tpu.memory_space<vmem>> -> memref<128xi32, #tpu.memory_space<vmem>>
    %dma_wait3A_411 = arith.constant 0 : i32
    %dma_wait3A_412 = arith.constant 0 : i32
    %dma_wait3A_413 = tpu.memref_slice %arg11[%dma_wait3A_411, %dma_wait3A_412] : memref<16384x40xf32, #tpu.memory_space<vmem_shared>> -> memref<16384x40xf32, #tpu.memory_space<vmem_shared>>
    tpu.wait_indirect_dma semaphore(%arg26 : memref<!tpu.dma_semaphore, #tpu.memory_space<semaphore_mem>>) src(%dma_wait3A_407 : memref<128x40xf32, #tpu.memory_space<vmem>>) dst(%dma_wait3A_413 : memref<16384x40xf32, #tpu.memory_space<vmem_shared>>)
    %dma_wait3A_414 = arith.constant 7 : i32
    %dma_wait3A_415 = arith.constant 0 : i32
    %dma_wait3A_416 = arith.constant 0 : i32
    %dma_wait3A_417 = arith.constant 0 : i32
    %dma_wait3A_418 = tpu.memref_slice %arg10[%dma_wait3A_414, %dma_wait3A_416, %dma_wait3A_417] : memref<8x128x40xf32, #tpu.memory_space<vmem>> -> memref<1x128x40xf32, #tpu.memory_space<vmem>>
    %dma_wait3A_419 = tpu.memref_squeeze %dma_wait3A_418 : memref<1x128x40xf32, #tpu.memory_space<vmem>> -> memref<128x40xf32, #tpu.memory_space<vmem>>
    %dma_wait3A_420 = arith.constant 0 : i32
    %dma_wait3A_421 = tpu.memref_slice %arg8[%dma_wait3A_415, %dma_wait3A_420] : memref<64x128xi32, #tpu.memory_space<vmem>> -> memref<1x128xi32, #tpu.memory_space<vmem>>
    %dma_wait3A_422 = tpu.memref_squeeze %dma_wait3A_421 : memref<1x128xi32, #tpu.memory_space<vmem>> -> memref<128xi32, #tpu.memory_space<vmem>>
    %dma_wait3A_423 = arith.constant 0 : i32
    %dma_wait3A_424 = arith.constant 0 : i32
    %dma_wait3A_425 = tpu.memref_slice %arg11[%dma_wait3A_423, %dma_wait3A_424] : memref<16384x40xf32, #tpu.memory_space<vmem_shared>> -> memref<16384x40xf32, #tpu.memory_space<vmem_shared>>
    tpu.wait_indirect_dma semaphore(%arg27 : memref<!tpu.dma_semaphore, #tpu.memory_space<semaphore_mem>>) src(%dma_wait3A_419 : memref<128x40xf32, #tpu.memory_space<vmem>>) dst(%dma_wait3A_425 : memref<16384x40xf32, #tpu.memory_space<vmem_shared>>)
    %barrier3A_426 = arith.constant 0 : index
    tpu.barrier barrier_id(%barrier3A_426)
    %add3A_427 = arith.constant 0 : i32
    %add3A_428 = arith.addi %mul3A_9, %add3A_427 : i32
    %run_scoped3A_429 = arith.constant 0 : i32
    "tpu.region"() ({
      %run_scoped3A_459 = tpu.sem_alloc : memref<!tpu.dma_semaphore, #tpu.memory_space<semaphore_mem>>
      %dma_start3A_460 = arith.constant 0 : i32
      %dma_start3A_461 = arith.constant 0 : i32
      %dma_start3A_462 = tpu.memref_slice %arg10[%run_scoped3A_429, %dma_start3A_460, %dma_start3A_461] : memref<8x128x40xf32, #tpu.memory_space<vmem>> -> memref<1x128x40xf32, #tpu.memory_space<vmem>>
      %dma_start3A_463 = tpu.memref_squeeze %dma_start3A_462 : memref<1x128x40xf32, #tpu.memory_space<vmem>> -> memref<128x40xf32, #tpu.memory_space<vmem>>
      %dma_start3A_464 = arith.constant 0 : i32
      %dma_start3A_465 = tpu.memref_slice %arg11[%add3A_428, %dma_start3A_464] : memref<16384x40xf32, #tpu.memory_space<vmem_shared>> -> memref<128x40xf32, #tpu.memory_space<vmem_shared>>
      %dma_start3A_466 = arith.constant 0 : i32
      %dma_start3A_467 = arith.constant 0 : i32
      %dma_start3A_468 = tpu.memref_slice %arg10[%run_scoped3A_429, %dma_start3A_466, %dma_start3A_467] : memref<8x128x40xf32, #tpu.memory_space<vmem>> -> memref<1x128x40xf32, #tpu.memory_space<vmem>>
      %dma_start3A_469 = tpu.memref_squeeze %dma_start3A_468 : memref<1x128x40xf32, #tpu.memory_space<vmem>> -> memref<128x40xf32, #tpu.memory_space<vmem>>
      %dma_start3A_470 = arith.constant 0 : i32
      %dma_start3A_471 = tpu.memref_slice %arg11[%add3A_428, %dma_start3A_470] : memref<16384x40xf32, #tpu.memory_space<vmem_shared>> -> memref<128x40xf32, #tpu.memory_space<vmem_shared>>
      tpu.enqueue_dma source(%dma_start3A_471 : memref<128x40xf32, #tpu.memory_space<vmem_shared>>) target(%dma_start3A_469 : memref<128x40xf32, #tpu.memory_space<vmem>>) target_semaphore(%run_scoped3A_459 : memref<!tpu.dma_semaphore, #tpu.memory_space<semaphore_mem>>)
      %dma_wait3A_472 = arith.constant 0 : i32
      %dma_wait3A_473 = arith.constant 0 : i32
      %dma_wait3A_474 = tpu.memref_slice %arg10[%run_scoped3A_429, %dma_wait3A_472, %dma_wait3A_473] : memref<8x128x40xf32, #tpu.memory_space<vmem>> -> memref<1x128x40xf32, #tpu.memory_space<vmem>>
      %dma_wait3A_475 = tpu.memref_squeeze %dma_wait3A_474 : memref<1x128x40xf32, #tpu.memory_space<vmem>> -> memref<128x40xf32, #tpu.memory_space<vmem>>
      %dma_wait3A_476 = arith.constant 0 : i32
      %dma_wait3A_477 = tpu.memref_slice %arg11[%add3A_428, %dma_wait3A_476] : memref<16384x40xf32, #tpu.memory_space<vmem_shared>> -> memref<128x40xf32, #tpu.memory_space<vmem_shared>>
      %dma_wait3A_478 = arith.constant 0 : i32
      %dma_wait3A_479 = arith.constant 0 : i32
      %dma_wait3A_480 = tpu.memref_slice %arg10[%run_scoped3A_429, %dma_wait3A_478, %dma_wait3A_479] : memref<8x128x40xf32, #tpu.memory_space<vmem>> -> memref<1x128x40xf32, #tpu.memory_space<vmem>>
      %dma_wait3A_481 = tpu.memref_squeeze %dma_wait3A_480 : memref<1x128x40xf32, #tpu.memory_space<vmem>> -> memref<128x40xf32, #tpu.memory_space<vmem>>
      %dma_wait3A_482 = arith.constant 0 : i32
      %dma_wait3A_483 = tpu.memref_slice %arg11[%add3A_428, %dma_wait3A_482] : memref<16384x40xf32, #tpu.memory_space<vmem_shared>> -> memref<128x40xf32, #tpu.memory_space<vmem_shared>>
      tpu.wait_dma2 semaphore(%run_scoped3A_459 : memref<!tpu.dma_semaphore, #tpu.memory_space<semaphore_mem>>) src(%dma_wait3A_483 : memref<128x40xf32, #tpu.memory_space<vmem_shared>>) dst(%dma_wait3A_481 : memref<128x40xf32, #tpu.memory_space<vmem>>)
      tpu.yield
    }) : () -> ()
    %run_scoped3A_430 = arith.constant 0 : i32
    "tpu.region"() ({
      %run_scoped3A_459 = tpu.sem_alloc : memref<!tpu.dma_semaphore, #tpu.memory_space<semaphore_mem>>
      %dma_start3A_460 = arith.constant 0 : i32
      %dma_start3A_461 = arith.constant 0 : i32
      %dma_start3A_462 = tpu.memref_slice %arg10[%run_scoped3A_430, %dma_start3A_460, %dma_start3A_461] : memref<8x128x40xf32, #tpu.memory_space<vmem>> -> memref<1x128x40xf32, #tpu.memory_space<vmem>>
      %dma_start3A_463 = tpu.memref_squeeze %dma_start3A_462 : memref<1x128x40xf32, #tpu.memory_space<vmem>> -> memref<128x40xf32, #tpu.memory_space<vmem>>
      %dma_start3A_464 = arith.constant 0 : i32
      %dma_start3A_465 = tpu.memref_slice %arg5[%arg0, %add3A_428, %dma_start3A_464] : memref<2x16384x128xf32, #tpu.memory_space<hbm>> -> memref<1x128x40xf32, #tpu.memory_space<hbm>>
      %dma_start3A_466 = tpu.memref_squeeze %dma_start3A_465 : memref<1x128x40xf32, #tpu.memory_space<hbm>> -> memref<128x40xf32, #tpu.memory_space<hbm>>
      %dma_start3A_467 = arith.constant 0 : i32
      %dma_start3A_468 = tpu.memref_slice %arg5[%arg0, %add3A_428, %dma_start3A_467] : memref<2x16384x128xf32, #tpu.memory_space<hbm>> -> memref<1x128x40xf32, #tpu.memory_space<hbm>>
      %dma_start3A_469 = tpu.memref_squeeze %dma_start3A_468 : memref<1x128x40xf32, #tpu.memory_space<hbm>> -> memref<128x40xf32, #tpu.memory_space<hbm>>
      %dma_start3A_470 = arith.constant 0 : i32
      %dma_start3A_471 = arith.constant 0 : i32
      %dma_start3A_472 = tpu.memref_slice %arg10[%run_scoped3A_430, %dma_start3A_470, %dma_start3A_471] : memref<8x128x40xf32, #tpu.memory_space<vmem>> -> memref<1x128x40xf32, #tpu.memory_space<vmem>>
      %dma_start3A_473 = tpu.memref_squeeze %dma_start3A_472 : memref<1x128x40xf32, #tpu.memory_space<vmem>> -> memref<128x40xf32, #tpu.memory_space<vmem>>
      tpu.enqueue_dma source(%dma_start3A_473 : memref<128x40xf32, #tpu.memory_space<vmem>>) target(%dma_start3A_469 : memref<128x40xf32, #tpu.memory_space<hbm>>) target_semaphore(%run_scoped3A_459 : memref<!tpu.dma_semaphore, #tpu.memory_space<semaphore_mem>>)
      %dma_wait3A_474 = arith.constant 0 : i32
      %dma_wait3A_475 = arith.constant 0 : i32
      %dma_wait3A_476 = tpu.memref_slice %arg10[%run_scoped3A_430, %dma_wait3A_474, %dma_wait3A_475] : memref<8x128x40xf32, #tpu.memory_space<vmem>> -> memref<1x128x40xf32, #tpu.memory_space<vmem>>
      %dma_wait3A_477 = tpu.memref_squeeze %dma_wait3A_476 : memref<1x128x40xf32, #tpu.memory_space<vmem>> -> memref<128x40xf32, #tpu.memory_space<vmem>>
      %dma_wait3A_478 = arith.constant 0 : i32
      %dma_wait3A_479 = tpu.memref_slice %arg5[%arg0, %add3A_428, %dma_wait3A_478] : memref<2x16384x128xf32, #tpu.memory_space<hbm>> -> memref<1x128x40xf32, #tpu.memory_space<hbm>>
      %dma_wait3A_480 = tpu.memref_squeeze %dma_wait3A_479 : memref<1x128x40xf32, #tpu.memory_space<hbm>> -> memref<128x40xf32, #tpu.memory_space<hbm>>
      %dma_wait3A_481 = arith.constant 0 : i32
      %dma_wait3A_482 = tpu.memref_slice %arg5[%arg0, %add3A_428, %dma_wait3A_481] : memref<2x16384x128xf32, #tpu.memory_space<hbm>> -> memref<1x128x40xf32, #tpu.memory_space<hbm>>
      %dma_wait3A_483 = tpu.memref_squeeze %dma_wait3A_482 : memref<1x128x40xf32, #tpu.memory_space<hbm>> -> memref<128x40xf32, #tpu.memory_space<hbm>>
      %dma_wait3A_484 = arith.constant 0 : i32
      %dma_wait3A_485 = arith.constant 0 : i32
      %dma_wait3A_486 = tpu.memref_slice %arg10[%run_scoped3A_430, %dma_wait3A_484, %dma_wait3A_485] : memref<8x128x40xf32, #tpu.memory_space<vmem>> -> memref<1x128x40xf32, #tpu.memory_space<vmem>>
      %dma_wait3A_487 = tpu.memref_squeeze %dma_wait3A_486 : memref<1x128x40xf32, #tpu.memory_space<vmem>> -> memref<128x40xf32, #tpu.memory_space<vmem>>
      tpu.wait_dma2 semaphore(%run_scoped3A_459 : memref<!tpu.dma_semaphore, #tpu.memory_space<semaphore_mem>>) src(%dma_wait3A_487 : memref<128x40xf32, #tpu.memory_space<vmem>>) dst(%dma_wait3A_483 : memref<128x40xf32, #tpu.memory_space<hbm>>)
      tpu.yield
    }) : () -> ()
    %add3A_431 = arith.constant 128 : i32
    %add3A_432 = arith.addi %mul3A_9, %add3A_431 : i32
    %run_scoped3A_433 = arith.constant 0 : i32
    "tpu.region"() ({
      %run_scoped3A_459 = tpu.sem_alloc : memref<!tpu.dma_semaphore, #tpu.memory_space<semaphore_mem>>
      %dma_start3A_460 = arith.constant 0 : i32
      %dma_start3A_461 = arith.constant 0 : i32
      %dma_start3A_462 = tpu.memref_slice %arg10[%run_scoped3A_433, %dma_start3A_460, %dma_start3A_461] : memref<8x128x40xf32, #tpu.memory_space<vmem>> -> memref<1x128x40xf32, #tpu.memory_space<vmem>>
      %dma_start3A_463 = tpu.memref_squeeze %dma_start3A_462 : memref<1x128x40xf32, #tpu.memory_space<vmem>> -> memref<128x40xf32, #tpu.memory_space<vmem>>
      %dma_start3A_464 = arith.constant 0 : i32
      %dma_start3A_465 = tpu.memref_slice %arg11[%add3A_432, %dma_start3A_464] : memref<16384x40xf32, #tpu.memory_space<vmem_shared>> -> memref<128x40xf32, #tpu.memory_space<vmem_shared>>
      %dma_start3A_466 = arith.constant 0 : i32
      %dma_start3A_467 = arith.constant 0 : i32
      %dma_start3A_468 = tpu.memref_slice %arg10[%run_scoped3A_433, %dma_start3A_466, %dma_start3A_467] : memref<8x128x40xf32, #tpu.memory_space<vmem>> -> memref<1x128x40xf32, #tpu.memory_space<vmem>>
      %dma_start3A_469 = tpu.memref_squeeze %dma_start3A_468 : memref<1x128x40xf32, #tpu.memory_space<vmem>> -> memref<128x40xf32, #tpu.memory_space<vmem>>
      %dma_start3A_470 = arith.constant 0 : i32
      %dma_start3A_471 = tpu.memref_slice %arg11[%add3A_432, %dma_start3A_470] : memref<16384x40xf32, #tpu.memory_space<vmem_shared>> -> memref<128x40xf32, #tpu.memory_space<vmem_shared>>
      tpu.enqueue_dma source(%dma_start3A_471 : memref<128x40xf32, #tpu.memory_space<vmem_shared>>) target(%dma_start3A_469 : memref<128x40xf32, #tpu.memory_space<vmem>>) target_semaphore(%run_scoped3A_459 : memref<!tpu.dma_semaphore, #tpu.memory_space<semaphore_mem>>)
      %dma_wait3A_472 = arith.constant 0 : i32
      %dma_wait3A_473 = arith.constant 0 : i32
      %dma_wait3A_474 = tpu.memref_slice %arg10[%run_scoped3A_433, %dma_wait3A_472, %dma_wait3A_473] : memref<8x128x40xf32, #tpu.memory_space<vmem>> -> memref<1x128x40xf32, #tpu.memory_space<vmem>>
      %dma_wait3A_475 = tpu.memref_squeeze %dma_wait3A_474 : memref<1x128x40xf32, #tpu.memory_space<vmem>> -> memref<128x40xf32, #tpu.memory_space<vmem>>
      %dma_wait3A_476 = arith.constant 0 : i32
      %dma_wait3A_477 = tpu.memref_slice %arg11[%add3A_432, %dma_wait3A_476] : memref<16384x40xf32, #tpu.memory_space<vmem_shared>> -> memref<128x40xf32, #tpu.memory_space<vmem_shared>>
      %dma_wait3A_478 = arith.constant 0 : i32
      %dma_wait3A_479 = arith.constant 0 : i32
      %dma_wait3A_480 = tpu.memref_slice %arg10[%run_scoped3A_433, %dma_wait3A_478, %dma_wait3A_479] : memref<8x128x40xf32, #tpu.memory_space<vmem>> -> memref<1x128x40xf32, #tpu.memory_space<vmem>>
      %dma_wait3A_481 = tpu.memref_squeeze %dma_wait3A_480 : memref<1x128x40xf32, #tpu.memory_space<vmem>> -> memref<128x40xf32, #tpu.memory_space<vmem>>
      %dma_wait3A_482 = arith.constant 0 : i32
      %dma_wait3A_483 = tpu.memref_slice %arg11[%add3A_432, %dma_wait3A_482] : memref<16384x40xf32, #tpu.memory_space<vmem_shared>> -> memref<128x40xf32, #tpu.memory_space<vmem_shared>>
      tpu.wait_dma2 semaphore(%run_scoped3A_459 : memref<!tpu.dma_semaphore, #tpu.memory_space<semaphore_mem>>) src(%dma_wait3A_483 : memref<128x40xf32, #tpu.memory_space<vmem_shared>>) dst(%dma_wait3A_481 : memref<128x40xf32, #tpu.memory_space<vmem>>)
      tpu.yield
    }) : () -> ()
    %run_scoped3A_434 = arith.constant 0 : i32
    "tpu.region"() ({
      %run_scoped3A_459 = tpu.sem_alloc : memref<!tpu.dma_semaphore, #tpu.memory_space<semaphore_mem>>
      %dma_start3A_460 = arith.constant 0 : i32
      %dma_start3A_461 = arith.constant 0 : i32
      %dma_start3A_462 = tpu.memref_slice %arg10[%run_scoped3A_434, %dma_start3A_460, %dma_start3A_461] : memref<8x128x40xf32, #tpu.memory_space<vmem>> -> memref<1x128x40xf32, #tpu.memory_space<vmem>>
      %dma_start3A_463 = tpu.memref_squeeze %dma_start3A_462 : memref<1x128x40xf32, #tpu.memory_space<vmem>> -> memref<128x40xf32, #tpu.memory_space<vmem>>
      %dma_start3A_464 = arith.constant 0 : i32
      %dma_start3A_465 = tpu.memref_slice %arg5[%arg0, %add3A_432, %dma_start3A_464] : memref<2x16384x128xf32, #tpu.memory_space<hbm>> -> memref<1x128x40xf32, #tpu.memory_space<hbm>>
      %dma_start3A_466 = tpu.memref_squeeze %dma_start3A_465 : memref<1x128x40xf32, #tpu.memory_space<hbm>> -> memref<128x40xf32, #tpu.memory_space<hbm>>
      %dma_start3A_467 = arith.constant 0 : i32
      %dma_start3A_468 = tpu.memref_slice %arg5[%arg0, %add3A_432, %dma_start3A_467] : memref<2x16384x128xf32, #tpu.memory_space<hbm>> -> memref<1x128x40xf32, #tpu.memory_space<hbm>>
      %dma_start3A_469 = tpu.memref_squeeze %dma_start3A_468 : memref<1x128x40xf32, #tpu.memory_space<hbm>> -> memref<128x40xf32, #tpu.memory_space<hbm>>
      %dma_start3A_470 = arith.constant 0 : i32
      %dma_start3A_471 = arith.constant 0 : i32
      %dma_start3A_472 = tpu.memref_slice %arg10[%run_scoped3A_434, %dma_start3A_470, %dma_start3A_471] : memref<8x128x40xf32, #tpu.memory_space<vmem>> -> memref<1x128x40xf32, #tpu.memory_space<vmem>>
      %dma_start3A_473 = tpu.memref_squeeze %dma_start3A_472 : memref<1x128x40xf32, #tpu.memory_space<vmem>> -> memref<128x40xf32, #tpu.memory_space<vmem>>
      tpu.enqueue_dma source(%dma_start3A_473 : memref<128x40xf32, #tpu.memory_space<vmem>>) target(%dma_start3A_469 : memref<128x40xf32, #tpu.memory_space<hbm>>) target_semaphore(%run_scoped3A_459 : memref<!tpu.dma_semaphore, #tpu.memory_space<semaphore_mem>>)
      %dma_wait3A_474 = arith.constant 0 : i32
      %dma_wait3A_475 = arith.constant 0 : i32
      %dma_wait3A_476 = tpu.memref_slice %arg10[%run_scoped3A_434, %dma_wait3A_474, %dma_wait3A_475] : memref<8x128x40xf32, #tpu.memory_space<vmem>> -> memref<1x128x40xf32, #tpu.memory_space<vmem>>
      %dma_wait3A_477 = tpu.memref_squeeze %dma_wait3A_476 : memref<1x128x40xf32, #tpu.memory_space<vmem>> -> memref<128x40xf32, #tpu.memory_space<vmem>>
      %dma_wait3A_478 = arith.constant 0 : i32
      %dma_wait3A_479 = tpu.memref_slice %arg5[%arg0, %add3A_432, %dma_wait3A_478] : memref<2x16384x128xf32, #tpu.memory_space<hbm>> -> memref<1x128x40xf32, #tpu.memory_space<hbm>>
      %dma_wait3A_480 = tpu.memref_squeeze %dma_wait3A_479 : memref<1x128x40xf32, #tpu.memory_space<hbm>> -> memref<128x40xf32, #tpu.memory_space<hbm>>
      %dma_wait3A_481 = arith.constant 0 : i32
      %dma_wait3A_482 = tpu.memref_slice %arg5[%arg0, %add3A_432, %dma_wait3A_481] : memref<2x16384x128xf32, #tpu.memory_space<hbm>> -> memref<1x128x40xf32, #tpu.memory_space<hbm>>
      %dma_wait3A_483 = tpu.memref_squeeze %dma_wait3A_482 : memref<1x128x40xf32, #tpu.memory_space<hbm>> -> memref<128x40xf32, #tpu.memory_space<hbm>>
      %dma_wait3A_484 = arith.constant 0 : i32
      %dma_wait3A_485 = arith.constant 0 : i32
      %dma_wait3A_486 = tpu.memref_slice %arg10[%run_scoped3A_434, %dma_wait3A_484, %dma_wait3A_485] : memref<8x128x40xf32, #tpu.memory_space<vmem>> -> memref<1x128x40xf32, #tpu.memory_space<vmem>>
      %dma_wait3A_487 = tpu.memref_squeeze %dma_wait3A_486 : memref<1x128x40xf32, #tpu.memory_space<vmem>> -> memref<128x40xf32, #tpu.memory_space<vmem>>
      tpu.wait_dma2 semaphore(%run_scoped3A_459 : memref<!tpu.dma_semaphore, #tpu.memory_space<semaphore_mem>>) src(%dma_wait3A_487 : memref<128x40xf32, #tpu.memory_space<vmem>>) dst(%dma_wait3A_483 : memref<128x40xf32, #tpu.memory_space<hbm>>)
      tpu.yield
    }) : () -> ()
    %add3A_435 = arith.constant 256 : i32
    %add3A_436 = arith.addi %mul3A_9, %add3A_435 : i32
    %run_scoped3A_437 = arith.constant 0 : i32
    "tpu.region"() ({
      %run_scoped3A_459 = tpu.sem_alloc : memref<!tpu.dma_semaphore, #tpu.memory_space<semaphore_mem>>
      %dma_start3A_460 = arith.constant 0 : i32
      %dma_start3A_461 = arith.constant 0 : i32
      %dma_start3A_462 = tpu.memref_slice %arg10[%run_scoped3A_437, %dma_start3A_460, %dma_start3A_461] : memref<8x128x40xf32, #tpu.memory_space<vmem>> -> memref<1x128x40xf32, #tpu.memory_space<vmem>>
      %dma_start3A_463 = tpu.memref_squeeze %dma_start3A_462 : memref<1x128x40xf32, #tpu.memory_space<vmem>> -> memref<128x40xf32, #tpu.memory_space<vmem>>
      %dma_start3A_464 = arith.constant 0 : i32
      %dma_start3A_465 = tpu.memref_slice %arg11[%add3A_436, %dma_start3A_464] : memref<16384x40xf32, #tpu.memory_space<vmem_shared>> -> memref<128x40xf32, #tpu.memory_space<vmem_shared>>
      %dma_start3A_466 = arith.constant 0 : i32
      %dma_start3A_467 = arith.constant 0 : i32
      %dma_start3A_468 = tpu.memref_slice %arg10[%run_scoped3A_437, %dma_start3A_466, %dma_start3A_467] : memref<8x128x40xf32, #tpu.memory_space<vmem>> -> memref<1x128x40xf32, #tpu.memory_space<vmem>>
      %dma_start3A_469 = tpu.memref_squeeze %dma_start3A_468 : memref<1x128x40xf32, #tpu.memory_space<vmem>> -> memref<128x40xf32, #tpu.memory_space<vmem>>
      %dma_start3A_470 = arith.constant 0 : i32
      %dma_start3A_471 = tpu.memref_slice %arg11[%add3A_436, %dma_start3A_470] : memref<16384x40xf32, #tpu.memory_space<vmem_shared>> -> memref<128x40xf32, #tpu.memory_space<vmem_shared>>
      tpu.enqueue_dma source(%dma_start3A_471 : memref<128x40xf32, #tpu.memory_space<vmem_shared>>) target(%dma_start3A_469 : memref<128x40xf32, #tpu.memory_space<vmem>>) target_semaphore(%run_scoped3A_459 : memref<!tpu.dma_semaphore, #tpu.memory_space<semaphore_mem>>)
      %dma_wait3A_472 = arith.constant 0 : i32
      %dma_wait3A_473 = arith.constant 0 : i32
      %dma_wait3A_474 = tpu.memref_slice %arg10[%run_scoped3A_437, %dma_wait3A_472, %dma_wait3A_473] : memref<8x128x40xf32, #tpu.memory_space<vmem>> -> memref<1x128x40xf32, #tpu.memory_space<vmem>>
      %dma_wait3A_475 = tpu.memref_squeeze %dma_wait3A_474 : memref<1x128x40xf32, #tpu.memory_space<vmem>> -> memref<128x40xf32, #tpu.memory_space<vmem>>
      %dma_wait3A_476 = arith.constant 0 : i32
      %dma_wait3A_477 = tpu.memref_slice %arg11[%add3A_436, %dma_wait3A_476] : memref<16384x40xf32, #tpu.memory_space<vmem_shared>> -> memref<128x40xf32, #tpu.memory_space<vmem_shared>>
      %dma_wait3A_478 = arith.constant 0 : i32
      %dma_wait3A_479 = arith.constant 0 : i32
      %dma_wait3A_480 = tpu.memref_slice %arg10[%run_scoped3A_437, %dma_wait3A_478, %dma_wait3A_479] : memref<8x128x40xf32, #tpu.memory_space<vmem>> -> memref<1x128x40xf32, #tpu.memory_space<vmem>>
      %dma_wait3A_481 = tpu.memref_squeeze %dma_wait3A_480 : memref<1x128x40xf32, #tpu.memory_space<vmem>> -> memref<128x40xf32, #tpu.memory_space<vmem>>
      %dma_wait3A_482 = arith.constant 0 : i32
      %dma_wait3A_483 = tpu.memref_slice %arg11[%add3A_436, %dma_wait3A_482] : memref<16384x40xf32, #tpu.memory_space<vmem_shared>> -> memref<128x40xf32, #tpu.memory_space<vmem_shared>>
      tpu.wait_dma2 semaphore(%run_scoped3A_459 : memref<!tpu.dma_semaphore, #tpu.memory_space<semaphore_mem>>) src(%dma_wait3A_483 : memref<128x40xf32, #tpu.memory_space<vmem_shared>>) dst(%dma_wait3A_481 : memref<128x40xf32, #tpu.memory_space<vmem>>)
      tpu.yield
    }) : () -> ()
    %run_scoped3A_438 = arith.constant 0 : i32
    "tpu.region"() ({
      %run_scoped3A_459 = tpu.sem_alloc : memref<!tpu.dma_semaphore, #tpu.memory_space<semaphore_mem>>
      %dma_start3A_460 = arith.constant 0 : i32
      %dma_start3A_461 = arith.constant 0 : i32
      %dma_start3A_462 = tpu.memref_slice %arg10[%run_scoped3A_438, %dma_start3A_460, %dma_start3A_461] : memref<8x128x40xf32, #tpu.memory_space<vmem>> -> memref<1x128x40xf32, #tpu.memory_space<vmem>>
      %dma_start3A_463 = tpu.memref_squeeze %dma_start3A_462 : memref<1x128x40xf32, #tpu.memory_space<vmem>> -> memref<128x40xf32, #tpu.memory_space<vmem>>
      %dma_start3A_464 = arith.constant 0 : i32
      %dma_start3A_465 = tpu.memref_slice %arg5[%arg0, %add3A_436, %dma_start3A_464] : memref<2x16384x128xf32, #tpu.memory_space<hbm>> -> memref<1x128x40xf32, #tpu.memory_space<hbm>>
      %dma_start3A_466 = tpu.memref_squeeze %dma_start3A_465 : memref<1x128x40xf32, #tpu.memory_space<hbm>> -> memref<128x40xf32, #tpu.memory_space<hbm>>
      %dma_start3A_467 = arith.constant 0 : i32
      %dma_start3A_468 = tpu.memref_slice %arg5[%arg0, %add3A_436, %dma_start3A_467] : memref<2x16384x128xf32, #tpu.memory_space<hbm>> -> memref<1x128x40xf32, #tpu.memory_space<hbm>>
      %dma_start3A_469 = tpu.memref_squeeze %dma_start3A_468 : memref<1x128x40xf32, #tpu.memory_space<hbm>> -> memref<128x40xf32, #tpu.memory_space<hbm>>
      %dma_start3A_470 = arith.constant 0 : i32
      %dma_start3A_471 = arith.constant 0 : i32
      %dma_start3A_472 = tpu.memref_slice %arg10[%run_scoped3A_438, %dma_start3A_470, %dma_start3A_471] : memref<8x128x40xf32, #tpu.memory_space<vmem>> -> memref<1x128x40xf32, #tpu.memory_space<vmem>>
      %dma_start3A_473 = tpu.memref_squeeze %dma_start3A_472 : memref<1x128x40xf32, #tpu.memory_space<vmem>> -> memref<128x40xf32, #tpu.memory_space<vmem>>
      tpu.enqueue_dma source(%dma_start3A_473 : memref<128x40xf32, #tpu.memory_space<vmem>>) target(%dma_start3A_469 : memref<128x40xf32, #tpu.memory_space<hbm>>) target_semaphore(%run_scoped3A_459 : memref<!tpu.dma_semaphore, #tpu.memory_space<semaphore_mem>>)
      %dma_wait3A_474 = arith.constant 0 : i32
      %dma_wait3A_475 = arith.constant 0 : i32
      %dma_wait3A_476 = tpu.memref_slice %arg10[%run_scoped3A_438, %dma_wait3A_474, %dma_wait3A_475] : memref<8x128x40xf32, #tpu.memory_space<vmem>> -> memref<1x128x40xf32, #tpu.memory_space<vmem>>
      %dma_wait3A_477 = tpu.memref_squeeze %dma_wait3A_476 : memref<1x128x40xf32, #tpu.memory_space<vmem>> -> memref<128x40xf32, #tpu.memory_space<vmem>>
      %dma_wait3A_478 = arith.constant 0 : i32
      %dma_wait3A_479 = tpu.memref_slice %arg5[%arg0, %add3A_436, %dma_wait3A_478] : memref<2x16384x128xf32, #tpu.memory_space<hbm>> -> memref<1x128x40xf32, #tpu.memory_space<hbm>>
      %dma_wait3A_480 = tpu.memref_squeeze %dma_wait3A_479 : memref<1x128x40xf32, #tpu.memory_space<hbm>> -> memref<128x40xf32, #tpu.memory_space<hbm>>
      %dma_wait3A_481 = arith.constant 0 : i32
      %dma_wait3A_482 = tpu.memref_slice %arg5[%arg0, %add3A_436, %dma_wait3A_481] : memref<2x16384x128xf32, #tpu.memory_space<hbm>> -> memref<1x128x40xf32, #tpu.memory_space<hbm>>
      %dma_wait3A_483 = tpu.memref_squeeze %dma_wait3A_482 : memref<1x128x40xf32, #tpu.memory_space<hbm>> -> memref<128x40xf32, #tpu.memory_space<hbm>>
      %dma_wait3A_484 = arith.constant 0 : i32
      %dma_wait3A_485 = arith.constant 0 : i32
      %dma_wait3A_486 = tpu.memref_slice %arg10[%run_scoped3A_438, %dma_wait3A_484, %dma_wait3A_485] : memref<8x128x40xf32, #tpu.memory_space<vmem>> -> memref<1x128x40xf32, #tpu.memory_space<vmem>>
      %dma_wait3A_487 = tpu.memref_squeeze %dma_wait3A_486 : memref<1x128x40xf32, #tpu.memory_space<vmem>> -> memref<128x40xf32, #tpu.memory_space<vmem>>
      tpu.wait_dma2 semaphore(%run_scoped3A_459 : memref<!tpu.dma_semaphore, #tpu.memory_space<semaphore_mem>>) src(%dma_wait3A_487 : memref<128x40xf32, #tpu.memory_space<vmem>>) dst(%dma_wait3A_483 : memref<128x40xf32, #tpu.memory_space<hbm>>)
      tpu.yield
    }) : () -> ()
    %add3A_439 = arith.constant 384 : i32
    %add3A_440 = arith.addi %mul3A_9, %add3A_439 : i32
    %run_scoped3A_441 = arith.constant 0 : i32
    "tpu.region"() ({
      %run_scoped3A_459 = tpu.sem_alloc : memref<!tpu.dma_semaphore, #tpu.memory_space<semaphore_mem>>
      %dma_start3A_460 = arith.constant 0 : i32
      %dma_start3A_461 = arith.constant 0 : i32
      %dma_start3A_462 = tpu.memref_slice %arg10[%run_scoped3A_441, %dma_start3A_460, %dma_start3A_461] : memref<8x128x40xf32, #tpu.memory_space<vmem>> -> memref<1x128x40xf32, #tpu.memory_space<vmem>>
      %dma_start3A_463 = tpu.memref_squeeze %dma_start3A_462 : memref<1x128x40xf32, #tpu.memory_space<vmem>> -> memref<128x40xf32, #tpu.memory_space<vmem>>
      %dma_start3A_464 = arith.constant 0 : i32
      %dma_start3A_465 = tpu.memref_slice %arg11[%add3A_440, %dma_start3A_464] : memref<16384x40xf32, #tpu.memory_space<vmem_shared>> -> memref<128x40xf32, #tpu.memory_space<vmem_shared>>
      %dma_start3A_466 = arith.constant 0 : i32
      %dma_start3A_467 = arith.constant 0 : i32
      %dma_start3A_468 = tpu.memref_slice %arg10[%run_scoped3A_441, %dma_start3A_466, %dma_start3A_467] : memref<8x128x40xf32, #tpu.memory_space<vmem>> -> memref<1x128x40xf32, #tpu.memory_space<vmem>>
      %dma_start3A_469 = tpu.memref_squeeze %dma_start3A_468 : memref<1x128x40xf32, #tpu.memory_space<vmem>> -> memref<128x40xf32, #tpu.memory_space<vmem>>
      %dma_start3A_470 = arith.constant 0 : i32
      %dma_start3A_471 = tpu.memref_slice %arg11[%add3A_440, %dma_start3A_470] : memref<16384x40xf32, #tpu.memory_space<vmem_shared>> -> memref<128x40xf32, #tpu.memory_space<vmem_shared>>
      tpu.enqueue_dma source(%dma_start3A_471 : memref<128x40xf32, #tpu.memory_space<vmem_shared>>) target(%dma_start3A_469 : memref<128x40xf32, #tpu.memory_space<vmem>>) target_semaphore(%run_scoped3A_459 : memref<!tpu.dma_semaphore, #tpu.memory_space<semaphore_mem>>)
      %dma_wait3A_472 = arith.constant 0 : i32
      %dma_wait3A_473 = arith.constant 0 : i32
      %dma_wait3A_474 = tpu.memref_slice %arg10[%run_scoped3A_441, %dma_wait3A_472, %dma_wait3A_473] : memref<8x128x40xf32, #tpu.memory_space<vmem>> -> memref<1x128x40xf32, #tpu.memory_space<vmem>>
      %dma_wait3A_475 = tpu.memref_squeeze %dma_wait3A_474 : memref<1x128x40xf32, #tpu.memory_space<vmem>> -> memref<128x40xf32, #tpu.memory_space<vmem>>
      %dma_wait3A_476 = arith.constant 0 : i32
      %dma_wait3A_477 = tpu.memref_slice %arg11[%add3A_440, %dma_wait3A_476] : memref<16384x40xf32, #tpu.memory_space<vmem_shared>> -> memref<128x40xf32, #tpu.memory_space<vmem_shared>>
      %dma_wait3A_478 = arith.constant 0 : i32
      %dma_wait3A_479 = arith.constant 0 : i32
      %dma_wait3A_480 = tpu.memref_slice %arg10[%run_scoped3A_441, %dma_wait3A_478, %dma_wait3A_479] : memref<8x128x40xf32, #tpu.memory_space<vmem>> -> memref<1x128x40xf32, #tpu.memory_space<vmem>>
      %dma_wait3A_481 = tpu.memref_squeeze %dma_wait3A_480 : memref<1x128x40xf32, #tpu.memory_space<vmem>> -> memref<128x40xf32, #tpu.memory_space<vmem>>
      %dma_wait3A_482 = arith.constant 0 : i32
      %dma_wait3A_483 = tpu.memref_slice %arg11[%add3A_440, %dma_wait3A_482] : memref<16384x40xf32, #tpu.memory_space<vmem_shared>> -> memref<128x40xf32, #tpu.memory_space<vmem_shared>>
      tpu.wait_dma2 semaphore(%run_scoped3A_459 : memref<!tpu.dma_semaphore, #tpu.memory_space<semaphore_mem>>) src(%dma_wait3A_483 : memref<128x40xf32, #tpu.memory_space<vmem_shared>>) dst(%dma_wait3A_481 : memref<128x40xf32, #tpu.memory_space<vmem>>)
      tpu.yield
    }) : () -> ()
    %run_scoped3A_442 = arith.constant 0 : i32
    "tpu.region"() ({
      %run_scoped3A_459 = tpu.sem_alloc : memref<!tpu.dma_semaphore, #tpu.memory_space<semaphore_mem>>
      %dma_start3A_460 = arith.constant 0 : i32
      %dma_start3A_461 = arith.constant 0 : i32
      %dma_start3A_462 = tpu.memref_slice %arg10[%run_scoped3A_442, %dma_start3A_460, %dma_start3A_461] : memref<8x128x40xf32, #tpu.memory_space<vmem>> -> memref<1x128x40xf32, #tpu.memory_space<vmem>>
      %dma_start3A_463 = tpu.memref_squeeze %dma_start3A_462 : memref<1x128x40xf32, #tpu.memory_space<vmem>> -> memref<128x40xf32, #tpu.memory_space<vmem>>
      %dma_start3A_464 = arith.constant 0 : i32
      %dma_start3A_465 = tpu.memref_slice %arg5[%arg0, %add3A_440, %dma_start3A_464] : memref<2x16384x128xf32, #tpu.memory_space<hbm>> -> memref<1x128x40xf32, #tpu.memory_space<hbm>>
      %dma_start3A_466 = tpu.memref_squeeze %dma_start3A_465 : memref<1x128x40xf32, #tpu.memory_space<hbm>> -> memref<128x40xf32, #tpu.memory_space<hbm>>
      %dma_start3A_467 = arith.constant 0 : i32
      %dma_start3A_468 = tpu.memref_slice %arg5[%arg0, %add3A_440, %dma_start3A_467] : memref<2x16384x128xf32, #tpu.memory_space<hbm>> -> memref<1x128x40xf32, #tpu.memory_space<hbm>>
      %dma_start3A_469 = tpu.memref_squeeze %dma_start3A_468 : memref<1x128x40xf32, #tpu.memory_space<hbm>> -> memref<128x40xf32, #tpu.memory_space<hbm>>
      %dma_start3A_470 = arith.constant 0 : i32
      %dma_start3A_471 = arith.constant 0 : i32
      %dma_start3A_472 = tpu.memref_slice %arg10[%run_scoped3A_442, %dma_start3A_470, %dma_start3A_471] : memref<8x128x40xf32, #tpu.memory_space<vmem>> -> memref<1x128x40xf32, #tpu.memory_space<vmem>>
      %dma_start3A_473 = tpu.memref_squeeze %dma_start3A_472 : memref<1x128x40xf32, #tpu.memory_space<vmem>> -> memref<128x40xf32, #tpu.memory_space<vmem>>
      tpu.enqueue_dma source(%dma_start3A_473 : memref<128x40xf32, #tpu.memory_space<vmem>>) target(%dma_start3A_469 : memref<128x40xf32, #tpu.memory_space<hbm>>) target_semaphore(%run_scoped3A_459 : memref<!tpu.dma_semaphore, #tpu.memory_space<semaphore_mem>>)
      %dma_wait3A_474 = arith.constant 0 : i32
      %dma_wait3A_475 = arith.constant 0 : i32
      %dma_wait3A_476 = tpu.memref_slice %arg10[%run_scoped3A_442, %dma_wait3A_474, %dma_wait3A_475] : memref<8x128x40xf32, #tpu.memory_space<vmem>> -> memref<1x128x40xf32, #tpu.memory_space<vmem>>
      %dma_wait3A_477 = tpu.memref_squeeze %dma_wait3A_476 : memref<1x128x40xf32, #tpu.memory_space<vmem>> -> memref<128x40xf32, #tpu.memory_space<vmem>>
      %dma_wait3A_478 = arith.constant 0 : i32
      %dma_wait3A_479 = tpu.memref_slice %arg5[%arg0, %add3A_440, %dma_wait3A_478] : memref<2x16384x128xf32, #tpu.memory_space<hbm>> -> memref<1x128x40xf32, #tpu.memory_space<hbm>>
      %dma_wait3A_480 = tpu.memref_squeeze %dma_wait3A_479 : memref<1x128x40xf32, #tpu.memory_space<hbm>> -> memref<128x40xf32, #tpu.memory_space<hbm>>
      %dma_wait3A_481 = arith.constant 0 : i32
      %dma_wait3A_482 = tpu.memref_slice %arg5[%arg0, %add3A_440, %dma_wait3A_481] : memref<2x16384x128xf32, #tpu.memory_space<hbm>> -> memref<1x128x40xf32, #tpu.memory_space<hbm>>
      %dma_wait3A_483 = tpu.memref_squeeze %dma_wait3A_482 : memref<1x128x40xf32, #tpu.memory_space<hbm>> -> memref<128x40xf32, #tpu.memory_space<hbm>>
      %dma_wait3A_484 = arith.constant 0 : i32
      %dma_wait3A_485 = arith.constant 0 : i32
      %dma_wait3A_486 = tpu.memref_slice %arg10[%run_scoped3A_442, %dma_wait3A_484, %dma_wait3A_485] : memref<8x128x40xf32, #tpu.memory_space<vmem>> -> memref<1x128x40xf32, #tpu.memory_space<vmem>>
      %dma_wait3A_487 = tpu.memref_squeeze %dma_wait3A_486 : memref<1x128x40xf32, #tpu.memory_space<vmem>> -> memref<128x40xf32, #tpu.memory_space<vmem>>
      tpu.wait_dma2 semaphore(%run_scoped3A_459 : memref<!tpu.dma_semaphore, #tpu.memory_space<semaphore_mem>>) src(%dma_wait3A_487 : memref<128x40xf32, #tpu.memory_space<vmem>>) dst(%dma_wait3A_483 : memref<128x40xf32, #tpu.memory_space<hbm>>)
      tpu.yield
    }) : () -> ()
    %add3A_443 = arith.constant 512 : i32
    %add3A_444 = arith.addi %mul3A_9, %add3A_443 : i32
    %run_scoped3A_445 = arith.constant 0 : i32
    "tpu.region"() ({
      %run_scoped3A_459 = tpu.sem_alloc : memref<!tpu.dma_semaphore, #tpu.memory_space<semaphore_mem>>
      %dma_start3A_460 = arith.constant 0 : i32
      %dma_start3A_461 = arith.constant 0 : i32
      %dma_start3A_462 = tpu.memref_slice %arg10[%run_scoped3A_445, %dma_start3A_460, %dma_start3A_461] : memref<8x128x40xf32, #tpu.memory_space<vmem>> -> memref<1x128x40xf32, #tpu.memory_space<vmem>>
      %dma_start3A_463 = tpu.memref_squeeze %dma_start3A_462 : memref<1x128x40xf32, #tpu.memory_space<vmem>> -> memref<128x40xf32, #tpu.memory_space<vmem>>
      %dma_start3A_464 = arith.constant 0 : i32
      %dma_start3A_465 = tpu.memref_slice %arg11[%add3A_444, %dma_start3A_464] : memref<16384x40xf32, #tpu.memory_space<vmem_shared>> -> memref<128x40xf32, #tpu.memory_space<vmem_shared>>
      %dma_start3A_466 = arith.constant 0 : i32
      %dma_start3A_467 = arith.constant 0 : i32
      %dma_start3A_468 = tpu.memref_slice %arg10[%run_scoped3A_445, %dma_start3A_466, %dma_start3A_467] : memref<8x128x40xf32, #tpu.memory_space<vmem>> -> memref<1x128x40xf32, #tpu.memory_space<vmem>>
      %dma_start3A_469 = tpu.memref_squeeze %dma_start3A_468 : memref<1x128x40xf32, #tpu.memory_space<vmem>> -> memref<128x40xf32, #tpu.memory_space<vmem>>
      %dma_start3A_470 = arith.constant 0 : i32
      %dma_start3A_471 = tpu.memref_slice %arg11[%add3A_444, %dma_start3A_470] : memref<16384x40xf32, #tpu.memory_space<vmem_shared>> -> memref<128x40xf32, #tpu.memory_space<vmem_shared>>
      tpu.enqueue_dma source(%dma_start3A_471 : memref<128x40xf32, #tpu.memory_space<vmem_shared>>) target(%dma_start3A_469 : memref<128x40xf32, #tpu.memory_space<vmem>>) target_semaphore(%run_scoped3A_459 : memref<!tpu.dma_semaphore, #tpu.memory_space<semaphore_mem>>)
      %dma_wait3A_472 = arith.constant 0 : i32
      %dma_wait3A_473 = arith.constant 0 : i32
      %dma_wait3A_474 = tpu.memref_slice %arg10[%run_scoped3A_445, %dma_wait3A_472, %dma_wait3A_473] : memref<8x128x40xf32, #tpu.memory_space<vmem>> -> memref<1x128x40xf32, #tpu.memory_space<vmem>>
      %dma_wait3A_475 = tpu.memref_squeeze %dma_wait3A_474 : memref<1x128x40xf32, #tpu.memory_space<vmem>> -> memref<128x40xf32, #tpu.memory_space<vmem>>
      %dma_wait3A_476 = arith.constant 0 : i32
      %dma_wait3A_477 = tpu.memref_slice %arg11[%add3A_444, %dma_wait3A_476] : memref<16384x40xf32, #tpu.memory_space<vmem_shared>> -> memref<128x40xf32, #tpu.memory_space<vmem_shared>>
      %dma_wait3A_478 = arith.constant 0 : i32
      %dma_wait3A_479 = arith.constant 0 : i32
      %dma_wait3A_480 = tpu.memref_slice %arg10[%run_scoped3A_445, %dma_wait3A_478, %dma_wait3A_479] : memref<8x128x40xf32, #tpu.memory_space<vmem>> -> memref<1x128x40xf32, #tpu.memory_space<vmem>>
      %dma_wait3A_481 = tpu.memref_squeeze %dma_wait3A_480 : memref<1x128x40xf32, #tpu.memory_space<vmem>> -> memref<128x40xf32, #tpu.memory_space<vmem>>
      %dma_wait3A_482 = arith.constant 0 : i32
      %dma_wait3A_483 = tpu.memref_slice %arg11[%add3A_444, %dma_wait3A_482] : memref<16384x40xf32, #tpu.memory_space<vmem_shared>> -> memref<128x40xf32, #tpu.memory_space<vmem_shared>>
      tpu.wait_dma2 semaphore(%run_scoped3A_459 : memref<!tpu.dma_semaphore, #tpu.memory_space<semaphore_mem>>) src(%dma_wait3A_483 : memref<128x40xf32, #tpu.memory_space<vmem_shared>>) dst(%dma_wait3A_481 : memref<128x40xf32, #tpu.memory_space<vmem>>)
      tpu.yield
    }) : () -> ()
    %run_scoped3A_446 = arith.constant 0 : i32
    "tpu.region"() ({
      %run_scoped3A_459 = tpu.sem_alloc : memref<!tpu.dma_semaphore, #tpu.memory_space<semaphore_mem>>
      %dma_start3A_460 = arith.constant 0 : i32
      %dma_start3A_461 = arith.constant 0 : i32
      %dma_start3A_462 = tpu.memref_slice %arg10[%run_scoped3A_446, %dma_start3A_460, %dma_start3A_461] : memref<8x128x40xf32, #tpu.memory_space<vmem>> -> memref<1x128x40xf32, #tpu.memory_space<vmem>>
      %dma_start3A_463 = tpu.memref_squeeze %dma_start3A_462 : memref<1x128x40xf32, #tpu.memory_space<vmem>> -> memref<128x40xf32, #tpu.memory_space<vmem>>
      %dma_start3A_464 = arith.constant 0 : i32
      %dma_start3A_465 = tpu.memref_slice %arg5[%arg0, %add3A_444, %dma_start3A_464] : memref<2x16384x128xf32, #tpu.memory_space<hbm>> -> memref<1x128x40xf32, #tpu.memory_space<hbm>>
      %dma_start3A_466 = tpu.memref_squeeze %dma_start3A_465 : memref<1x128x40xf32, #tpu.memory_space<hbm>> -> memref<128x40xf32, #tpu.memory_space<hbm>>
      %dma_start3A_467 = arith.constant 0 : i32
      %dma_start3A_468 = tpu.memref_slice %arg5[%arg0, %add3A_444, %dma_start3A_467] : memref<2x16384x128xf32, #tpu.memory_space<hbm>> -> memref<1x128x40xf32, #tpu.memory_space<hbm>>
      %dma_start3A_469 = tpu.memref_squeeze %dma_start3A_468 : memref<1x128x40xf32, #tpu.memory_space<hbm>> -> memref<128x40xf32, #tpu.memory_space<hbm>>
      %dma_start3A_470 = arith.constant 0 : i32
      %dma_start3A_471 = arith.constant 0 : i32
      %dma_start3A_472 = tpu.memref_slice %arg10[%run_scoped3A_446, %dma_start3A_470, %dma_start3A_471] : memref<8x128x40xf32, #tpu.memory_space<vmem>> -> memref<1x128x40xf32, #tpu.memory_space<vmem>>
      %dma_start3A_473 = tpu.memref_squeeze %dma_start3A_472 : memref<1x128x40xf32, #tpu.memory_space<vmem>> -> memref<128x40xf32, #tpu.memory_space<vmem>>
      tpu.enqueue_dma source(%dma_start3A_473 : memref<128x40xf32, #tpu.memory_space<vmem>>) target(%dma_start3A_469 : memref<128x40xf32, #tpu.memory_space<hbm>>) target_semaphore(%run_scoped3A_459 : memref<!tpu.dma_semaphore, #tpu.memory_space<semaphore_mem>>)
      %dma_wait3A_474 = arith.constant 0 : i32
      %dma_wait3A_475 = arith.constant 0 : i32
      %dma_wait3A_476 = tpu.memref_slice %arg10[%run_scoped3A_446, %dma_wait3A_474, %dma_wait3A_475] : memref<8x128x40xf32, #tpu.memory_space<vmem>> -> memref<1x128x40xf32, #tpu.memory_space<vmem>>
      %dma_wait3A_477 = tpu.memref_squeeze %dma_wait3A_476 : memref<1x128x40xf32, #tpu.memory_space<vmem>> -> memref<128x40xf32, #tpu.memory_space<vmem>>
      %dma_wait3A_478 = arith.constant 0 : i32
      %dma_wait3A_479 = tpu.memref_slice %arg5[%arg0, %add3A_444, %dma_wait3A_478] : memref<2x16384x128xf32, #tpu.memory_space<hbm>> -> memref<1x128x40xf32, #tpu.memory_space<hbm>>
      %dma_wait3A_480 = tpu.memref_squeeze %dma_wait3A_479 : memref<1x128x40xf32, #tpu.memory_space<hbm>> -> memref<128x40xf32, #tpu.memory_space<hbm>>
      %dma_wait3A_481 = arith.constant 0 : i32
      %dma_wait3A_482 = tpu.memref_slice %arg5[%arg0, %add3A_444, %dma_wait3A_481] : memref<2x16384x128xf32, #tpu.memory_space<hbm>> -> memref<1x128x40xf32, #tpu.memory_space<hbm>>
      %dma_wait3A_483 = tpu.memref_squeeze %dma_wait3A_482 : memref<1x128x40xf32, #tpu.memory_space<hbm>> -> memref<128x40xf32, #tpu.memory_space<hbm>>
      %dma_wait3A_484 = arith.constant 0 : i32
      %dma_wait3A_485 = arith.constant 0 : i32
      %dma_wait3A_486 = tpu.memref_slice %arg10[%run_scoped3A_446, %dma_wait3A_484, %dma_wait3A_485] : memref<8x128x40xf32, #tpu.memory_space<vmem>> -> memref<1x128x40xf32, #tpu.memory_space<vmem>>
      %dma_wait3A_487 = tpu.memref_squeeze %dma_wait3A_486 : memref<1x128x40xf32, #tpu.memory_space<vmem>> -> memref<128x40xf32, #tpu.memory_space<vmem>>
      tpu.wait_dma2 semaphore(%run_scoped3A_459 : memref<!tpu.dma_semaphore, #tpu.memory_space<semaphore_mem>>) src(%dma_wait3A_487 : memref<128x40xf32, #tpu.memory_space<vmem>>) dst(%dma_wait3A_483 : memref<128x40xf32, #tpu.memory_space<hbm>>)
      tpu.yield
    }) : () -> ()
    %add3A_447 = arith.constant 640 : i32
    %add3A_448 = arith.addi %mul3A_9, %add3A_447 : i32
    %run_scoped3A_449 = arith.constant 0 : i32
    "tpu.region"() ({
      %run_scoped3A_459 = tpu.sem_alloc : memref<!tpu.dma_semaphore, #tpu.memory_space<semaphore_mem>>
      %dma_start3A_460 = arith.constant 0 : i32
      %dma_start3A_461 = arith.constant 0 : i32
      %dma_start3A_462 = tpu.memref_slice %arg10[%run_scoped3A_449, %dma_start3A_460, %dma_start3A_461] : memref<8x128x40xf32, #tpu.memory_space<vmem>> -> memref<1x128x40xf32, #tpu.memory_space<vmem>>
      %dma_start3A_463 = tpu.memref_squeeze %dma_start3A_462 : memref<1x128x40xf32, #tpu.memory_space<vmem>> -> memref<128x40xf32, #tpu.memory_space<vmem>>
      %dma_start3A_464 = arith.constant 0 : i32
      %dma_start3A_465 = tpu.memref_slice %arg11[%add3A_448, %dma_start3A_464] : memref<16384x40xf32, #tpu.memory_space<vmem_shared>> -> memref<128x40xf32, #tpu.memory_space<vmem_shared>>
      %dma_start3A_466 = arith.constant 0 : i32
      %dma_start3A_467 = arith.constant 0 : i32
      %dma_start3A_468 = tpu.memref_slice %arg10[%run_scoped3A_449, %dma_start3A_466, %dma_start3A_467] : memref<8x128x40xf32, #tpu.memory_space<vmem>> -> memref<1x128x40xf32, #tpu.memory_space<vmem>>
      %dma_start3A_469 = tpu.memref_squeeze %dma_start3A_468 : memref<1x128x40xf32, #tpu.memory_space<vmem>> -> memref<128x40xf32, #tpu.memory_space<vmem>>
      %dma_start3A_470 = arith.constant 0 : i32
      %dma_start3A_471 = tpu.memref_slice %arg11[%add3A_448, %dma_start3A_470] : memref<16384x40xf32, #tpu.memory_space<vmem_shared>> -> memref<128x40xf32, #tpu.memory_space<vmem_shared>>
      tpu.enqueue_dma source(%dma_start3A_471 : memref<128x40xf32, #tpu.memory_space<vmem_shared>>) target(%dma_start3A_469 : memref<128x40xf32, #tpu.memory_space<vmem>>) target_semaphore(%run_scoped3A_459 : memref<!tpu.dma_semaphore, #tpu.memory_space<semaphore_mem>>)
      %dma_wait3A_472 = arith.constant 0 : i32
      %dma_wait3A_473 = arith.constant 0 : i32
      %dma_wait3A_474 = tpu.memref_slice %arg10[%run_scoped3A_449, %dma_wait3A_472, %dma_wait3A_473] : memref<8x128x40xf32, #tpu.memory_space<vmem>> -> memref<1x128x40xf32, #tpu.memory_space<vmem>>
      %dma_wait3A_475 = tpu.memref_squeeze %dma_wait3A_474 : memref<1x128x40xf32, #tpu.memory_space<vmem>> -> memref<128x40xf32, #tpu.memory_space<vmem>>
      %dma_wait3A_476 = arith.constant 0 : i32
      %dma_wait3A_477 = tpu.memref_slice %arg11[%add3A_448, %dma_wait3A_476] : memref<16384x40xf32, #tpu.memory_space<vmem_shared>> -> memref<128x40xf32, #tpu.memory_space<vmem_shared>>
      %dma_wait3A_478 = arith.constant 0 : i32
      %dma_wait3A_479 = arith.constant 0 : i32
      %dma_wait3A_480 = tpu.memref_slice %arg10[%run_scoped3A_449, %dma_wait3A_478, %dma_wait3A_479] : memref<8x128x40xf32, #tpu.memory_space<vmem>> -> memref<1x128x40xf32, #tpu.memory_space<vmem>>
      %dma_wait3A_481 = tpu.memref_squeeze %dma_wait3A_480 : memref<1x128x40xf32, #tpu.memory_space<vmem>> -> memref<128x40xf32, #tpu.memory_space<vmem>>
      %dma_wait3A_482 = arith.constant 0 : i32
      %dma_wait3A_483 = tpu.memref_slice %arg11[%add3A_448, %dma_wait3A_482] : memref<16384x40xf32, #tpu.memory_space<vmem_shared>> -> memref<128x40xf32, #tpu.memory_space<vmem_shared>>
      tpu.wait_dma2 semaphore(%run_scoped3A_459 : memref<!tpu.dma_semaphore, #tpu.memory_space<semaphore_mem>>) src(%dma_wait3A_483 : memref<128x40xf32, #tpu.memory_space<vmem_shared>>) dst(%dma_wait3A_481 : memref<128x40xf32, #tpu.memory_space<vmem>>)
      tpu.yield
    }) : () -> ()
    %run_scoped3A_450 = arith.constant 0 : i32
    "tpu.region"() ({
      %run_scoped3A_459 = tpu.sem_alloc : memref<!tpu.dma_semaphore, #tpu.memory_space<semaphore_mem>>
      %dma_start3A_460 = arith.constant 0 : i32
      %dma_start3A_461 = arith.constant 0 : i32
      %dma_start3A_462 = tpu.memref_slice %arg10[%run_scoped3A_450, %dma_start3A_460, %dma_start3A_461] : memref<8x128x40xf32, #tpu.memory_space<vmem>> -> memref<1x128x40xf32, #tpu.memory_space<vmem>>
      %dma_start3A_463 = tpu.memref_squeeze %dma_start3A_462 : memref<1x128x40xf32, #tpu.memory_space<vmem>> -> memref<128x40xf32, #tpu.memory_space<vmem>>
      %dma_start3A_464 = arith.constant 0 : i32
      %dma_start3A_465 = tpu.memref_slice %arg5[%arg0, %add3A_448, %dma_start3A_464] : memref<2x16384x128xf32, #tpu.memory_space<hbm>> -> memref<1x128x40xf32, #tpu.memory_space<hbm>>
      %dma_start3A_466 = tpu.memref_squeeze %dma_start3A_465 : memref<1x128x40xf32, #tpu.memory_space<hbm>> -> memref<128x40xf32, #tpu.memory_space<hbm>>
      %dma_start3A_467 = arith.constant 0 : i32
      %dma_start3A_468 = tpu.memref_slice %arg5[%arg0, %add3A_448, %dma_start3A_467] : memref<2x16384x128xf32, #tpu.memory_space<hbm>> -> memref<1x128x40xf32, #tpu.memory_space<hbm>>
      %dma_start3A_469 = tpu.memref_squeeze %dma_start3A_468 : memref<1x128x40xf32, #tpu.memory_space<hbm>> -> memref<128x40xf32, #tpu.memory_space<hbm>>
      %dma_start3A_470 = arith.constant 0 : i32
      %dma_start3A_471 = arith.constant 0 : i32
      %dma_start3A_472 = tpu.memref_slice %arg10[%run_scoped3A_450, %dma_start3A_470, %dma_start3A_471] : memref<8x128x40xf32, #tpu.memory_space<vmem>> -> memref<1x128x40xf32, #tpu.memory_space<vmem>>
      %dma_start3A_473 = tpu.memref_squeeze %dma_start3A_472 : memref<1x128x40xf32, #tpu.memory_space<vmem>> -> memref<128x40xf32, #tpu.memory_space<vmem>>
      tpu.enqueue_dma source(%dma_start3A_473 : memref<128x40xf32, #tpu.memory_space<vmem>>) target(%dma_start3A_469 : memref<128x40xf32, #tpu.memory_space<hbm>>) target_semaphore(%run_scoped3A_459 : memref<!tpu.dma_semaphore, #tpu.memory_space<semaphore_mem>>)
      %dma_wait3A_474 = arith.constant 0 : i32
      %dma_wait3A_475 = arith.constant 0 : i32
      %dma_wait3A_476 = tpu.memref_slice %arg10[%run_scoped3A_450, %dma_wait3A_474, %dma_wait3A_475] : memref<8x128x40xf32, #tpu.memory_space<vmem>> -> memref<1x128x40xf32, #tpu.memory_space<vmem>>
      %dma_wait3A_477 = tpu.memref_squeeze %dma_wait3A_476 : memref<1x128x40xf32, #tpu.memory_space<vmem>> -> memref<128x40xf32, #tpu.memory_space<vmem>>
      %dma_wait3A_478 = arith.constant 0 : i32
      %dma_wait3A_479 = tpu.memref_slice %arg5[%arg0, %add3A_448, %dma_wait3A_478] : memref<2x16384x128xf32, #tpu.memory_space<hbm>> -> memref<1x128x40xf32, #tpu.memory_space<hbm>>
      %dma_wait3A_480 = tpu.memref_squeeze %dma_wait3A_479 : memref<1x128x40xf32, #tpu.memory_space<hbm>> -> memref<128x40xf32, #tpu.memory_space<hbm>>
      %dma_wait3A_481 = arith.constant 0 : i32
      %dma_wait3A_482 = tpu.memref_slice %arg5[%arg0, %add3A_448, %dma_wait3A_481] : memref<2x16384x128xf32, #tpu.memory_space<hbm>> -> memref<1x128x40xf32, #tpu.memory_space<hbm>>
      %dma_wait3A_483 = tpu.memref_squeeze %dma_wait3A_482 : memref<1x128x40xf32, #tpu.memory_space<hbm>> -> memref<128x40xf32, #tpu.memory_space<hbm>>
      %dma_wait3A_484 = arith.constant 0 : i32
      %dma_wait3A_485 = arith.constant 0 : i32
      %dma_wait3A_486 = tpu.memref_slice %arg10[%run_scoped3A_450, %dma_wait3A_484, %dma_wait3A_485] : memref<8x128x40xf32, #tpu.memory_space<vmem>> -> memref<1x128x40xf32, #tpu.memory_space<vmem>>
      %dma_wait3A_487 = tpu.memref_squeeze %dma_wait3A_486 : memref<1x128x40xf32, #tpu.memory_space<vmem>> -> memref<128x40xf32, #tpu.memory_space<vmem>>
      tpu.wait_dma2 semaphore(%run_scoped3A_459 : memref<!tpu.dma_semaphore, #tpu.memory_space<semaphore_mem>>) src(%dma_wait3A_487 : memref<128x40xf32, #tpu.memory_space<vmem>>) dst(%dma_wait3A_483 : memref<128x40xf32, #tpu.memory_space<hbm>>)
      tpu.yield
    }) : () -> ()
    %add3A_451 = arith.constant 768 : i32
    %add3A_452 = arith.addi %mul3A_9, %add3A_451 : i32
    %run_scoped3A_453 = arith.constant 0 : i32
    "tpu.region"() ({
      %run_scoped3A_459 = tpu.sem_alloc : memref<!tpu.dma_semaphore, #tpu.memory_space<semaphore_mem>>
      %dma_start3A_460 = arith.constant 0 : i32
      %dma_start3A_461 = arith.constant 0 : i32
      %dma_start3A_462 = tpu.memref_slice %arg10[%run_scoped3A_453, %dma_start3A_460, %dma_start3A_461] : memref<8x128x40xf32, #tpu.memory_space<vmem>> -> memref<1x128x40xf32, #tpu.memory_space<vmem>>
      %dma_start3A_463 = tpu.memref_squeeze %dma_start3A_462 : memref<1x128x40xf32, #tpu.memory_space<vmem>> -> memref<128x40xf32, #tpu.memory_space<vmem>>
      %dma_start3A_464 = arith.constant 0 : i32
      %dma_start3A_465 = tpu.memref_slice %arg11[%add3A_452, %dma_start3A_464] : memref<16384x40xf32, #tpu.memory_space<vmem_shared>> -> memref<128x40xf32, #tpu.memory_space<vmem_shared>>
      %dma_start3A_466 = arith.constant 0 : i32
      %dma_start3A_467 = arith.constant 0 : i32
      %dma_start3A_468 = tpu.memref_slice %arg10[%run_scoped3A_453, %dma_start3A_466, %dma_start3A_467] : memref<8x128x40xf32, #tpu.memory_space<vmem>> -> memref<1x128x40xf32, #tpu.memory_space<vmem>>
      %dma_start3A_469 = tpu.memref_squeeze %dma_start3A_468 : memref<1x128x40xf32, #tpu.memory_space<vmem>> -> memref<128x40xf32, #tpu.memory_space<vmem>>
      %dma_start3A_470 = arith.constant 0 : i32
      %dma_start3A_471 = tpu.memref_slice %arg11[%add3A_452, %dma_start3A_470] : memref<16384x40xf32, #tpu.memory_space<vmem_shared>> -> memref<128x40xf32, #tpu.memory_space<vmem_shared>>
      tpu.enqueue_dma source(%dma_start3A_471 : memref<128x40xf32, #tpu.memory_space<vmem_shared>>) target(%dma_start3A_469 : memref<128x40xf32, #tpu.memory_space<vmem>>) target_semaphore(%run_scoped3A_459 : memref<!tpu.dma_semaphore, #tpu.memory_space<semaphore_mem>>)
      %dma_wait3A_472 = arith.constant 0 : i32
      %dma_wait3A_473 = arith.constant 0 : i32
      %dma_wait3A_474 = tpu.memref_slice %arg10[%run_scoped3A_453, %dma_wait3A_472, %dma_wait3A_473] : memref<8x128x40xf32, #tpu.memory_space<vmem>> -> memref<1x128x40xf32, #tpu.memory_space<vmem>>
      %dma_wait3A_475 = tpu.memref_squeeze %dma_wait3A_474 : memref<1x128x40xf32, #tpu.memory_space<vmem>> -> memref<128x40xf32, #tpu.memory_space<vmem>>
      %dma_wait3A_476 = arith.constant 0 : i32
      %dma_wait3A_477 = tpu.memref_slice %arg11[%add3A_452, %dma_wait3A_476] : memref<16384x40xf32, #tpu.memory_space<vmem_shared>> -> memref<128x40xf32, #tpu.memory_space<vmem_shared>>
      %dma_wait3A_478 = arith.constant 0 : i32
      %dma_wait3A_479 = arith.constant 0 : i32
      %dma_wait3A_480 = tpu.memref_slice %arg10[%run_scoped3A_453, %dma_wait3A_478, %dma_wait3A_479] : memref<8x128x40xf32, #tpu.memory_space<vmem>> -> memref<1x128x40xf32, #tpu.memory_space<vmem>>
      %dma_wait3A_481 = tpu.memref_squeeze %dma_wait3A_480 : memref<1x128x40xf32, #tpu.memory_space<vmem>> -> memref<128x40xf32, #tpu.memory_space<vmem>>
      %dma_wait3A_482 = arith.constant 0 : i32
      %dma_wait3A_483 = tpu.memref_slice %arg11[%add3A_452, %dma_wait3A_482] : memref<16384x40xf32, #tpu.memory_space<vmem_shared>> -> memref<128x40xf32, #tpu.memory_space<vmem_shared>>
      tpu.wait_dma2 semaphore(%run_scoped3A_459 : memref<!tpu.dma_semaphore, #tpu.memory_space<semaphore_mem>>) src(%dma_wait3A_483 : memref<128x40xf32, #tpu.memory_space<vmem_shared>>) dst(%dma_wait3A_481 : memref<128x40xf32, #tpu.memory_space<vmem>>)
      tpu.yield
    }) : () -> ()
    %run_scoped3A_454 = arith.constant 0 : i32
    "tpu.region"() ({
      %run_scoped3A_459 = tpu.sem_alloc : memref<!tpu.dma_semaphore, #tpu.memory_space<semaphore_mem>>
      %dma_start3A_460 = arith.constant 0 : i32
      %dma_start3A_461 = arith.constant 0 : i32
      %dma_start3A_462 = tpu.memref_slice %arg10[%run_scoped3A_454, %dma_start3A_460, %dma_start3A_461] : memref<8x128x40xf32, #tpu.memory_space<vmem>> -> memref<1x128x40xf32, #tpu.memory_space<vmem>>
      %dma_start3A_463 = tpu.memref_squeeze %dma_start3A_462 : memref<1x128x40xf32, #tpu.memory_space<vmem>> -> memref<128x40xf32, #tpu.memory_space<vmem>>
      %dma_start3A_464 = arith.constant 0 : i32
      %dma_start3A_465 = tpu.memref_slice %arg5[%arg0, %add3A_452, %dma_start3A_464] : memref<2x16384x128xf32, #tpu.memory_space<hbm>> -> memref<1x128x40xf32, #tpu.memory_space<hbm>>
      %dma_start3A_466 = tpu.memref_squeeze %dma_start3A_465 : memref<1x128x40xf32, #tpu.memory_space<hbm>> -> memref<128x40xf32, #tpu.memory_space<hbm>>
      %dma_start3A_467 = arith.constant 0 : i32
      %dma_start3A_468 = tpu.memref_slice %arg5[%arg0, %add3A_452, %dma_start3A_467] : memref<2x16384x128xf32, #tpu.memory_space<hbm>> -> memref<1x128x40xf32, #tpu.memory_space<hbm>>
      %dma_start3A_469 = tpu.memref_squeeze %dma_start3A_468 : memref<1x128x40xf32, #tpu.memory_space<hbm>> -> memref<128x40xf32, #tpu.memory_space<hbm>>
      %dma_start3A_470 = arith.constant 0 : i32
      %dma_start3A_471 = arith.constant 0 : i32
      %dma_start3A_472 = tpu.memref_slice %arg10[%run_scoped3A_454, %dma_start3A_470, %dma_start3A_471] : memref<8x128x40xf32, #tpu.memory_space<vmem>> -> memref<1x128x40xf32, #tpu.memory_space<vmem>>
      %dma_start3A_473 = tpu.memref_squeeze %dma_start3A_472 : memref<1x128x40xf32, #tpu.memory_space<vmem>> -> memref<128x40xf32, #tpu.memory_space<vmem>>
      tpu.enqueue_dma source(%dma_start3A_473 : memref<128x40xf32, #tpu.memory_space<vmem>>) target(%dma_start3A_469 : memref<128x40xf32, #tpu.memory_space<hbm>>) target_semaphore(%run_scoped3A_459 : memref<!tpu.dma_semaphore, #tpu.memory_space<semaphore_mem>>)
      %dma_wait3A_474 = arith.constant 0 : i32
      %dma_wait3A_475 = arith.constant 0 : i32
      %dma_wait3A_476 = tpu.memref_slice %arg10[%run_scoped3A_454, %dma_wait3A_474, %dma_wait3A_475] : memref<8x128x40xf32, #tpu.memory_space<vmem>> -> memref<1x128x40xf32, #tpu.memory_space<vmem>>
      %dma_wait3A_477 = tpu.memref_squeeze %dma_wait3A_476 : memref<1x128x40xf32, #tpu.memory_space<vmem>> -> memref<128x40xf32, #tpu.memory_space<vmem>>
      %dma_wait3A_478 = arith.constant 0 : i32
      %dma_wait3A_479 = tpu.memref_slice %arg5[%arg0, %add3A_452, %dma_wait3A_478] : memref<2x16384x128xf32, #tpu.memory_space<hbm>> -> memref<1x128x40xf32, #tpu.memory_space<hbm>>
      %dma_wait3A_480 = tpu.memref_squeeze %dma_wait3A_479 : memref<1x128x40xf32, #tpu.memory_space<hbm>> -> memref<128x40xf32, #tpu.memory_space<hbm>>
      %dma_wait3A_481 = arith.constant 0 : i32
      %dma_wait3A_482 = tpu.memref_slice %arg5[%arg0, %add3A_452, %dma_wait3A_481] : memref<2x16384x128xf32, #tpu.memory_space<hbm>> -> memref<1x128x40xf32, #tpu.memory_space<hbm>>
      %dma_wait3A_483 = tpu.memref_squeeze %dma_wait3A_482 : memref<1x128x40xf32, #tpu.memory_space<hbm>> -> memref<128x40xf32, #tpu.memory_space<hbm>>
      %dma_wait3A_484 = arith.constant 0 : i32
      %dma_wait3A_485 = arith.constant 0 : i32
      %dma_wait3A_486 = tpu.memref_slice %arg10[%run_scoped3A_454, %dma_wait3A_484, %dma_wait3A_485] : memref<8x128x40xf32, #tpu.memory_space<vmem>> -> memref<1x128x40xf32, #tpu.memory_space<vmem>>
      %dma_wait3A_487 = tpu.memref_squeeze %dma_wait3A_486 : memref<1x128x40xf32, #tpu.memory_space<vmem>> -> memref<128x40xf32, #tpu.memory_space<vmem>>
      tpu.wait_dma2 semaphore(%run_scoped3A_459 : memref<!tpu.dma_semaphore, #tpu.memory_space<semaphore_mem>>) src(%dma_wait3A_487 : memref<128x40xf32, #tpu.memory_space<vmem>>) dst(%dma_wait3A_483 : memref<128x40xf32, #tpu.memory_space<hbm>>)
      tpu.yield
    }) : () -> ()
    %add3A_455 = arith.constant 896 : i32
    %add3A_456 = arith.addi %mul3A_9, %add3A_455 : i32
    %run_scoped3A_457 = arith.constant 0 : i32
    "tpu.region"() ({
      %run_scoped3A_459 = tpu.sem_alloc : memref<!tpu.dma_semaphore, #tpu.memory_space<semaphore_mem>>
      %dma_start3A_460 = arith.constant 0 : i32
      %dma_start3A_461 = arith.constant 0 : i32
      %dma_start3A_462 = tpu.memref_slice %arg10[%run_scoped3A_457, %dma_start3A_460, %dma_start3A_461] : memref<8x128x40xf32, #tpu.memory_space<vmem>> -> memref<1x128x40xf32, #tpu.memory_space<vmem>>
      %dma_start3A_463 = tpu.memref_squeeze %dma_start3A_462 : memref<1x128x40xf32, #tpu.memory_space<vmem>> -> memref<128x40xf32, #tpu.memory_space<vmem>>
      %dma_start3A_464 = arith.constant 0 : i32
      %dma_start3A_465 = tpu.memref_slice %arg11[%add3A_456, %dma_start3A_464] : memref<16384x40xf32, #tpu.memory_space<vmem_shared>> -> memref<128x40xf32, #tpu.memory_space<vmem_shared>>
      %dma_start3A_466 = arith.constant 0 : i32
      %dma_start3A_467 = arith.constant 0 : i32
      %dma_start3A_468 = tpu.memref_slice %arg10[%run_scoped3A_457, %dma_start3A_466, %dma_start3A_467] : memref<8x128x40xf32, #tpu.memory_space<vmem>> -> memref<1x128x40xf32, #tpu.memory_space<vmem>>
      %dma_start3A_469 = tpu.memref_squeeze %dma_start3A_468 : memref<1x128x40xf32, #tpu.memory_space<vmem>> -> memref<128x40xf32, #tpu.memory_space<vmem>>
      %dma_start3A_470 = arith.constant 0 : i32
      %dma_start3A_471 = tpu.memref_slice %arg11[%add3A_456, %dma_start3A_470] : memref<16384x40xf32, #tpu.memory_space<vmem_shared>> -> memref<128x40xf32, #tpu.memory_space<vmem_shared>>
      tpu.enqueue_dma source(%dma_start3A_471 : memref<128x40xf32, #tpu.memory_space<vmem_shared>>) target(%dma_start3A_469 : memref<128x40xf32, #tpu.memory_space<vmem>>) target_semaphore(%run_scoped3A_459 : memref<!tpu.dma_semaphore, #tpu.memory_space<semaphore_mem>>)
      %dma_wait3A_472 = arith.constant 0 : i32
      %dma_wait3A_473 = arith.constant 0 : i32
      %dma_wait3A_474 = tpu.memref_slice %arg10[%run_scoped3A_457, %dma_wait3A_472, %dma_wait3A_473] : memref<8x128x40xf32, #tpu.memory_space<vmem>> -> memref<1x128x40xf32, #tpu.memory_space<vmem>>
      %dma_wait3A_475 = tpu.memref_squeeze %dma_wait3A_474 : memref<1x128x40xf32, #tpu.memory_space<vmem>> -> memref<128x40xf32, #tpu.memory_space<vmem>>
      %dma_wait3A_476 = arith.constant 0 : i32
      %dma_wait3A_477 = tpu.memref_slice %arg11[%add3A_456, %dma_wait3A_476] : memref<16384x40xf32, #tpu.memory_space<vmem_shared>> -> memref<128x40xf32, #tpu.memory_space<vmem_shared>>
      %dma_wait3A_478 = arith.constant 0 : i32
      %dma_wait3A_479 = arith.constant 0 : i32
      %dma_wait3A_480 = tpu.memref_slice %arg10[%run_scoped3A_457, %dma_wait3A_478, %dma_wait3A_479] : memref<8x128x40xf32, #tpu.memory_space<vmem>> -> memref<1x128x40xf32, #tpu.memory_space<vmem>>
      %dma_wait3A_481 = tpu.memref_squeeze %dma_wait3A_480 : memref<1x128x40xf32, #tpu.memory_space<vmem>> -> memref<128x40xf32, #tpu.memory_space<vmem>>
      %dma_wait3A_482 = arith.constant 0 : i32
      %dma_wait3A_483 = tpu.memref_slice %arg11[%add3A_456, %dma_wait3A_482] : memref<16384x40xf32, #tpu.memory_space<vmem_shared>> -> memref<128x40xf32, #tpu.memory_space<vmem_shared>>
      tpu.wait_dma2 semaphore(%run_scoped3A_459 : memref<!tpu.dma_semaphore, #tpu.memory_space<semaphore_mem>>) src(%dma_wait3A_483 : memref<128x40xf32, #tpu.memory_space<vmem_shared>>) dst(%dma_wait3A_481 : memref<128x40xf32, #tpu.memory_space<vmem>>)
      tpu.yield
    }) : () -> ()
    %run_scoped3A_458 = arith.constant 0 : i32
    "tpu.region"() ({
      %run_scoped3A_459 = tpu.sem_alloc : memref<!tpu.dma_semaphore, #tpu.memory_space<semaphore_mem>>
      %dma_start3A_460 = arith.constant 0 : i32
      %dma_start3A_461 = arith.constant 0 : i32
      %dma_start3A_462 = tpu.memref_slice %arg10[%run_scoped3A_458, %dma_start3A_460, %dma_start3A_461] : memref<8x128x40xf32, #tpu.memory_space<vmem>> -> memref<1x128x40xf32, #tpu.memory_space<vmem>>
      %dma_start3A_463 = tpu.memref_squeeze %dma_start3A_462 : memref<1x128x40xf32, #tpu.memory_space<vmem>> -> memref<128x40xf32, #tpu.memory_space<vmem>>
      %dma_start3A_464 = arith.constant 0 : i32
      %dma_start3A_465 = tpu.memref_slice %arg5[%arg0, %add3A_456, %dma_start3A_464] : memref<2x16384x128xf32, #tpu.memory_space<hbm>> -> memref<1x128x40xf32, #tpu.memory_space<hbm>>
      %dma_start3A_466 = tpu.memref_squeeze %dma_start3A_465 : memref<1x128x40xf32, #tpu.memory_space<hbm>> -> memref<128x40xf32, #tpu.memory_space<hbm>>
      %dma_start3A_467 = arith.constant 0 : i32
      %dma_start3A_468 = tpu.memref_slice %arg5[%arg0, %add3A_456, %dma_start3A_467] : memref<2x16384x128xf32, #tpu.memory_space<hbm>> -> memref<1x128x40xf32, #tpu.memory_space<hbm>>
      %dma_start3A_469 = tpu.memref_squeeze %dma_start3A_468 : memref<1x128x40xf32, #tpu.memory_space<hbm>> -> memref<128x40xf32, #tpu.memory_space<hbm>>
      %dma_start3A_470 = arith.constant 0 : i32
      %dma_start3A_471 = arith.constant 0 : i32
      %dma_start3A_472 = tpu.memref_slice %arg10[%run_scoped3A_458, %dma_start3A_470, %dma_start3A_471] : memref<8x128x40xf32, #tpu.memory_space<vmem>> -> memref<1x128x40xf32, #tpu.memory_space<vmem>>
      %dma_start3A_473 = tpu.memref_squeeze %dma_start3A_472 : memref<1x128x40xf32, #tpu.memory_space<vmem>> -> memref<128x40xf32, #tpu.memory_space<vmem>>
      tpu.enqueue_dma source(%dma_start3A_473 : memref<128x40xf32, #tpu.memory_space<vmem>>) target(%dma_start3A_469 : memref<128x40xf32, #tpu.memory_space<hbm>>) target_semaphore(%run_scoped3A_459 : memref<!tpu.dma_semaphore, #tpu.memory_space<semaphore_mem>>)
      %dma_wait3A_474 = arith.constant 0 : i32
      %dma_wait3A_475 = arith.constant 0 : i32
      %dma_wait3A_476 = tpu.memref_slice %arg10[%run_scoped3A_458, %dma_wait3A_474, %dma_wait3A_475] : memref<8x128x40xf32, #tpu.memory_space<vmem>> -> memref<1x128x40xf32, #tpu.memory_space<vmem>>
      %dma_wait3A_477 = tpu.memref_squeeze %dma_wait3A_476 : memref<1x128x40xf32, #tpu.memory_space<vmem>> -> memref<128x40xf32, #tpu.memory_space<vmem>>
      %dma_wait3A_478 = arith.constant 0 : i32
      %dma_wait3A_479 = tpu.memref_slice %arg5[%arg0, %add3A_456, %dma_wait3A_478] : memref<2x16384x128xf32, #tpu.memory_space<hbm>> -> memref<1x128x40xf32, #tpu.memory_space<hbm>>
      %dma_wait3A_480 = tpu.memref_squeeze %dma_wait3A_479 : memref<1x128x40xf32, #tpu.memory_space<hbm>> -> memref<128x40xf32, #tpu.memory_space<hbm>>
      %dma_wait3A_481 = arith.constant 0 : i32
      %dma_wait3A_482 = tpu.memref_slice %arg5[%arg0, %add3A_456, %dma_wait3A_481] : memref<2x16384x128xf32, #tpu.memory_space<hbm>> -> memref<1x128x40xf32, #tpu.memory_space<hbm>>
      %dma_wait3A_483 = tpu.memref_squeeze %dma_wait3A_482 : memref<1x128x40xf32, #tpu.memory_space<hbm>> -> memref<128x40xf32, #tpu.memory_space<hbm>>
      %dma_wait3A_484 = arith.constant 0 : i32
      %dma_wait3A_485 = arith.constant 0 : i32
      %dma_wait3A_486 = tpu.memref_slice %arg10[%run_scoped3A_458, %dma_wait3A_484, %dma_wait3A_485] : memref<8x128x40xf32, #tpu.memory_space<vmem>> -> memref<1x128x40xf32, #tpu.memory_space<vmem>>
      %dma_wait3A_487 = tpu.memref_squeeze %dma_wait3A_486 : memref<1x128x40xf32, #tpu.memory_space<vmem>> -> memref<128x40xf32, #tpu.memory_space<vmem>>
      tpu.wait_dma2 semaphore(%run_scoped3A_459 : memref<!tpu.dma_semaphore, #tpu.memory_space<semaphore_mem>>) src(%dma_wait3A_487 : memref<128x40xf32, #tpu.memory_space<vmem>>) dst(%dma_wait3A_483 : memref<128x40xf32, #tpu.memory_space<hbm>>)
      tpu.yield
    }) : () -> ()
    return
  }
}

module attributes {stable_mosaic.version = 14 : i64} {
  func.func @_tc_stage0_body(%arg0: i32, %arg1: memref<2048x1xi32, #tpu.memory_space<vmem>>, %arg2: memref<16384x32xf32, #tpu.memory_space<vmem>>, %arg3: memref<32x32xf32, #tpu.memory_space<vmem>>, %arg4: memref<1x32xf32, #tpu.memory_space<vmem>>, %arg5: memref<1x32xf32, #tpu.memory_space<vmem>>, %arg6: memref<1x32xf32, #tpu.memory_space<vmem>>, %arg7: memref<32x280xf32, #tpu.memory_space<vmem>>, %arg8: memref<6x280xf32, #tpu.memory_space<vmem>>, %arg9: memref<1x280xf32, #tpu.memory_space<vmem>>, %arg10: memref<2048x280xf32, #tpu.memory_space<vmem>>) attributes {dimension_semantics = [#tpu.dimension_semantics<arbitrary>], iteration_bounds = array<i64: 8>, scalar_prefetch = 0 : i64, scratch_operands = 0 : i64, tpu.core_type = #tpu.core_type<tc>, window_params = [{transform_indices = @transform_0, window_bounds = array<i64: 2048, 1>}, {transform_indices = @transform_1, window_bounds = array<i64: 16384, 32>}, {pipeline_mode = #tpu.pipeline_mode<synchronous>, transform_indices = @transform_2, window_bounds = array<i64: 32, 32>}, {pipeline_mode = #tpu.pipeline_mode<synchronous>, transform_indices = @transform_3, window_bounds = array<i64: 1, 32>}, {pipeline_mode = #tpu.pipeline_mode<synchronous>, transform_indices = @transform_4, window_bounds = array<i64: 1, 32>}, {pipeline_mode = #tpu.pipeline_mode<synchronous>, transform_indices = @transform_5, window_bounds = array<i64: 1, 32>}, {pipeline_mode = #tpu.pipeline_mode<synchronous>, transform_indices = @transform_6, window_bounds = array<i64: 32, 280>}, {pipeline_mode = #tpu.pipeline_mode<synchronous>, transform_indices = @transform_7, window_bounds = array<i64: 6, 280>}, {pipeline_mode = #tpu.pipeline_mode<synchronous>, transform_indices = @transform_8, window_bounds = array<i64: 1, 280>}, {transform_indices = @transform_9, window_bounds = array<i64: 2048, 280>}]} {
    %get3A = arith.constant 0 : index
    %get3A_0 = arith.constant 0 : index
    %get3A_1 = vector.load %arg2[%get3A, %get3A_0] : memref<16384x32xf32, #tpu.memory_space<vmem>>, vector<16384x32xf32>
    %reshape3A = vector.shape_cast %get3A_1 : vector<16384x32xf32> to vector<2048x8x32xf32>
    %reduce_sum3A = arith.constant dense<0.000000e+00> : vector<2048x32xf32>
    %reduce_sum3A_2 = vector.multi_reduction <add>, %reshape3A, %reduce_sum3A [1] : vector<2048x8x32xf32> to vector<2048x32xf32>
    %div3A = arith.constant 8.000000e+00 : f32
    %div3A_3 = vector.broadcast %div3A : f32 to vector<2048x32xf32>
    %div3A_4 = arith.divf %reduce_sum3A_2, %div3A_3 : vector<2048x32xf32>
    %get3A_5 = arith.constant 0 : index
    %get3A_6 = arith.constant 0 : index
    %get3A_7 = vector.load %arg3[%get3A_5, %get3A_6] : memref<32x32xf32, #tpu.memory_space<vmem>>, vector<32x32xf32>
    %dot_general3A = arith.constant dense<0.000000e+00> : vector<2048x32xf32>
    %dot_general3A_8 = tpu.matmul %div3A_4, %get3A_7, %dot_general3A {dimension_numbers = #tpu.dot_dimension_numbers<[1], [0], [0], [1], [0, 0, 1, 1], [], []>, transpose_lhs_hint = false} : vector<2048x32xf32>, vector<32x32xf32>, vector<2048x32xf32> -> vector<2048x32xf32>
    %get3A_9 = arith.constant 0 : index
    %get3A_10 = arith.constant 0 : index
    %get3A_11 = vector.load %arg4[%get3A_9, %get3A_10] : memref<1x32xf32, #tpu.memory_space<vmem>>, vector<1x32xf32>
    %add3A = vector.broadcast %get3A_11 : vector<1x32xf32> to vector<2048x32xf32>
    %add3A_12 = arith.addf %dot_general3A_8, %add3A : vector<2048x32xf32>
    %get3A_13 = arith.constant 0 : index
    %get3A_14 = arith.constant 0 : index
    %get3A_15 = vector.load %arg5[%get3A_13, %get3A_14] : memref<1x32xf32, #tpu.memory_space<vmem>>, vector<1x32xf32>
    %get3A_16 = arith.constant 0 : index
    %get3A_17 = arith.constant 0 : index
    %get3A_18 = vector.load %arg6[%get3A_16, %get3A_17] : memref<1x32xf32, #tpu.memory_space<vmem>>, vector<1x32xf32>
    %iota3A = tpu.iota {dimensions = array<i32: 0>} : vector<32x32xi32>
    %jit3A = arith.constant 4 : i32
    %div3A_19 = vector.broadcast %jit3A : i32 to vector<32x32xi32>
    %div3A_20 = arith.divsi %iota3A, %div3A_19 : vector<32x32xi32>
    %sign3A = arith.constant 0 : i32
    %sign3A_21 = vector.broadcast %sign3A : i32 to vector<32x32xi32>
    %sign3A_22 = arith.cmpi sgt, %iota3A, %sign3A_21 : vector<32x32xi32>
    %sign3A_23 = arith.extui %sign3A_22 : vector<32x32xi1> to vector<32x32xi32>
    %sign3A_24 = arith.constant 0 : i32
    %sign3A_25 = vector.broadcast %sign3A_24 : i32 to vector<32x32xi32>
    %sign3A_26 = arith.cmpi slt, %iota3A, %sign3A_25 : vector<32x32xi32>
    %sign3A_27 = arith.extui %sign3A_26 : vector<32x32xi1> to vector<32x32xi32>
    %sign3A_28 = arith.subi %sign3A_23, %sign3A_27 : vector<32x32xi32>
    %sign3A_29 = arith.constant 0 : i32
    %sign3A_30 = arith.cmpi sgt, %jit3A, %sign3A_29 : i32
    %sign3A_31 = arith.extui %sign3A_30 : i1 to i32
    %sign3A_32 = arith.constant 0 : i32
    %sign3A_33 = arith.cmpi slt, %jit3A, %sign3A_32 : i32
    %sign3A_34 = arith.extui %sign3A_33 : i1 to i32
    %sign3A_35 = arith.subi %sign3A_31, %sign3A_34 : i32
    %ne3A = vector.broadcast %sign3A_35 : i32 to vector<32x32xi32>
    %ne3A_36 = arith.cmpi ne, %sign3A_28, %ne3A : vector<32x32xi32>
    %rem3A = vector.broadcast %jit3A : i32 to vector<32x32xi32>
    %rem3A_37 = arith.remsi %iota3A, %rem3A : vector<32x32xi32>
    %ne3A_38 = arith.constant 0 : i32
    %ne3A_39 = vector.broadcast %ne3A_38 : i32 to vector<32x32xi32>
    %ne3A_40 = arith.cmpi ne, %rem3A_37, %ne3A_39 : vector<32x32xi32>
    %and3A = arith.andi %ne3A_36, %ne3A_40 : vector<32x32xi1>
    %sub3A = arith.constant 1 : i32
    %sub3A_41 = vector.broadcast %sub3A : i32 to vector<32x32xi32>
    %sub3A_42 = arith.subi %div3A_20, %sub3A_41 : vector<32x32xi32>
    %select_n3A = arith.select %and3A, %sub3A_42, %div3A_20 : vector<32x32xi1>, vector<32x32xi32>
    %iota3A_43 = tpu.iota {dimensions = array<i32: 1>} : vector<32x32xi32>
    %jit3A_44 = arith.constant 4 : i32
    %div3A_45 = vector.broadcast %jit3A_44 : i32 to vector<32x32xi32>
    %div3A_46 = arith.divsi %iota3A_43, %div3A_45 : vector<32x32xi32>
    %sign3A_47 = arith.constant 0 : i32
    %sign3A_48 = vector.broadcast %sign3A_47 : i32 to vector<32x32xi32>
    %sign3A_49 = arith.cmpi sgt, %iota3A_43, %sign3A_48 : vector<32x32xi32>
    %sign3A_50 = arith.extui %sign3A_49 : vector<32x32xi1> to vector<32x32xi32>
    %sign3A_51 = arith.constant 0 : i32
    %sign3A_52 = vector.broadcast %sign3A_51 : i32 to vector<32x32xi32>
    %sign3A_53 = arith.cmpi slt, %iota3A_43, %sign3A_52 : vector<32x32xi32>
    %sign3A_54 = arith.extui %sign3A_53 : vector<32x32xi1> to vector<32x32xi32>
    %sign3A_55 = arith.subi %sign3A_50, %sign3A_54 : vector<32x32xi32>
    %sign3A_56 = arith.constant 0 : i32
    %sign3A_57 = arith.cmpi sgt, %jit3A_44, %sign3A_56 : i32
    %sign3A_58 = arith.extui %sign3A_57 : i1 to i32
    %sign3A_59 = arith.constant 0 : i32
    %sign3A_60 = arith.cmpi slt, %jit3A_44, %sign3A_59 : i32
    %sign3A_61 = arith.extui %sign3A_60 : i1 to i32
    %sign3A_62 = arith.subi %sign3A_58, %sign3A_61 : i32
    %ne3A_63 = vector.broadcast %sign3A_62 : i32 to vector<32x32xi32>
    %ne3A_64 = arith.cmpi ne, %sign3A_55, %ne3A_63 : vector<32x32xi32>
    %rem3A_65 = vector.broadcast %jit3A_44 : i32 to vector<32x32xi32>
    %rem3A_66 = arith.remsi %iota3A_43, %rem3A_65 : vector<32x32xi32>
    %ne3A_67 = arith.constant 0 : i32
    %ne3A_68 = vector.broadcast %ne3A_67 : i32 to vector<32x32xi32>
    %ne3A_69 = arith.cmpi ne, %rem3A_66, %ne3A_68 : vector<32x32xi32>
    %and3A_70 = arith.andi %ne3A_64, %ne3A_69 : vector<32x32xi1>
    %sub3A_71 = arith.constant 1 : i32
    %sub3A_72 = vector.broadcast %sub3A_71 : i32 to vector<32x32xi32>
    %sub3A_73 = arith.subi %div3A_46, %sub3A_72 : vector<32x32xi32>
    %select_n3A_74 = arith.select %and3A_70, %sub3A_73, %div3A_46 : vector<32x32xi1>, vector<32x32xi32>
    %eq3A = arith.cmpi eq, %select_n3A, %select_n3A_74 : vector<32x32xi32>
    %convert_element_type3A = arith.extui %eq3A : vector<32x32xi1> to vector<32x32xi32>
    %convert_element_type3A_75 = arith.sitofp %convert_element_type3A : vector<32x32xi32> to vector<32x32xf32>
    %div3A_76 = arith.constant 4.000000e+00 : f32
    %div3A_77 = vector.broadcast %div3A_76 : f32 to vector<32x32xf32>
    %div3A_78 = arith.divf %convert_element_type3A_75, %div3A_77 : vector<32x32xf32>
    %dot_general3A_79 = arith.constant dense<0.000000e+00> : vector<2048x32xf32>
    %dot_general3A_80 = tpu.matmul %add3A_12, %div3A_78, %dot_general3A_79 {dimension_numbers = #tpu.dot_dimension_numbers<[1], [0], [0], [1], [0, 0, 1, 1], [], []>, transpose_lhs_hint = false} : vector<2048x32xf32>, vector<32x32xf32>, vector<2048x32xf32> -> vector<2048x32xf32>
    %sub3A_81 = arith.subf %add3A_12, %dot_general3A_80 : vector<2048x32xf32>
    %mul3A = arith.mulf %sub3A_81, %sub3A_81 : vector<2048x32xf32>
    %dot_general3A_82 = arith.constant dense<0.000000e+00> : vector<2048x32xf32>
    %dot_general3A_83 = tpu.matmul %mul3A, %div3A_78, %dot_general3A_82 {dimension_numbers = #tpu.dot_dimension_numbers<[1], [0], [0], [1], [0, 0, 1, 1], [], []>, transpose_lhs_hint = false} : vector<2048x32xf32>, vector<32x32xf32>, vector<2048x32xf32> -> vector<2048x32xf32>
    %add3A_84 = arith.constant 9.99999974E-6 : f32
    %add3A_85 = vector.broadcast %add3A_84 : f32 to vector<2048x32xf32>
    %add3A_86 = arith.addf %dot_general3A_83, %add3A_85 : vector<2048x32xf32>
    %rsqrt3A = math.rsqrt %add3A_86 : vector<2048x32xf32>
    %mul3A_87 = arith.mulf %sub3A_81, %rsqrt3A : vector<2048x32xf32>
    %mul3A_88 = vector.broadcast %get3A_15 : vector<1x32xf32> to vector<2048x32xf32>
    %mul3A_89 = arith.mulf %mul3A_87, %mul3A_88 : vector<2048x32xf32>
    %add3A_90 = vector.broadcast %get3A_18 : vector<1x32xf32> to vector<2048x32xf32>
    %add3A_91 = arith.addf %mul3A_89, %add3A_90 : vector<2048x32xf32>
    %integer_pow3A = arith.mulf %add3A_91, %add3A_91 : vector<2048x32xf32>
    %integer_pow3A_92 = arith.mulf %add3A_91, %integer_pow3A : vector<2048x32xf32>
    %mul3A_93 = arith.constant 4.471500e-02 : f32
    %mul3A_94 = vector.broadcast %mul3A_93 : f32 to vector<2048x32xf32>
    %mul3A_95 = arith.mulf %mul3A_94, %integer_pow3A_92 : vector<2048x32xf32>
    %add3A_96 = arith.addf %add3A_91, %mul3A_95 : vector<2048x32xf32>
    %mul3A_97 = arith.constant 0.797884583 : f32
    %mul3A_98 = vector.broadcast %mul3A_97 : f32 to vector<2048x32xf32>
    %mul3A_99 = arith.mulf %mul3A_98, %add3A_96 : vector<2048x32xf32>
    %tanh3A = math.tanh %mul3A_99 : vector<2048x32xf32>
    %add3A_100 = arith.constant 1.000000e+00 : f32
    %add3A_101 = vector.broadcast %add3A_100 : f32 to vector<2048x32xf32>
    %add3A_102 = arith.addf %add3A_101, %tanh3A : vector<2048x32xf32>
    %mul3A_103 = arith.constant 5.000000e-01 : f32
    %mul3A_104 = vector.broadcast %mul3A_103 : f32 to vector<2048x32xf32>
    %mul3A_105 = arith.mulf %mul3A_104, %add3A_102 : vector<2048x32xf32>
    %mul3A_106 = arith.mulf %add3A_91, %mul3A_105 : vector<2048x32xf32>
    %get3A_107 = arith.constant 0 : index
    %get3A_108 = arith.constant 0 : index
    %get3A_109 = vector.load %arg1[%get3A_107, %get3A_108] : memref<2048x1xi32, #tpu.memory_space<vmem>>, vector<2048x1xi32>
    %iota3A_110 = tpu.iota {dimensions = array<i32: 1>} : vector<1x6xi32>
    %eq3A_111 = vector.broadcast %get3A_109 : vector<2048x1xi32> to vector<2048x6xi32>
    %eq3A_112 = vector.broadcast %iota3A_110 : vector<1x6xi32> to vector<2048x6xi32>
    %eq3A_113 = arith.cmpi eq, %eq3A_111, %eq3A_112 : vector<2048x6xi32>
    %convert_element_type3A_114 = arith.extui %eq3A_113 : vector<2048x6xi1> to vector<2048x6xi32>
    %convert_element_type3A_115 = arith.sitofp %convert_element_type3A_114 : vector<2048x6xi32> to vector<2048x6xf32>
    %get3A_116 = arith.constant 0 : index
    %get3A_117 = arith.constant 0 : index
    %get3A_118 = vector.load %arg7[%get3A_116, %get3A_117] : memref<32x280xf32, #tpu.memory_space<vmem>>, vector<32x280xf32>
    %dot_general3A_119 = arith.constant dense<0.000000e+00> : vector<2048x280xf32>
    %dot_general3A_120 = tpu.matmul %mul3A_106, %get3A_118, %dot_general3A_119 {dimension_numbers = #tpu.dot_dimension_numbers<[1], [0], [0], [1], [0, 0, 1, 1], [], []>, transpose_lhs_hint = false} : vector<2048x32xf32>, vector<32x280xf32>, vector<2048x280xf32> -> vector<2048x280xf32>
    %get3A_121 = arith.constant 0 : index
    %get3A_122 = arith.constant 0 : index
    %get3A_123 = vector.load %arg8[%get3A_121, %get3A_122] : memref<6x280xf32, #tpu.memory_space<vmem>>, vector<6x280xf32>
    %dot_general3A_124 = arith.constant dense<0.000000e+00> : vector<2048x280xf32>
    %dot_general3A_125 = tpu.matmul %convert_element_type3A_115, %get3A_123, %dot_general3A_124 {dimension_numbers = #tpu.dot_dimension_numbers<[1], [0], [0], [1], [0, 0, 1, 1], [], []>, transpose_lhs_hint = false} : vector<2048x6xf32>, vector<6x280xf32>, vector<2048x280xf32> -> vector<2048x280xf32>
    %add3A_126 = arith.addf %dot_general3A_120, %dot_general3A_125 : vector<2048x280xf32>
    %get3A_127 = arith.constant 0 : index
    %get3A_128 = arith.constant 0 : index
    %get3A_129 = vector.load %arg9[%get3A_127, %get3A_128] : memref<1x280xf32, #tpu.memory_space<vmem>>, vector<1x280xf32>
    %add3A_130 = vector.broadcast %get3A_129 : vector<1x280xf32> to vector<2048x280xf32>
    %add3A_131 = arith.addf %add3A_126, %add3A_130 : vector<2048x280xf32>
    %swap3A = arith.constant 0 : index
    %swap3A_132 = arith.constant 0 : index
    %swap3A_133 = vector.load %arg10[%swap3A, %swap3A_132] : memref<2048x280xf32, #tpu.memory_space<vmem>>, vector<2048x280xf32>
    tpu.vector_store %arg10[%swap3A, %swap3A_132], %add3A_131 {strides = array<i32>} : memref<2048x280xf32, #tpu.memory_space<vmem>>, vector<2048x280xf32>,
    return
  }
  func.func @transform_0(%arg0: i32) -> (i32, i32) {
    %c0_i32 = arith.constant 0 : i32
    %c0_i32_0 = arith.constant 0 : i32
    return %arg0, %c0_i32 : i32, i32
  }
  func.func @transform_1(%arg0: i32) -> (i32, i32) {
    %c0_i32 = arith.constant 0 : i32
    %c0_i32_0 = arith.constant 0 : i32
    return %arg0, %c0_i32 : i32, i32
  }
  func.func @transform_2(%arg0: i32) -> (i32, i32) {
    %c0_i32 = arith.constant 0 : i32
    %c0_i32_0 = arith.constant 0 : i32
    %c0_i32_1 = arith.constant 0 : i32
    return %c0_i32, %c0_i32_0 : i32, i32
  }
  func.func @transform_3(%arg0: i32) -> (i32, i32) {
    %c0_i32 = arith.constant 0 : i32
    %c0_i32_0 = arith.constant 0 : i32
    %c0_i32_1 = arith.constant 0 : i32
    return %c0_i32, %c0_i32_0 : i32, i32
  }
  func.func @transform_4(%arg0: i32) -> (i32, i32) {
    %c0_i32 = arith.constant 0 : i32
    %c0_i32_0 = arith.constant 0 : i32
    %c0_i32_1 = arith.constant 0 : i32
    return %c0_i32, %c0_i32_0 : i32, i32
  }
  func.func @transform_5(%arg0: i32) -> (i32, i32) {
    %c0_i32 = arith.constant 0 : i32
    %c0_i32_0 = arith.constant 0 : i32
    %c0_i32_1 = arith.constant 0 : i32
    return %c0_i32, %c0_i32_0 : i32, i32
  }
  func.func @transform_6(%arg0: i32) -> (i32, i32) {
    %c0_i32 = arith.constant 0 : i32
    %c0_i32_0 = arith.constant 0 : i32
    %c0_i32_1 = arith.constant 0 : i32
    return %c0_i32, %c0_i32_0 : i32, i32
  }
  func.func @transform_7(%arg0: i32) -> (i32, i32) {
    %c0_i32 = arith.constant 0 : i32
    %c0_i32_0 = arith.constant 0 : i32
    %c0_i32_1 = arith.constant 0 : i32
    return %c0_i32, %c0_i32_0 : i32, i32
  }
  func.func @transform_8(%arg0: i32) -> (i32, i32) {
    %c0_i32 = arith.constant 0 : i32
    %c0_i32_0 = arith.constant 0 : i32
    %c0_i32_1 = arith.constant 0 : i32
    return %c0_i32, %c0_i32_0 : i32, i32
  }
  func.func @transform_9(%arg0: i32) -> (i32, i32) {
    %c0_i32 = arith.constant 0 : i32
    %c0_i32_0 = arith.constant 0 : i32
    return %arg0, %c0_i32 : i32, i32
  }
}

module attributes {stable_mosaic.version = 14 : i64} {
  func.func @_tc_mid_body(%arg0: i32, %arg1: memref<512x1xi32, #tpu.memory_space<vmem>>, %arg2: memref<4096x128xf32, #tpu.memory_space<vmem>>, %arg3: memref<4096x128xf32, #tpu.memory_space<vmem>>, %arg4: memref<1x32xf32, #tpu.memory_space<vmem>>, %arg5: memref<1x32xf32, #tpu.memory_space<vmem>>, %arg6: memref<32x64xf32, #tpu.memory_space<vmem>>, %arg7: memref<1x64xf32, #tpu.memory_space<vmem>>, %arg8: memref<1x64xf32, #tpu.memory_space<vmem>>, %arg9: memref<1x64xf32, #tpu.memory_space<vmem>>, %arg10: memref<64x504xf32, #tpu.memory_space<vmem>>, %arg11: memref<5x504xf32, #tpu.memory_space<vmem>>, %arg12: memref<1x504xf32, #tpu.memory_space<vmem>>, %arg13: memref<512x504xf32, #tpu.memory_space<vmem>>) attributes {dimension_semantics = [#tpu.dimension_semantics<arbitrary>], iteration_bounds = array<i64: 4>, scalar_prefetch = 0 : i64, scratch_operands = 0 : i64, tpu.core_type = #tpu.core_type<tc>, window_params = [{transform_indices = @transform_0, window_bounds = array<i64: 512, 1>}, {transform_indices = @transform_1, window_bounds = array<i64: 4096, 128>}, {transform_indices = @transform_2, window_bounds = array<i64: 4096, 128>}, {pipeline_mode = #tpu.pipeline_mode<synchronous>, transform_indices = @transform_3, window_bounds = array<i64: 1, 32>}, {pipeline_mode = #tpu.pipeline_mode<synchronous>, transform_indices = @transform_4, window_bounds = array<i64: 1, 32>}, {pipeline_mode = #tpu.pipeline_mode<synchronous>, transform_indices = @transform_5, window_bounds = array<i64: 32, 64>}, {pipeline_mode = #tpu.pipeline_mode<synchronous>, transform_indices = @transform_6, window_bounds = array<i64: 1, 64>}, {pipeline_mode = #tpu.pipeline_mode<synchronous>, transform_indices = @transform_7, window_bounds = array<i64: 1, 64>}, {pipeline_mode = #tpu.pipeline_mode<synchronous>, transform_indices = @transform_8, window_bounds = array<i64: 1, 64>}, {pipeline_mode = #tpu.pipeline_mode<synchronous>, transform_indices = @transform_9, window_bounds = array<i64: 64, 504>}, {pipeline_mode = #tpu.pipeline_mode<synchronous>, transform_indices = @transform_10, window_bounds = array<i64: 5, 504>}, {pipeline_mode = #tpu.pipeline_mode<synchronous>, transform_indices = @transform_11, window_bounds = array<i64: 1, 504>}, {transform_indices = @transform_12, window_bounds = array<i64: 512, 504>}]} {
    %get3A = arith.constant 0 : index
    %get3A_0 = arith.constant 0 : index
    %get3A_1 = vector.load %arg2[%get3A, %get3A_0] : memref<4096x128xf32, #tpu.memory_space<vmem>>, vector<4096x33xf32>
    %get3A_2 = arith.constant 0 : index
    %get3A_3 = arith.constant 0 : index
    %get3A_4 = vector.load %arg3[%get3A_2, %get3A_3] : memref<4096x128xf32, #tpu.memory_space<vmem>>, vector<4096x33xf32>
    %add3A = arith.addf %get3A_1, %get3A_4 : vector<4096x33xf32>
    %slice3A = vector.extract_strided_slice %add3A {offsets = [0, 32], sizes = [4096, 1], strides = [1, 1]} : vector<4096x33xf32> to vector<4096x1xf32>
    %max3A = arith.constant 1.000000e+00 : f32
    %max3A_5 = vector.broadcast %max3A : f32 to vector<4096x1xf32>
    %max3A_6 = arith.maximumf %slice3A, %max3A_5 : vector<4096x1xf32>
    %slice3A_7 = vector.extract_strided_slice %add3A {offsets = [0, 0], sizes = [4096, 32], strides = [1, 1]} : vector<4096x33xf32> to vector<4096x32xf32>
    %div3A = vector.broadcast %max3A_6 : vector<4096x1xf32> to vector<4096x32xf32>
    %div3A_8 = arith.divf %slice3A_7, %div3A : vector<4096x32xf32>
    %get3A_9 = arith.constant 0 : index
    %get3A_10 = arith.constant 0 : index
    %get3A_11 = vector.load %arg4[%get3A_9, %get3A_10] : memref<1x32xf32, #tpu.memory_space<vmem>>, vector<1x32xf32>
    %get3A_12 = arith.constant 0 : index
    %get3A_13 = arith.constant 0 : index
    %get3A_14 = vector.load %arg5[%get3A_12, %get3A_13] : memref<1x32xf32, #tpu.memory_space<vmem>>, vector<1x32xf32>
    %iota3A = tpu.iota {dimensions = array<i32: 0>} : vector<32x32xi32>
    %jit3A = arith.constant 4 : i32
    %div3A_15 = vector.broadcast %jit3A : i32 to vector<32x32xi32>
    %div3A_16 = arith.divsi %iota3A, %div3A_15 : vector<32x32xi32>
    %sign3A = arith.constant 0 : i32
    %sign3A_17 = vector.broadcast %sign3A : i32 to vector<32x32xi32>
    %sign3A_18 = arith.cmpi sgt, %iota3A, %sign3A_17 : vector<32x32xi32>
    %sign3A_19 = arith.extui %sign3A_18 : vector<32x32xi1> to vector<32x32xi32>
    %sign3A_20 = arith.constant 0 : i32
    %sign3A_21 = vector.broadcast %sign3A_20 : i32 to vector<32x32xi32>
    %sign3A_22 = arith.cmpi slt, %iota3A, %sign3A_21 : vector<32x32xi32>
    %sign3A_23 = arith.extui %sign3A_22 : vector<32x32xi1> to vector<32x32xi32>
    %sign3A_24 = arith.subi %sign3A_19, %sign3A_23 : vector<32x32xi32>
    %sign3A_25 = arith.constant 0 : i32
    %sign3A_26 = arith.cmpi sgt, %jit3A, %sign3A_25 : i32
    %sign3A_27 = arith.extui %sign3A_26 : i1 to i32
    %sign3A_28 = arith.constant 0 : i32
    %sign3A_29 = arith.cmpi slt, %jit3A, %sign3A_28 : i32
    %sign3A_30 = arith.extui %sign3A_29 : i1 to i32
    %sign3A_31 = arith.subi %sign3A_27, %sign3A_30 : i32
    %ne3A = vector.broadcast %sign3A_31 : i32 to vector<32x32xi32>
    %ne3A_32 = arith.cmpi ne, %sign3A_24, %ne3A : vector<32x32xi32>
    %rem3A = vector.broadcast %jit3A : i32 to vector<32x32xi32>
    %rem3A_33 = arith.remsi %iota3A, %rem3A : vector<32x32xi32>
    %ne3A_34 = arith.constant 0 : i32
    %ne3A_35 = vector.broadcast %ne3A_34 : i32 to vector<32x32xi32>
    %ne3A_36 = arith.cmpi ne, %rem3A_33, %ne3A_35 : vector<32x32xi32>
    %and3A = arith.andi %ne3A_32, %ne3A_36 : vector<32x32xi1>
    %sub3A = arith.constant 1 : i32
    %sub3A_37 = vector.broadcast %sub3A : i32 to vector<32x32xi32>
    %sub3A_38 = arith.subi %div3A_16, %sub3A_37 : vector<32x32xi32>
    %select_n3A = arith.select %and3A, %sub3A_38, %div3A_16 : vector<32x32xi1>, vector<32x32xi32>
    %iota3A_39 = tpu.iota {dimensions = array<i32: 1>} : vector<32x32xi32>
    %jit3A_40 = arith.constant 4 : i32
    %div3A_41 = vector.broadcast %jit3A_40 : i32 to vector<32x32xi32>
    %div3A_42 = arith.divsi %iota3A_39, %div3A_41 : vector<32x32xi32>
    %sign3A_43 = arith.constant 0 : i32
    %sign3A_44 = vector.broadcast %sign3A_43 : i32 to vector<32x32xi32>
    %sign3A_45 = arith.cmpi sgt, %iota3A_39, %sign3A_44 : vector<32x32xi32>
    %sign3A_46 = arith.extui %sign3A_45 : vector<32x32xi1> to vector<32x32xi32>
    %sign3A_47 = arith.constant 0 : i32
    %sign3A_48 = vector.broadcast %sign3A_47 : i32 to vector<32x32xi32>
    %sign3A_49 = arith.cmpi slt, %iota3A_39, %sign3A_48 : vector<32x32xi32>
    %sign3A_50 = arith.extui %sign3A_49 : vector<32x32xi1> to vector<32x32xi32>
    %sign3A_51 = arith.subi %sign3A_46, %sign3A_50 : vector<32x32xi32>
    %sign3A_52 = arith.constant 0 : i32
    %sign3A_53 = arith.cmpi sgt, %jit3A_40, %sign3A_52 : i32
    %sign3A_54 = arith.extui %sign3A_53 : i1 to i32
    %sign3A_55 = arith.constant 0 : i32
    %sign3A_56 = arith.cmpi slt, %jit3A_40, %sign3A_55 : i32
    %sign3A_57 = arith.extui %sign3A_56 : i1 to i32
    %sign3A_58 = arith.subi %sign3A_54, %sign3A_57 : i32
    %ne3A_59 = vector.broadcast %sign3A_58 : i32 to vector<32x32xi32>
    %ne3A_60 = arith.cmpi ne, %sign3A_51, %ne3A_59 : vector<32x32xi32>
    %rem3A_61 = vector.broadcast %jit3A_40 : i32 to vector<32x32xi32>
    %rem3A_62 = arith.remsi %iota3A_39, %rem3A_61 : vector<32x32xi32>
    %ne3A_63 = arith.constant 0 : i32
    %ne3A_64 = vector.broadcast %ne3A_63 : i32 to vector<32x32xi32>
    %ne3A_65 = arith.cmpi ne, %rem3A_62, %ne3A_64 : vector<32x32xi32>
    %and3A_66 = arith.andi %ne3A_60, %ne3A_65 : vector<32x32xi1>
    %sub3A_67 = arith.constant 1 : i32
    %sub3A_68 = vector.broadcast %sub3A_67 : i32 to vector<32x32xi32>
    %sub3A_69 = arith.subi %div3A_42, %sub3A_68 : vector<32x32xi32>
    %select_n3A_70 = arith.select %and3A_66, %sub3A_69, %div3A_42 : vector<32x32xi1>, vector<32x32xi32>
    %eq3A = arith.cmpi eq, %select_n3A, %select_n3A_70 : vector<32x32xi32>
    %convert_element_type3A = arith.extui %eq3A : vector<32x32xi1> to vector<32x32xi32>
    %convert_element_type3A_71 = arith.sitofp %convert_element_type3A : vector<32x32xi32> to vector<32x32xf32>
    %div3A_72 = arith.constant 4.000000e+00 : f32
    %div3A_73 = vector.broadcast %div3A_72 : f32 to vector<32x32xf32>
    %div3A_74 = arith.divf %convert_element_type3A_71, %div3A_73 : vector<32x32xf32>
    %dot_general3A = arith.constant dense<0.000000e+00> : vector<4096x32xf32>
    %dot_general3A_75 = tpu.matmul %div3A_8, %div3A_74, %dot_general3A {dimension_numbers = #tpu.dot_dimension_numbers<[1], [0], [0], [1], [0, 0, 1, 1], [], []>, transpose_lhs_hint = false} : vector<4096x32xf32>, vector<32x32xf32>, vector<4096x32xf32> -> vector<4096x32xf32>
    %sub3A_76 = arith.subf %div3A_8, %dot_general3A_75 : vector<4096x32xf32>
    %mul3A = arith.mulf %sub3A_76, %sub3A_76 : vector<4096x32xf32>
    %dot_general3A_77 = arith.constant dense<0.000000e+00> : vector<4096x32xf32>
    %dot_general3A_78 = tpu.matmul %mul3A, %div3A_74, %dot_general3A_77 {dimension_numbers = #tpu.dot_dimension_numbers<[1], [0], [0], [1], [0, 0, 1, 1], [], []>, transpose_lhs_hint = false} : vector<4096x32xf32>, vector<32x32xf32>, vector<4096x32xf32> -> vector<4096x32xf32>
    %add3A_79 = arith.constant 9.99999974E-6 : f32
    %add3A_80 = vector.broadcast %add3A_79 : f32 to vector<4096x32xf32>
    %add3A_81 = arith.addf %dot_general3A_78, %add3A_80 : vector<4096x32xf32>
    %rsqrt3A = math.rsqrt %add3A_81 : vector<4096x32xf32>
    %mul3A_82 = arith.mulf %sub3A_76, %rsqrt3A : vector<4096x32xf32>
    %mul3A_83 = vector.broadcast %get3A_11 : vector<1x32xf32> to vector<4096x32xf32>
    %mul3A_84 = arith.mulf %mul3A_82, %mul3A_83 : vector<4096x32xf32>
    %add3A_85 = vector.broadcast %get3A_14 : vector<1x32xf32> to vector<4096x32xf32>
    %add3A_86 = arith.addf %mul3A_84, %add3A_85 : vector<4096x32xf32>
    %integer_pow3A = arith.mulf %add3A_86, %add3A_86 : vector<4096x32xf32>
    %integer_pow3A_87 = arith.mulf %add3A_86, %integer_pow3A : vector<4096x32xf32>
    %mul3A_88 = arith.constant 4.471500e-02 : f32
    %mul3A_89 = vector.broadcast %mul3A_88 : f32 to vector<4096x32xf32>
    %mul3A_90 = arith.mulf %mul3A_89, %integer_pow3A_87 : vector<4096x32xf32>
    %add3A_91 = arith.addf %add3A_86, %mul3A_90 : vector<4096x32xf32>
    %mul3A_92 = arith.constant 0.797884583 : f32
    %mul3A_93 = vector.broadcast %mul3A_92 : f32 to vector<4096x32xf32>
    %mul3A_94 = arith.mulf %mul3A_93, %add3A_91 : vector<4096x32xf32>
    %tanh3A = math.tanh %mul3A_94 : vector<4096x32xf32>
    %add3A_95 = arith.constant 1.000000e+00 : f32
    %add3A_96 = vector.broadcast %add3A_95 : f32 to vector<4096x32xf32>
    %add3A_97 = arith.addf %add3A_96, %tanh3A : vector<4096x32xf32>
    %mul3A_98 = arith.constant 5.000000e-01 : f32
    %mul3A_99 = vector.broadcast %mul3A_98 : f32 to vector<4096x32xf32>
    %mul3A_100 = arith.mulf %mul3A_99, %add3A_97 : vector<4096x32xf32>
    %mul3A_101 = arith.mulf %add3A_86, %mul3A_100 : vector<4096x32xf32>
    %reshape3A = vector.shape_cast %mul3A_101 : vector<4096x32xf32> to vector<512x8x32xf32>
    %reduce_sum3A = arith.constant dense<0.000000e+00> : vector<512x32xf32>
    %reduce_sum3A_102 = vector.multi_reduction <add>, %reshape3A, %reduce_sum3A [1] : vector<512x8x32xf32> to vector<512x32xf32>
    %div3A_103 = arith.constant 8.000000e+00 : f32
    %div3A_104 = vector.broadcast %div3A_103 : f32 to vector<512x32xf32>
    %div3A_105 = arith.divf %reduce_sum3A_102, %div3A_104 : vector<512x32xf32>
    %get3A_106 = arith.constant 0 : index
    %get3A_107 = arith.constant 0 : index
    %get3A_108 = vector.load %arg6[%get3A_106, %get3A_107] : memref<32x64xf32, #tpu.memory_space<vmem>>, vector<32x64xf32>
    %dot_general3A_109 = arith.constant dense<0.000000e+00> : vector<512x64xf32>
    %dot_general3A_110 = tpu.matmul %div3A_105, %get3A_108, %dot_general3A_109 {dimension_numbers = #tpu.dot_dimension_numbers<[1], [0], [0], [1], [0, 0, 1, 1], [], []>, transpose_lhs_hint = false} : vector<512x32xf32>, vector<32x64xf32>, vector<512x64xf32> -> vector<512x64xf32>
    %get3A_111 = arith.constant 0 : index
    %get3A_112 = arith.constant 0 : index
    %get3A_113 = vector.load %arg7[%get3A_111, %get3A_112] : memref<1x64xf32, #tpu.memory_space<vmem>>, vector<1x64xf32>
    %add3A_114 = vector.broadcast %get3A_113 : vector<1x64xf32> to vector<512x64xf32>
    %add3A_115 = arith.addf %dot_general3A_110, %add3A_114 : vector<512x64xf32>
    %get3A_116 = arith.constant 0 : index
    %get3A_117 = arith.constant 0 : index
    %get3A_118 = vector.load %arg8[%get3A_116, %get3A_117] : memref<1x64xf32, #tpu.memory_space<vmem>>, vector<1x64xf32>
    %get3A_119 = arith.constant 0 : index
    %get3A_120 = arith.constant 0 : index
    %get3A_121 = vector.load %arg9[%get3A_119, %get3A_120] : memref<1x64xf32, #tpu.memory_space<vmem>>, vector<1x64xf32>
    %iota3A_122 = tpu.iota {dimensions = array<i32: 0>} : vector<64x64xi32>
    %jit3A_123 = arith.constant 8 : i32
    %div3A_124 = vector.broadcast %jit3A_123 : i32 to vector<64x64xi32>
    %div3A_125 = arith.divsi %iota3A_122, %div3A_124 : vector<64x64xi32>
    %sign3A_126 = arith.constant 0 : i32
    %sign3A_127 = vector.broadcast %sign3A_126 : i32 to vector<64x64xi32>
    %sign3A_128 = arith.cmpi sgt, %iota3A_122, %sign3A_127 : vector<64x64xi32>
    %sign3A_129 = arith.extui %sign3A_128 : vector<64x64xi1> to vector<64x64xi32>
    %sign3A_130 = arith.constant 0 : i32
    %sign3A_131 = vector.broadcast %sign3A_130 : i32 to vector<64x64xi32>
    %sign3A_132 = arith.cmpi slt, %iota3A_122, %sign3A_131 : vector<64x64xi32>
    %sign3A_133 = arith.extui %sign3A_132 : vector<64x64xi1> to vector<64x64xi32>
    %sign3A_134 = arith.subi %sign3A_129, %sign3A_133 : vector<64x64xi32>
    %sign3A_135 = arith.constant 0 : i32
    %sign3A_136 = arith.cmpi sgt, %jit3A_123, %sign3A_135 : i32
    %sign3A_137 = arith.extui %sign3A_136 : i1 to i32
    %sign3A_138 = arith.constant 0 : i32
    %sign3A_139 = arith.cmpi slt, %jit3A_123, %sign3A_138 : i32
    %sign3A_140 = arith.extui %sign3A_139 : i1 to i32
    %sign3A_141 = arith.subi %sign3A_137, %sign3A_140 : i32
    %ne3A_142 = vector.broadcast %sign3A_141 : i32 to vector<64x64xi32>
    %ne3A_143 = arith.cmpi ne, %sign3A_134, %ne3A_142 : vector<64x64xi32>
    %rem3A_144 = vector.broadcast %jit3A_123 : i32 to vector<64x64xi32>
    %rem3A_145 = arith.remsi %iota3A_122, %rem3A_144 : vector<64x64xi32>
    %ne3A_146 = arith.constant 0 : i32
    %ne3A_147 = vector.broadcast %ne3A_146 : i32 to vector<64x64xi32>
    %ne3A_148 = arith.cmpi ne, %rem3A_145, %ne3A_147 : vector<64x64xi32>
    %and3A_149 = arith.andi %ne3A_143, %ne3A_148 : vector<64x64xi1>
    %sub3A_150 = arith.constant 1 : i32
    %sub3A_151 = vector.broadcast %sub3A_150 : i32 to vector<64x64xi32>
    %sub3A_152 = arith.subi %div3A_125, %sub3A_151 : vector<64x64xi32>
    %select_n3A_153 = arith.select %and3A_149, %sub3A_152, %div3A_125 : vector<64x64xi1>, vector<64x64xi32>
    %iota3A_154 = tpu.iota {dimensions = array<i32: 1>} : vector<64x64xi32>
    %jit3A_155 = arith.constant 8 : i32
    %div3A_156 = vector.broadcast %jit3A_155 : i32 to vector<64x64xi32>
    %div3A_157 = arith.divsi %iota3A_154, %div3A_156 : vector<64x64xi32>
    %sign3A_158 = arith.constant 0 : i32
    %sign3A_159 = vector.broadcast %sign3A_158 : i32 to vector<64x64xi32>
    %sign3A_160 = arith.cmpi sgt, %iota3A_154, %sign3A_159 : vector<64x64xi32>
    %sign3A_161 = arith.extui %sign3A_160 : vector<64x64xi1> to vector<64x64xi32>
    %sign3A_162 = arith.constant 0 : i32
    %sign3A_163 = vector.broadcast %sign3A_162 : i32 to vector<64x64xi32>
    %sign3A_164 = arith.cmpi slt, %iota3A_154, %sign3A_163 : vector<64x64xi32>
    %sign3A_165 = arith.extui %sign3A_164 : vector<64x64xi1> to vector<64x64xi32>
    %sign3A_166 = arith.subi %sign3A_161, %sign3A_165 : vector<64x64xi32>
    %sign3A_167 = arith.constant 0 : i32
    %sign3A_168 = arith.cmpi sgt, %jit3A_155, %sign3A_167 : i32
    %sign3A_169 = arith.extui %sign3A_168 : i1 to i32
    %sign3A_170 = arith.constant 0 : i32
    %sign3A_171 = arith.cmpi slt, %jit3A_155, %sign3A_170 : i32
    %sign3A_172 = arith.extui %sign3A_171 : i1 to i32
    %sign3A_173 = arith.subi %sign3A_169, %sign3A_172 : i32
    %ne3A_174 = vector.broadcast %sign3A_173 : i32 to vector<64x64xi32>
    %ne3A_175 = arith.cmpi ne, %sign3A_166, %ne3A_174 : vector<64x64xi32>
    %rem3A_176 = vector.broadcast %jit3A_155 : i32 to vector<64x64xi32>
    %rem3A_177 = arith.remsi %iota3A_154, %rem3A_176 : vector<64x64xi32>
    %ne3A_178 = arith.constant 0 : i32
    %ne3A_179 = vector.broadcast %ne3A_178 : i32 to vector<64x64xi32>
    %ne3A_180 = arith.cmpi ne, %rem3A_177, %ne3A_179 : vector<64x64xi32>
    %and3A_181 = arith.andi %ne3A_175, %ne3A_180 : vector<64x64xi1>
    %sub3A_182 = arith.constant 1 : i32
    %sub3A_183 = vector.broadcast %sub3A_182 : i32 to vector<64x64xi32>
    %sub3A_184 = arith.subi %div3A_157, %sub3A_183 : vector<64x64xi32>
    %select_n3A_185 = arith.select %and3A_181, %sub3A_184, %div3A_157 : vector<64x64xi1>, vector<64x64xi32>
    %eq3A_186 = arith.cmpi eq, %select_n3A_153, %select_n3A_185 : vector<64x64xi32>
    %convert_element_type3A_187 = arith.extui %eq3A_186 : vector<64x64xi1> to vector<64x64xi32>
    %convert_element_type3A_188 = arith.sitofp %convert_element_type3A_187 : vector<64x64xi32> to vector<64x64xf32>
    %div3A_189 = arith.constant 8.000000e+00 : f32
    %div3A_190 = vector.broadcast %div3A_189 : f32 to vector<64x64xf32>
    %div3A_191 = arith.divf %convert_element_type3A_188, %div3A_190 : vector<64x64xf32>
    %dot_general3A_192 = arith.constant dense<0.000000e+00> : vector<512x64xf32>
    %dot_general3A_193 = tpu.matmul %add3A_115, %div3A_191, %dot_general3A_192 {dimension_numbers = #tpu.dot_dimension_numbers<[1], [0], [0], [1], [0, 0, 1, 1], [], []>, transpose_lhs_hint = false} : vector<512x64xf32>, vector<64x64xf32>, vector<512x64xf32> -> vector<512x64xf32>
    %sub3A_194 = arith.subf %add3A_115, %dot_general3A_193 : vector<512x64xf32>
    %mul3A_195 = arith.mulf %sub3A_194, %sub3A_194 : vector<512x64xf32>
    %dot_general3A_196 = arith.constant dense<0.000000e+00> : vector<512x64xf32>
    %dot_general3A_197 = tpu.matmul %mul3A_195, %div3A_191, %dot_general3A_196 {dimension_numbers = #tpu.dot_dimension_numbers<[1], [0], [0], [1], [0, 0, 1, 1], [], []>, transpose_lhs_hint = false} : vector<512x64xf32>, vector<64x64xf32>, vector<512x64xf32> -> vector<512x64xf32>
    %add3A_198 = arith.constant 9.99999974E-6 : f32
    %add3A_199 = vector.broadcast %add3A_198 : f32 to vector<512x64xf32>
    %add3A_200 = arith.addf %dot_general3A_197, %add3A_199 : vector<512x64xf32>
    %rsqrt3A_201 = math.rsqrt %add3A_200 : vector<512x64xf32>
    %mul3A_202 = arith.mulf %sub3A_194, %rsqrt3A_201 : vector<512x64xf32>
    %mul3A_203 = vector.broadcast %get3A_118 : vector<1x64xf32> to vector<512x64xf32>
    %mul3A_204 = arith.mulf %mul3A_202, %mul3A_203 : vector<512x64xf32>
    %add3A_205 = vector.broadcast %get3A_121 : vector<1x64xf32> to vector<512x64xf32>
    %add3A_206 = arith.addf %mul3A_204, %add3A_205 : vector<512x64xf32>
    %integer_pow3A_207 = arith.mulf %add3A_206, %add3A_206 : vector<512x64xf32>
    %integer_pow3A_208 = arith.mulf %add3A_206, %integer_pow3A_207 : vector<512x64xf32>
    %mul3A_209 = arith.constant 4.471500e-02 : f32
    %mul3A_210 = vector.broadcast %mul3A_209 : f32 to vector<512x64xf32>
    %mul3A_211 = arith.mulf %mul3A_210, %integer_pow3A_208 : vector<512x64xf32>
    %add3A_212 = arith.addf %add3A_206, %mul3A_211 : vector<512x64xf32>
    %mul3A_213 = arith.constant 0.797884583 : f32
    %mul3A_214 = vector.broadcast %mul3A_213 : f32 to vector<512x64xf32>
    %mul3A_215 = arith.mulf %mul3A_214, %add3A_212 : vector<512x64xf32>
    %tanh3A_216 = math.tanh %mul3A_215 : vector<512x64xf32>
    %add3A_217 = arith.constant 1.000000e+00 : f32
    %add3A_218 = vector.broadcast %add3A_217 : f32 to vector<512x64xf32>
    %add3A_219 = arith.addf %add3A_218, %tanh3A_216 : vector<512x64xf32>
    %mul3A_220 = arith.constant 5.000000e-01 : f32
    %mul3A_221 = vector.broadcast %mul3A_220 : f32 to vector<512x64xf32>
    %mul3A_222 = arith.mulf %mul3A_221, %add3A_219 : vector<512x64xf32>
    %mul3A_223 = arith.mulf %add3A_206, %mul3A_222 : vector<512x64xf32>
    %get3A_224 = arith.constant 0 : index
    %get3A_225 = arith.constant 0 : index
    %get3A_226 = vector.load %arg1[%get3A_224, %get3A_225] : memref<512x1xi32, #tpu.memory_space<vmem>>, vector<512x1xi32>
    %iota3A_227 = tpu.iota {dimensions = array<i32: 1>} : vector<1x5xi32>
    %eq3A_228 = vector.broadcast %get3A_226 : vector<512x1xi32> to vector<512x5xi32>
    %eq3A_229 = vector.broadcast %iota3A_227 : vector<1x5xi32> to vector<512x5xi32>
    %eq3A_230 = arith.cmpi eq, %eq3A_228, %eq3A_229 : vector<512x5xi32>
    %convert_element_type3A_231 = arith.extui %eq3A_230 : vector<512x5xi1> to vector<512x5xi32>
    %convert_element_type3A_232 = arith.sitofp %convert_element_type3A_231 : vector<512x5xi32> to vector<512x5xf32>
    %get3A_233 = arith.constant 0 : index
    %get3A_234 = arith.constant 0 : index
    %get3A_235 = vector.load %arg10[%get3A_233, %get3A_234] : memref<64x504xf32, #tpu.memory_space<vmem>>, vector<64x504xf32>
    %dot_general3A_236 = arith.constant dense<0.000000e+00> : vector<512x504xf32>
    %dot_general3A_237 = tpu.matmul %mul3A_223, %get3A_235, %dot_general3A_236 {dimension_numbers = #tpu.dot_dimension_numbers<[1], [0], [0], [1], [0, 0, 1, 1], [], []>, transpose_lhs_hint = false} : vector<512x64xf32>, vector<64x504xf32>, vector<512x504xf32> -> vector<512x504xf32>
    %get3A_238 = arith.constant 0 : index
    %get3A_239 = arith.constant 0 : index
    %get3A_240 = vector.load %arg11[%get3A_238, %get3A_239] : memref<5x504xf32, #tpu.memory_space<vmem>>, vector<5x504xf32>
    %dot_general3A_241 = arith.constant dense<0.000000e+00> : vector<512x504xf32>
    %dot_general3A_242 = tpu.matmul %convert_element_type3A_232, %get3A_240, %dot_general3A_241 {dimension_numbers = #tpu.dot_dimension_numbers<[1], [0], [0], [1], [0, 0, 1, 1], [], []>, transpose_lhs_hint = false} : vector<512x5xf32>, vector<5x504xf32>, vector<512x504xf32> -> vector<512x504xf32>
    %add3A_243 = arith.addf %dot_general3A_237, %dot_general3A_242 : vector<512x504xf32>
    %get3A_244 = arith.constant 0 : index
    %get3A_245 = arith.constant 0 : index
    %get3A_246 = vector.load %arg12[%get3A_244, %get3A_245] : memref<1x504xf32, #tpu.memory_space<vmem>>, vector<1x504xf32>
    %add3A_247 = vector.broadcast %get3A_246 : vector<1x504xf32> to vector<512x504xf32>
    %add3A_248 = arith.addf %add3A_243, %add3A_247 : vector<512x504xf32>
    %swap3A = arith.constant 0 : index
    %swap3A_249 = arith.constant 0 : index
    %swap3A_250 = vector.load %arg13[%swap3A, %swap3A_249] : memref<512x504xf32, #tpu.memory_space<vmem>>, vector<512x504xf32>
    tpu.vector_store %arg13[%swap3A, %swap3A_249], %add3A_248 {strides = array<i32>} : memref<512x504xf32, #tpu.memory_space<vmem>>, vector<512x504xf32>,
    return
  }
  func.func @transform_0(%arg0: i32) -> (i32, i32) {
    %c0_i32 = arith.constant 0 : i32
    %c0_i32_0 = arith.constant 0 : i32
    return %arg0, %c0_i32 : i32, i32
  }
  func.func @transform_1(%arg0: i32) -> (i32, i32) {
    %c0_i32 = arith.constant 0 : i32
    %c0_i32_0 = arith.constant 0 : i32
    return %arg0, %c0_i32 : i32, i32
  }
  func.func @transform_2(%arg0: i32) -> (i32, i32) {
    %c0_i32 = arith.constant 0 : i32
    %c0_i32_0 = arith.constant 0 : i32
    return %arg0, %c0_i32 : i32, i32
  }
  func.func @transform_3(%arg0: i32) -> (i32, i32) {
    %c0_i32 = arith.constant 0 : i32
    %c0_i32_0 = arith.constant 0 : i32
    %c0_i32_1 = arith.constant 0 : i32
    return %c0_i32, %c0_i32_0 : i32, i32
  }
  func.func @transform_4(%arg0: i32) -> (i32, i32) {
    %c0_i32 = arith.constant 0 : i32
    %c0_i32_0 = arith.constant 0 : i32
    %c0_i32_1 = arith.constant 0 : i32
    return %c0_i32, %c0_i32_0 : i32, i32
  }
  func.func @transform_5(%arg0: i32) -> (i32, i32) {
    %c0_i32 = arith.constant 0 : i32
    %c0_i32_0 = arith.constant 0 : i32
    %c0_i32_1 = arith.constant 0 : i32
    return %c0_i32, %c0_i32_0 : i32, i32
  }
  func.func @transform_6(%arg0: i32) -> (i32, i32) {
    %c0_i32 = arith.constant 0 : i32
    %c0_i32_0 = arith.constant 0 : i32
    %c0_i32_1 = arith.constant 0 : i32
    return %c0_i32, %c0_i32_0 : i32, i32
  }
  func.func @transform_7(%arg0: i32) -> (i32, i32) {
    %c0_i32 = arith.constant 0 : i32
    %c0_i32_0 = arith.constant 0 : i32
    %c0_i32_1 = arith.constant 0 : i32
    return %c0_i32, %c0_i32_0 : i32, i32
  }
  func.func @transform_8(%arg0: i32) -> (i32, i32) {
    %c0_i32 = arith.constant 0 : i32
    %c0_i32_0 = arith.constant 0 : i32
    %c0_i32_1 = arith.constant 0 : i32
    return %c0_i32, %c0_i32_0 : i32, i32
  }
  func.func @transform_9(%arg0: i32) -> (i32, i32) {
    %c0_i32 = arith.constant 0 : i32
    %c0_i32_0 = arith.constant 0 : i32
    %c0_i32_1 = arith.constant 0 : i32
    return %c0_i32, %c0_i32_0 : i32, i32
  }
  func.func @transform_10(%arg0: i32) -> (i32, i32) {
    %c0_i32 = arith.constant 0 : i32
    %c0_i32_0 = arith.constant 0 : i32
    %c0_i32_1 = arith.constant 0 : i32
    return %c0_i32, %c0_i32_0 : i32, i32
  }
  func.func @transform_11(%arg0: i32) -> (i32, i32) {
    %c0_i32 = arith.constant 0 : i32
    %c0_i32_0 = arith.constant 0 : i32
    %c0_i32_1 = arith.constant 0 : i32
    return %c0_i32, %c0_i32_0 : i32, i32
  }
  func.func @transform_12(%arg0: i32) -> (i32, i32) {
    %c0_i32 = arith.constant 0 : i32
    %c0_i32_0 = arith.constant 0 : i32
    return %arg0, %c0_i32 : i32, i32
  }
}

module attributes {stable_mosaic.version = 14 : i64} {
  func.func @_tc_final_body(%arg0: memref<2048x128xf32, #tpu.memory_space<vmem>>, %arg1: memref<2048x128xf32, #tpu.memory_space<vmem>>, %arg2: memref<1x64xf32, #tpu.memory_space<vmem>>, %arg3: memref<1x64xf32, #tpu.memory_space<vmem>>, %arg4: memref<2048x64xf32, #tpu.memory_space<vmem>>) attributes {dimension_semantics = [], scalar_prefetch = 0 : i64, scratch_operands = 0 : i64, tpu.core_type = #tpu.core_type<tc>} {
    %get3A = arith.constant 0 : index
    %get3A_0 = arith.constant 0 : index
    %get3A_1 = vector.load %arg0[%get3A, %get3A_0] : memref<2048x128xf32, #tpu.memory_space<vmem>>, vector<2048x65xf32>
    %get3A_2 = arith.constant 0 : index
    %get3A_3 = arith.constant 0 : index
    %get3A_4 = vector.load %arg1[%get3A_2, %get3A_3] : memref<2048x128xf32, #tpu.memory_space<vmem>>, vector<2048x65xf32>
    %add3A = arith.addf %get3A_1, %get3A_4 : vector<2048x65xf32>
    %slice3A = vector.extract_strided_slice %add3A {offsets = [0, 64], sizes = [2048, 1], strides = [1, 1]} : vector<2048x65xf32> to vector<2048x1xf32>
    %max3A = arith.constant 1.000000e+00 : f32
    %max3A_5 = vector.broadcast %max3A : f32 to vector<2048x1xf32>
    %max3A_6 = arith.maximumf %slice3A, %max3A_5 : vector<2048x1xf32>
    %slice3A_7 = vector.extract_strided_slice %add3A {offsets = [0, 0], sizes = [2048, 64], strides = [1, 1]} : vector<2048x65xf32> to vector<2048x64xf32>
    %div3A = vector.broadcast %max3A_6 : vector<2048x1xf32> to vector<2048x64xf32>
    %div3A_8 = arith.divf %slice3A_7, %div3A : vector<2048x64xf32>
    %get3A_9 = arith.constant 0 : index
    %get3A_10 = arith.constant 0 : index
    %get3A_11 = vector.load %arg2[%get3A_9, %get3A_10] : memref<1x64xf32, #tpu.memory_space<vmem>>, vector<1x64xf32>
    %get3A_12 = arith.constant 0 : index
    %get3A_13 = arith.constant 0 : index
    %get3A_14 = vector.load %arg3[%get3A_12, %get3A_13] : memref<1x64xf32, #tpu.memory_space<vmem>>, vector<1x64xf32>
    %iota3A = tpu.iota {dimensions = array<i32: 0>} : vector<64x64xi32>
    %jit3A = arith.constant 8 : i32
    %div3A_15 = vector.broadcast %jit3A : i32 to vector<64x64xi32>
    %div3A_16 = arith.divsi %iota3A, %div3A_15 : vector<64x64xi32>
    %sign3A = arith.constant 0 : i32
    %sign3A_17 = vector.broadcast %sign3A : i32 to vector<64x64xi32>
    %sign3A_18 = arith.cmpi sgt, %iota3A, %sign3A_17 : vector<64x64xi32>
    %sign3A_19 = arith.extui %sign3A_18 : vector<64x64xi1> to vector<64x64xi32>
    %sign3A_20 = arith.constant 0 : i32
    %sign3A_21 = vector.broadcast %sign3A_20 : i32 to vector<64x64xi32>
    %sign3A_22 = arith.cmpi slt, %iota3A, %sign3A_21 : vector<64x64xi32>
    %sign3A_23 = arith.extui %sign3A_22 : vector<64x64xi1> to vector<64x64xi32>
    %sign3A_24 = arith.subi %sign3A_19, %sign3A_23 : vector<64x64xi32>
    %sign3A_25 = arith.constant 0 : i32
    %sign3A_26 = arith.cmpi sgt, %jit3A, %sign3A_25 : i32
    %sign3A_27 = arith.extui %sign3A_26 : i1 to i32
    %sign3A_28 = arith.constant 0 : i32
    %sign3A_29 = arith.cmpi slt, %jit3A, %sign3A_28 : i32
    %sign3A_30 = arith.extui %sign3A_29 : i1 to i32
    %sign3A_31 = arith.subi %sign3A_27, %sign3A_30 : i32
    %ne3A = vector.broadcast %sign3A_31 : i32 to vector<64x64xi32>
    %ne3A_32 = arith.cmpi ne, %sign3A_24, %ne3A : vector<64x64xi32>
    %rem3A = vector.broadcast %jit3A : i32 to vector<64x64xi32>
    %rem3A_33 = arith.remsi %iota3A, %rem3A : vector<64x64xi32>
    %ne3A_34 = arith.constant 0 : i32
    %ne3A_35 = vector.broadcast %ne3A_34 : i32 to vector<64x64xi32>
    %ne3A_36 = arith.cmpi ne, %rem3A_33, %ne3A_35 : vector<64x64xi32>
    %and3A = arith.andi %ne3A_32, %ne3A_36 : vector<64x64xi1>
    %sub3A = arith.constant 1 : i32
    %sub3A_37 = vector.broadcast %sub3A : i32 to vector<64x64xi32>
    %sub3A_38 = arith.subi %div3A_16, %sub3A_37 : vector<64x64xi32>
    %select_n3A = arith.select %and3A, %sub3A_38, %div3A_16 : vector<64x64xi1>, vector<64x64xi32>
    %iota3A_39 = tpu.iota {dimensions = array<i32: 1>} : vector<64x64xi32>
    %jit3A_40 = arith.constant 8 : i32
    %div3A_41 = vector.broadcast %jit3A_40 : i32 to vector<64x64xi32>
    %div3A_42 = arith.divsi %iota3A_39, %div3A_41 : vector<64x64xi32>
    %sign3A_43 = arith.constant 0 : i32
    %sign3A_44 = vector.broadcast %sign3A_43 : i32 to vector<64x64xi32>
    %sign3A_45 = arith.cmpi sgt, %iota3A_39, %sign3A_44 : vector<64x64xi32>
    %sign3A_46 = arith.extui %sign3A_45 : vector<64x64xi1> to vector<64x64xi32>
    %sign3A_47 = arith.constant 0 : i32
    %sign3A_48 = vector.broadcast %sign3A_47 : i32 to vector<64x64xi32>
    %sign3A_49 = arith.cmpi slt, %iota3A_39, %sign3A_48 : vector<64x64xi32>
    %sign3A_50 = arith.extui %sign3A_49 : vector<64x64xi1> to vector<64x64xi32>
    %sign3A_51 = arith.subi %sign3A_46, %sign3A_50 : vector<64x64xi32>
    %sign3A_52 = arith.constant 0 : i32
    %sign3A_53 = arith.cmpi sgt, %jit3A_40, %sign3A_52 : i32
    %sign3A_54 = arith.extui %sign3A_53 : i1 to i32
    %sign3A_55 = arith.constant 0 : i32
    %sign3A_56 = arith.cmpi slt, %jit3A_40, %sign3A_55 : i32
    %sign3A_57 = arith.extui %sign3A_56 : i1 to i32
    %sign3A_58 = arith.subi %sign3A_54, %sign3A_57 : i32
    %ne3A_59 = vector.broadcast %sign3A_58 : i32 to vector<64x64xi32>
    %ne3A_60 = arith.cmpi ne, %sign3A_51, %ne3A_59 : vector<64x64xi32>
    %rem3A_61 = vector.broadcast %jit3A_40 : i32 to vector<64x64xi32>
    %rem3A_62 = arith.remsi %iota3A_39, %rem3A_61 : vector<64x64xi32>
    %ne3A_63 = arith.constant 0 : i32
    %ne3A_64 = vector.broadcast %ne3A_63 : i32 to vector<64x64xi32>
    %ne3A_65 = arith.cmpi ne, %rem3A_62, %ne3A_64 : vector<64x64xi32>
    %and3A_66 = arith.andi %ne3A_60, %ne3A_65 : vector<64x64xi1>
    %sub3A_67 = arith.constant 1 : i32
    %sub3A_68 = vector.broadcast %sub3A_67 : i32 to vector<64x64xi32>
    %sub3A_69 = arith.subi %div3A_42, %sub3A_68 : vector<64x64xi32>
    %select_n3A_70 = arith.select %and3A_66, %sub3A_69, %div3A_42 : vector<64x64xi1>, vector<64x64xi32>
    %eq3A = arith.cmpi eq, %select_n3A, %select_n3A_70 : vector<64x64xi32>
    %convert_element_type3A = arith.extui %eq3A : vector<64x64xi1> to vector<64x64xi32>
    %convert_element_type3A_71 = arith.sitofp %convert_element_type3A : vector<64x64xi32> to vector<64x64xf32>
    %div3A_72 = arith.constant 8.000000e+00 : f32
    %div3A_73 = vector.broadcast %div3A_72 : f32 to vector<64x64xf32>
    %div3A_74 = arith.divf %convert_element_type3A_71, %div3A_73 : vector<64x64xf32>
    %dot_general3A = arith.constant dense<0.000000e+00> : vector<2048x64xf32>
    %dot_general3A_75 = tpu.matmul %div3A_8, %div3A_74, %dot_general3A {dimension_numbers = #tpu.dot_dimension_numbers<[1], [0], [0], [1], [0, 0, 1, 1], [], []>, transpose_lhs_hint = false} : vector<2048x64xf32>, vector<64x64xf32>, vector<2048x64xf32> -> vector<2048x64xf32>
    %sub3A_76 = arith.subf %div3A_8, %dot_general3A_75 : vector<2048x64xf32>
    %mul3A = arith.mulf %sub3A_76, %sub3A_76 : vector<2048x64xf32>
    %dot_general3A_77 = arith.constant dense<0.000000e+00> : vector<2048x64xf32>
    %dot_general3A_78 = tpu.matmul %mul3A, %div3A_74, %dot_general3A_77 {dimension_numbers = #tpu.dot_dimension_numbers<[1], [0], [0], [1], [0, 0, 1, 1], [], []>, transpose_lhs_hint = false} : vector<2048x64xf32>, vector<64x64xf32>, vector<2048x64xf32> -> vector<2048x64xf32>
    %add3A_79 = arith.constant 9.99999974E-6 : f32
    %add3A_80 = vector.broadcast %add3A_79 : f32 to vector<2048x64xf32>
    %add3A_81 = arith.addf %dot_general3A_78, %add3A_80 : vector<2048x64xf32>
    %rsqrt3A = math.rsqrt %add3A_81 : vector<2048x64xf32>
    %mul3A_82 = arith.mulf %sub3A_76, %rsqrt3A : vector<2048x64xf32>
    %mul3A_83 = vector.broadcast %get3A_11 : vector<1x64xf32> to vector<2048x64xf32>
    %mul3A_84 = arith.mulf %mul3A_82, %mul3A_83 : vector<2048x64xf32>
    %add3A_85 = vector.broadcast %get3A_14 : vector<1x64xf32> to vector<2048x64xf32>
    %add3A_86 = arith.addf %mul3A_84, %add3A_85 : vector<2048x64xf32>
    %integer_pow3A = arith.mulf %add3A_86, %add3A_86 : vector<2048x64xf32>
    %integer_pow3A_87 = arith.mulf %add3A_86, %integer_pow3A : vector<2048x64xf32>
    %mul3A_88 = arith.constant 4.471500e-02 : f32
    %mul3A_89 = vector.broadcast %mul3A_88 : f32 to vector<2048x64xf32>
    %mul3A_90 = arith.mulf %mul3A_89, %integer_pow3A_87 : vector<2048x64xf32>
    %add3A_91 = arith.addf %add3A_86, %mul3A_90 : vector<2048x64xf32>
    %mul3A_92 = arith.constant 0.797884583 : f32
    %mul3A_93 = vector.broadcast %mul3A_92 : f32 to vector<2048x64xf32>
    %mul3A_94 = arith.mulf %mul3A_93, %add3A_91 : vector<2048x64xf32>
    %tanh3A = math.tanh %mul3A_94 : vector<2048x64xf32>
    %add3A_95 = arith.constant 1.000000e+00 : f32
    %add3A_96 = vector.broadcast %add3A_95 : f32 to vector<2048x64xf32>
    %add3A_97 = arith.addf %add3A_96, %tanh3A : vector<2048x64xf32>
    %mul3A_98 = arith.constant 5.000000e-01 : f32
    %mul3A_99 = vector.broadcast %mul3A_98 : f32 to vector<2048x64xf32>
    %mul3A_100 = arith.mulf %mul3A_99, %add3A_97 : vector<2048x64xf32>
    %mul3A_101 = arith.mulf %add3A_86, %mul3A_100 : vector<2048x64xf32>
    %swap3A = arith.constant 0 : index
    %swap3A_102 = arith.constant 0 : index
    %swap3A_103 = vector.load %arg4[%swap3A, %swap3A_102] : memref<2048x64xf32, #tpu.memory_space<vmem>>, vector<2048x64xf32>
    tpu.vector_store %arg4[%swap3A, %swap3A_102], %mul3A_101 {strides = array<i32>} : memref<2048x64xf32, #tpu.memory_space<vmem>>, vector<2048x64xf32>,
    return
  }
}

</mosaic_0001>

<sc_bundles>
// kernel: kernel.10.cloned.1.call-start
scs
__scs_entry_jumppad:
0x0: {  	(pc) =	sbr.rel $0x88, $3  }
0x1: {  	(tag) =	ssettag $0x0;
	lr =	simm.s32 $0x1  }
0x2: {  	[smem:$0x3F8C] =	sst lr;
	_ =	strace $0xD0000000  }
0x3: {  	_ = 	snop  }
0x4: {  	_ = 	snop  }
0x5: {  	_ = 	snop  }
0x6: {  	_ = 	snop  }
0x7: {  	_ = 	snop  }
__scs_overlays_trampoline_lowered:
0x8: {  	[smem:$0x3F9B] =	sst s0  }
0x9: {  	[smem:$0x3F9C] =	sst s1  }
0xa: {  	[smem:$0x3F9D] =	sst s2  }
0xb: {  	[smem:$0x3F9E] =	sst s3  }
0xc: {  	[smem:$0x3F9F] =	sst s4  }
0xd: {  	[smem:$0x3FA0] =	sst s5  }
0xe: {  	[smem:$0x3FA1] =	sst s6  }
0xf: {  	[smem:$0x3FA2] =	sst s7  }
0x10: {  	[smem:$0x3FA3] =	sst s8  }
0x11: {  	[smem:$0x3FA4] =	sst s9;
	s0 =	simm.s32 @!p0 $0x0  }
0x12: {  	s1 =	sld [smem:$0x3F8A];
	s0 =	simm.s32 @p0 $0x1  }
0x13: {  	[smem:$0x3FA5] =	sst s0;
	s0 =	simm.s32 @!p1 $0x0  }
0x14: {  	s2 =	sld [smem:$0x3F89];
	s0 =	simm.s32 @p1 $0x1  }
0x15: {  	[smem:$0x3FA6] =	sst s0;
	s0 =	simm.s32 @!p2 $0x0  }
0x16: {  	s3 =	sld [smem:$0x3FDB];
	s0 =	simm.s32 @p2 $0x1  }
0x17: {  	s4 =	simm.s32 $0x1BF5;
	[smem:$0x3FA8] =	sst s0  }
0x18: {  	s0 =	sld [smem:$0x3F8B];
	_ =	swait.ge [sflag:s4], $0x0  }
0x19: {  	s7 =	sld [smem:$0x3F8C]  }
0x1a: {  	s8 =	sadd.s32 $0xFFFFE003, lr  }
0x1b: {  	s9 =	sadd.s32 $0xFFFFFEF7, lr;
	s5 =	simm.s32 $0xFFFFFFFF;
	p2 =	slt.u32 s8, $0xFFFFF086  }
0x1c: {  	p1 =	slt.u32 s9, $0xF7A;
	s5 =	simm.s32 @!p2 $0x0  }
0x1d: {  	s5 =	simm.s32 @p1 $0x1;
	p0 =	seq.s32 s7, s2  }
0x1e: {  	s7 =	smul.u32 @!p0 $0xF7A, s2;
	p2 =	seq.s32 @!p0 s5, $0x0  }
0x1f: {  	s9 =	smul.u32 $0xF7A, s1;
	s8 =	simm.s32 @!p0 $0x1BF5;
	p2 =	por !p2, p0  }
0x20: {  	[sflag:s8] =	ssyncset.s32 @!p0 $0xFFFFF086;
	s6 =	sadd.s32 @!p0 s3, s7;
	s7 =	simm.s32 @!p0 $0x108  }
0x21: {  	s3 =	sadd.s32 s3, s9;
	s6 =	sadd.s32 @!p0 $0x88, s6;
	s7 =	simm.s32 @p2 $0x1082  }
0x22: {  	[simem:s7], [sflag:s8] =	dma.local @!p0 [hbm:s6], $0xF7A  }
0x23: {  	s9 =	sor.u32 $0xD0000000, s2;
	s6 =	simm.s32 $0x108;
	_ =	swait.ge @!p0 [sflag:s8], $0x0  }
0x24: {  	s3 =	sadd.s32 $0x88, s3;
	s6 =	simm.s32 @!p1 $0x1082;
	[sflag:s4] =	ssyncset.s32 $0xFFFFF086  }
0x25: {  	[simem:s6], [sflag:s4] =	dma.local [hbm:s3], $0xF7A  }
0x26: {  	[smem:$0x3F8C] =	sst s1;
	(tag) =	ssettag s2;
	_ =	strace s9  }
0x27: {  	s1 =	sld [smem:$0x3F9C]  }
0x28: {  	s2 =	sld [smem:$0x3F9D]  }
0x29: {  	s4 =	sld [smem:$0x3F9F]  }
0x2a: {  	p0 =	seq.s32 s5, $0x0;
	s5 =	sld [smem:$0x3FA0]  }
0x2b: {  	s6 =	sld [smem:$0x3FA1]  }
0x2c: {  	s7 =	sld [smem:$0x3FA2]  }
0x2d: {  	s3 =	simm.s32 $0x108;
	s8 =	sld [smem:$0x3FA3]  }
0x2e: {  	s3 =	simm.s32 @!p0 $0x1082;
	s9 =	sld [smem:$0x3FA4]  }
0x2f: {  	lr =	sadd.s32 s0, s3;
	s0 =	sld [smem:$0x3F9B]  }
0x30: {  	s3 =	sld [smem:$0x3F9E]  }
0x31: {  	[smem:$0x3FA7] =	sst s10  }
0x32: {  	s10 =	sld [smem:$0x3FA5];
	_ =	sdelay $0x3  }
0x33: {  	p0 =	seq.s32 s10, $0x1;
	s10 =	sld [smem:$0x3FA7];
	_ =	sdelay $0x3  }
0x34: {  	[smem:$0x3FA7] =	sst s10  }
0x35: {  	s10 =	sld [smem:$0x3FA6];
	_ =	sdelay $0x3  }
0x36: {  	p1 =	seq.s32 s10, $0x1;
	s10 =	sld [smem:$0x3FA7];
	_ =	sdelay $0x3  }
0x37: {  	[smem:$0x3FA7] =	sst s10  }
0x38: {  	s10 =	sld [smem:$0x3FA8]  }
0x39: {  	_ = 	snop;
	(pc) =	sbr.ind lr, $3  }
0x3a: {  	_ = 	snop  }
0x3b: {  	_ = 	snop  }
0x3c: {  	p2 =	seq.s32 s10, $0x1;
	s10 =	sld [smem:$0x3FA7]  }
0x3d: {  	_ =	shalt  }
0x3e: {  	_ =	shalt  }
0x3f: {  	_ =	shalt  }
0x40: {  	_ =	shalt  }
0x41: {  	_ =	shalt  }
0x42: {  	_ =	shalt  }
0x43: {  	_ =	shalt  }
0x44: {  	_ =	shalt  }
0x45: {  	_ =	shalt  }
0x46: {  	_ =	shalt  }
0x47: {  	_ =	shalt  }
0x48: {  	_ =	shalt  }
0x49: {  	_ =	shalt  }
0x4a: {  	_ =	shalt  }
0x4b: {  	_ =	shalt  }
0x4c: {  	_ =	shalt  }
0x4d: {  	_ =	shalt  }
0x4e: {  	_ =	shalt  }
0x4f: {  	_ =	shalt  }
0x50: {  	_ =	shalt  }
0x51: {  	_ =	shalt  }
0x52: {  	_ =	shalt  }
0x53: {  	_ =	shalt  }
0x54: {  	_ =	shalt  }
0x55: {  	_ =	shalt  }
0x56: {  	_ =	shalt  }
0x57: {  	_ =	shalt  }
0x58: {  	_ =	shalt  }
0x59: {  	_ =	shalt  }
0x5a: {  	_ =	shalt  }
0x5b: {  	_ =	shalt  }
0x5c: {  	_ =	shalt  }
0x5d: {  	_ =	shalt  }
0x5e: {  	_ =	shalt  }
0x5f: {  	_ =	shalt  }
0x60: {  	_ =	shalt  }
0x61: {  	_ =	shalt  }
0x62: {  	_ =	shalt  }
0x63: {  	_ =	shalt  }
0x64: {  	_ =	shalt  }
0x65: {  	_ =	shalt  }
0x66: {  	_ =	shalt  }
0x67: {  	_ =	shalt  }
0x68: {  	_ =	shalt  }
0x69: {  	_ =	shalt  }
0x6a: {  	_ =	shalt  }
0x6b: {  	_ =	shalt  }
0x6c: {  	_ =	shalt  }
0x6d: {  	_ =	shalt  }
0x6e: {  	_ =	shalt  }
0x6f: {  	_ =	shalt  }
0x70: {  	_ =	shalt  }
0x71: {  	_ =	shalt  }
0x72: {  	_ =	shalt  }
0x73: {  	_ =	shalt  }
0x74: {  	_ =	shalt  }
0x75: {  	_ =	shalt  }
0x76: {  	_ =	shalt  }
0x77: {  	_ =	shalt  }
0x78: {  	_ =	shalt  }
0x79: {  	_ =	shalt  }
0x7a: {  	_ =	shalt  }
0x7b: {  	_ =	shalt  }
0x7c: {  	_ =	shalt  }
0x7d: {  	_ =	shalt  }
0x7e: {  	_ =	shalt  }
0x7f: {  	_ =	shalt  }
0x80: {  	_ =	shalt  }
0x81: {  	_ =	shalt  }
0x82: {  	_ =	shalt  }
0x83: {  	_ =	shalt  }
0x84: {  	_ =	shalt  }
0x85: {  	_ =	shalt  }
0x86: {  	_ =	shalt  }
0x87: {  	_ =	shalt  }
.Lfunc_end0:
.L_simem_size_0:
called_computation.1_lowered:
.L_overlay_start_0:
0x88: {  	s2 =	sld [smem:$0x3FD9]  }
0x89: {  	s3 =	sld [smem:$0x3FFE];
	_ =	sdelay $0x1  }
0x8a: {  	s1 =	srdreg.scid  }
0x8b: {  	s0 =	sand.u32 $0x1, s1  }
0x8c: {  	s17 =	sshll.u32 s0, $0xA;
	s2 =	sadd.s32 s3, s2  }
0x8d: {  	s2 =	sadd.s32 s2, s17  }
0x8e: {  	[smem:$0x3FB3] =	sst s2  }
0x8f: {  	_ = 	snop  }
0x90: {  	s2 =	sld [smem:$0x3FC4]  }
0x91: {  	s18 =	sld [smem:$0x3FD0];
	(tm) =	ssettm $0x1  }
0x92: {  	s4 =	sld [smem:$0x3FFB];
	_ =	sdelay $0x3  }
0x93: {  	_ =	strace s4  }
0x94: {  	s4 =	sld [smem:$0x3FFC];
	_ =	sdelay $0x3  }
0x95: {  	_ =	strace s4  }
0x96: {  	s4 =	sld [smem:$0x3FFD];
	_ =	sdelay $0x3  }
0x97: {  	_ =	strace s4  }
0x98: {  	_ =	strace $0x8FFFFFFF  }
0x99: {  	s19 =	sld [smem:$0x3FDB];
	_ =	sdelay $0x1  }
0x9a: {  	s5 =	simm.s32 $_scs_section_size  }
0x9b: {  	s6 =	simm.s32 $_size__tile_overlayer_lowered;
	s7 =	simm.s32 $_tile_overlayer_lowered  }
0x9c: {  	s22 =	simm.s32 $0x1BFF;
	s21 =	sshll.u32 s7, $0x1;
	s4 =	sadd.s32 s5, s19  }
0x9d: {  	s8 =	simm.s32 $0x0;
	s20 =	sshll.u32 s6, $0x1;
	s6 =	sadd.s32 s21, s4  }
0x9e: {  	[timem:s8], [sflag:s22] =	dma.local [hbm:s6], s20  }
0x9f: {  	_ =	swait.ge [sflag:s22], s20  }
0xa0: {  	s5 =	ssub.s32 $0x0, s20;
	[sflag:s22] =	ssyncset.done $0x0  }
0xa1: {  	[sflag:s22] =	ssyncadd.s32 s5;
	_ =	sdelay $0x1  }
0xa2: {  	s23 =	simm.s32 $0x1B8B  }
0xa3: {  	_ =	swait.ge [sflag:s23], $0x1  }
0xa4: {  	[sflag:s23] =	ssyncset.done $0x0  }
0xa5: {  	s25 =	simm.s32 $0x1B8E;
	s24 =	sld [smem:$0x3FFE];
	[sflag:s23] =	ssyncadd.s32 $0xFFFFFFFF  }
0xa6: {  	s26 =	simm.s32 $execute0_lowered;
	[smem:$0x3FD2] =	sst s25  }
0xa7: {  	s6 =	sshll.u32 s26, $0x1;
	_ =	strace $0x80000049;
	[dreg:$0x1] =	wrdreg $0xFFFFFFFF  }
0xa8: {  	s28 =	simm.s32 $_size_execute0_lowered;
	s4 =	sadd.s32 s4, s6;
	[dreg:$0x0] =	wrdreg $0x0  }
0xa9: {  	s6 =	sshll.u32 s28, $0x1;
	[dreg:$0x2] =	wrdreg s4  }
0xaa: {  	[dreg:$0x3] =	wrdreg s6  }
0xab: {  	[dreg:$0x4] =	wrdreg $0xC0  }
0xac: {  	_ =	task [dreg:s8], $0x5FFFF  }
0xad: {  	[dreg:$0x1] =	wrdreg $0xFFFFFFFF  }
0xae: {  	[dreg:$0x0] =	wrdreg $0x60  }
0xaf: {  	[dreg:$0x2] =	wrdreg s24  }
0xb0: {  	[dreg:$0x3] =	wrdreg s18  }
0xb1: {  	[dreg:$0x4] =	wrdreg s2  }
0xb2: {  	[dreg:$0x5] =	wrdreg $0x130000  }
0xb3: {  	[dreg:$0x6] =	wrdreg $0x9  }
0xb4: {  	_ =	task.clear_ibuf [dreg:s8], $0x7FFFF;
	_ =	strace $0x90000049  }
0xb5: {  	s29 =	simm.s32 $0x9;
	_ =	strace $0x8000004B  }
0xb6: {  	_ =	swait.ge [sflag:s29], $0x1  }
0xb7: {  	[sflag:s29] =	ssyncadd.s32 $0xFFFFFFFF  }
0xb8: {  	_ =	strace $0x9000004B  }
0xb9: {  	_ =	sfence  }
0xba: {  	s30 =	sld [smem:$0x0];
	_ =	sdelay $0x2  }
0xbb: {  	s31 =	sshll.u32 s1, $0xD;
	s1 =	sshrl.u32 s1, $0x2  }
0xbc: {  	s3 =	sand.u32 $0x4000, s31;
	s1 =	sadd.s32 s1, s30  }
0xbd: {  	s0 =	sor.u32 s3, s0;
	s1 =	sshll.u32 s1, $0x11  }
0xbe: {  	s0 =	sor.u32 s1, s0  }
0xbf: {  	s0 =	sadd.s32 $0x8F2B, s0  }
0xc0: {  	[sflag:s0] =	ssyncadd.remote.s32 $0x1  }
0xc1: {  	_ =	sfence.sel $0xFFFF  }
0xc2: {  	[dreg:$0x0] =	wrdreg $0xFFFFFFFF;
	(pc) =	sbr.abs _section_cstart, $3  }
0xc3: {  	[dreg:$0x1] =	wrdreg $0xFFFFFFFF  }
0xc4: {  	_ =	task.clear_ibuf [dreg:s8], $0x2FFFF;
	_ =	strace $0x9FFFFFFF  }
0xc5: {  	(tm) =	ssettm $0x7FFFFFFF  }
tec
execute0_lowered:
.L_overlay_start_1:
0x0: {  	(tag) =	ssettag $0x1  }
0x1: {  	s0 =	rddreg [dreg:$0x0]  }
0x2: {  	s1 =	rddreg [dreg:$0x1]  }
0x3: {  	s5 =	rddreg [dreg:$0x2]  }
0x4: {  	s2 =	rddreg [dreg:$0x3]  }
0x5: {  	s4 =	srdreg.scid;
	s3 =	simm.s32 $0x0;
	s10 =	stileid.u32  }
0x6: {  	s20 =	simm.s32 $0x800;
	s14 =	simm.s32 $0x1000;
	s15 =	simm.s32 $0x80  }
0x7: {  	s16 =	simm.s32 $0x3;
	s19 =	simm.s32 $0x4;
	s28 =	simm.s32 $0x6  }
0x8: {  	s13 =	simm.s32 $0x7;
	s21 =	simm.s32 $0x8;
	s30 =	simm.s32 $0x9  }
0x9: {  	s17 =	simm.s32 $0xA;
	s12 =	simm.s32 $0xE;
	s29 =	simm.s32 $0xA000  }
0xa: {  	s31 =	simm.s32 $0xC400;
	s6 =	sand.u32 $0x1, s4;
	[smem:$0x7FF] =	sst s3  }
0xb: {  	s7 =	sshll.u32 s10, $0xB;
	s4 =	sadd.s32 $0x2400, s0;
	s24 =	smul.u32 $0x9000, s10  }
0xc: {  	s10 =	simm.s32 $0x10;
	s8 =	sshll.u32 s6, $0xA;
	_ =	strace $0x8000004A  }
0xd: {  	s0 =	sadd.s32 s7, s0;
	s23 =	ssub.s32 $0x2, s6;
	s6 =	sshll.u32 s6, $0xF  }
0xe: {  	s8 =	sor.u32 s8, s7;
	s9 =	sshrl.u32 s23, $0x1;
	s0 =	sadd.s32 s6, s0  }
0xf: {  	s6 =	simm.s32 $0xC;
	s8 =	sshrl.u32 s8, $0x3;
	s7 =	ssub.s32 s23, s9  }
0x10: {  	s0 =	sadd.s32 $0x21C00, s0;
	s23 =	simm.s32 $0x5;
	s9 =	simm.s32 $0xF  }
0x11: {  	s11 =	sadd.s32 s1, s8;
	s5 =	sadd.s32 s5, s8;
	[dreg:$0x8] =	wrdreg s0  }
0x12: {  	s1 =	sshrl.u32 s24, $0x2;
	s26 =	smax.u32 s7, $0x1;
	[dreg:$0x5] =	wrdreg s11  }
0x13: {  	s7 =	simm.s32 $0xD;
	s24 =	simm.s32 $0x5800;
	[dreg:$0x7] =	wrdreg s5  }
0x14: {  	s25 =	sadd.s32 $0x1000, s11;
	s8 =	sadd.s32 s1, s2;
	[dreg:$0x9] =	wrdreg s26  }
0x15: {  	s11 =	simm.s32 $0x11;
	s1 =	simm.s32 $0x2;
	s5 =	simm.s32 $0x0  }
0x16: {  	v0 =	vimm.f32 $0.0e+00;
	s26 =	simm.s32 $0x7C00;
	[dreg:$0x6] =	wrdreg s25;
	s25 =	simm.s32 $0xB  }
.LBB2_1:
0x17: {  	s18 =	rddreg [dreg:$0x5];
	s3 =	simm.s32 $0x0  }
0x18: {  	[tilespmem:s3], [sflag:$0x11] =	stream.linear.gather [hbm4b:s18+s3], $0x400, $0x38;
	[tilespmem:$0x15400] =	vst v63  }
0x19: {  	_ =	swait.ge [sflag:s11], $0x400  }
0x1a: {  	[sflag:s11] =	ssyncset.done $0x0  }
0x1b: {  	s0 =	rddreg [dreg:$0x6];
	[sflag:s11] =	ssyncadd.s32 $0xFFFFFC00  }
0x1c: {  	[tilespmem:s20], [sflag:$0x11] =	stream.linear.gather [hbm4b:s0+s3], $0x400, $0x38;
	[tilespmem:$0x15400] =	vst v63  }
0x1d: {  	_ =	swait.ge [sflag:s11], $0x400  }
0x1e: {  	[sflag:s11] =	ssyncset.done $0x0  }
0x1f: {  	s22 =	simm.s32 $0x400;
	s20 =	rddreg [dreg:$0x7];
	[sflag:s11] =	ssyncadd.s32 $0xFFFFFC00  }
0x20: {  	[tilespmem:s22], [sflag:$0x11] =	stream.linear.gather [hbm4b:s20+s3], $0x400, $0x38;
	[tilespmem:$0x15400] =	vst v63  }
0x21: {  	_ =	swait.ge [sflag:s11], $0x400  }
0x22: {  	[sflag:s11] =	ssyncset.done $0x0  }
0x23: {  	s18 =	simm.s32 $0x0;
	[sflag:s11] =	ssyncadd.s32 $0xFFFFFC00  }
0x24: {  	s20 =	simm.s32 $0x120;
	[tilespmem:s18+$0x1020] =	vst v0  }
.LBB2_2:
0x25: {  	p0 =	sne.s32 s20, $0x8EE0;
	[tilespmem:s18+$0x1010] =	vst v0;
	s22 =	smov.u32 s20;
	s20 =	sadd.s32 $0x120, s20  }
.Ltmp0:
0x26: {  	[tilespmem:s18+$0x1030] =	vst v0;
	(pc) =	sbr.rel @p0 .LBB2_2-.Ltmp0, $4  }
0x27: {  	[tilespmem:s18+$0x1038] =	vst v0  }
0x28: {  	[tilespmem:s18+$0x1000] =	vst v0  }
0x29: {  	s18 =	sshra.s32 s22, $0x2  }
0x2a: {  	[tilespmem:s18+$0x1020] =	vst v0  }
0x2b: {  	[tilespmem:s18+$0x1010] =	vst v0  }
0x2c: {  	[tilespmem:s18+$0x1030] =	vst v0  }
0x2d: {  	[tilespmem:s18+$0x1000] =	vst v0  }
0x2e: {  	[tilespmem:s18+$0x1038] =	vst v0  }
0x2f: {  	[spmem:s8] =	stream.linear.scatter [tilespmem:s14], [sflag:$0x11], $0x2400, $0x38;
	[tilespmem:$0x15400] =	vst v63  }
0x30: {  	_ =	swait.ge [sflag:s11], $0x2400  }
0x31: {  	[sflag:s11] =	ssyncset.done $0x0  }
0x32: {  	s18 =	simm.s32 $0x0;
	[sflag:s11] =	ssyncadd.s32 $0xFFFFDC00  }
0x33: {  	v1 =	vld [tilespmem:s18+$0x70]  }
0x34: {  	v2 =	vld [tilespmem:s18+$0x0]  }
0x35: {  	v3 =	vld [tilespmem:s18+$0x470]  }
0x36: {  	v4 =	vld [tilespmem:s18+$0x10]  }
0x37: {  	v5 =	vld [tilespmem:s18+$0x20]  }
0x38: {  	v7 =	vld [tilespmem:s18+$0x30]  }
0x39: {  	v10 =	vld [tilespmem:s18+$0x40];
	v1 =	vmul.u32 $0x7, v1  }
0x3a: {  	v11 =	vld [tilespmem:s18+$0x50]  }
0x3b: {  	v12 =	vld [tilespmem:s18+$0x60];
	v1 =	vadd.s32 v3, v1  }
0x3c: {  	[tilespmem:s18+$0xC70] =	vst v1;
	v1 =	vld [tilespmem:s18+$0x400]  }
0x3d: {  	v13 =	vld [tilespmem:s18+$0x410]  }
0x3e: {  	v8 =	vld [tilespmem:s18+$0x420]  }
0x3f: {  	v6 =	vld [tilespmem:s18+$0x430];
	v2 =	vmul.u32 $0x7, v2  }
0x40: {  	v14 =	vmul.u32 $0x7, v4;
	v9 =	vmul.u32 $0x7, v5;
	v3 =	vld [tilespmem:s18+$0x440]  }
0x41: {  	v4 =	vld [tilespmem:s18+$0x450];
	v7 =	vmul.u32 $0x7, v7;
	v5 =	vmul.u32 $0x7, v10;
	v1 =	vadd.s32 v1, v2  }
0x42: {  	s20 =	simm.s32 $0x80;
	s22 =	simm.s32 $0x400;
	v10 =	vld [tilespmem:s18+$0x460];
	v2 =	vmul.u32 $0x7, v11;
	v11 =	vadd.s32 v13, v14;
	[tilespmem:s18+$0xC00] =	vst v1;
	v1 =	vmul.u32 $0x7, v12  }
.LBB2_4:
0x43: {  	p0 =	sne.s32 s22, $0xE00;
	v12 =	vld [tilespmem:s20+$0x70];
	[tilespmem:s18+$0xC10] =	vst v11;
	v8 =	vadd.s32 v8, v9  }
0x44: {  	v9 =	vld [tilespmem:s20+$0x0];
	[tilespmem:s18+$0xC20] =	vst v8;
	v6 =	vadd.s32 v6, v7  }
0x45: {  	v7 =	vld [tilespmem:s20+$0x470];
	[tilespmem:s18+$0xC30] =	vst v6;
	v3 =	vadd.s32 v3, v5  }
0x46: {  	v5 =	vld [tilespmem:s20+$0x10];
	[tilespmem:s18+$0xC40] =	vst v3;
	v2 =	vadd.s32 v4, v2  }
0x47: {  	v3 =	vld [tilespmem:s20+$0x20];
	[tilespmem:s18+$0xC50] =	vst v2;
	v1 =	vadd.s32 v10, v1  }
0x48: {  	v2 =	vld [tilespmem:s20+$0x30];
	v4 =	vmul.u32 $0x7, v12;
	[tilespmem:s18+$0xC60] =	vst v1;
	s18 =	smov.u32 s20  }
0x49: {  	v10 =	vmul.u32 $0x7, v9;
	v1 =	vld [tilespmem:s18+$0x40]  }
0x4a: {  	v11 =	vld [tilespmem:s18+$0x50];
	v4 =	vadd.s32 v7, v4  }
0x4b: {  	v12 =	vmul.u32 $0x7, v5;
	v13 =	vld [tilespmem:s18+$0x60];
	[tilespmem:s18+$0xC70] =	vst v4  }
0x4c: {  	v4 =	vld [tilespmem:s18+$0x400];
	v9 =	vmul.u32 $0x7, v3  }
0x4d: {  	v14 =	vld [tilespmem:s18+$0x410];
	v7 =	vmul.u32 $0x7, v2  }
.Ltmp1:
0x4e: {  	v8 =	vld [tilespmem:s18+$0x420];
	v5 =	vmul.u32 $0x7, v1;
	(pc) =	sbr.rel @p0 .LBB2_4-.Ltmp1, $4  }
0x4f: {  	v6 =	vld [tilespmem:s18+$0x430];
	v2 =	vmul.u32 $0x7, v11  }
0x50: {  	v3 =	vld [tilespmem:s18+$0x440];
	v1 =	vmul.u32 $0x7, v13  }
0x51: {  	v10 =	vadd.s32 v4, v10;
	v4 =	vld [tilespmem:s18+$0x450]  }
0x52: {  	s20 =	sshra.s32 s22, $0x2;
	s22 =	sadd.s32 $0x200, s22;
	[tilespmem:s18+$0xC00] =	vst v10;
	v11 =	vadd.s32 v14, v12;
	v10 =	vld [tilespmem:s18+$0x460]  }
0x53: {  	v12 =	vld [tilespmem:s20+$0x70];
	[tilespmem:s18+$0xC10] =	vst v11;
	v8 =	vadd.s32 v8, v9  }
0x54: {  	v55 =	vld [tilespmem:s20+$0x0];
	[tilespmem:s18+$0xC20] =	vst v8;
	v6 =	vadd.s32 v6, v7  }
0x55: {  	v56 =	vld [tilespmem:s20+$0x470];
	[tilespmem:s18+$0xC30] =	vst v6;
	v3 =	vadd.s32 v3, v5  }
0x56: {  	v57 =	vld [tilespmem:s20+$0x10];
	[tilespmem:s18+$0xC40] =	vst v3;
	v2 =	vadd.s32 v4, v2  }
0x57: {  	v3 =	vld [tilespmem:s20+$0x20];
	[tilespmem:s18+$0xC50] =	vst v2;
	v1 =	vadd.s32 v10, v1  }
0x58: {  	v2 =	vld [tilespmem:s20+$0x30];
	[tilespmem:s18+$0xC60] =	vst v1  }
0x59: {  	v1 =	vmul.u32 $0x7, v12;
	v58 =	vld [tilespmem:s20+$0x40]  }
0x5a: {  	v6 =	vld [tilespmem:s20+$0x50]  }
0x5b: {  	v59 =	vld [tilespmem:s20+$0x60];
	v1 =	vadd.s32 v56, v1  }
0x5c: {  	[tilespmem:s20+$0xC70] =	vst v1;
	v1 =	vld [tilespmem:s20+$0x400]  }
0x5d: {  	v8 =	vld [tilespmem:s20+$0x410]  }
0x5e: {  	v60 =	vld [tilespmem:s20+$0x420]  }
0x5f: {  	v9 =	vmul.u32 $0x7, v55;
	v11 =	vld [tilespmem:s20+$0x430]  }
0x60: {  	v61 =	vld [tilespmem:s20+$0x440];
	v5 =	vmul.u32 $0x7, v57  }
0x61: {  	v62 =	vld [tilespmem:s20+$0x450];
	v3 =	vmul.u32 $0x7, v3;
	v1 =	vadd.s32 v1, v9  }
0x62: {  	v63 =	vld [tilespmem:s20+$0x460];
	[tilespmem:s20+$0xC00] =	vst v1;
	v1 =	vmul.u32 $0x7, v2;
	v2 =	vadd.s32 v8, v5  }
0x63: {  	v4 =	vmul.u32 $0x7, v58;
	[tilespmem:s20+$0xC10] =	vst v2;
	v2 =	vadd.s32 v60, v3  }
0x64: {  	v3 =	vmul.u32 $0x7, v6;
	[tilespmem:s20+$0xC20] =	vst v2;
	v1 =	vadd.s32 v11, v1  }
0x65: {  	v2 =	vmul.u32 $0x7, v59;
	[tilespmem:s20+$0xC30] =	vst v1;
	v1 =	vadd.s32 v61, v4  }
0x66: {  	[tilespmem:s20+$0xC40] =	vst v1;
	v1 =	vadd.s32 v62, v3  }
0x67: {  	[tilespmem:s20+$0xC50] =	vst v1;
	v1 =	vadd.s32 v63, v2  }
0x68: {  	[tilespmem:s20+$0xC60] =	vst v1  }
0x69: {  	s0 =	simm.s32 $0xC00;
	[bflag:$0x0] =	sbarrier.arrive $0xFFFF  }
0x6a: {  	[tilespmem:s14], [sflag:$0x1] =	stream.indirect.gather [hbm4b:s4+s15], $0x48, s0, s15, $0xb8;
	[tilespmem:$0x15400] =	vst v63  }
0x6b: {  	s3 =	simm.s32 $0xC80;
	s22 =	simm.s32 $0x3400  }
0x6c: {  	[tilespmem:s22], [sflag:$0x2] =	stream.indirect.gather [hbm4b:s4+s15], $0x48, s3, s15, $0xb8;
	[tilespmem:$0x15400] =	vst v63  }
0x6d: {  	s20 =	simm.s32 $0xD00  }
0x6e: {  	[tilespmem:s24], [sflag:$0x3] =	stream.indirect.gather [hbm4b:s4+s15], $0x48, s20, s15, $0xb8;
	[tilespmem:$0x15400] =	vst v63  }
0x6f: {  	s0 =	simm.s32 $0xD80  }
0x70: {  	[tilespmem:s26], [sflag:$0x4] =	stream.indirect.gather [hbm4b:s4+s15], $0x48, s0, s15, $0xb8;
	[tilespmem:$0x15400] =	vst v63  }
0x71: {  	s3 =	simm.s32 $0xE00  }
0x72: {  	[tilespmem:s29], [sflag:$0x5] =	stream.indirect.gather [hbm4b:s4+s15], $0x48, s3, s15, $0xb8;
	[tilespmem:$0x15400] =	vst v63  }
0x73: {  	s20 =	simm.s32 $0xE80  }
0x74: {  	[tilespmem:s31], [sflag:$0x6] =	stream.indirect.gather [hbm4b:s4+s15], $0x48, s20, s15, $0xb8;
	[tilespmem:$0x15400] =	vst v63  }
0x75: {  	s0 =	simm.s32 $0xF00;
	s3 =	simm.s32 $0xE800  }
0x76: {  	[tilespmem:s3], [sflag:$0x7] =	stream.indirect.gather [hbm4b:s4+s15], $0x48, s0, s15, $0xb8;
	[tilespmem:$0x15400] =	vst v63  }
0x77: {  	s20 =	simm.s32 $0xF80;
	s0 =	simm.s32 $0x10C00  }
0x78: {  	[tilespmem:s0], [sflag:$0x8] =	stream.indirect.gather [hbm4b:s4+s15], $0x48, s20, s15, $0xb8;
	[tilespmem:$0x15400] =	vst v63  }
0x79: {  	s20 =	simm.s32 $0x1  }
0x7a: {  	_ =	swait.ge [sflag:s20], $0x2400  }
0x7b: {  	[sflag:s20] =	ssyncset.done $0x0  }
0x7c: {  	[sflag:s20] =	ssyncadd.s32 $0xFFFFDC00;
	s20 =	simm.s32 $0x800  }
0x7d: {  	[spmem:s2] =	stream.indirect.scatter.add.f32 [tilespmem:s14], [sflag:$0x9], $0x48, s20, s15, $0xb8;
	[tilespmem:$0x15400] =	vst v63  }
0x7e: {  	_ =	swait.ge [sflag:s1], $0x2400  }
0x7f: {  	[sflag:s1] =	ssyncset.done $0x0  }
0x80: {  	s18 =	simm.s32 $0x880;
	[sflag:s1] =	ssyncadd.s32 $0xFFFFDC00  }
0x81: {  	[spmem:s2] =	stream.indirect.scatter.add.f32 [tilespmem:s22], [sflag:$0xA], $0x48, s18, s15, $0xb8;
	[tilespmem:$0x15400] =	vst v63  }
0x82: {  	_ =	swait.ge [sflag:s16], $0x2400  }
0x83: {  	[sflag:s16] =	ssyncset.done $0x0  }
0x84: {  	s22 =	simm.s32 $0x900;
	[sflag:s16] =	ssyncadd.s32 $0xFFFFDC00  }
0x85: {  	[spmem:s2] =	stream.indirect.scatter.add.f32 [tilespmem:s24], [sflag:$0xB], $0x48, s22, s15, $0xb8;
	[tilespmem:$0x15400] =	vst v63  }
0x86: {  	_ =	swait.ge [sflag:s19], $0x2400  }
0x87: {  	[sflag:s19] =	ssyncset.done $0x0  }
0x88: {  	s22 =	simm.s32 $0x980;
	[sflag:s19] =	ssyncadd.s32 $0xFFFFDC00  }
0x89: {  	[spmem:s2] =	stream.indirect.scatter.add.f32 [tilespmem:s26], [sflag:$0xC], $0x48, s22, s15, $0xb8;
	[tilespmem:$0x15400] =	vst v63  }
0x8a: {  	_ =	swait.ge [sflag:s23], $0x2400  }
0x8b: {  	[sflag:s23] =	ssyncset.done $0x0  }
0x8c: {  	s22 =	simm.s32 $0xA00;
	[sflag:s23] =	ssyncadd.s32 $0xFFFFDC00  }
0x8d: {  	[spmem:s2] =	stream.indirect.scatter.add.f32 [tilespmem:s29], [sflag:$0xD], $0x48, s22, s15, $0xb8;
	[tilespmem:$0x15400] =	vst v63  }
0x8e: {  	_ =	swait.ge [sflag:s28], $0x2400  }
0x8f: {  	[sflag:s28] =	ssyncset.done $0x0  }
0x90: {  	s22 =	simm.s32 $0xA80;
	[sflag:s28] =	ssyncadd.s32 $0xFFFFDC00  }
0x91: {  	[spmem:s2] =	stream.indirect.scatter.add.f32 [tilespmem:s31], [sflag:$0xE], $0x48, s22, s15, $0xb8;
	[tilespmem:$0x15400] =	vst v63  }
0x92: {  	_ =	swait.ge [sflag:s13], $0x2400  }
0x93: {  	[sflag:s13] =	ssyncset.done $0x0  }
0x94: {  	s22 =	simm.s32 $0xB00;
	[sflag:s13] =	ssyncadd.s32 $0xFFFFDC00  }
0x95: {  	[spmem:s2] =	stream.indirect.scatter.add.f32 [tilespmem:s3], [sflag:$0xF], $0x48, s22, s15, $0xb8;
	[tilespmem:$0x15400] =	vst v63  }
0x96: {  	_ =	swait.ge [sflag:s21], $0x2400  }
0x97: {  	[sflag:s21] =	ssyncset.done $0x0  }
0x98: {  	s22 =	simm.s32 $0xB80;
	[sflag:s21] =	ssyncadd.s32 $0xFFFFDC00  }
0x99: {  	[spmem:s2] =	stream.indirect.scatter.add.f32 [tilespmem:s0], [sflag:$0x10], $0x48, s22, s15, $0xb8;
	[tilespmem:$0x15400] =	vst v63  }
0x9a: {  	_ =	swait.ge [sflag:s30], $0x2400  }
0x9b: {  	[sflag:s30] =	ssyncset.done $0x0  }
0x9c: {  	[sflag:s30] =	ssyncadd.s32 $0xFFFFDC00  }
0x9d: {  	_ =	swait.ge [sflag:s17], $0x2400  }
0x9e: {  	[sflag:s17] =	ssyncset.done $0x0  }
0x9f: {  	[sflag:s17] =	ssyncadd.s32 $0xFFFFDC00  }
0xa0: {  	_ =	swait.ge [sflag:s25], $0x2400  }
0xa1: {  	[sflag:s25] =	ssyncset.done $0x0  }
0xa2: {  	[sflag:s25] =	ssyncadd.s32 $0xFFFFDC00  }
0xa3: {  	_ =	swait.ge [sflag:s6], $0x2400  }
0xa4: {  	[sflag:s6] =	ssyncset.done $0x0  }
0xa5: {  	[sflag:s6] =	ssyncadd.s32 $0xFFFFDC00  }
0xa6: {  	_ =	swait.ge [sflag:s7], $0x2400  }
0xa7: {  	[sflag:s7] =	ssyncset.done $0x0  }
0xa8: {  	[sflag:s7] =	ssyncadd.s32 $0xFFFFDC00  }
0xa9: {  	_ =	swait.ge [sflag:s12], $0x2400  }
0xaa: {  	[sflag:s12] =	ssyncset.done $0x0  }
0xab: {  	[sflag:s12] =	ssyncadd.s32 $0xFFFFDC00  }
0xac: {  	_ =	swait.ge [sflag:s9], $0x2400  }
0xad: {  	[sflag:s9] =	ssyncset.done $0x0  }
0xae: {  	[sflag:s9] =	ssyncadd.s32 $0xFFFFDC00  }
0xaf: {  	_ =	swait.ge [sflag:s10], $0x2400  }
0xb0: {  	[sflag:s10] =	ssyncset.done $0x0  }
0xb1: {  	[sflag:s10] =	ssyncadd.s32 $0xFFFFDC00  }
0xb2: {  	[bflag:$0x0] =	sbarrier.arrive $0xFFFF  }
0xb3: {  	[tilespmem:s14], [sflag:$0x11] =	stream.linear.gather [spmem:s8], $0x2400, $0x38;
	[tilespmem:$0x15400] =	vst v63  }
0xb4: {  	_ =	swait.ge [sflag:s11], $0x2400  }
0xb5: {  	[sflag:s11] =	ssyncset.done $0x0  }
0xb6: {  	s3 =	simm.s32 $0x48;
	s0 =	rddreg [dreg:$0x8];
	[sflag:s11] =	ssyncadd.s32 $0xFFFFDC00  }
0xb7: {  	[hbm4b:s0+s3] =	stream.strided.scatter [tilespmem:s14], [sflag:$0x11], $0x2400, s15, s3, $0x38;
	[tilespmem:$0x15400] =	vst v63  }
0xb8: {  	_ =	swait.ge [sflag:s11], $0x2400  }
0xb9: {  	s5 =	sadd.s32 $0x1, s5;
	s22 =	rddreg [dreg:$0x9]  }
0xba: {  	p0 =	sne.s32 s5, s22  }
.Ltmp2:
0xbb: {  	_ = 	snop;
	(pc) =	sbr.rel @p0 .LBB2_1-.Ltmp2, $3  }
0xbc: {  	_ =	sdelay $0x1  }
0xbd: {  	[sflag:s11] =	ssyncset.done $0x0  }
0xbe: {  	[sflag:s11] =	ssyncadd.s32 $0xFFFFDC00  }
0xbf: {  	_ =	sfence.sel $0x180000  }
0xc0: {  	[bflag:$0x0] =	sbarrier.arrive $0xFFFF  }
0xc1: {  	_ =	strace $0x9000004A  }
0xc2: {  	s0 =	stileid.u32;
	[bflag:$0x2] =	sbarrier.arrive $0xFFFF  }
0xc3: {  	p0 =	sne.s32 s0, $0x0;
	s0 =	rddreg [dreg:$0x4]  }
0xc4: {  	s0 =	sadd.s32 @!p0 $0x100000, s0  }
0xc5: {  	[sflag:s0] =	ssyncadd.tile.s32 @!p0 $0x1;
	_ =	shalt  }
.Lfunc_end2:
_tile_overlayer_lowered:
.L_overlay_start_2:
0xc6: {  	(tag) =	ssettag $0x2  }
0xc7: {  	s0 =	rddreg [dreg:$0x0];
	s2 =	stileid.u32  }
0xc8: {  	s1 =	rddreg [dreg:$0x1];
	p0 =	sne.s32 s2, $0x0  }
0xc9: {  	s3 =	rddreg [dreg:$0x2];
	[bflag:$0x3] =	sbarrier.arrive $0xFFFF;
	s2 =	simm.s32 @!p0 $0x1C11  }
0xca: {  	[timem:s3], [sflag:s2] =	dma.local @!p0 [hbm:s0], s1  }
0xcb: {  	s0 =	simm.s32 @!p0 $0x11  }
0xcc: {  	_ =	swait.ge @!p0 [sflag:s0], s1  }
0xcd: {  	s1 =	ssub.s32 @!p0 $0x0, s1;
	[sflag:s0] =	ssyncset.done @!p0 $0x0  }
0xce: {  	[sflag:s0] =	ssyncadd.s32 @!p0 s1  }
0xcf: {  	[bflag:$0x3] =	sbarrier.arrive $0xFFFF  }
0xd0: {  	_ =	shalt  }

// kernel: kernel.7.cloned.1.call-start
scs
__scs_entry_jumppad:
0x0: {  	(pc) =	sbr.rel $0x88, $3  }
0x1: {  	(tag) =	ssettag $0x0;
	lr =	simm.s32 $0x1  }
0x2: {  	[smem:$0x3F8C] =	sst lr;
	_ =	strace $0xD0000000  }
0x3: {  	_ = 	snop  }
0x4: {  	_ = 	snop  }
0x5: {  	_ = 	snop  }
0x6: {  	_ = 	snop  }
0x7: {  	_ = 	snop  }
__scs_overlays_trampoline_lowered:
0x8: {  	[smem:$0x3F9B] =	sst s0  }
0x9: {  	[smem:$0x3F9C] =	sst s1  }
0xa: {  	[smem:$0x3F9D] =	sst s2  }
0xb: {  	[smem:$0x3F9E] =	sst s3  }
0xc: {  	[smem:$0x3F9F] =	sst s4  }
0xd: {  	[smem:$0x3FA0] =	sst s5  }
0xe: {  	[smem:$0x3FA1] =	sst s6  }
0xf: {  	[smem:$0x3FA2] =	sst s7  }
0x10: {  	[smem:$0x3FA3] =	sst s8  }
0x11: {  	[smem:$0x3FA4] =	sst s9;
	s0 =	simm.s32 @!p0 $0x0  }
0x12: {  	s1 =	sld [smem:$0x3F8A];
	s0 =	simm.s32 @p0 $0x1  }
0x13: {  	[smem:$0x3FA5] =	sst s0;
	s0 =	simm.s32 @!p1 $0x0  }
0x14: {  	s2 =	sld [smem:$0x3F89];
	s0 =	simm.s32 @p1 $0x1  }
0x15: {  	[smem:$0x3FA6] =	sst s0;
	s0 =	simm.s32 @!p2 $0x0  }
0x16: {  	s3 =	sld [smem:$0x3FDB];
	s0 =	simm.s32 @p2 $0x1  }
0x17: {  	s4 =	simm.s32 $0x1BF5;
	[smem:$0x3FA8] =	sst s0  }
0x18: {  	s0 =	sld [smem:$0x3F8B];
	_ =	swait.ge [sflag:s4], $0x0  }
0x19: {  	s7 =	sld [smem:$0x3F8C]  }
0x1a: {  	s8 =	sadd.s32 $0xFFFFE003, lr  }
0x1b: {  	s9 =	sadd.s32 $0xFFFFFEF7, lr;
	s5 =	simm.s32 $0xFFFFFFFF;
	p2 =	slt.u32 s8, $0xFFFFF086  }
0x1c: {  	p1 =	slt.u32 s9, $0xF7A;
	s5 =	simm.s32 @!p2 $0x0  }
0x1d: {  	s5 =	simm.s32 @p1 $0x1;
	p0 =	seq.s32 s7, s2  }
0x1e: {  	s7 =	smul.u32 @!p0 $0xF7A, s2;
	p2 =	seq.s32 @!p0 s5, $0x0  }
0x1f: {  	s9 =	smul.u32 $0xF7A, s1;
	s8 =	simm.s32 @!p0 $0x1BF5;
	p2 =	por !p2, p0  }
0x20: {  	[sflag:s8] =	ssyncset.s32 @!p0 $0xFFFFF086;
	s6 =	sadd.s32 @!p0 s3, s7;
	s7 =	simm.s32 @!p0 $0x108  }
0x21: {  	s3 =	sadd.s32 s3, s9;
	s6 =	sadd.s32 @!p0 $0x88, s6;
	s7 =	simm.s32 @p2 $0x1082  }
0x22: {  	[simem:s7], [sflag:s8] =	dma.local @!p0 [hbm:s6], $0xF7A  }
0x23: {  	s9 =	sor.u32 $0xD0000000, s2;
	s6 =	simm.s32 $0x108;
	_ =	swait.ge @!p0 [sflag:s8], $0x0  }
0x24: {  	s3 =	sadd.s32 $0x88, s3;
	s6 =	simm.s32 @!p1 $0x1082;
	[sflag:s4] =	ssyncset.s32 $0xFFFFF086  }
0x25: {  	[simem:s6], [sflag:s4] =	dma.local [hbm:s3], $0xF7A  }
0x26: {  	[smem:$0x3F8C] =	sst s1;
	(tag) =	ssettag s2;
	_ =	strace s9  }
0x27: {  	s1 =	sld [smem:$0x3F9C]  }
0x28: {  	s2 =	sld [smem:$0x3F9D]  }
0x29: {  	s4 =	sld [smem:$0x3F9F]  }
0x2a: {  	p0 =	seq.s32 s5, $0x0;
	s5 =	sld [smem:$0x3FA0]  }
0x2b: {  	s6 =	sld [smem:$0x3FA1]  }
0x2c: {  	s7 =	sld [smem:$0x3FA2]  }
0x2d: {  	s3 =	simm.s32 $0x108;
	s8 =	sld [smem:$0x3FA3]  }
0x2e: {  	s3 =	simm.s32 @!p0 $0x1082;
	s9 =	sld [smem:$0x3FA4]  }
0x2f: {  	lr =	sadd.s32 s0, s3;
	s0 =	sld [smem:$0x3F9B]  }
0x30: {  	s3 =	sld [smem:$0x3F9E]  }
0x31: {  	[smem:$0x3FA7] =	sst s10  }
0x32: {  	s10 =	sld [smem:$0x3FA5];
	_ =	sdelay $0x3  }
0x33: {  	p0 =	seq.s32 s10, $0x1;
	s10 =	sld [smem:$0x3FA7];
	_ =	sdelay $0x3  }
0x34: {  	[smem:$0x3FA7] =	sst s10  }
0x35: {  	s10 =	sld [smem:$0x3FA6];
	_ =	sdelay $0x3  }
0x36: {  	p1 =	seq.s32 s10, $0x1;
	s10 =	sld [smem:$0x3FA7];
	_ =	sdelay $0x3  }
0x37: {  	[smem:$0x3FA7] =	sst s10  }
0x38: {  	s10 =	sld [smem:$0x3FA8]  }
0x39: {  	_ = 	snop;
	(pc) =	sbr.ind lr, $3  }
0x3a: {  	_ = 	snop  }
0x3b: {  	_ = 	snop  }
0x3c: {  	p2 =	seq.s32 s10, $0x1;
	s10 =	sld [smem:$0x3FA7]  }
0x3d: {  	_ =	shalt  }
0x3e: {  	_ =	shalt  }
0x3f: {  	_ =	shalt  }
0x40: {  	_ =	shalt  }
0x41: {  	_ =	shalt  }
0x42: {  	_ =	shalt  }
0x43: {  	_ =	shalt  }
0x44: {  	_ =	shalt  }
0x45: {  	_ =	shalt  }
0x46: {  	_ =	shalt  }
0x47: {  	_ =	shalt  }
0x48: {  	_ =	shalt  }
0x49: {  	_ =	shalt  }
0x4a: {  	_ =	shalt  }
0x4b: {  	_ =	shalt  }
0x4c: {  	_ =	shalt  }
0x4d: {  	_ =	shalt  }
0x4e: {  	_ =	shalt  }
0x4f: {  	_ =	shalt  }
0x50: {  	_ =	shalt  }
0x51: {  	_ =	shalt  }
0x52: {  	_ =	shalt  }
0x53: {  	_ =	shalt  }
0x54: {  	_ =	shalt  }
0x55: {  	_ =	shalt  }
0x56: {  	_ =	shalt  }
0x57: {  	_ =	shalt  }
0x58: {  	_ =	shalt  }
0x59: {  	_ =	shalt  }
0x5a: {  	_ =	shalt  }
0x5b: {  	_ =	shalt  }
0x5c: {  	_ =	shalt  }
0x5d: {  	_ =	shalt  }
0x5e: {  	_ =	shalt  }
0x5f: {  	_ =	shalt  }
0x60: {  	_ =	shalt  }
0x61: {  	_ =	shalt  }
0x62: {  	_ =	shalt  }
0x63: {  	_ =	shalt  }
0x64: {  	_ =	shalt  }
0x65: {  	_ =	shalt  }
0x66: {  	_ =	shalt  }
0x67: {  	_ =	shalt  }
0x68: {  	_ =	shalt  }
0x69: {  	_ =	shalt  }
0x6a: {  	_ =	shalt  }
0x6b: {  	_ =	shalt  }
0x6c: {  	_ =	shalt  }
0x6d: {  	_ =	shalt  }
0x6e: {  	_ =	shalt  }
0x6f: {  	_ =	shalt  }
0x70: {  	_ =	shalt  }
0x71: {  	_ =	shalt  }
0x72: {  	_ =	shalt  }
0x73: {  	_ =	shalt  }
0x74: {  	_ =	shalt  }
0x75: {  	_ =	shalt  }
0x76: {  	_ =	shalt  }
0x77: {  	_ =	shalt  }
0x78: {  	_ =	shalt  }
0x79: {  	_ =	shalt  }
0x7a: {  	_ =	shalt  }
0x7b: {  	_ =	shalt  }
0x7c: {  	_ =	shalt  }
0x7d: {  	_ =	shalt  }
0x7e: {  	_ =	shalt  }
0x7f: {  	_ =	shalt  }
0x80: {  	_ =	shalt  }
0x81: {  	_ =	shalt  }
0x82: {  	_ =	shalt  }
0x83: {  	_ =	shalt  }
0x84: {  	_ =	shalt  }
0x85: {  	_ =	shalt  }
0x86: {  	_ =	shalt  }
0x87: {  	_ =	shalt  }
.Lfunc_end0:
.L_simem_size_0:
called_computation_lowered:
.L_overlay_start_0:
0x88: {  	s2 =	sld [smem:$0x3FD9]  }
0x89: {  	s3 =	sld [smem:$0x3FFE];
	_ =	sdelay $0x1  }
0x8a: {  	s1 =	srdreg.scid  }
0x8b: {  	s0 =	sand.u32 $0x1, s1  }
0x8c: {  	s17 =	sshll.u32 s0, $0xA;
	s2 =	sadd.s32 s3, s2  }
0x8d: {  	s2 =	sadd.s32 s2, s17  }
0x8e: {  	[smem:$0x3FB3] =	sst s2  }
0x8f: {  	_ = 	snop  }
0x90: {  	s2 =	sld [smem:$0x3FC7];
	(tm) =	ssettm $0x1  }
0x91: {  	s18 =	sld [smem:$0x3FFB];
	_ =	sdelay $0x3  }
0x92: {  	_ =	strace s18  }
0x93: {  	s3 =	sld [smem:$0x3FFC];
	_ =	sdelay $0x3  }
0x94: {  	_ =	strace s3  }
0x95: {  	s3 =	sld [smem:$0x3FFD];
	_ =	sdelay $0x3  }
0x96: {  	_ =	strace s3  }
0x97: {  	_ =	strace $0x8FFFFFFF  }
0x98: {  	s19 =	sld [smem:$0x3FDB];
	_ =	sdelay $0x1  }
0x99: {  	s4 =	simm.s32 $_scs_section_size  }
0x9a: {  	s5 =	simm.s32 $_size__tile_overlayer_lowered;
	s6 =	simm.s32 $_tile_overlayer_lowered  }
0x9b: {  	s22 =	simm.s32 $0x1BFF;
	s21 =	sshll.u32 s6, $0x1;
	s3 =	sadd.s32 s4, s19  }
0x9c: {  	s7 =	simm.s32 $0x0;
	s20 =	sshll.u32 s5, $0x1;
	s5 =	sadd.s32 s21, s3  }
0x9d: {  	[timem:s7], [sflag:s22] =	dma.local [hbm:s5], s20  }
0x9e: {  	_ =	swait.ge [sflag:s22], s20  }
0x9f: {  	s4 =	ssub.s32 $0x0, s20;
	[sflag:s22] =	ssyncset.done $0x0  }
0xa0: {  	[sflag:s22] =	ssyncadd.s32 s4;
	_ =	sdelay $0x1  }
0xa1: {  	s23 =	simm.s32 $0x1B8B  }
0xa2: {  	_ =	swait.ge [sflag:s23], $0x1  }
0xa3: {  	[sflag:s23] =	ssyncset.done $0x0  }
0xa4: {  	s25 =	simm.s32 $0x1B8E;
	s24 =	sld [smem:$0x3FFE];
	[sflag:s23] =	ssyncadd.s32 $0xFFFFFFFF  }
0xa5: {  	s26 =	simm.s32 $execute0_lowered;
	[smem:$0x3FD2] =	sst s25  }
0xa6: {  	s5 =	sshll.u32 s26, $0x1;
	_ =	strace $0x80000046;
	[dreg:$0x1] =	wrdreg $0xFFFFFFFF  }
0xa7: {  	s28 =	simm.s32 $_size_execute0_lowered;
	s3 =	sadd.s32 s3, s5;
	[dreg:$0x0] =	wrdreg $0x0  }
0xa8: {  	s5 =	sshll.u32 s28, $0x1;
	[dreg:$0x2] =	wrdreg s3  }
0xa9: {  	[dreg:$0x3] =	wrdreg s5  }
0xaa: {  	[dreg:$0x4] =	wrdreg $0xC0  }
0xab: {  	_ =	task [dreg:s7], $0x5FFFF  }
0xac: {  	[dreg:$0x1] =	wrdreg $0xFFFFFFFF  }
0xad: {  	[dreg:$0x0] =	wrdreg $0x60  }
0xae: {  	[dreg:$0x2] =	wrdreg s24  }
0xaf: {  	[dreg:$0x3] =	wrdreg s2  }
0xb0: {  	[dreg:$0x4] =	wrdreg $0x120000  }
0xb1: {  	[dreg:$0x5] =	wrdreg $0x9  }
0xb2: {  	_ =	task.clear_ibuf [dreg:s7], $0x6FFFF;
	_ =	strace $0x90000046  }
0xb3: {  	s29 =	simm.s32 $0x9;
	_ =	strace $0x80000048  }
0xb4: {  	_ =	swait.ge [sflag:s29], $0x1  }
0xb5: {  	[sflag:s29] =	ssyncadd.s32 $0xFFFFFFFF  }
0xb6: {  	_ =	strace $0x90000048  }
0xb7: {  	_ =	sfence  }
0xb8: {  	s30 =	sld [smem:$0x0];
	_ =	sdelay $0x2  }
0xb9: {  	s31 =	sshll.u32 s1, $0xD;
	s1 =	sshrl.u32 s1, $0x2  }
0xba: {  	s3 =	sand.u32 $0x4000, s31;
	s1 =	sadd.s32 s1, s30  }
0xbb: {  	s0 =	sor.u32 s3, s0;
	s1 =	sshll.u32 s1, $0x11  }
0xbc: {  	s0 =	sor.u32 s1, s0  }
0xbd: {  	s0 =	sadd.s32 $0x8F2B, s0  }
0xbe: {  	[sflag:s0] =	ssyncadd.remote.s32 $0x1  }
0xbf: {  	_ =	sfence.sel $0xFFFF  }
0xc0: {  	[dreg:$0x0] =	wrdreg $0xFFFFFFFF;
	(pc) =	sbr.abs _section_cstart, $3  }
0xc1: {  	[dreg:$0x1] =	wrdreg $0xFFFFFFFF  }
0xc2: {  	_ =	task.clear_ibuf [dreg:s7], $0x2FFFF;
	_ =	strace $0x9FFFFFFF  }
0xc3: {  	(tm) =	ssettm $0x7FFFFFFF  }
tec
execute0_lowered:
.L_overlay_start_1:
0x0: {  	(tag) =	ssettag $0x1  }
0x1: {  	s0 =	rddreg [dreg:$0x0]  }
0x2: {  	s3 =	rddreg [dreg:$0x1]  }
0x3: {  	s2 =	rddreg [dreg:$0x2];
	s1 =	srdreg.scid;
	s4 =	simm.s32 $0x0  }
0x4: {  	s15 =	stileid.u32;
	s29 =	simm.s32 $0x8000;
	s30 =	simm.s32 $0x80  }
0x5: {  	s28 =	simm.s32 $0xA800;
	s31 =	simm.s32 $0xD000;
	s5 =	sand.u32 $0x1, s1  }
0x6: {  	[smem:$0x7FF] =	sst s4;
	s18 =	sshll.u32 s15, $0xB;
	s4 =	sadd.s32 $0x2400, s0  }
0x7: {  	s21 =	sshll.u32 s15, $0xA;
	s22 =	smul.u32 $0x28000, s15;
	s15 =	sshll.u32 s15, $0x11  }
0x8: {  	s19 =	sshll.u32 s5, $0xA;
	_ =	strace $0x80000047;
	s20 =	ssub.s32 $0x2, s5  }
0x9: {  	s23 =	sor.u32 $0x80, s21;
	s10 =	sor.u32 $0x100, s21;
	s11 =	sor.u32 $0x180, s21  }
0xa: {  	s12 =	sor.u32 $0x200, s21;
	s13 =	sor.u32 $0x280, s21;
	s14 =	sor.u32 $0x300, s21  }
0xb: {  	s5 =	sshll.u32 s5, $0x15;
	s6 =	sor.u32 s19, s18;
	s8 =	sshrl.u32 s20, $0x1  }
0xc: {  	s9 =	smul.u32 $0xA0, s23;
	s15 =	sor.u32 s15, s5;
	s16 =	sshll.u32 s10, $0x7  }
0xd: {  	s17 =	sshll.u32 s11, $0x7;
	s18 =	sshll.u32 s12, $0x7;
	s25 =	smul.u32 $0xA0, s10  }
0xe: {  	s19 =	sshll.u32 s13, $0x7;
	s26 =	smul.u32 $0xA0, s11;
	s7 =	sadd.s32 s6, s0  }
0xf: {  	s0 =	sadd.s32 $0x9E400, s0;
	s1 =	ssub.s32 s20, s8;
	s3 =	sadd.s32 s3, s6  }
0x10: {  	s6 =	sshll.u32 s23, $0x7;
	s8 =	sor.u32 $0x380, s21;
	s16 =	sor.u32 s5, s16  }
0x11: {  	s17 =	sor.u32 s5, s17;
	s18 =	sor.u32 s5, s18;
	s20 =	sshll.u32 s14, $0x7  }
0x12: {  	s19 =	sor.u32 s5, s19;
	s23 =	smul.u32 $0xA0, s13;
	[dreg:$0x4] =	wrdreg s3  }
0x13: {  	s6 =	sor.u32 s5, s6;
	s21 =	sshll.u32 s8, $0x7;
	s20 =	sor.u32 s5, s20  }
0x14: {  	s24 =	sadd.s32 $0x8E400, s7;
	s7 =	sadd.s32 $0x96400, s7;
	s3 =	sshrl.u32 s22, $0x2  }
0x15: {  	s9 =	sshrl.u32 s9, $0x2;
	s22 =	sshrl.u32 s26, $0x2;
	[dreg:$0x5] =	wrdreg s24  }
0x16: {  	s8 =	smul.u32 $0xA0, s8;
	s5 =	sor.u32 s5, s21;
	[dreg:$0x6] =	wrdreg s7  }
0x17: {  	s3 =	sadd.s32 s3, s2;
	s11 =	sadd.s32 s9, s2;
	s21 =	smul.u32 $0xA0, s12  }
0x18: {  	s7 =	sshrl.u32 s25, $0x2;
	s24 =	sadd.s32 s22, s2;
	s25 =	smul.u32 $0xA0, s14  }
0x19: {  	s26 =	sshrl.u32 s23, $0x2;
	s12 =	sshrl.u32 s15, $0x3;
	s14 =	sshrl.u32 s6, $0x3  }
0x1a: {  	s15 =	sshrl.u32 s16, $0x3;
	s16 =	sshrl.u32 s17, $0x3;
	s22 =	sshrl.u32 s19, $0x3  }
0x1b: {  	s23 =	sshrl.u32 s20, $0x3;
	s6 =	simm.s32 $0x10C00;
	[dreg:$0x7] =	wrdreg s3  }
0x1c: {  	s19 =	simm.s32 $0x5;
	s20 =	simm.s32 $0x6;
	[dreg:$0x8] =	wrdreg s11  }
0x1d: {  	s7 =	sadd.s32 s7, s2;
	[dreg:$0xa] =	wrdreg s24;
	s9 =	sadd.s32 s26, s2  }
0x1e: {  	s11 =	sshrl.u32 s8, $0x2;
	s13 =	sadd.s32 s0, s12;
	s17 =	sadd.s32 s0, s16  }
0x1f: {  	s24 =	sadd.s32 s0, s23;
	s26 =	smax.u32 s1, $0x1;
	[dreg:$0x9] =	wrdreg s7  }
0x20: {  	s1 =	simm.s32 $0x9400;
	s16 =	simm.s32 $0x2;
	[dreg:$0xc] =	wrdreg s9  }
0x21: {  	s23 =	simm.s32 $0x9;
	s8 =	simm.s32 $0xC;
	[dreg:$0xf] =	wrdreg s13  }
0x22: {  	s12 =	simm.s32 $0x10;
	s3 =	sshrl.u32 s21, $0x2;
	[dreg:$0x12] =	wrdreg s17  }
0x23: {  	s10 =	sshrl.u32 s25, $0x2;
	s21 =	sshrl.u32 s18, $0x3;
	[dreg:$0x15] =	wrdreg s24  }
0x24: {  	s25 =	sshrl.u32 s5, $0x3;
	[dreg:$0x17] =	wrdreg s26;
	s26 =	simm.s32 $0xE400  }
0x25: {  	s5 =	simm.s32 $0xF800;
	s7 =	simm.s32 $0x1;
	s17 =	simm.s32 $0x3  }
0x26: {  	s18 =	simm.s32 $0x4;
	s24 =	simm.s32 $0xA;
	s3 =	sadd.s32 s3, s2  }
0x27: {  	s9 =	simm.s32 $0xD;
	[dreg:$0xb] =	wrdreg s3;
	s3 =	sadd.s32 s10, s2  }
0x28: {  	s10 =	simm.s32 $0xE;
	[dreg:$0xd] =	wrdreg s3;
	s3 =	sadd.s32 s11, s2  }
0x29: {  	s11 =	simm.s32 $0xF;
	[dreg:$0xe] =	wrdreg s3;
	s3 =	sadd.s32 s0, s14  }
0x2a: {  	s14 =	simm.s32 $0x0;
	[dreg:$0x10] =	wrdreg s3;
	s3 =	sadd.s32 s0, s15  }
0x2b: {  	[dreg:$0x11] =	wrdreg s3;
	s3 =	sadd.s32 s0, s21;
	s21 =	simm.s32 $0x7  }
0x2c: {  	[dreg:$0x13] =	wrdreg s3;
	s3 =	sadd.s32 s0, s22;
	s0 =	sadd.s32 s0, s25  }
0x2d: {  	s25 =	simm.s32 $0x11;
	s22 =	simm.s32 $0x8;
	[dreg:$0x14] =	wrdreg s3  }
0x2e: {  	v0 =	vimm.f32 $0.0e+00;
	[dreg:$0x16] =	wrdreg s0;
	s0 =	simm.s32 $0xBC00;
	s3 =	simm.s32 $0xB  }
.LBB2_1:
0x2f: {  	[dreg:$0x18] =	wrdreg s14  }
0x30: {  	s13 =	simm.s32 $0x0;
	s15 =	rddreg [dreg:$0x5]  }
0x31: {  	[tilespmem:s13], [sflag:$0x11] =	stream.linear.gather [hbm4b:s15+s13], $0x2000, $0x38;
	[tilespmem:$0x1C000] =	vst v63  }
0x32: {  	_ =	swait.ge [sflag:s25], $0x2000  }
0x33: {  	[sflag:s25] =	ssyncset.done $0x0  }
0x34: {  	s15 =	simm.s32 $0x4000;
	s14 =	rddreg [dreg:$0x6];
	[sflag:s25] =	ssyncadd.s32 $0xFFFFE000  }
0x35: {  	[tilespmem:s15], [sflag:$0x11] =	stream.linear.gather [hbm4b:s14+s13], $0x2000, $0x38;
	[tilespmem:$0x1C000] =	vst v63  }
0x36: {  	_ =	swait.ge [sflag:s25], $0x2000  }
0x37: {  	[sflag:s25] =	ssyncset.done $0x0  }
0x38: {  	s15 =	simm.s32 $0x2000;
	s14 =	rddreg [dreg:$0x4];
	[sflag:s25] =	ssyncadd.s32 $0xFFFFE000  }
0x39: {  	[tilespmem:s15], [sflag:$0x11] =	stream.linear.gather [hbm4b:s14+s13], $0x2000, $0x38;
	[tilespmem:$0x1C000] =	vst v63  }
0x3a: {  	_ =	swait.ge [sflag:s25], $0x2000  }
0x3b: {  	[sflag:s25] =	ssyncset.done $0x0  }
0x3c: {  	s14 =	simm.s32 $0x0;
	[sflag:s25] =	ssyncadd.s32 $0xFFFFE000  }
0x3d: {  	s13 =	simm.s32 $0xA0;
	[tilespmem:s14+$0x8010] =	vst v0  }
.LBB2_2:
0x3e: {  	p0 =	sne.s32 s13, $0x4F60;
	[tilespmem:s14+$0x8018] =	vst v0;
	s15 =	smov.u32 s13;
	s13 =	sadd.s32 $0xA0, s13  }
.Ltmp0:
0x3f: {  	[tilespmem:s14+$0x8000] =	vst v0;
	(pc) =	sbr.rel @p0 .LBB2_2-.Ltmp0, $3  }
0x40: {  	_ =	sdelay $0x1  }
0x41: {  	s14 =	sshra.s32 s15, $0x2  }
0x42: {  	[tilespmem:s14+$0x8010] =	vst v0  }
0x43: {  	[tilespmem:s14+$0x8018] =	vst v0  }
0x44: {  	[tilespmem:s14+$0x8000] =	vst v0;
	s13 =	rddreg [dreg:$0x7]  }
0x45: {  	[spmem:s13] =	stream.linear.scatter [tilespmem:s29], [sflag:$0x11], $0x1400, $0x38;
	[tilespmem:$0x1C000] =	vst v63  }
0x46: {  	_ =	swait.ge [sflag:s25], $0x1400  }
0x47: {  	[sflag:s25] =	ssyncset.done $0x0  }
0x48: {  	s15 =	rddreg [dreg:$0x8];
	[sflag:s25] =	ssyncadd.s32 $0xFFFFEC00  }
0x49: {  	[spmem:s15] =	stream.linear.scatter [tilespmem:s29], [sflag:$0x11], $0x1400, $0x38;
	[tilespmem:$0x1C000] =	vst v63  }
0x4a: {  	_ =	swait.ge [sflag:s25], $0x1400  }
0x4b: {  	[sflag:s25] =	ssyncset.done $0x0  }
0x4c: {  	s14 =	rddreg [dreg:$0x9];
	[sflag:s25] =	ssyncadd.s32 $0xFFFFEC00  }
0x4d: {  	[spmem:s14] =	stream.linear.scatter [tilespmem:s29], [sflag:$0x11], $0x1400, $0x38;
	[tilespmem:$0x1C000] =	vst v63  }
0x4e: {  	_ =	swait.ge [sflag:s25], $0x1400  }
0x4f: {  	[sflag:s25] =	ssyncset.done $0x0  }
0x50: {  	s15 =	rddreg [dreg:$0xa];
	[sflag:s25] =	ssyncadd.s32 $0xFFFFEC00  }
0x51: {  	[spmem:s15] =	stream.linear.scatter [tilespmem:s29], [sflag:$0x11], $0x1400, $0x38;
	[tilespmem:$0x1C000] =	vst v63  }
0x52: {  	_ =	swait.ge [sflag:s25], $0x1400  }
0x53: {  	[sflag:s25] =	ssyncset.done $0x0  }
0x54: {  	s14 =	rddreg [dreg:$0xb];
	[sflag:s25] =	ssyncadd.s32 $0xFFFFEC00  }
0x55: {  	[spmem:s14] =	stream.linear.scatter [tilespmem:s29], [sflag:$0x11], $0x1400, $0x38;
	[tilespmem:$0x1C000] =	vst v63  }
0x56: {  	_ =	swait.ge [sflag:s25], $0x1400  }
0x57: {  	[sflag:s25] =	ssyncset.done $0x0  }
0x58: {  	s15 =	rddreg [dreg:$0xc];
	[sflag:s25] =	ssyncadd.s32 $0xFFFFEC00  }
0x59: {  	[spmem:s15] =	stream.linear.scatter [tilespmem:s29], [sflag:$0x11], $0x1400, $0x38;
	[tilespmem:$0x1C000] =	vst v63  }
0x5a: {  	_ =	swait.ge [sflag:s25], $0x1400  }
0x5b: {  	[sflag:s25] =	ssyncset.done $0x0  }
0x5c: {  	s14 =	rddreg [dreg:$0xd];
	[sflag:s25] =	ssyncadd.s32 $0xFFFFEC00  }
0x5d: {  	[spmem:s14] =	stream.linear.scatter [tilespmem:s29], [sflag:$0x11], $0x1400, $0x38;
	[tilespmem:$0x1C000] =	vst v63  }
0x5e: {  	_ =	swait.ge [sflag:s25], $0x1400  }
0x5f: {  	[sflag:s25] =	ssyncset.done $0x0  }
0x60: {  	s15 =	rddreg [dreg:$0xe];
	[sflag:s25] =	ssyncadd.s32 $0xFFFFEC00  }
0x61: {  	[spmem:s15] =	stream.linear.scatter [tilespmem:s29], [sflag:$0x11], $0x1400, $0x38;
	[tilespmem:$0x1C000] =	vst v63  }
0x62: {  	_ =	swait.ge [sflag:s25], $0x1400  }
0x63: {  	[sflag:s25] =	ssyncset.done $0x0  }
0x64: {  	s13 =	simm.s32 $0x0;
	[sflag:s25] =	ssyncadd.s32 $0xFFFFEC00  }
0x65: {  	v1 =	vld [tilespmem:s13+$0x70]  }
0x66: {  	v2 =	vld [tilespmem:s13+$0x0]  }
0x67: {  	v3 =	vld [tilespmem:s13+$0x2070]  }
0x68: {  	v4 =	vld [tilespmem:s13+$0x10]  }
0x69: {  	v5 =	vld [tilespmem:s13+$0x20]  }
0x6a: {  	v7 =	vld [tilespmem:s13+$0x30]  }
0x6b: {  	v10 =	vld [tilespmem:s13+$0x40];
	v1 =	vmul.u32 $0x7, v1  }
0x6c: {  	v11 =	vld [tilespmem:s13+$0x50]  }
0x6d: {  	v12 =	vld [tilespmem:s13+$0x60];
	v1 =	vadd.s32 v3, v1  }
0x6e: {  	[tilespmem:s13+$0x6070] =	vst v1;
	v1 =	vld [tilespmem:s13+$0x2000]  }
0x6f: {  	v13 =	vld [tilespmem:s13+$0x2010]  }
0x70: {  	v8 =	vld [tilespmem:s13+$0x2020]  }
0x71: {  	v6 =	vld [tilespmem:s13+$0x2030];
	v2 =	vmul.u32 $0x7, v2  }
0x72: {  	v14 =	vmul.u32 $0x7, v4;
	v9 =	vmul.u32 $0x7, v5;
	v3 =	vld [tilespmem:s13+$0x2040]  }
0x73: {  	v4 =	vld [tilespmem:s13+$0x2050];
	v7 =	vmul.u32 $0x7, v7;
	v5 =	vmul.u32 $0x7, v10;
	v1 =	vadd.s32 v1, v2  }
0x74: {  	s14 =	simm.s32 $0x400;
	s15 =	simm.s32 $0x80;
	v10 =	vld [tilespmem:s13+$0x2060];
	v2 =	vmul.u32 $0x7, v11;
	v11 =	vadd.s32 v13, v14;
	[tilespmem:s13+$0x6000] =	vst v1;
	v1 =	vmul.u32 $0x7, v12  }
.LBB2_4:
0x75: {  	p0 =	sne.s32 s14, $0x7E00;
	v12 =	vld [tilespmem:s15+$0x70];
	[tilespmem:s13+$0x6010] =	vst v11;
	v8 =	vadd.s32 v8, v9  }
0x76: {  	v9 =	vld [tilespmem:s15+$0x0];
	[tilespmem:s13+$0x6020] =	vst v8;
	v6 =	vadd.s32 v6, v7  }
0x77: {  	v7 =	vld [tilespmem:s15+$0x2070];
	[tilespmem:s13+$0x6030] =	vst v6;
	v3 =	vadd.s32 v3, v5  }
0x78: {  	v5 =	vld [tilespmem:s15+$0x10];
	[tilespmem:s13+$0x6040] =	vst v3;
	v2 =	vadd.s32 v4, v2  }
0x79: {  	v3 =	vld [tilespmem:s15+$0x20];
	[tilespmem:s13+$0x6050] =	vst v2;
	v1 =	vadd.s32 v10, v1  }
0x7a: {  	v2 =	vld [tilespmem:s15+$0x30];
	v4 =	vmul.u32 $0x7, v12;
	[tilespmem:s13+$0x6060] =	vst v1;
	s13 =	smov.u32 s15  }
0x7b: {  	v10 =	vmul.u32 $0x7, v9;
	v1 =	vld [tilespmem:s13+$0x40]  }
0x7c: {  	v11 =	vld [tilespmem:s13+$0x50];
	v4 =	vadd.s32 v7, v4  }
0x7d: {  	v12 =	vmul.u32 $0x7, v5;
	v13 =	vld [tilespmem:s13+$0x60];
	[tilespmem:s13+$0x6070] =	vst v4  }
0x7e: {  	v4 =	vld [tilespmem:s13+$0x2000];
	v9 =	vmul.u32 $0x7, v3  }
0x7f: {  	v14 =	vld [tilespmem:s13+$0x2010];
	v7 =	vmul.u32 $0x7, v2  }
.Ltmp1:
0x80: {  	v8 =	vld [tilespmem:s13+$0x2020];
	v5 =	vmul.u32 $0x7, v1;
	(pc) =	sbr.rel @p0 .LBB2_4-.Ltmp1, $4  }
0x81: {  	v6 =	vld [tilespmem:s13+$0x2030];
	v2 =	vmul.u32 $0x7, v11  }
0x82: {  	v3 =	vld [tilespmem:s13+$0x2040];
	v1 =	vmul.u32 $0x7, v13  }
0x83: {  	v10 =	vadd.s32 v4, v10;
	v4 =	vld [tilespmem:s13+$0x2050]  }
0x84: {  	s15 =	sshra.s32 s14, $0x2;
	s14 =	sadd.s32 $0x200, s14;
	[tilespmem:s13+$0x6000] =	vst v10;
	v11 =	vadd.s32 v14, v12;
	v10 =	vld [tilespmem:s13+$0x2060]  }
0x85: {  	v12 =	vld [tilespmem:s15+$0x70];
	[tilespmem:s13+$0x6010] =	vst v11;
	v8 =	vadd.s32 v8, v9  }
0x86: {  	v55 =	vld [tilespmem:s15+$0x0];
	[tilespmem:s13+$0x6020] =	vst v8;
	v6 =	vadd.s32 v6, v7  }
0x87: {  	v56 =	vld [tilespmem:s15+$0x2070];
	[tilespmem:s13+$0x6030] =	vst v6;
	v3 =	vadd.s32 v3, v5  }
0x88: {  	v57 =	vld [tilespmem:s15+$0x10];
	[tilespmem:s13+$0x6040] =	vst v3;
	v2 =	vadd.s32 v4, v2  }
0x89: {  	v3 =	vld [tilespmem:s15+$0x20];
	[tilespmem:s13+$0x6050] =	vst v2;
	v1 =	vadd.s32 v10, v1  }
0x8a: {  	v2 =	vld [tilespmem:s15+$0x30];
	[tilespmem:s13+$0x6060] =	vst v1  }
0x8b: {  	v1 =	vmul.u32 $0x7, v12;
	v58 =	vld [tilespmem:s15+$0x40]  }
0x8c: {  	v6 =	vld [tilespmem:s15+$0x50]  }
0x8d: {  	v59 =	vld [tilespmem:s15+$0x60];
	v1 =	vadd.s32 v56, v1  }
0x8e: {  	[tilespmem:s15+$0x6070] =	vst v1;
	v1 =	vld [tilespmem:s15+$0x2000]  }
0x8f: {  	v8 =	vld [tilespmem:s15+$0x2010]  }
0x90: {  	v60 =	vld [tilespmem:s15+$0x2020]  }
0x91: {  	v9 =	vmul.u32 $0x7, v55;
	v11 =	vld [tilespmem:s15+$0x2030]  }
0x92: {  	v61 =	vld [tilespmem:s15+$0x2040];
	v5 =	vmul.u32 $0x7, v57  }
0x93: {  	v62 =	vld [tilespmem:s15+$0x2050];
	v3 =	vmul.u32 $0x7, v3;
	v1 =	vadd.s32 v1, v9  }
0x94: {  	v63 =	vld [tilespmem:s15+$0x2060];
	[tilespmem:s15+$0x6000] =	vst v1;
	v1 =	vmul.u32 $0x7, v2;
	v2 =	vadd.s32 v8, v5  }
0x95: {  	v4 =	vmul.u32 $0x7, v58;
	[tilespmem:s15+$0x6010] =	vst v2;
	v2 =	vadd.s32 v60, v3  }
0x96: {  	v3 =	vmul.u32 $0x7, v6;
	[tilespmem:s15+$0x6020] =	vst v2;
	v1 =	vadd.s32 v11, v1  }
0x97: {  	v2 =	vmul.u32 $0x7, v59;
	[tilespmem:s15+$0x6030] =	vst v1;
	v1 =	vadd.s32 v61, v4  }
0x98: {  	[tilespmem:s15+$0x6040] =	vst v1;
	v1 =	vadd.s32 v62, v3  }
0x99: {  	[tilespmem:s15+$0x6050] =	vst v1;
	v1 =	vadd.s32 v63, v2  }
0x9a: {  	[tilespmem:s15+$0x6060] =	vst v1  }
0x9b: {  	s15 =	simm.s32 $0x6000;
	[bflag:$0x0] =	sbarrier.arrive $0xFFFF  }
0x9c: {  	[tilespmem:s29], [sflag:$0x1] =	stream.indirect.gather [hbm4b:s4+s30], $0x28, s15, s30, $0xb8;
	[tilespmem:$0x1C000] =	vst v63  }
0x9d: {  	s14 =	simm.s32 $0x6080  }
0x9e: {  	[tilespmem:s1], [sflag:$0x2] =	stream.indirect.gather [hbm4b:s4+s30], $0x28, s14, s30, $0xb8;
	[tilespmem:$0x1C000] =	vst v63  }
0x9f: {  	s15 =	simm.s32 $0x6100  }
0xa0: {  	[tilespmem:s28], [sflag:$0x3] =	stream.indirect.gather [hbm4b:s4+s30], $0x28, s15, s30, $0xb8;
	[tilespmem:$0x1C000] =	vst v63  }
0xa1: {  	s14 =	simm.s32 $0x6180  }
0xa2: {  	[tilespmem:s0], [sflag:$0x4] =	stream.indirect.gather [hbm4b:s4+s30], $0x28, s14, s30, $0xb8;
	[tilespmem:$0x1C000] =	vst v63  }
0xa3: {  	s15 =	simm.s32 $0x6200  }
0xa4: {  	[tilespmem:s31], [sflag:$0x5] =	stream.indirect.gather [hbm4b:s4+s30], $0x28, s15, s30, $0xb8;
	[tilespmem:$0x1C000] =	vst v63  }
0xa5: {  	s14 =	simm.s32 $0x6280  }
0xa6: {  	[tilespmem:s26], [sflag:$0x6] =	stream.indirect.gather [hbm4b:s4+s30], $0x28, s14, s30, $0xb8;
	[tilespmem:$0x1C000] =	vst v63  }
0xa7: {  	s15 =	simm.s32 $0x6300  }
0xa8: {  	[tilespmem:s5], [sflag:$0x7] =	stream.indirect.gather [hbm4b:s4+s30], $0x28, s15, s30, $0xb8;
	[tilespmem:$0x1C000] =	vst v63  }
0xa9: {  	s14 =	simm.s32 $0x6380  }
0xaa: {  	[tilespmem:s6], [sflag:$0x8] =	stream.indirect.gather [hbm4b:s4+s30], $0x28, s14, s30, $0xb8;
	[tilespmem:$0x1C000] =	vst v63  }
0xab: {  	_ =	swait.ge [sflag:s7], $0x1400  }
0xac: {  	[sflag:s7] =	ssyncset.done $0x0  }
0xad: {  	s15 =	simm.s32 $0x4000;
	[sflag:s7] =	ssyncadd.s32 $0xFFFFEC00  }
0xae: {  	[spmem:s2] =	stream.indirect.scatter.add.f32 [tilespmem:s29], [sflag:$0x9], $0x28, s15, s30, $0xb8;
	[tilespmem:$0x1C000] =	vst v63  }
0xaf: {  	_ =	swait.ge [sflag:s16], $0x1400  }
0xb0: {  	[sflag:s16] =	ssyncset.done $0x0  }
0xb1: {  	s14 =	simm.s32 $0x4080;
	[sflag:s16] =	ssyncadd.s32 $0xFFFFEC00  }
0xb2: {  	[spmem:s2] =	stream.indirect.scatter.add.f32 [tilespmem:s1], [sflag:$0xA], $0x28, s14, s30, $0xb8;
	[tilespmem:$0x1C000] =	vst v63  }
0xb3: {  	_ =	swait.ge [sflag:s17], $0x1400  }
0xb4: {  	[sflag:s17] =	ssyncset.done $0x0  }
0xb5: {  	s15 =	simm.s32 $0x4100;
	[sflag:s17] =	ssyncadd.s32 $0xFFFFEC00  }
0xb6: {  	[spmem:s2] =	stream.indirect.scatter.add.f32 [tilespmem:s28], [sflag:$0xB], $0x28, s15, s30, $0xb8;
	[tilespmem:$0x1C000] =	vst v63  }
0xb7: {  	_ =	swait.ge [sflag:s18], $0x1400  }
0xb8: {  	[sflag:s18] =	ssyncset.done $0x0  }
0xb9: {  	s14 =	simm.s32 $0x4180;
	[sflag:s18] =	ssyncadd.s32 $0xFFFFEC00  }
0xba: {  	[spmem:s2] =	stream.indirect.scatter.add.f32 [tilespmem:s0], [sflag:$0xC], $0x28, s14, s30, $0xb8;
	[tilespmem:$0x1C000] =	vst v63  }
0xbb: {  	_ =	swait.ge [sflag:s19], $0x1400  }
0xbc: {  	[sflag:s19] =	ssyncset.done $0x0  }
0xbd: {  	s15 =	simm.s32 $0x4200;
	[sflag:s19] =	ssyncadd.s32 $0xFFFFEC00  }
0xbe: {  	[spmem:s2] =	stream.indirect.scatter.add.f32 [tilespmem:s31], [sflag:$0xD], $0x28, s15, s30, $0xb8;
	[tilespmem:$0x1C000] =	vst v63  }
0xbf: {  	_ =	swait.ge [sflag:s20], $0x1400  }
0xc0: {  	[sflag:s20] =	ssyncset.done $0x0  }
0xc1: {  	s14 =	simm.s32 $0x4280;
	[sflag:s20] =	ssyncadd.s32 $0xFFFFEC00  }
0xc2: {  	[spmem:s2] =	stream.indirect.scatter.add.f32 [tilespmem:s26], [sflag:$0xE], $0x28, s14, s30, $0xb8;
	[tilespmem:$0x1C000] =	vst v63  }
0xc3: {  	_ =	swait.ge [sflag:s21], $0x1400  }
0xc4: {  	[sflag:s21] =	ssyncset.done $0x0  }
0xc5: {  	s15 =	simm.s32 $0x4300;
	[sflag:s21] =	ssyncadd.s32 $0xFFFFEC00  }
0xc6: {  	[spmem:s2] =	stream.indirect.scatter.add.f32 [tilespmem:s5], [sflag:$0xF], $0x28, s15, s30, $0xb8;
	[tilespmem:$0x1C000] =	vst v63  }
0xc7: {  	_ =	swait.ge [sflag:s22], $0x1400  }
0xc8: {  	[sflag:s22] =	ssyncset.done $0x0  }
0xc9: {  	s14 =	simm.s32 $0x4380;
	[sflag:s22] =	ssyncadd.s32 $0xFFFFEC00  }
0xca: {  	[spmem:s2] =	stream.indirect.scatter.add.f32 [tilespmem:s6], [sflag:$0x10], $0x28, s14, s30, $0xb8;
	[tilespmem:$0x1C000] =	vst v63  }
0xcb: {  	_ =	swait.ge [sflag:s23], $0x1400  }
0xcc: {  	[sflag:s23] =	ssyncset.done $0x0  }
0xcd: {  	s15 =	simm.s32 $0x6400;
	[sflag:s23] =	ssyncadd.s32 $0xFFFFEC00  }
0xce: {  	[tilespmem:s29], [sflag:$0x1] =	stream.indirect.gather [hbm4b:s4+s30], $0x28, s15, s30, $0xb8;
	[tilespmem:$0x1C000] =	vst v63  }
0xcf: {  	_ =	swait.ge [sflag:s24], $0x1400  }
0xd0: {  	[sflag:s24] =	ssyncset.done $0x0  }
0xd1: {  	s14 =	simm.s32 $0x6480;
	[sflag:s24] =	ssyncadd.s32 $0xFFFFEC00  }
0xd2: {  	[tilespmem:s1], [sflag:$0x2] =	stream.indirect.gather [hbm4b:s4+s30], $0x28, s14, s30, $0xb8;
	[tilespmem:$0x1C000] =	vst v63  }
0xd3: {  	_ =	swait.ge [sflag:s3], $0x1400  }
0xd4: {  	[sflag:s3] =	ssyncset.done $0x0  }
0xd5: {  	s15 =	simm.s32 $0x6500;
	[sflag:s3] =	ssyncadd.s32 $0xFFFFEC00  }
0xd6: {  	[tilespmem:s28], [sflag:$0x3] =	stream.indirect.gather [hbm4b:s4+s30], $0x28, s15, s30, $0xb8;
	[tilespmem:$0x1C000] =	vst v63  }
0xd7: {  	_ =	swait.ge [sflag:s8], $0x1400  }
0xd8: {  	[sflag:s8] =	ssyncset.done $0x0  }
0xd9: {  	s14 =	simm.s32 $0x6580;
	[sflag:s8] =	ssyncadd.s32 $0xFFFFEC00  }
0xda: {  	[tilespmem:s0], [sflag:$0x4] =	stream.indirect.gather [hbm4b:s4+s30], $0x28, s14, s30, $0xb8;
	[tilespmem:$0x1C000] =	vst v63  }
0xdb: {  	_ =	swait.ge [sflag:s9], $0x1400  }
0xdc: {  	[sflag:s9] =	ssyncset.done $0x0  }
0xdd: {  	s15 =	simm.s32 $0x6600;
	[sflag:s9] =	ssyncadd.s32 $0xFFFFEC00  }
0xde: {  	[tilespmem:s31], [sflag:$0x5] =	stream.indirect.gather [hbm4b:s4+s30], $0x28, s15, s30, $0xb8;
	[tilespmem:$0x1C000] =	vst v63  }
0xdf: {  	_ =	swait.ge [sflag:s10], $0x1400  }
0xe0: {  	[sflag:s10] =	ssyncset.done $0x0  }
0xe1: {  	s14 =	simm.s32 $0x6680;
	[sflag:s10] =	ssyncadd.s32 $0xFFFFEC00  }
0xe2: {  	[tilespmem:s26], [sflag:$0x6] =	stream.indirect.gather [hbm4b:s4+s30], $0x28, s14, s30, $0xb8;
	[tilespmem:$0x1C000] =	vst v63  }
0xe3: {  	_ =	swait.ge [sflag:s11], $0x1400  }
0xe4: {  	[sflag:s11] =	ssyncset.done $0x0  }
0xe5: {  	s15 =	simm.s32 $0x6700;
	[sflag:s11] =	ssyncadd.s32 $0xFFFFEC00  }
0xe6: {  	[tilespmem:s5], [sflag:$0x7] =	stream.indirect.gather [hbm4b:s4+s30], $0x28, s15, s30, $0xb8;
	[tilespmem:$0x1C000] =	vst v63  }
0xe7: {  	_ =	swait.ge [sflag:s12], $0x1400  }
0xe8: {  	[sflag:s12] =	ssyncset.done $0x0  }
0xe9: {  	s13 =	simm.s32 $0x6780;
	s15 =	simm.s32 $0x1000;
	[sflag:s12] =	ssyncadd.s32 $0xFFFFEC00  }
.LBB2_6:
0xea: {  	[tilespmem:s6], [sflag:$0x8] =	stream.indirect.gather [hbm4b:s4+s30], $0x28, s13, s30, $0xb8;
	[tilespmem:$0x1C000] =	vst v63  }
0xeb: {  	s13 =	smov.u32 s15  }
0xec: {  	p0 =	sne.s32 s15, $0x6000;
	s15 =	sadd.s32 $0x1000, s15;
	_ =	swait.ge [sflag:s7], $0x1400  }
0xed: {  	s13 =	sshra.s32 s13, $0x2;
	[sflag:s7] =	ssyncset.done $0x0  }
0xee: {  	s14 =	sadd.s32 $0x4000, s13;
	[sflag:s7] =	ssyncadd.s32 $0xFFFFEC00  }
0xef: {  	[spmem:s2] =	stream.indirect.scatter.add.f32 [tilespmem:s29], [sflag:$0x9], $0x28, s14, s30, $0xb8;
	[tilespmem:$0x1C000] =	vst v63  }
0xf0: {  	_ =	swait.ge [sflag:s16], $0x1400  }
0xf1: {  	[sflag:s16] =	ssyncset.done $0x0  }
0xf2: {  	s14 =	sadd.s32 $0x4080, s13;
	[sflag:s16] =	ssyncadd.s32 $0xFFFFEC00  }
0xf3: {  	[spmem:s2] =	stream.indirect.scatter.add.f32 [tilespmem:s1], [sflag:$0xA], $0x28, s14, s30, $0xb8;
	[tilespmem:$0x1C000] =	vst v63  }
0xf4: {  	_ =	swait.ge [sflag:s17], $0x1400  }
0xf5: {  	[sflag:s17] =	ssyncset.done $0x0  }
0xf6: {  	s14 =	sadd.s32 $0x4100, s13;
	[sflag:s17] =	ssyncadd.s32 $0xFFFFEC00  }
0xf7: {  	[spmem:s2] =	stream.indirect.scatter.add.f32 [tilespmem:s28], [sflag:$0xB], $0x28, s14, s30, $0xb8;
	[tilespmem:$0x1C000] =	vst v63  }
0xf8: {  	_ =	swait.ge [sflag:s18], $0x1400  }
0xf9: {  	[sflag:s18] =	ssyncset.done $0x0  }
0xfa: {  	s14 =	sadd.s32 $0x4180, s13;
	[sflag:s18] =	ssyncadd.s32 $0xFFFFEC00  }
0xfb: {  	[spmem:s2] =	stream.indirect.scatter.add.f32 [tilespmem:s0], [sflag:$0xC], $0x28, s14, s30, $0xb8;
	[tilespmem:$0x1C000] =	vst v63  }
0xfc: {  	_ =	swait.ge [sflag:s19], $0x1400  }
0xfd: {  	[sflag:s19] =	ssyncset.done $0x0  }
0xfe: {  	s14 =	sadd.s32 $0x4200, s13;
	[sflag:s19] =	ssyncadd.s32 $0xFFFFEC00  }
0xff: {  	[spmem:s2] =	stream.indirect.scatter.add.f32 [tilespmem:s31], [sflag:$0xD], $0x28, s14, s30, $0xb8;
	[tilespmem:$0x1C000] =	vst v63  }
0x100: {  	_ =	swait.ge [sflag:s20], $0x1400  }
0x101: {  	[sflag:s20] =	ssyncset.done $0x0  }
0x102: {  	s14 =	sadd.s32 $0x4280, s13;
	[sflag:s20] =	ssyncadd.s32 $0xFFFFEC00  }
0x103: {  	[spmem:s2] =	stream.indirect.scatter.add.f32 [tilespmem:s26], [sflag:$0xE], $0x28, s14, s30, $0xb8;
	[tilespmem:$0x1C000] =	vst v63  }
0x104: {  	_ =	swait.ge [sflag:s21], $0x1400  }
0x105: {  	[sflag:s21] =	ssyncset.done $0x0  }
0x106: {  	s14 =	sadd.s32 $0x4300, s13;
	[sflag:s21] =	ssyncadd.s32 $0xFFFFEC00  }
0x107: {  	[spmem:s2] =	stream.indirect.scatter.add.f32 [tilespmem:s5], [sflag:$0xF], $0x28, s14, s30, $0xb8;
	[tilespmem:$0x1C000] =	vst v63  }
0x108: {  	_ =	swait.ge [sflag:s22], $0x1400  }
0x109: {  	[sflag:s22] =	ssyncset.done $0x0  }
0x10a: {  	s14 =	sadd.s32 $0x4380, s13;
	[sflag:s22] =	ssyncadd.s32 $0xFFFFEC00  }
0x10b: {  	[spmem:s2] =	stream.indirect.scatter.add.f32 [tilespmem:s6], [sflag:$0x10], $0x28, s14, s30, $0xb8;
	[tilespmem:$0x1C000] =	vst v63  }
0x10c: {  	_ =	swait.ge [sflag:s23], $0x1400  }
0x10d: {  	[sflag:s23] =	ssyncset.done $0x0  }
0x10e: {  	s14 =	sadd.s32 $0x6400, s13;
	[sflag:s23] =	ssyncadd.s32 $0xFFFFEC00  }
0x10f: {  	[tilespmem:s29], [sflag:$0x1] =	stream.indirect.gather [hbm4b:s4+s30], $0x28, s14, s30, $0xb8;
	[tilespmem:$0x1C000] =	vst v63  }
0x110: {  	_ =	swait.ge [sflag:s24], $0x1400  }
0x111: {  	[sflag:s24] =	ssyncset.done $0x0  }
0x112: {  	s14 =	sadd.s32 $0x6480, s13;
	[sflag:s24] =	ssyncadd.s32 $0xFFFFEC00  }
0x113: {  	[tilespmem:s1], [sflag:$0x2] =	stream.indirect.gather [hbm4b:s4+s30], $0x28, s14, s30, $0xb8;
	[tilespmem:$0x1C000] =	vst v63  }
0x114: {  	_ =	swait.ge [sflag:s3], $0x1400  }
0x115: {  	[sflag:s3] =	ssyncset.done $0x0  }
0x116: {  	s14 =	sadd.s32 $0x6500, s13;
	[sflag:s3] =	ssyncadd.s32 $0xFFFFEC00  }
0x117: {  	[tilespmem:s28], [sflag:$0x3] =	stream.indirect.gather [hbm4b:s4+s30], $0x28, s14, s30, $0xb8;
	[tilespmem:$0x1C000] =	vst v63  }
0x118: {  	_ =	swait.ge [sflag:s8], $0x1400  }
0x119: {  	[sflag:s8] =	ssyncset.done $0x0  }
0x11a: {  	s14 =	sadd.s32 $0x6580, s13;
	[sflag:s8] =	ssyncadd.s32 $0xFFFFEC00  }
0x11b: {  	[tilespmem:s0], [sflag:$0x4] =	stream.indirect.gather [hbm4b:s4+s30], $0x28, s14, s30, $0xb8;
	[tilespmem:$0x1C000] =	vst v63  }
0x11c: {  	_ =	swait.ge [sflag:s9], $0x1400  }
0x11d: {  	[sflag:s9] =	ssyncset.done $0x0  }
0x11e: {  	s14 =	sadd.s32 $0x6600, s13;
	[sflag:s9] =	ssyncadd.s32 $0xFFFFEC00  }
0x11f: {  	[tilespmem:s31], [sflag:$0x5] =	stream.indirect.gather [hbm4b:s4+s30], $0x28, s14, s30, $0xb8;
	[tilespmem:$0x1C000] =	vst v63  }
0x120: {  	_ =	swait.ge [sflag:s10], $0x1400  }
0x121: {  	[sflag:s10] =	ssyncset.done $0x0  }
0x122: {  	s14 =	sadd.s32 $0x6680, s13;
	[sflag:s10] =	ssyncadd.s32 $0xFFFFEC00  }
0x123: {  	[tilespmem:s26], [sflag:$0x6] =	stream.indirect.gather [hbm4b:s4+s30], $0x28, s14, s30, $0xb8;
	[tilespmem:$0x1C000] =	vst v63  }
0x124: {  	_ =	swait.ge [sflag:s11], $0x1400  }
0x125: {  	[sflag:s11] =	ssyncset.done $0x0  }
.Ltmp2:
0x126: {  	s14 =	sadd.s32 $0x6700, s13;
	[sflag:s11] =	ssyncadd.s32 $0xFFFFEC00;
	(pc) =	sbr.rel @p0 .LBB2_6-.Ltmp2, $4  }
0x127: {  	[tilespmem:s5], [sflag:$0x7] =	stream.indirect.gather [hbm4b:s4+s30], $0x28, s14, s30, $0xb8;
	[tilespmem:$0x1C000] =	vst v63  }
0x128: {  	_ =	swait.ge [sflag:s12], $0x1400  }
0x129: {  	[sflag:s12] =	ssyncset.done $0x0  }
0x12a: {  	s13 =	sadd.s32 $0x6780, s13;
	[sflag:s12] =	ssyncadd.s32 $0xFFFFEC00  }
0x12b: {  	[tilespmem:s6], [sflag:$0x8] =	stream.indirect.gather [hbm4b:s4+s30], $0x28, s13, s30, $0xb8;
	[tilespmem:$0x1C000] =	vst v63  }
0x12c: {  	_ =	swait.ge [sflag:s7], $0x1400  }
0x12d: {  	[sflag:s7] =	ssyncset.done $0x0  }
0x12e: {  	s14 =	simm.s32 $0x5C00;
	[sflag:s7] =	ssyncadd.s32 $0xFFFFEC00  }
0x12f: {  	[spmem:s2] =	stream.indirect.scatter.add.f32 [tilespmem:s29], [sflag:$0x9], $0x28, s14, s30, $0xb8;
	[tilespmem:$0x1C000] =	vst v63  }
0x130: {  	_ =	swait.ge [sflag:s16], $0x1400  }
0x131: {  	[sflag:s16] =	ssyncset.done $0x0  }
0x132: {  	s15 =	simm.s32 $0x5C80;
	[sflag:s16] =	ssyncadd.s32 $0xFFFFEC00  }
0x133: {  	[spmem:s2] =	stream.indirect.scatter.add.f32 [tilespmem:s1], [sflag:$0xA], $0x28, s15, s30, $0xb8;
	[tilespmem:$0x1C000] =	vst v63  }
0x134: {  	_ =	swait.ge [sflag:s17], $0x1400  }
0x135: {  	[sflag:s17] =	ssyncset.done $0x0  }
0x136: {  	s14 =	simm.s32 $0x5D00;
	[sflag:s17] =	ssyncadd.s32 $0xFFFFEC00  }
0x137: {  	[spmem:s2] =	stream.indirect.scatter.add.f32 [tilespmem:s28], [sflag:$0xB], $0x28, s14, s30, $0xb8;
	[tilespmem:$0x1C000] =	vst v63  }
0x138: {  	_ =	swait.ge [sflag:s18], $0x1400  }
0x139: {  	[sflag:s18] =	ssyncset.done $0x0  }
0x13a: {  	s15 =	simm.s32 $0x5D80;
	[sflag:s18] =	ssyncadd.s32 $0xFFFFEC00  }
0x13b: {  	[spmem:s2] =	stream.indirect.scatter.add.f32 [tilespmem:s0], [sflag:$0xC], $0x28, s15, s30, $0xb8;
	[tilespmem:$0x1C000] =	vst v63  }
0x13c: {  	_ =	swait.ge [sflag:s19], $0x1400  }
0x13d: {  	[sflag:s19] =	ssyncset.done $0x0  }
0x13e: {  	s14 =	simm.s32 $0x5E00;
	[sflag:s19] =	ssyncadd.s32 $0xFFFFEC00  }
0x13f: {  	[spmem:s2] =	stream.indirect.scatter.add.f32 [tilespmem:s31], [sflag:$0xD], $0x28, s14, s30, $0xb8;
	[tilespmem:$0x1C000] =	vst v63  }
0x140: {  	_ =	swait.ge [sflag:s20], $0x1400  }
0x141: {  	[sflag:s20] =	ssyncset.done $0x0  }
0x142: {  	s15 =	simm.s32 $0x5E80;
	[sflag:s20] =	ssyncadd.s32 $0xFFFFEC00  }
0x143: {  	[spmem:s2] =	stream.indirect.scatter.add.f32 [tilespmem:s26], [sflag:$0xE], $0x28, s15, s30, $0xb8;
	[tilespmem:$0x1C000] =	vst v63  }
0x144: {  	_ =	swait.ge [sflag:s21], $0x1400  }
0x145: {  	[sflag:s21] =	ssyncset.done $0x0  }
0x146: {  	s14 =	simm.s32 $0x5F00;
	[sflag:s21] =	ssyncadd.s32 $0xFFFFEC00  }
0x147: {  	[spmem:s2] =	stream.indirect.scatter.add.f32 [tilespmem:s5], [sflag:$0xF], $0x28, s14, s30, $0xb8;
	[tilespmem:$0x1C000] =	vst v63  }
0x148: {  	_ =	swait.ge [sflag:s22], $0x1400  }
0x149: {  	[sflag:s22] =	ssyncset.done $0x0  }
0x14a: {  	s15 =	simm.s32 $0x5F80;
	[sflag:s22] =	ssyncadd.s32 $0xFFFFEC00  }
0x14b: {  	[spmem:s2] =	stream.indirect.scatter.add.f32 [tilespmem:s6], [sflag:$0x10], $0x28, s15, s30, $0xb8;
	[tilespmem:$0x1C000] =	vst v63  }
0x14c: {  	_ =	swait.ge [sflag:s23], $0x1400  }
0x14d: {  	[sflag:s23] =	ssyncset.done $0x0  }
0x14e: {  	[sflag:s23] =	ssyncadd.s32 $0xFFFFEC00  }
0x14f: {  	_ =	swait.ge [sflag:s24], $0x1400  }
0x150: {  	[sflag:s24] =	ssyncset.done $0x0  }
0x151: {  	[sflag:s24] =	ssyncadd.s32 $0xFFFFEC00  }
0x152: {  	_ =	swait.ge [sflag:s3], $0x1400  }
0x153: {  	[sflag:s3] =	ssyncset.done $0x0  }
0x154: {  	[sflag:s3] =	ssyncadd.s32 $0xFFFFEC00  }
0x155: {  	_ =	swait.ge [sflag:s8], $0x1400  }
0x156: {  	[sflag:s8] =	ssyncset.done $0x0  }
0x157: {  	[sflag:s8] =	ssyncadd.s32 $0xFFFFEC00  }
0x158: {  	_ =	swait.ge [sflag:s9], $0x1400  }
0x159: {  	[sflag:s9] =	ssyncset.done $0x0  }
0x15a: {  	[sflag:s9] =	ssyncadd.s32 $0xFFFFEC00  }
0x15b: {  	_ =	swait.ge [sflag:s10], $0x1400  }
0x15c: {  	[sflag:s10] =	ssyncset.done $0x0  }
0x15d: {  	[sflag:s10] =	ssyncadd.s32 $0xFFFFEC00  }
0x15e: {  	_ =	swait.ge [sflag:s11], $0x1400  }
0x15f: {  	[sflag:s11] =	ssyncset.done $0x0  }
0x160: {  	[sflag:s11] =	ssyncadd.s32 $0xFFFFEC00  }
0x161: {  	_ =	swait.ge [sflag:s12], $0x1400  }
0x162: {  	[sflag:s12] =	ssyncset.done $0x0  }
0x163: {  	[sflag:s12] =	ssyncadd.s32 $0xFFFFEC00  }
0x164: {  	[bflag:$0x0] =	sbarrier.arrive $0xFFFF  }
0x165: {  	s14 =	rddreg [dreg:$0x7]  }
0x166: {  	[tilespmem:s29], [sflag:$0x11] =	stream.linear.gather [spmem:s14], $0x1400, $0x38;
	[tilespmem:$0x1C000] =	vst v63  }
0x167: {  	_ =	swait.ge [sflag:s25], $0x1400  }
0x168: {  	[sflag:s25] =	ssyncset.done $0x0  }
0x169: {  	s14 =	simm.s32 $0x28;
	s15 =	rddreg [dreg:$0xf];
	[sflag:s25] =	ssyncadd.s32 $0xFFFFEC00  }
0x16a: {  	[hbm4b:s15+s14] =	stream.strided.scatter [tilespmem:s29], [sflag:$0x11], $0x1400, s30, s14, $0x38;
	[tilespmem:$0x1C000] =	vst v63  }
0x16b: {  	_ =	swait.ge [sflag:s25], $0x1400  }
0x16c: {  	[sflag:s25] =	ssyncset.done $0x0  }
0x16d: {  	s15 =	rddreg [dreg:$0x8];
	[sflag:s25] =	ssyncadd.s32 $0xFFFFEC00  }
0x16e: {  	[tilespmem:s29], [sflag:$0x11] =	stream.linear.gather [spmem:s15], $0x1400, $0x38;
	[tilespmem:$0x1C000] =	vst v63  }
0x16f: {  	_ =	swait.ge [sflag:s25], $0x1400  }
0x170: {  	[sflag:s25] =	ssyncset.done $0x0  }
0x171: {  	s15 =	rddreg [dreg:$0x10];
	[sflag:s25] =	ssyncadd.s32 $0xFFFFEC00  }
0x172: {  	[hbm4b:s15+s14] =	stream.strided.scatter [tilespmem:s29], [sflag:$0x11], $0x1400, s30, s14, $0x38;
	[tilespmem:$0x1C000] =	vst v63  }
0x173: {  	_ =	swait.ge [sflag:s25], $0x1400  }
0x174: {  	[sflag:s25] =	ssyncset.done $0x0  }
0x175: {  	s15 =	rddreg [dreg:$0x9];
	[sflag:s25] =	ssyncadd.s32 $0xFFFFEC00  }
0x176: {  	[tilespmem:s29], [sflag:$0x11] =	stream.linear.gather [spmem:s15], $0x1400, $0x38;
	[tilespmem:$0x1C000] =	vst v63  }
0x177: {  	_ =	swait.ge [sflag:s25], $0x1400  }
0x178: {  	[sflag:s25] =	ssyncset.done $0x0  }
0x179: {  	s15 =	rddreg [dreg:$0x11];
	[sflag:s25] =	ssyncadd.s32 $0xFFFFEC00  }
0x17a: {  	[hbm4b:s15+s14] =	stream.strided.scatter [tilespmem:s29], [sflag:$0x11], $0x1400, s30, s14, $0x38;
	[tilespmem:$0x1C000] =	vst v63  }
0x17b: {  	_ =	swait.ge [sflag:s25], $0x1400  }
0x17c: {  	[sflag:s25] =	ssyncset.done $0x0  }
0x17d: {  	s15 =	rddreg [dreg:$0xa];
	[sflag:s25] =	ssyncadd.s32 $0xFFFFEC00  }
0x17e: {  	[tilespmem:s29], [sflag:$0x11] =	stream.linear.gather [spmem:s15], $0x1400, $0x38;
	[tilespmem:$0x1C000] =	vst v63  }
0x17f: {  	_ =	swait.ge [sflag:s25], $0x1400  }
0x180: {  	[sflag:s25] =	ssyncset.done $0x0  }
0x181: {  	s15 =	rddreg [dreg:$0x12];
	[sflag:s25] =	ssyncadd.s32 $0xFFFFEC00  }
0x182: {  	[hbm4b:s15+s14] =	stream.strided.scatter [tilespmem:s29], [sflag:$0x11], $0x1400, s30, s14, $0x38;
	[tilespmem:$0x1C000] =	vst v63  }
0x183: {  	_ =	swait.ge [sflag:s25], $0x1400  }
0x184: {  	[sflag:s25] =	ssyncset.done $0x0  }
0x185: {  	s15 =	rddreg [dreg:$0xb];
	[sflag:s25] =	ssyncadd.s32 $0xFFFFEC00  }
0x186: {  	[tilespmem:s29], [sflag:$0x11] =	stream.linear.gather [spmem:s15], $0x1400, $0x38;
	[tilespmem:$0x1C000] =	vst v63  }
0x187: {  	_ =	swait.ge [sflag:s25], $0x1400  }
0x188: {  	[sflag:s25] =	ssyncset.done $0x0  }
0x189: {  	s15 =	rddreg [dreg:$0x13];
	[sflag:s25] =	ssyncadd.s32 $0xFFFFEC00  }
0x18a: {  	[hbm4b:s15+s14] =	stream.strided.scatter [tilespmem:s29], [sflag:$0x11], $0x1400, s30, s14, $0x38;
	[tilespmem:$0x1C000] =	vst v63  }
0x18b: {  	_ =	swait.ge [sflag:s25], $0x1400  }
0x18c: {  	[sflag:s25] =	ssyncset.done $0x0  }
0x18d: {  	s15 =	rddreg [dreg:$0xc];
	[sflag:s25] =	ssyncadd.s32 $0xFFFFEC00  }
0x18e: {  	[tilespmem:s29], [sflag:$0x11] =	stream.linear.gather [spmem:s15], $0x1400, $0x38;
	[tilespmem:$0x1C000] =	vst v63  }
0x18f: {  	_ =	swait.ge [sflag:s25], $0x1400  }
0x190: {  	[sflag:s25] =	ssyncset.done $0x0  }
0x191: {  	s15 =	rddreg [dreg:$0x14];
	[sflag:s25] =	ssyncadd.s32 $0xFFFFEC00  }
0x192: {  	[hbm4b:s15+s14] =	stream.strided.scatter [tilespmem:s29], [sflag:$0x11], $0x1400, s30, s14, $0x38;
	[tilespmem:$0x1C000] =	vst v63  }
0x193: {  	_ =	swait.ge [sflag:s25], $0x1400  }
0x194: {  	[sflag:s25] =	ssyncset.done $0x0  }
0x195: {  	s15 =	rddreg [dreg:$0xd];
	[sflag:s25] =	ssyncadd.s32 $0xFFFFEC00  }
0x196: {  	[tilespmem:s29], [sflag:$0x11] =	stream.linear.gather [spmem:s15], $0x1400, $0x38;
	[tilespmem:$0x1C000] =	vst v63  }
0x197: {  	_ =	swait.ge [sflag:s25], $0x1400  }
0x198: {  	[sflag:s25] =	ssyncset.done $0x0  }
0x199: {  	s15 =	rddreg [dreg:$0x15];
	[sflag:s25] =	ssyncadd.s32 $0xFFFFEC00  }
0x19a: {  	[hbm4b:s15+s14] =	stream.strided.scatter [tilespmem:s29], [sflag:$0x11], $0x1400, s30, s14, $0x38;
	[tilespmem:$0x1C000] =	vst v63  }
0x19b: {  	_ =	swait.ge [sflag:s25], $0x1400  }
0x19c: {  	[sflag:s25] =	ssyncset.done $0x0  }
0x19d: {  	s15 =	rddreg [dreg:$0xe];
	[sflag:s25] =	ssyncadd.s32 $0xFFFFEC00  }
0x19e: {  	[tilespmem:s29], [sflag:$0x11] =	stream.linear.gather [spmem:s15], $0x1400, $0x38;
	[tilespmem:$0x1C000] =	vst v63  }
0x19f: {  	_ =	swait.ge [sflag:s25], $0x1400  }
0x1a0: {  	[sflag:s25] =	ssyncset.done $0x0  }
0x1a1: {  	s15 =	rddreg [dreg:$0x16];
	[sflag:s25] =	ssyncadd.s32 $0xFFFFEC00  }
0x1a2: {  	[hbm4b:s15+s14] =	stream.strided.scatter [tilespmem:s29], [sflag:$0x11], $0x1400, s30, s14, $0x38;
	[tilespmem:$0x1C000] =	vst v63  }
0x1a3: {  	_ =	swait.ge [sflag:s25], $0x1400  }
0x1a4: {  	s13 =	rddreg [dreg:$0x18]  }
0x1a5: {  	s15 =	rddreg [dreg:$0x17];
	s14 =	sadd.s32 $0x1, s13  }
0x1a6: {  	p0 =	sne.s32 s14, s15  }
.Ltmp3:
0x1a7: {  	_ = 	snop;
	(pc) =	sbr.rel @p0 .LBB2_1-.Ltmp3, $3  }
0x1a8: {  	_ =	sdelay $0x1  }
0x1a9: {  	[sflag:s25] =	ssyncset.done $0x0  }
0x1aa: {  	[sflag:s25] =	ssyncadd.s32 $0xFFFFEC00  }
0x1ab: {  	_ =	sfence.sel $0x180000  }
0x1ac: {  	[bflag:$0x0] =	sbarrier.arrive $0xFFFF  }
0x1ad: {  	_ =	strace $0x90000047  }
0x1ae: {  	s0 =	stileid.u32;
	[bflag:$0x2] =	sbarrier.arrive $0xFFFF  }
0x1af: {  	p0 =	sne.s32 s0, $0x0;
	s0 =	rddreg [dreg:$0x3]  }
0x1b0: {  	s0 =	sadd.s32 @!p0 $0x100000, s0  }
0x1b1: {  	[sflag:s0] =	ssyncadd.tile.s32 @!p0 $0x1;
	_ =	shalt  }
.Lfunc_end2:
_tile_overlayer_lowered:
.L_overlay_start_2:
0x1b2: {  	(tag) =	ssettag $0x2  }
0x1b3: {  	s0 =	rddreg [dreg:$0x0];
	s2 =	stileid.u32  }
0x1b4: {  	s1 =	rddreg [dreg:$0x1];
	p0 =	sne.s32 s2, $0x0  }
0x1b5: {  	s3 =	rddreg [dreg:$0x2];
	[bflag:$0x3] =	sbarrier.arrive $0xFFFF;
	s2 =	simm.s32 @!p0 $0x1C11  }
0x1b6: {  	[timem:s3], [sflag:s2] =	dma.local @!p0 [hbm:s0], s1  }
0x1b7: {  	s0 =	simm.s32 @!p0 $0x11  }
0x1b8: {  	_ =	swait.ge @!p0 [sflag:s0], s1  }
0x1b9: {  	s1 =	ssub.s32 @!p0 $0x0, s1;
	[sflag:s0] =	ssyncset.done @!p0 $0x0  }
0x1ba: {  	[sflag:s0] =	ssyncadd.s32 @!p0 s1  }
0x1bb: {  	[bflag:$0x3] =	sbarrier.arrive $0xFFFF  }
0x1bc: {  	_ =	shalt  }

</sc_bundles>
